<compile_context>
chip_gen: v7x
topology: tpu7x:2x2x1
jax: 0.10.2.dev20260603
libtpu: 0.0.44.dev20260713+nightly
codegen_flags: <defaults>
</compile_context>

<pallas_src>
import functools

import jax
import jax.numpy as jnp
from jax import lax
from jax.experimental import pallas as pl
from jax.experimental.pallas import tpu as pltpu
from jax.experimental.pallas import tpu_sc as plsc

_BATCH = 4096
_SEQ = 200
_DT = 64
_DE = 32
_DOUT = _DT - 1 + _DE
_IDXC = 63
_NC = 2
_NS = 16
_NW = _NC * _NS
_BN = 128
_SB = 8
_GR = 64
_NG = _SB * _BN // _GR
_NRING = 2
_CPS = _BATCH // _BN
_NSLAB = (_SEQ // _SB) * _CPS
_NCH = _NSLAB // _NW


def _sc_body(tokens_hbm, table_hbm, out_hbm, tok_v, emb_v, idx_v,
             g0_v, g1_v, sem_rd, sem_wa, sem0, sem1):
    wid = lax.axis_index("s") * _NC + lax.axis_index("c")
    bufs = (g0_v, g1_v)
    sems = (sem0, sem1)
    iota_lo = lax.iota(jnp.int32, 16)
    iota_hi = iota_lo + 16

    def slab(i, carry):
        g = wid * _NCH + i
        s0 = (g // _CPS) * _SB
        b0 = (g % _CPS) * _BN

        copies = []
        for ss in range(_SB):
            copies.append(pltpu.async_copy(
                tokens_hbm.at[s0 + ss, :, pl.ds(b0, _BN)],
                tok_v.at[:, ss, :],
                sem_rd,
            ))
        for c in copies:
            c.wait()

        def ext_ss(ss, c):
            def ext_k(kk, c2):
                v = tok_v[_IDXC, ss, pl.ds(kk * 16, 16)]
                idx_v[ss, pl.ds(kk * 16, 16)] = v.astype(jnp.int32)
                return c2

            lax.fori_loop(0, _BN // 16, ext_k, 0, unroll=4)
            return c

        lax.fori_loop(0, _SB, ext_ss, 0)

        wa = pltpu.async_copy(
            tok_v.at[pl.ds(0, _IDXC), :, :],
            out_hbm.at[pl.ds(0, _IDXC), pl.ds(s0, _SB), pl.ds(b0, _BN)],
            sem_wa,
        )

        def issue(t, buf, sem):
            ss = t // 2
            h = t % 2
            return pltpu.async_copy(
                table_hbm.at[idx_v.at[ss, pl.ds(h * _GR, _GR)]], buf, sem
            )

        def stage1(t, buf):
            ss = t // 2
            h = t % 2
            ssv = jnp.full((16,), ss, jnp.int32)
            cbase = jnp.full((16,), h * _GR, jnp.int32)

            def rrow(r, c):
                a = buf[r, pl.ds(0, 16)]
                b = buf[r, pl.ds(16, 16)]
                col = cbase + r
                plsc.store_scatter(emb_v, [iota_lo, ssv, col], a)
                plsc.store_scatter(emb_v, [iota_hi, ssv, col], b)
                return c

            lax.fori_loop(0, _GR, rrow, 0, unroll=4)

        descs = {}
        for t in range(_NRING):
            descs[t] = issue(t, bufs[t % _NRING], sems[t % _NRING])
        for t in range(_NG):
            descs.pop(t).wait()
            stage1(t, bufs[t % _NRING])
            if t + _NRING < _NG:
                descs[t + _NRING] = issue(
                    t + _NRING, bufs[t % _NRING], sems[t % _NRING]
                )

        pltpu.sync_copy(
            emb_v, out_hbm.at[pl.ds(_IDXC, _DE), pl.ds(s0, _SB), pl.ds(b0, _BN)]
        )
        wa.wait()
        return carry

    lax.fori_loop(0, _NCH, slab, 0)


_sc_call = functools.partial(
    pl.kernel,
    out_type=jax.ShapeDtypeStruct((_DOUT, _SEQ, _BATCH), jnp.float32),
    mesh=plsc.VectorSubcoreMesh(core_axis_name="c", subcore_axis_name="s"),
    compiler_params=pltpu.CompilerParams(needs_layout_passes=False),
    scratch_types=[
        pltpu.VMEM((_DT, _SB, _BN), jnp.float32),
        pltpu.VMEM((_DE, _SB, _BN), jnp.float32),
        pltpu.VMEM((_SB, _BN), jnp.int32),
        pltpu.VMEM((_GR, 128), jnp.float32),
        pltpu.VMEM((_GR, 128), jnp.float32),
        pltpu.SemaphoreType.DMA,
        pltpu.SemaphoreType.DMA,
        pltpu.SemaphoreType.DMA,
        pltpu.SemaphoreType.DMA,
    ],
)(_sc_body)


def kernel(tokens, table):
    tokens_p = jnp.transpose(tokens, (1, 2, 0))
    table128 = jnp.pad(table, ((0, 0), (0, 128 - _DE)))
    out_p = _sc_call(tokens_p, table128)
    return jnp.transpose(out_p, (2, 1, 0))

# --- scband reference (transcript-rebuilt; emitter-appended) ---
"""Pipeline reference for scband-embedding-concat-layer-14705968021828 (READ-ONLY COPY).

The authoritative reference and input builder live on the scoring server;
editing this copy changes nothing except your own understanding.
"""

import jax, jax.numpy as jnp
import numpy as np

DIM_TOKEN = 64
DIM_EMBD = 32
NUM_EMBD = 100000
IDX_EMBD = 63  # last column of tokens holds the integer id
BATCH = 4096
SEQ = 200


def setup_inputs(seed: int = 0) -> dict:
    key = jax.random.key(seed)
    k1, k2 = jax.random.split(key)
    # tokens: float tensor whose entries are integer-valued in [0, NUM_EMBD)
    # so that the id column (IDX_EMBD) is a valid embedding index after long-cast.
    tokens = jax.random.randint(k1, (BATCH, SEQ, DIM_TOKEN), 0, NUM_EMBD).astype(jnp.float32)
    # learned embedding table, init normal(0, 0.02) like MutableEmbedding
    table = 0.02 * jax.random.normal(k2, (NUM_EMBD, DIM_EMBD), dtype=jnp.float32)
    return {"tokens": tokens, "table": table}


def reference(tokens, table):
    # int_embd = tokens[..., idx_embd].long()
    idx = tokens[..., IDX_EMBD].astype(jnp.int32)
    # embedding lookup (gather)
    embd = jnp.take(table, idx, axis=0)
    # concat remaining token features with looked-up embedding
    out = jnp.concatenate(
        (tokens[..., :IDX_EMBD], tokens[..., IDX_EMBD + 1:], embd), axis=-1
    )
    return out

if __name__ == "__main__":
    import jax
    _d = setup_inputs()
    print(jax.jit(kernel)(*tuple(_d.values())))

</pallas_src>

<mosaic_0001>
#map = affine_map<(d0, d1) -> (0, 0, 0)>
#map1 = affine_map<(d0, d1) -> (0, 0)>
module attributes {stable_mosaic.version = 14 : i64} {
  func.func @_sc_body(%arg0: i32, %arg1: i32, %arg2: memref<200x64x4096xf32, #tpu.memory_space<hbm>>, %arg3: memref<100000x128xf32, #tpu.memory_space<hbm>>, %arg4: memref<95x200x4096xf32, #tpu.memory_space<hbm>>, %arg5: memref<64x8x128xf32, #tpu.memory_space<vmem>>, %arg6: memref<32x8x128xf32, #tpu.memory_space<vmem>>, %arg7: memref<8x128xi32, #tpu.memory_space<vmem>>, %arg8: memref<64x128xf32, #tpu.memory_space<vmem>>, %arg9: memref<64x128xf32, #tpu.memory_space<vmem>>, %arg10: memref<!tpu.dma_semaphore, #tpu.memory_space<semaphore_mem>>, %arg11: memref<!tpu.dma_semaphore, #tpu.memory_space<semaphore_mem>>, %arg12: memref<!tpu.dma_semaphore, #tpu.memory_space<semaphore_mem>>, %arg13: memref<!tpu.dma_semaphore, #tpu.memory_space<semaphore_mem>>) attributes {dimension_semantics = [#tpu.dimension_semantics<core_parallel>, #tpu.dimension_semantics<subcore_parallel>], iteration_bounds = array<i64: 2, 16>, scalar_prefetch = 0 : i64, scratch_operands = 9 : i64, tpu.core_type = #tpu.core_type<sc_vector_subcore>, window_params = [{transform_indices = #map}, {transform_indices = #map1}, {transform_indices = #map}]} {
    %mul3A = arith.constant 2 : i32
    %mul3A_0 = arith.muli %arg1, %mul3A : i32
    %add3A = arith.addi %mul3A_0, %arg0 : i32
    %iota3A = tpu.iota {dimensions = array<i32: 0>} : vector<16xi32>
    %add3A_1 = arith.constant 16 : i32
    %add3A_2 = vector.broadcast %add3A_1 : i32 to vector<16xi32>
    %add3A_3 = arith.addi %iota3A, %add3A_2 : vector<16xi32>
    %scan3A = arith.constant 0 : i32
    %scan3A_4 = arith.constant 0 : i32
    %scan3A_5 = arith.constant 25 : i32
    %scan3A_6 = arith.addi %scan3A_4, %scan3A_5 : i32
    %scan3A_7 = arith.constant 1 : i32
    scf.for %scan3A_9 = %scan3A_4 to %scan3A_6 step %scan3A_7  : i32 {
      %mul3A_10 = arith.constant 25 : i32
      %mul3A_11 = arith.muli %add3A, %mul3A_10 : i32
      %add3A_12 = arith.addi %mul3A_11, %scan3A_9 : i32
      %jit3A = arith.constant 32 : i32
      %div3A = arith.divsi %add3A_12, %jit3A : i32
      %sign3A = arith.constant 0 : i32
      %sign3A_13 = arith.cmpi sgt, %add3A_12, %sign3A : i32
      %sign3A_14 = arith.extui %sign3A_13 : i1 to i32
      %sign3A_15 = arith.constant 0 : i32
      %sign3A_16 = arith.cmpi slt, %add3A_12, %sign3A_15 : i32
      %sign3A_17 = arith.extui %sign3A_16 : i1 to i32
      %sign3A_18 = arith.subi %sign3A_14, %sign3A_17 : i32
      %sign3A_19 = arith.constant 0 : i32
      %sign3A_20 = arith.cmpi sgt, %jit3A, %sign3A_19 : i32
      %sign3A_21 = arith.extui %sign3A_20 : i1 to i32
      %sign3A_22 = arith.constant 0 : i32
      %sign3A_23 = arith.cmpi slt, %jit3A, %sign3A_22 : i32
      %sign3A_24 = arith.extui %sign3A_23 : i1 to i32
      %sign3A_25 = arith.subi %sign3A_21, %sign3A_24 : i32
      %ne3A = arith.cmpi ne, %sign3A_18, %sign3A_25 : i32
      %rem3A = arith.remsi %add3A_12, %jit3A : i32
      %ne3A_26 = arith.constant 0 : i32
      %ne3A_27 = arith.cmpi ne, %rem3A, %ne3A_26 : i32
      %and3A = arith.andi %ne3A, %ne3A_27 : i1
      %sub3A = arith.constant 1 : i32
      %sub3A_28 = arith.subi %div3A, %sub3A : i32
      %select_n3A = arith.select %and3A, %sub3A_28, %div3A : i32
      %mul3A_29 = arith.constant 8 : i32
      %mul3A_30 = arith.muli %select_n3A, %mul3A_29 : i32
      %jit3A_31 = arith.constant 32 : i32
      %eq3A = arith.constant 0 : i32
      %eq3A_32 = arith.cmpi eq, %jit3A_31, %eq3A : i32
      %jit3A_33 = arith.constant 1 : i32
      %select_n3A_34 = arith.select %eq3A_32, %jit3A_33, %jit3A_31 : i32
      %rem3A_35 = arith.remsi %add3A_12, %select_n3A_34 : i32
      %ne3A_36 = arith.constant 0 : i32
      %ne3A_37 = arith.cmpi ne, %rem3A_35, %ne3A_36 : i32
      %lt3A = arith.constant 0 : i32
      %lt3A_38 = arith.cmpi slt, %rem3A_35, %lt3A : i32
      %lt3A_39 = arith.constant 0 : i32
      %lt3A_40 = arith.cmpi slt, %select_n3A_34, %lt3A_39 : i32
      %ne3A_41 = arith.xori %lt3A_38, %lt3A_40 : i1
      %and3A_42 = arith.andi %ne3A_41, %ne3A_37 : i1
      %add3A_43 = arith.addi %rem3A_35, %select_n3A_34 : i32
      %select_n3A_44 = arith.select %and3A_42, %add3A_43, %rem3A_35 : i32
      %mul3A_45 = arith.constant 128 : i32
      %mul3A_46 = arith.muli %select_n3A_44, %mul3A_45 : i32
      %add3A_47 = arith.constant 0 : i32
      %add3A_48 = arith.addi %mul3A_30, %add3A_47 : i32
      %dma_start3A = arith.constant 0 : i32
      %dma_start3A_49 = arith.constant 0 : i32
      %dma_start3A_50 = arith.constant 0 : i32
      %dma_start3A_51 = tpu.memref_slice %arg5[%dma_start3A_49, %dma_start3A, %dma_start3A_50] : memref<64x8x128xf32, #tpu.memory_space<vmem>> -> memref<64x1x128xf32, #tpu.memory_space<vmem>>
      %dma_start3A_52 = tpu.memref_squeeze %dma_start3A_51 : memref<64x1x128xf32, #tpu.memory_space<vmem>> -> memref<64x128xf32, #tpu.memory_space<vmem>>
      %dma_start3A_53 = arith.constant 0 : i32
      %dma_start3A_54 = tpu.memref_slice %arg2[%add3A_48, %dma_start3A_53, %mul3A_46] : memref<200x64x4096xf32, #tpu.memory_space<hbm>> -> memref<1x64x128xf32, #tpu.memory_space<hbm>>
      %dma_start3A_55 = tpu.memref_squeeze %dma_start3A_54 : memref<1x64x128xf32, #tpu.memory_space<hbm>> -> memref<64x128xf32, #tpu.memory_space<hbm>>
      %dma_start3A_56 = arith.constant 0 : i32
      %dma_start3A_57 = arith.constant 0 : i32
      %dma_start3A_58 = tpu.memref_slice %arg5[%dma_start3A_56, %dma_start3A, %dma_start3A_57] : memref<64x8x128xf32, #tpu.memory_space<vmem>> -> memref<64x1x128xf32, #tpu.memory_space<vmem>>
      %dma_start3A_59 = tpu.memref_squeeze %dma_start3A_58 : memref<64x1x128xf32, #tpu.memory_space<vmem>> -> memref<64x128xf32, #tpu.memory_space<vmem>>
      %dma_start3A_60 = arith.constant 0 : i32
      %dma_start3A_61 = tpu.memref_slice %arg2[%add3A_48, %dma_start3A_60, %mul3A_46] : memref<200x64x4096xf32, #tpu.memory_space<hbm>> -> memref<1x64x128xf32, #tpu.memory_space<hbm>>
      %dma_start3A_62 = tpu.memref_squeeze %dma_start3A_61 : memref<1x64x128xf32, #tpu.memory_space<hbm>> -> memref<64x128xf32, #tpu.memory_space<hbm>>
      tpu.enqueue_dma source(%dma_start3A_62 : memref<64x128xf32, #tpu.memory_space<hbm>>) target(%dma_start3A_59 : memref<64x128xf32, #tpu.memory_space<vmem>>) target_semaphore(%arg10 : memref<!tpu.dma_semaphore, #tpu.memory_space<semaphore_mem>>)
      %add3A_63 = arith.constant 1 : i32
      %add3A_64 = arith.addi %mul3A_30, %add3A_63 : i32
      %dma_start3A_65 = arith.constant 1 : i32
      %dma_start3A_66 = arith.constant 0 : i32
      %dma_start3A_67 = arith.constant 0 : i32
      %dma_start3A_68 = tpu.memref_slice %arg5[%dma_start3A_66, %dma_start3A_65, %dma_start3A_67] : memref<64x8x128xf32, #tpu.memory_space<vmem>> -> memref<64x1x128xf32, #tpu.memory_space<vmem>>
      %dma_start3A_69 = tpu.memref_squeeze %dma_start3A_68 : memref<64x1x128xf32, #tpu.memory_space<vmem>> -> memref<64x128xf32, #tpu.memory_space<vmem>>
      %dma_start3A_70 = arith.constant 0 : i32
      %dma_start3A_71 = tpu.memref_slice %arg2[%add3A_64, %dma_start3A_70, %mul3A_46] : memref<200x64x4096xf32, #tpu.memory_space<hbm>> -> memref<1x64x128xf32, #tpu.memory_space<hbm>>
      %dma_start3A_72 = tpu.memref_squeeze %dma_start3A_71 : memref<1x64x128xf32, #tpu.memory_space<hbm>> -> memref<64x128xf32, #tpu.memory_space<hbm>>
      %dma_start3A_73 = arith.constant 0 : i32
      %dma_start3A_74 = arith.constant 0 : i32
      %dma_start3A_75 = tpu.memref_slice %arg5[%dma_start3A_73, %dma_start3A_65, %dma_start3A_74] : memref<64x8x128xf32, #tpu.memory_space<vmem>> -> memref<64x1x128xf32, #tpu.memory_space<vmem>>
      %dma_start3A_76 = tpu.memref_squeeze %dma_start3A_75 : memref<64x1x128xf32, #tpu.memory_space<vmem>> -> memref<64x128xf32, #tpu.memory_space<vmem>>
      %dma_start3A_77 = arith.constant 0 : i32
      %dma_start3A_78 = tpu.memref_slice %arg2[%add3A_64, %dma_start3A_77, %mul3A_46] : memref<200x64x4096xf32, #tpu.memory_space<hbm>> -> memref<1x64x128xf32, #tpu.memory_space<hbm>>
      %dma_start3A_79 = tpu.memref_squeeze %dma_start3A_78 : memref<1x64x128xf32, #tpu.memory_space<hbm>> -> memref<64x128xf32, #tpu.memory_space<hbm>>
      tpu.enqueue_dma source(%dma_start3A_79 : memref<64x128xf32, #tpu.memory_space<hbm>>) target(%dma_start3A_76 : memref<64x128xf32, #tpu.memory_space<vmem>>) target_semaphore(%arg10 : memref<!tpu.dma_semaphore, #tpu.memory_space<semaphore_mem>>)
      %add3A_80 = arith.constant 2 : i32
      %add3A_81 = arith.addi %mul3A_30, %add3A_80 : i32
      %dma_start3A_82 = arith.constant 2 : i32
      %dma_start3A_83 = arith.constant 0 : i32
      %dma_start3A_84 = arith.constant 0 : i32
      %dma_start3A_85 = tpu.memref_slice %arg5[%dma_start3A_83, %dma_start3A_82, %dma_start3A_84] : memref<64x8x128xf32, #tpu.memory_space<vmem>> -> memref<64x1x128xf32, #tpu.memory_space<vmem>>
      %dma_start3A_86 = tpu.memref_squeeze %dma_start3A_85 : memref<64x1x128xf32, #tpu.memory_space<vmem>> -> memref<64x128xf32, #tpu.memory_space<vmem>>
      %dma_start3A_87 = arith.constant 0 : i32
      %dma_start3A_88 = tpu.memref_slice %arg2[%add3A_81, %dma_start3A_87, %mul3A_46] : memref<200x64x4096xf32, #tpu.memory_space<hbm>> -> memref<1x64x128xf32, #tpu.memory_space<hbm>>
      %dma_start3A_89 = tpu.memref_squeeze %dma_start3A_88 : memref<1x64x128xf32, #tpu.memory_space<hbm>> -> memref<64x128xf32, #tpu.memory_space<hbm>>
      %dma_start3A_90 = arith.constant 0 : i32
      %dma_start3A_91 = arith.constant 0 : i32
      %dma_start3A_92 = tpu.memref_slice %arg5[%dma_start3A_90, %dma_start3A_82, %dma_start3A_91] : memref<64x8x128xf32, #tpu.memory_space<vmem>> -> memref<64x1x128xf32, #tpu.memory_space<vmem>>
      %dma_start3A_93 = tpu.memref_squeeze %dma_start3A_92 : memref<64x1x128xf32, #tpu.memory_space<vmem>> -> memref<64x128xf32, #tpu.memory_space<vmem>>
      %dma_start3A_94 = arith.constant 0 : i32
      %dma_start3A_95 = tpu.memref_slice %arg2[%add3A_81, %dma_start3A_94, %mul3A_46] : memref<200x64x4096xf32, #tpu.memory_space<hbm>> -> memref<1x64x128xf32, #tpu.memory_space<hbm>>
      %dma_start3A_96 = tpu.memref_squeeze %dma_start3A_95 : memref<1x64x128xf32, #tpu.memory_space<hbm>> -> memref<64x128xf32, #tpu.memory_space<hbm>>
      tpu.enqueue_dma source(%dma_start3A_96 : memref<64x128xf32, #tpu.memory_space<hbm>>) target(%dma_start3A_93 : memref<64x128xf32, #tpu.memory_space<vmem>>) target_semaphore(%arg10 : memref<!tpu.dma_semaphore, #tpu.memory_space<semaphore_mem>>)
      %add3A_97 = arith.constant 3 : i32
      %add3A_98 = arith.addi %mul3A_30, %add3A_97 : i32
      %dma_start3A_99 = arith.constant 3 : i32
      %dma_start3A_100 = arith.constant 0 : i32
      %dma_start3A_101 = arith.constant 0 : i32
      %dma_start3A_102 = tpu.memref_slice %arg5[%dma_start3A_100, %dma_start3A_99, %dma_start3A_101] : memref<64x8x128xf32, #tpu.memory_space<vmem>> -> memref<64x1x128xf32, #tpu.memory_space<vmem>>
      %dma_start3A_103 = tpu.memref_squeeze %dma_start3A_102 : memref<64x1x128xf32, #tpu.memory_space<vmem>> -> memref<64x128xf32, #tpu.memory_space<vmem>>
      %dma_start3A_104 = arith.constant 0 : i32
      %dma_start3A_105 = tpu.memref_slice %arg2[%add3A_98, %dma_start3A_104, %mul3A_46] : memref<200x64x4096xf32, #tpu.memory_space<hbm>> -> memref<1x64x128xf32, #tpu.memory_space<hbm>>
      %dma_start3A_106 = tpu.memref_squeeze %dma_start3A_105 : memref<1x64x128xf32, #tpu.memory_space<hbm>> -> memref<64x128xf32, #tpu.memory_space<hbm>>
      %dma_start3A_107 = arith.constant 0 : i32
      %dma_start3A_108 = arith.constant 0 : i32
      %dma_start3A_109 = tpu.memref_slice %arg5[%dma_start3A_107, %dma_start3A_99, %dma_start3A_108] : memref<64x8x128xf32, #tpu.memory_space<vmem>> -> memref<64x1x128xf32, #tpu.memory_space<vmem>>
      %dma_start3A_110 = tpu.memref_squeeze %dma_start3A_109 : memref<64x1x128xf32, #tpu.memory_space<vmem>> -> memref<64x128xf32, #tpu.memory_space<vmem>>
      %dma_start3A_111 = arith.constant 0 : i32
      %dma_start3A_112 = tpu.memref_slice %arg2[%add3A_98, %dma_start3A_111, %mul3A_46] : memref<200x64x4096xf32, #tpu.memory_space<hbm>> -> memref<1x64x128xf32, #tpu.memory_space<hbm>>
      %dma_start3A_113 = tpu.memref_squeeze %dma_start3A_112 : memref<1x64x128xf32, #tpu.memory_space<hbm>> -> memref<64x128xf32, #tpu.memory_space<hbm>>
      tpu.enqueue_dma source(%dma_start3A_113 : memref<64x128xf32, #tpu.memory_space<hbm>>) target(%dma_start3A_110 : memref<64x128xf32, #tpu.memory_space<vmem>>) target_semaphore(%arg10 : memref<!tpu.dma_semaphore, #tpu.memory_space<semaphore_mem>>)
      %add3A_114 = arith.constant 4 : i32
      %add3A_115 = arith.addi %mul3A_30, %add3A_114 : i32
      %dma_start3A_116 = arith.constant 4 : i32
      %dma_start3A_117 = arith.constant 0 : i32
      %dma_start3A_118 = arith.constant 0 : i32
      %dma_start3A_119 = tpu.memref_slice %arg5[%dma_start3A_117, %dma_start3A_116, %dma_start3A_118] : memref<64x8x128xf32, #tpu.memory_space<vmem>> -> memref<64x1x128xf32, #tpu.memory_space<vmem>>
      %dma_start3A_120 = tpu.memref_squeeze %dma_start3A_119 : memref<64x1x128xf32, #tpu.memory_space<vmem>> -> memref<64x128xf32, #tpu.memory_space<vmem>>
      %dma_start3A_121 = arith.constant 0 : i32
      %dma_start3A_122 = tpu.memref_slice %arg2[%add3A_115, %dma_start3A_121, %mul3A_46] : memref<200x64x4096xf32, #tpu.memory_space<hbm>> -> memref<1x64x128xf32, #tpu.memory_space<hbm>>
      %dma_start3A_123 = tpu.memref_squeeze %dma_start3A_122 : memref<1x64x128xf32, #tpu.memory_space<hbm>> -> memref<64x128xf32, #tpu.memory_space<hbm>>
      %dma_start3A_124 = arith.constant 0 : i32
      %dma_start3A_125 = arith.constant 0 : i32
      %dma_start3A_126 = tpu.memref_slice %arg5[%dma_start3A_124, %dma_start3A_116, %dma_start3A_125] : memref<64x8x128xf32, #tpu.memory_space<vmem>> -> memref<64x1x128xf32, #tpu.memory_space<vmem>>
      %dma_start3A_127 = tpu.memref_squeeze %dma_start3A_126 : memref<64x1x128xf32, #tpu.memory_space<vmem>> -> memref<64x128xf32, #tpu.memory_space<vmem>>
      %dma_start3A_128 = arith.constant 0 : i32
      %dma_start3A_129 = tpu.memref_slice %arg2[%add3A_115, %dma_start3A_128, %mul3A_46] : memref<200x64x4096xf32, #tpu.memory_space<hbm>> -> memref<1x64x128xf32, #tpu.memory_space<hbm>>
      %dma_start3A_130 = tpu.memref_squeeze %dma_start3A_129 : memref<1x64x128xf32, #tpu.memory_space<hbm>> -> memref<64x128xf32, #tpu.memory_space<hbm>>
      tpu.enqueue_dma source(%dma_start3A_130 : memref<64x128xf32, #tpu.memory_space<hbm>>) target(%dma_start3A_127 : memref<64x128xf32, #tpu.memory_space<vmem>>) target_semaphore(%arg10 : memref<!tpu.dma_semaphore, #tpu.memory_space<semaphore_mem>>)
      %add3A_131 = arith.constant 5 : i32
      %add3A_132 = arith.addi %mul3A_30, %add3A_131 : i32
      %dma_start3A_133 = arith.constant 5 : i32
      %dma_start3A_134 = arith.constant 0 : i32
      %dma_start3A_135 = arith.constant 0 : i32
      %dma_start3A_136 = tpu.memref_slice %arg5[%dma_start3A_134, %dma_start3A_133, %dma_start3A_135] : memref<64x8x128xf32, #tpu.memory_space<vmem>> -> memref<64x1x128xf32, #tpu.memory_space<vmem>>
      %dma_start3A_137 = tpu.memref_squeeze %dma_start3A_136 : memref<64x1x128xf32, #tpu.memory_space<vmem>> -> memref<64x128xf32, #tpu.memory_space<vmem>>
      %dma_start3A_138 = arith.constant 0 : i32
      %dma_start3A_139 = tpu.memref_slice %arg2[%add3A_132, %dma_start3A_138, %mul3A_46] : memref<200x64x4096xf32, #tpu.memory_space<hbm>> -> memref<1x64x128xf32, #tpu.memory_space<hbm>>
      %dma_start3A_140 = tpu.memref_squeeze %dma_start3A_139 : memref<1x64x128xf32, #tpu.memory_space<hbm>> -> memref<64x128xf32, #tpu.memory_space<hbm>>
      %dma_start3A_141 = arith.constant 0 : i32
      %dma_start3A_142 = arith.constant 0 : i32
      %dma_start3A_143 = tpu.memref_slice %arg5[%dma_start3A_141, %dma_start3A_133, %dma_start3A_142] : memref<64x8x128xf32, #tpu.memory_space<vmem>> -> memref<64x1x128xf32, #tpu.memory_space<vmem>>
      %dma_start3A_144 = tpu.memref_squeeze %dma_start3A_143 : memref<64x1x128xf32, #tpu.memory_space<vmem>> -> memref<64x128xf32, #tpu.memory_space<vmem>>
      %dma_start3A_145 = arith.constant 0 : i32
      %dma_start3A_146 = tpu.memref_slice %arg2[%add3A_132, %dma_start3A_145, %mul3A_46] : memref<200x64x4096xf32, #tpu.memory_space<hbm>> -> memref<1x64x128xf32, #tpu.memory_space<hbm>>
      %dma_start3A_147 = tpu.memref_squeeze %dma_start3A_146 : memref<1x64x128xf32, #tpu.memory_space<hbm>> -> memref<64x128xf32, #tpu.memory_space<hbm>>
      tpu.enqueue_dma source(%dma_start3A_147 : memref<64x128xf32, #tpu.memory_space<hbm>>) target(%dma_start3A_144 : memref<64x128xf32, #tpu.memory_space<vmem>>) target_semaphore(%arg10 : memref<!tpu.dma_semaphore, #tpu.memory_space<semaphore_mem>>)
      %add3A_148 = arith.constant 6 : i32
      %add3A_149 = arith.addi %mul3A_30, %add3A_148 : i32
      %dma_start3A_150 = arith.constant 6 : i32
      %dma_start3A_151 = arith.constant 0 : i32
      %dma_start3A_152 = arith.constant 0 : i32
      %dma_start3A_153 = tpu.memref_slice %arg5[%dma_start3A_151, %dma_start3A_150, %dma_start3A_152] : memref<64x8x128xf32, #tpu.memory_space<vmem>> -> memref<64x1x128xf32, #tpu.memory_space<vmem>>
      %dma_start3A_154 = tpu.memref_squeeze %dma_start3A_153 : memref<64x1x128xf32, #tpu.memory_space<vmem>> -> memref<64x128xf32, #tpu.memory_space<vmem>>
      %dma_start3A_155 = arith.constant 0 : i32
      %dma_start3A_156 = tpu.memref_slice %arg2[%add3A_149, %dma_start3A_155, %mul3A_46] : memref<200x64x4096xf32, #tpu.memory_space<hbm>> -> memref<1x64x128xf32, #tpu.memory_space<hbm>>
      %dma_start3A_157 = tpu.memref_squeeze %dma_start3A_156 : memref<1x64x128xf32, #tpu.memory_space<hbm>> -> memref<64x128xf32, #tpu.memory_space<hbm>>
      %dma_start3A_158 = arith.constant 0 : i32
      %dma_start3A_159 = arith.constant 0 : i32
      %dma_start3A_160 = tpu.memref_slice %arg5[%dma_start3A_158, %dma_start3A_150, %dma_start3A_159] : memref<64x8x128xf32, #tpu.memory_space<vmem>> -> memref<64x1x128xf32, #tpu.memory_space<vmem>>
      %dma_start3A_161 = tpu.memref_squeeze %dma_start3A_160 : memref<64x1x128xf32, #tpu.memory_space<vmem>> -> memref<64x128xf32, #tpu.memory_space<vmem>>
      %dma_start3A_162 = arith.constant 0 : i32
      %dma_start3A_163 = tpu.memref_slice %arg2[%add3A_149, %dma_start3A_162, %mul3A_46] : memref<200x64x4096xf32, #tpu.memory_space<hbm>> -> memref<1x64x128xf32, #tpu.memory_space<hbm>>
      %dma_start3A_164 = tpu.memref_squeeze %dma_start3A_163 : memref<1x64x128xf32, #tpu.memory_space<hbm>> -> memref<64x128xf32, #tpu.memory_space<hbm>>
      tpu.enqueue_dma source(%dma_start3A_164 : memref<64x128xf32, #tpu.memory_space<hbm>>) target(%dma_start3A_161 : memref<64x128xf32, #tpu.memory_space<vmem>>) target_semaphore(%arg10 : memref<!tpu.dma_semaphore, #tpu.memory_space<semaphore_mem>>)
      %add3A_165 = arith.constant 7 : i32
      %add3A_166 = arith.addi %mul3A_30, %add3A_165 : i32
      %dma_start3A_167 = arith.constant 7 : i32
      %dma_start3A_168 = arith.constant 0 : i32
      %dma_start3A_169 = arith.constant 0 : i32
      %dma_start3A_170 = tpu.memref_slice %arg5[%dma_start3A_168, %dma_start3A_167, %dma_start3A_169] : memref<64x8x128xf32, #tpu.memory_space<vmem>> -> memref<64x1x128xf32, #tpu.memory_space<vmem>>
      %dma_start3A_171 = tpu.memref_squeeze %dma_start3A_170 : memref<64x1x128xf32, #tpu.memory_space<vmem>> -> memref<64x128xf32, #tpu.memory_space<vmem>>
      %dma_start3A_172 = arith.constant 0 : i32
      %dma_start3A_173 = tpu.memref_slice %arg2[%add3A_166, %dma_start3A_172, %mul3A_46] : memref<200x64x4096xf32, #tpu.memory_space<hbm>> -> memref<1x64x128xf32, #tpu.memory_space<hbm>>
      %dma_start3A_174 = tpu.memref_squeeze %dma_start3A_173 : memref<1x64x128xf32, #tpu.memory_space<hbm>> -> memref<64x128xf32, #tpu.memory_space<hbm>>
      %dma_start3A_175 = arith.constant 0 : i32
      %dma_start3A_176 = arith.constant 0 : i32
      %dma_start3A_177 = tpu.memref_slice %arg5[%dma_start3A_175, %dma_start3A_167, %dma_start3A_176] : memref<64x8x128xf32, #tpu.memory_space<vmem>> -> memref<64x1x128xf32, #tpu.memory_space<vmem>>
      %dma_start3A_178 = tpu.memref_squeeze %dma_start3A_177 : memref<64x1x128xf32, #tpu.memory_space<vmem>> -> memref<64x128xf32, #tpu.memory_space<vmem>>
      %dma_start3A_179 = arith.constant 0 : i32
      %dma_start3A_180 = tpu.memref_slice %arg2[%add3A_166, %dma_start3A_179, %mul3A_46] : memref<200x64x4096xf32, #tpu.memory_space<hbm>> -> memref<1x64x128xf32, #tpu.memory_space<hbm>>
      %dma_start3A_181 = tpu.memref_squeeze %dma_start3A_180 : memref<1x64x128xf32, #tpu.memory_space<hbm>> -> memref<64x128xf32, #tpu.memory_space<hbm>>
      tpu.enqueue_dma source(%dma_start3A_181 : memref<64x128xf32, #tpu.memory_space<hbm>>) target(%dma_start3A_178 : memref<64x128xf32, #tpu.memory_space<vmem>>) target_semaphore(%arg10 : memref<!tpu.dma_semaphore, #tpu.memory_space<semaphore_mem>>)
      %dma_wait3A = arith.constant 0 : i32
      %dma_wait3A_182 = arith.constant 0 : i32
      %dma_wait3A_183 = arith.constant 0 : i32
      %dma_wait3A_184 = tpu.memref_slice %arg5[%dma_wait3A_182, %dma_wait3A, %dma_wait3A_183] : memref<64x8x128xf32, #tpu.memory_space<vmem>> -> memref<64x1x128xf32, #tpu.memory_space<vmem>>
      %dma_wait3A_185 = tpu.memref_squeeze %dma_wait3A_184 : memref<64x1x128xf32, #tpu.memory_space<vmem>> -> memref<64x128xf32, #tpu.memory_space<vmem>>
      %dma_wait3A_186 = arith.constant 0 : i32
      %dma_wait3A_187 = tpu.memref_slice %arg2[%add3A_48, %dma_wait3A_186, %mul3A_46] : memref<200x64x4096xf32, #tpu.memory_space<hbm>> -> memref<1x64x128xf32, #tpu.memory_space<hbm>>
      %dma_wait3A_188 = tpu.memref_squeeze %dma_wait3A_187 : memref<1x64x128xf32, #tpu.memory_space<hbm>> -> memref<64x128xf32, #tpu.memory_space<hbm>>
      %dma_wait3A_189 = arith.constant 0 : i32
      %dma_wait3A_190 = arith.constant 0 : i32
      %dma_wait3A_191 = tpu.memref_slice %arg5[%dma_wait3A_189, %dma_wait3A, %dma_wait3A_190] : memref<64x8x128xf32, #tpu.memory_space<vmem>> -> memref<64x1x128xf32, #tpu.memory_space<vmem>>
      %dma_wait3A_192 = tpu.memref_squeeze %dma_wait3A_191 : memref<64x1x128xf32, #tpu.memory_space<vmem>> -> memref<64x128xf32, #tpu.memory_space<vmem>>
      %dma_wait3A_193 = arith.constant 0 : i32
      %dma_wait3A_194 = tpu.memref_slice %arg2[%add3A_48, %dma_wait3A_193, %mul3A_46] : memref<200x64x4096xf32, #tpu.memory_space<hbm>> -> memref<1x64x128xf32, #tpu.memory_space<hbm>>
      %dma_wait3A_195 = tpu.memref_squeeze %dma_wait3A_194 : memref<1x64x128xf32, #tpu.memory_space<hbm>> -> memref<64x128xf32, #tpu.memory_space<hbm>>
      tpu.wait_dma2 semaphore(%arg10 : memref<!tpu.dma_semaphore, #tpu.memory_space<semaphore_mem>>) src(%dma_wait3A_195 : memref<64x128xf32, #tpu.memory_space<hbm>>) dst(%dma_wait3A_192 : memref<64x128xf32, #tpu.memory_space<vmem>>)
      %dma_wait3A_196 = arith.constant 1 : i32
      %dma_wait3A_197 = arith.constant 0 : i32
      %dma_wait3A_198 = arith.constant 0 : i32
      %dma_wait3A_199 = tpu.memref_slice %arg5[%dma_wait3A_197, %dma_wait3A_196, %dma_wait3A_198] : memref<64x8x128xf32, #tpu.memory_space<vmem>> -> memref<64x1x128xf32, #tpu.memory_space<vmem>>
      %dma_wait3A_200 = tpu.memref_squeeze %dma_wait3A_199 : memref<64x1x128xf32, #tpu.memory_space<vmem>> -> memref<64x128xf32, #tpu.memory_space<vmem>>
      %dma_wait3A_201 = arith.constant 0 : i32
      %dma_wait3A_202 = tpu.memref_slice %arg2[%add3A_64, %dma_wait3A_201, %mul3A_46] : memref<200x64x4096xf32, #tpu.memory_space<hbm>> -> memref<1x64x128xf32, #tpu.memory_space<hbm>>
      %dma_wait3A_203 = tpu.memref_squeeze %dma_wait3A_202 : memref<1x64x128xf32, #tpu.memory_space<hbm>> -> memref<64x128xf32, #tpu.memory_space<hbm>>
      %dma_wait3A_204 = arith.constant 0 : i32
      %dma_wait3A_205 = arith.constant 0 : i32
      %dma_wait3A_206 = tpu.memref_slice %arg5[%dma_wait3A_204, %dma_wait3A_196, %dma_wait3A_205] : memref<64x8x128xf32, #tpu.memory_space<vmem>> -> memref<64x1x128xf32, #tpu.memory_space<vmem>>
      %dma_wait3A_207 = tpu.memref_squeeze %dma_wait3A_206 : memref<64x1x128xf32, #tpu.memory_space<vmem>> -> memref<64x128xf32, #tpu.memory_space<vmem>>
      %dma_wait3A_208 = arith.constant 0 : i32
      %dma_wait3A_209 = tpu.memref_slice %arg2[%add3A_64, %dma_wait3A_208, %mul3A_46] : memref<200x64x4096xf32, #tpu.memory_space<hbm>> -> memref<1x64x128xf32, #tpu.memory_space<hbm>>
      %dma_wait3A_210 = tpu.memref_squeeze %dma_wait3A_209 : memref<1x64x128xf32, #tpu.memory_space<hbm>> -> memref<64x128xf32, #tpu.memory_space<hbm>>
      tpu.wait_dma2 semaphore(%arg10 : memref<!tpu.dma_semaphore, #tpu.memory_space<semaphore_mem>>) src(%dma_wait3A_210 : memref<64x128xf32, #tpu.memory_space<hbm>>) dst(%dma_wait3A_207 : memref<64x128xf32, #tpu.memory_space<vmem>>)
      %dma_wait3A_211 = arith.constant 2 : i32
      %dma_wait3A_212 = arith.constant 0 : i32
      %dma_wait3A_213 = arith.constant 0 : i32
      %dma_wait3A_214 = tpu.memref_slice %arg5[%dma_wait3A_212, %dma_wait3A_211, %dma_wait3A_213] : memref<64x8x128xf32, #tpu.memory_space<vmem>> -> memref<64x1x128xf32, #tpu.memory_space<vmem>>
      %dma_wait3A_215 = tpu.memref_squeeze %dma_wait3A_214 : memref<64x1x128xf32, #tpu.memory_space<vmem>> -> memref<64x128xf32, #tpu.memory_space<vmem>>
      %dma_wait3A_216 = arith.constant 0 : i32
      %dma_wait3A_217 = tpu.memref_slice %arg2[%add3A_81, %dma_wait3A_216, %mul3A_46] : memref<200x64x4096xf32, #tpu.memory_space<hbm>> -> memref<1x64x128xf32, #tpu.memory_space<hbm>>
      %dma_wait3A_218 = tpu.memref_squeeze %dma_wait3A_217 : memref<1x64x128xf32, #tpu.memory_space<hbm>> -> memref<64x128xf32, #tpu.memory_space<hbm>>
      %dma_wait3A_219 = arith.constant 0 : i32
      %dma_wait3A_220 = arith.constant 0 : i32
      %dma_wait3A_221 = tpu.memref_slice %arg5[%dma_wait3A_219, %dma_wait3A_211, %dma_wait3A_220] : memref<64x8x128xf32, #tpu.memory_space<vmem>> -> memref<64x1x128xf32, #tpu.memory_space<vmem>>
      %dma_wait3A_222 = tpu.memref_squeeze %dma_wait3A_221 : memref<64x1x128xf32, #tpu.memory_space<vmem>> -> memref<64x128xf32, #tpu.memory_space<vmem>>
      %dma_wait3A_223 = arith.constant 0 : i32
      %dma_wait3A_224 = tpu.memref_slice %arg2[%add3A_81, %dma_wait3A_223, %mul3A_46] : memref<200x64x4096xf32, #tpu.memory_space<hbm>> -> memref<1x64x128xf32, #tpu.memory_space<hbm>>
      %dma_wait3A_225 = tpu.memref_squeeze %dma_wait3A_224 : memref<1x64x128xf32, #tpu.memory_space<hbm>> -> memref<64x128xf32, #tpu.memory_space<hbm>>
      tpu.wait_dma2 semaphore(%arg10 : memref<!tpu.dma_semaphore, #tpu.memory_space<semaphore_mem>>) src(%dma_wait3A_225 : memref<64x128xf32, #tpu.memory_space<hbm>>) dst(%dma_wait3A_222 : memref<64x128xf32, #tpu.memory_space<vmem>>)
      %dma_wait3A_226 = arith.constant 3 : i32
      %dma_wait3A_227 = arith.constant 0 : i32
      %dma_wait3A_228 = arith.constant 0 : i32
      %dma_wait3A_229 = tpu.memref_slice %arg5[%dma_wait3A_227, %dma_wait3A_226, %dma_wait3A_228] : memref<64x8x128xf32, #tpu.memory_space<vmem>> -> memref<64x1x128xf32, #tpu.memory_space<vmem>>
      %dma_wait3A_230 = tpu.memref_squeeze %dma_wait3A_229 : memref<64x1x128xf32, #tpu.memory_space<vmem>> -> memref<64x128xf32, #tpu.memory_space<vmem>>
      %dma_wait3A_231 = arith.constant 0 : i32
      %dma_wait3A_232 = tpu.memref_slice %arg2[%add3A_98, %dma_wait3A_231, %mul3A_46] : memref<200x64x4096xf32, #tpu.memory_space<hbm>> -> memref<1x64x128xf32, #tpu.memory_space<hbm>>
      %dma_wait3A_233 = tpu.memref_squeeze %dma_wait3A_232 : memref<1x64x128xf32, #tpu.memory_space<hbm>> -> memref<64x128xf32, #tpu.memory_space<hbm>>
      %dma_wait3A_234 = arith.constant 0 : i32
      %dma_wait3A_235 = arith.constant 0 : i32
      %dma_wait3A_236 = tpu.memref_slice %arg5[%dma_wait3A_234, %dma_wait3A_226, %dma_wait3A_235] : memref<64x8x128xf32, #tpu.memory_space<vmem>> -> memref<64x1x128xf32, #tpu.memory_space<vmem>>
      %dma_wait3A_237 = tpu.memref_squeeze %dma_wait3A_236 : memref<64x1x128xf32, #tpu.memory_space<vmem>> -> memref<64x128xf32, #tpu.memory_space<vmem>>
      %dma_wait3A_238 = arith.constant 0 : i32
      %dma_wait3A_239 = tpu.memref_slice %arg2[%add3A_98, %dma_wait3A_238, %mul3A_46] : memref<200x64x4096xf32, #tpu.memory_space<hbm>> -> memref<1x64x128xf32, #tpu.memory_space<hbm>>
      %dma_wait3A_240 = tpu.memref_squeeze %dma_wait3A_239 : memref<1x64x128xf32, #tpu.memory_space<hbm>> -> memref<64x128xf32, #tpu.memory_space<hbm>>
      tpu.wait_dma2 semaphore(%arg10 : memref<!tpu.dma_semaphore, #tpu.memory_space<semaphore_mem>>) src(%dma_wait3A_240 : memref<64x128xf32, #tpu.memory_space<hbm>>) dst(%dma_wait3A_237 : memref<64x128xf32, #tpu.memory_space<vmem>>)
      %dma_wait3A_241 = arith.constant 4 : i32
      %dma_wait3A_242 = arith.constant 0 : i32
      %dma_wait3A_243 = arith.constant 0 : i32
      %dma_wait3A_244 = tpu.memref_slice %arg5[%dma_wait3A_242, %dma_wait3A_241, %dma_wait3A_243] : memref<64x8x128xf32, #tpu.memory_space<vmem>> -> memref<64x1x128xf32, #tpu.memory_space<vmem>>
      %dma_wait3A_245 = tpu.memref_squeeze %dma_wait3A_244 : memref<64x1x128xf32, #tpu.memory_space<vmem>> -> memref<64x128xf32, #tpu.memory_space<vmem>>
      %dma_wait3A_246 = arith.constant 0 : i32
      %dma_wait3A_247 = tpu.memref_slice %arg2[%add3A_115, %dma_wait3A_246, %mul3A_46] : memref<200x64x4096xf32, #tpu.memory_space<hbm>> -> memref<1x64x128xf32, #tpu.memory_space<hbm>>
      %dma_wait3A_248 = tpu.memref_squeeze %dma_wait3A_247 : memref<1x64x128xf32, #tpu.memory_space<hbm>> -> memref<64x128xf32, #tpu.memory_space<hbm>>
      %dma_wait3A_249 = arith.constant 0 : i32
      %dma_wait3A_250 = arith.constant 0 : i32
      %dma_wait3A_251 = tpu.memref_slice %arg5[%dma_wait3A_249, %dma_wait3A_241, %dma_wait3A_250] : memref<64x8x128xf32, #tpu.memory_space<vmem>> -> memref<64x1x128xf32, #tpu.memory_space<vmem>>
      %dma_wait3A_252 = tpu.memref_squeeze %dma_wait3A_251 : memref<64x1x128xf32, #tpu.memory_space<vmem>> -> memref<64x128xf32, #tpu.memory_space<vmem>>
      %dma_wait3A_253 = arith.constant 0 : i32
      %dma_wait3A_254 = tpu.memref_slice %arg2[%add3A_115, %dma_wait3A_253, %mul3A_46] : memref<200x64x4096xf32, #tpu.memory_space<hbm>> -> memref<1x64x128xf32, #tpu.memory_space<hbm>>
      %dma_wait3A_255 = tpu.memref_squeeze %dma_wait3A_254 : memref<1x64x128xf32, #tpu.memory_space<hbm>> -> memref<64x128xf32, #tpu.memory_space<hbm>>
      tpu.wait_dma2 semaphore(%arg10 : memref<!tpu.dma_semaphore, #tpu.memory_space<semaphore_mem>>) src(%dma_wait3A_255 : memref<64x128xf32, #tpu.memory_space<hbm>>) dst(%dma_wait3A_252 : memref<64x128xf32, #tpu.memory_space<vmem>>)
      %dma_wait3A_256 = arith.constant 5 : i32
      %dma_wait3A_257 = arith.constant 0 : i32
      %dma_wait3A_258 = arith.constant 0 : i32
      %dma_wait3A_259 = tpu.memref_slice %arg5[%dma_wait3A_257, %dma_wait3A_256, %dma_wait3A_258] : memref<64x8x128xf32, #tpu.memory_space<vmem>> -> memref<64x1x128xf32, #tpu.memory_space<vmem>>
      %dma_wait3A_260 = tpu.memref_squeeze %dma_wait3A_259 : memref<64x1x128xf32, #tpu.memory_space<vmem>> -> memref<64x128xf32, #tpu.memory_space<vmem>>
      %dma_wait3A_261 = arith.constant 0 : i32
      %dma_wait3A_262 = tpu.memref_slice %arg2[%add3A_132, %dma_wait3A_261, %mul3A_46] : memref<200x64x4096xf32, #tpu.memory_space<hbm>> -> memref<1x64x128xf32, #tpu.memory_space<hbm>>
      %dma_wait3A_263 = tpu.memref_squeeze %dma_wait3A_262 : memref<1x64x128xf32, #tpu.memory_space<hbm>> -> memref<64x128xf32, #tpu.memory_space<hbm>>
      %dma_wait3A_264 = arith.constant 0 : i32
      %dma_wait3A_265 = arith.constant 0 : i32
      %dma_wait3A_266 = tpu.memref_slice %arg5[%dma_wait3A_264, %dma_wait3A_256, %dma_wait3A_265] : memref<64x8x128xf32, #tpu.memory_space<vmem>> -> memref<64x1x128xf32, #tpu.memory_space<vmem>>
      %dma_wait3A_267 = tpu.memref_squeeze %dma_wait3A_266 : memref<64x1x128xf32, #tpu.memory_space<vmem>> -> memref<64x128xf32, #tpu.memory_space<vmem>>
      %dma_wait3A_268 = arith.constant 0 : i32
      %dma_wait3A_269 = tpu.memref_slice %arg2[%add3A_132, %dma_wait3A_268, %mul3A_46] : memref<200x64x4096xf32, #tpu.memory_space<hbm>> -> memref<1x64x128xf32, #tpu.memory_space<hbm>>
      %dma_wait3A_270 = tpu.memref_squeeze %dma_wait3A_269 : memref<1x64x128xf32, #tpu.memory_space<hbm>> -> memref<64x128xf32, #tpu.memory_space<hbm>>
      tpu.wait_dma2 semaphore(%arg10 : memref<!tpu.dma_semaphore, #tpu.memory_space<semaphore_mem>>) src(%dma_wait3A_270 : memref<64x128xf32, #tpu.memory_space<hbm>>) dst(%dma_wait3A_267 : memref<64x128xf32, #tpu.memory_space<vmem>>)
      %dma_wait3A_271 = arith.constant 6 : i32
      %dma_wait3A_272 = arith.constant 0 : i32
      %dma_wait3A_273 = arith.constant 0 : i32
      %dma_wait3A_274 = tpu.memref_slice %arg5[%dma_wait3A_272, %dma_wait3A_271, %dma_wait3A_273] : memref<64x8x128xf32, #tpu.memory_space<vmem>> -> memref<64x1x128xf32, #tpu.memory_space<vmem>>
      %dma_wait3A_275 = tpu.memref_squeeze %dma_wait3A_274 : memref<64x1x128xf32, #tpu.memory_space<vmem>> -> memref<64x128xf32, #tpu.memory_space<vmem>>
      %dma_wait3A_276 = arith.constant 0 : i32
      %dma_wait3A_277 = tpu.memref_slice %arg2[%add3A_149, %dma_wait3A_276, %mul3A_46] : memref<200x64x4096xf32, #tpu.memory_space<hbm>> -> memref<1x64x128xf32, #tpu.memory_space<hbm>>
      %dma_wait3A_278 = tpu.memref_squeeze %dma_wait3A_277 : memref<1x64x128xf32, #tpu.memory_space<hbm>> -> memref<64x128xf32, #tpu.memory_space<hbm>>
      %dma_wait3A_279 = arith.constant 0 : i32
      %dma_wait3A_280 = arith.constant 0 : i32
      %dma_wait3A_281 = tpu.memref_slice %arg5[%dma_wait3A_279, %dma_wait3A_271, %dma_wait3A_280] : memref<64x8x128xf32, #tpu.memory_space<vmem>> -> memref<64x1x128xf32, #tpu.memory_space<vmem>>
      %dma_wait3A_282 = tpu.memref_squeeze %dma_wait3A_281 : memref<64x1x128xf32, #tpu.memory_space<vmem>> -> memref<64x128xf32, #tpu.memory_space<vmem>>
      %dma_wait3A_283 = arith.constant 0 : i32
      %dma_wait3A_284 = tpu.memref_slice %arg2[%add3A_149, %dma_wait3A_283, %mul3A_46] : memref<200x64x4096xf32, #tpu.memory_space<hbm>> -> memref<1x64x128xf32, #tpu.memory_space<hbm>>
      %dma_wait3A_285 = tpu.memref_squeeze %dma_wait3A_284 : memref<1x64x128xf32, #tpu.memory_space<hbm>> -> memref<64x128xf32, #tpu.memory_space<hbm>>
      tpu.wait_dma2 semaphore(%arg10 : memref<!tpu.dma_semaphore, #tpu.memory_space<semaphore_mem>>) src(%dma_wait3A_285 : memref<64x128xf32, #tpu.memory_space<hbm>>) dst(%dma_wait3A_282 : memref<64x128xf32, #tpu.memory_space<vmem>>)
      %dma_wait3A_286 = arith.constant 7 : i32
      %dma_wait3A_287 = arith.constant 0 : i32
      %dma_wait3A_288 = arith.constant 0 : i32
      %dma_wait3A_289 = tpu.memref_slice %arg5[%dma_wait3A_287, %dma_wait3A_286, %dma_wait3A_288] : memref<64x8x128xf32, #tpu.memory_space<vmem>> -> memref<64x1x128xf32, #tpu.memory_space<vmem>>
      %dma_wait3A_290 = tpu.memref_squeeze %dma_wait3A_289 : memref<64x1x128xf32, #tpu.memory_space<vmem>> -> memref<64x128xf32, #tpu.memory_space<vmem>>
      %dma_wait3A_291 = arith.constant 0 : i32
      %dma_wait3A_292 = tpu.memref_slice %arg2[%add3A_166, %dma_wait3A_291, %mul3A_46] : memref<200x64x4096xf32, #tpu.memory_space<hbm>> -> memref<1x64x128xf32, #tpu.memory_space<hbm>>
      %dma_wait3A_293 = tpu.memref_squeeze %dma_wait3A_292 : memref<1x64x128xf32, #tpu.memory_space<hbm>> -> memref<64x128xf32, #tpu.memory_space<hbm>>
      %dma_wait3A_294 = arith.constant 0 : i32
      %dma_wait3A_295 = arith.constant 0 : i32
      %dma_wait3A_296 = tpu.memref_slice %arg5[%dma_wait3A_294, %dma_wait3A_286, %dma_wait3A_295] : memref<64x8x128xf32, #tpu.memory_space<vmem>> -> memref<64x1x128xf32, #tpu.memory_space<vmem>>
      %dma_wait3A_297 = tpu.memref_squeeze %dma_wait3A_296 : memref<64x1x128xf32, #tpu.memory_space<vmem>> -> memref<64x128xf32, #tpu.memory_space<vmem>>
      %dma_wait3A_298 = arith.constant 0 : i32
      %dma_wait3A_299 = tpu.memref_slice %arg2[%add3A_166, %dma_wait3A_298, %mul3A_46] : memref<200x64x4096xf32, #tpu.memory_space<hbm>> -> memref<1x64x128xf32, #tpu.memory_space<hbm>>
      %dma_wait3A_300 = tpu.memref_squeeze %dma_wait3A_299 : memref<1x64x128xf32, #tpu.memory_space<hbm>> -> memref<64x128xf32, #tpu.memory_space<hbm>>
      tpu.wait_dma2 semaphore(%arg10 : memref<!tpu.dma_semaphore, #tpu.memory_space<semaphore_mem>>) src(%dma_wait3A_300 : memref<64x128xf32, #tpu.memory_space<hbm>>) dst(%dma_wait3A_297 : memref<64x128xf32, #tpu.memory_space<vmem>>)
      %scan3A_301 = arith.constant 0 : i32
      %scan3A_302 = arith.constant 0 : i32
      %scan3A_303 = arith.constant 8 : i32
      %scan3A_304 = arith.addi %scan3A_302, %scan3A_303 : i32
      %scan3A_305 = arith.constant 1 : i32
      scf.for %scan3A_714 = %scan3A_302 to %scan3A_304 step %scan3A_305  : i32 {
        %scan3A_715 = arith.constant 0 : i32
        %scan3A_716 = arith.constant 0 : i32
        %scan3A_717 = arith.constant 8 : i32
        %scan3A_718 = arith.addi %scan3A_716, %scan3A_717 : i32
        %scan3A_719 = arith.constant 4 : i32
        scf.for %scan3A_721 = %scan3A_716 to %scan3A_718 step %scan3A_719  : i32 {
          %mul3A_722 = arith.constant 16 : i32
          %mul3A_723 = arith.muli %scan3A_721, %mul3A_722 : i32
          %get3A = arith.constant 63 : i32
          %get3A_724 = arith.index_cast %get3A : i32 to index
          %get3A_725 = arith.index_cast %scan3A_714 : i32 to index
          %get3A_726 = arith.index_cast %mul3A_723 : i32 to index
          %get3A_727 = tpu.vector_load %arg5[%get3A_724, %get3A_725, %get3A_726] {strides = array<i32>} : memref<64x8x128xf32, #tpu.memory_space<vmem>>, vector<16xf32>,
          %convert_element_type3A = arith.fptosi %get3A_727 : vector<16xf32> to vector<16xi32>
          %mul3A_728 = arith.constant 16 : i32
          %mul3A_729 = arith.muli %scan3A_721, %mul3A_728 : i32
          %swap3A = arith.index_cast %scan3A_714 : i32 to index
          %swap3A_730 = arith.index_cast %mul3A_729 : i32 to index
          %swap3A_731 = tpu.vector_load %arg7[%swap3A, %swap3A_730] {strides = array<i32>} : memref<8x128xi32, #tpu.memory_space<vmem>>, vector<16xi32>,
          tpu.vector_store %arg7[%swap3A, %swap3A_730], %convert_element_type3A {strides = array<i32>} : memref<8x128xi32, #tpu.memory_space<vmem>>, vector<16xi32>,
          %scan3A_732 = arith.constant 1 : i32
          %scan3A_733 = arith.addi %scan3A_721, %scan3A_732 : i32
          %mul3A_734 = arith.constant 16 : i32
          %mul3A_735 = arith.muli %scan3A_733, %mul3A_734 : i32
          %get3A_736 = arith.constant 63 : i32
          %get3A_737 = arith.index_cast %get3A_736 : i32 to index
          %get3A_738 = arith.index_cast %scan3A_714 : i32 to index
          %get3A_739 = arith.index_cast %mul3A_735 : i32 to index
          %get3A_740 = tpu.vector_load %arg5[%get3A_737, %get3A_738, %get3A_739] {strides = array<i32>} : memref<64x8x128xf32, #tpu.memory_space<vmem>>, vector<16xf32>,
          %convert_element_type3A_741 = arith.fptosi %get3A_740 : vector<16xf32> to vector<16xi32>
          %mul3A_742 = arith.constant 16 : i32
          %mul3A_743 = arith.muli %scan3A_733, %mul3A_742 : i32
          %swap3A_744 = arith.index_cast %scan3A_714 : i32 to index
          %swap3A_745 = arith.index_cast %mul3A_743 : i32 to index
          %swap3A_746 = tpu.vector_load %arg7[%swap3A_744, %swap3A_745] {strides = array<i32>} : memref<8x128xi32, #tpu.memory_space<vmem>>, vector<16xi32>,
          tpu.vector_store %arg7[%swap3A_744, %swap3A_745], %convert_element_type3A_741 {strides = array<i32>} : memref<8x128xi32, #tpu.memory_space<vmem>>, vector<16xi32>,
          %scan3A_747 = arith.constant 2 : i32
          %scan3A_748 = arith.addi %scan3A_721, %scan3A_747 : i32
          %mul3A_749 = arith.constant 16 : i32
          %mul3A_750 = arith.muli %scan3A_748, %mul3A_749 : i32
          %get3A_751 = arith.constant 63 : i32
          %get3A_752 = arith.index_cast %get3A_751 : i32 to index
          %get3A_753 = arith.index_cast %scan3A_714 : i32 to index
          %get3A_754 = arith.index_cast %mul3A_750 : i32 to index
          %get3A_755 = tpu.vector_load %arg5[%get3A_752, %get3A_753, %get3A_754] {strides = array<i32>} : memref<64x8x128xf32, #tpu.memory_space<vmem>>, vector<16xf32>,
          %convert_element_type3A_756 = arith.fptosi %get3A_755 : vector<16xf32> to vector<16xi32>
          %mul3A_757 = arith.constant 16 : i32
          %mul3A_758 = arith.muli %scan3A_748, %mul3A_757 : i32
          %swap3A_759 = arith.index_cast %scan3A_714 : i32 to index
          %swap3A_760 = arith.index_cast %mul3A_758 : i32 to index
          %swap3A_761 = tpu.vector_load %arg7[%swap3A_759, %swap3A_760] {strides = array<i32>} : memref<8x128xi32, #tpu.memory_space<vmem>>, vector<16xi32>,
          tpu.vector_store %arg7[%swap3A_759, %swap3A_760], %convert_element_type3A_756 {strides = array<i32>} : memref<8x128xi32, #tpu.memory_space<vmem>>, vector<16xi32>,
          %scan3A_762 = arith.constant 3 : i32
          %scan3A_763 = arith.addi %scan3A_721, %scan3A_762 : i32
          %mul3A_764 = arith.constant 16 : i32
          %mul3A_765 = arith.muli %scan3A_763, %mul3A_764 : i32
          %get3A_766 = arith.constant 63 : i32
          %get3A_767 = arith.index_cast %get3A_766 : i32 to index
          %get3A_768 = arith.index_cast %scan3A_714 : i32 to index
          %get3A_769 = arith.index_cast %mul3A_765 : i32 to index
          %get3A_770 = tpu.vector_load %arg5[%get3A_767, %get3A_768, %get3A_769] {strides = array<i32>} : memref<64x8x128xf32, #tpu.memory_space<vmem>>, vector<16xf32>,
          %convert_element_type3A_771 = arith.fptosi %get3A_770 : vector<16xf32> to vector<16xi32>
          %mul3A_772 = arith.constant 16 : i32
          %mul3A_773 = arith.muli %scan3A_763, %mul3A_772 : i32
          %swap3A_774 = arith.index_cast %scan3A_714 : i32 to index
          %swap3A_775 = arith.index_cast %mul3A_773 : i32 to index
          %swap3A_776 = tpu.vector_load %arg7[%swap3A_774, %swap3A_775] {strides = array<i32>} : memref<8x128xi32, #tpu.memory_space<vmem>>, vector<16xi32>,
          tpu.vector_store %arg7[%swap3A_774, %swap3A_775], %convert_element_type3A_771 {strides = array<i32>} : memref<8x128xi32, #tpu.memory_space<vmem>>, vector<16xi32>,
        }
        %scan3A_720 = arith.constant 8 : i32
      }
      %scan3A_306 = arith.constant 8 : i32
      %dma_start3A_307 = arith.constant 0 : i32
      %dma_start3A_308 = arith.constant 0 : i32
      %dma_start3A_309 = arith.constant 0 : i32
      %dma_start3A_310 = tpu.memref_slice %arg5[%dma_start3A_307, %dma_start3A_308, %dma_start3A_309] : memref<64x8x128xf32, #tpu.memory_space<vmem>> -> memref<63x8x128xf32, #tpu.memory_space<vmem>>
      %dma_start3A_311 = arith.constant 0 : i32
      %dma_start3A_312 = tpu.memref_slice %arg4[%dma_start3A_311, %mul3A_30, %mul3A_46] : memref<95x200x4096xf32, #tpu.memory_space<hbm>> -> memref<63x8x128xf32, #tpu.memory_space<hbm>>
      %dma_start3A_313 = arith.constant 0 : i32
      %dma_start3A_314 = tpu.memref_slice %arg4[%dma_start3A_313, %mul3A_30, %mul3A_46] : memref<95x200x4096xf32, #tpu.memory_space<hbm>> -> memref<63x8x128xf32, #tpu.memory_space<hbm>>
      %dma_start3A_315 = arith.constant 0 : i32
      %dma_start3A_316 = arith.constant 0 : i32
      %dma_start3A_317 = arith.constant 0 : i32
      %dma_start3A_318 = tpu.memref_slice %arg5[%dma_start3A_315, %dma_start3A_316, %dma_start3A_317] : memref<64x8x128xf32, #tpu.memory_space<vmem>> -> memref<63x8x128xf32, #tpu.memory_space<vmem>>
      tpu.enqueue_dma source(%dma_start3A_318 : memref<63x8x128xf32, #tpu.memory_space<vmem>>) target(%dma_start3A_314 : memref<63x8x128xf32, #tpu.memory_space<hbm>>) target_semaphore(%arg11 : memref<!tpu.dma_semaphore, #tpu.memory_space<semaphore_mem>>)
      %dma_start3A_319 = arith.constant 0 : i32
      %dma_start3A_320 = arith.constant 0 : i32
      %dma_start3A_321 = tpu.memref_slice %arg7[%dma_start3A_319, %dma_start3A_320] : memref<8x128xi32, #tpu.memory_space<vmem>> -> memref<1x64xi32, #tpu.memory_space<vmem>>
      %dma_start3A_322 = tpu.memref_squeeze %dma_start3A_321 : memref<1x64xi32, #tpu.memory_space<vmem>> -> memref<64xi32, #tpu.memory_space<vmem>>
      %dma_start3A_323 = arith.constant 0 : i32
      %dma_start3A_324 = arith.constant 0 : i32
      %dma_start3A_325 = tpu.memref_slice %arg3[%dma_start3A_323, %dma_start3A_324] : memref<100000x128xf32, #tpu.memory_space<hbm>> -> memref<100000x128xf32, #tpu.memory_space<hbm>>
      tpu.enqueue_indirect_dma source(%dma_start3A_325 : memref<100000x128xf32, #tpu.memory_space<hbm>>) target(%arg8 : memref<64x128xf32, #tpu.memory_space<vmem>>) offsets(%dma_start3A_322 : memref<64xi32, #tpu.memory_space<vmem>>) semaphore(%arg12 : memref<!tpu.dma_semaphore, #tpu.memory_space<semaphore_mem>>)
      %dma_start3A_326 = arith.constant 0 : i32
      %dma_start3A_327 = arith.constant 64 : i32
      %dma_start3A_328 = tpu.memref_slice %arg7[%dma_start3A_326, %dma_start3A_327] : memref<8x128xi32, #tpu.memory_space<vmem>> -> memref<1x64xi32, #tpu.memory_space<vmem>>
      %dma_start3A_329 = tpu.memref_squeeze %dma_start3A_328 : memref<1x64xi32, #tpu.memory_space<vmem>> -> memref<64xi32, #tpu.memory_space<vmem>>
      %dma_start3A_330 = arith.constant 0 : i32
      %dma_start3A_331 = arith.constant 0 : i32
      %dma_start3A_332 = tpu.memref_slice %arg3[%dma_start3A_330, %dma_start3A_331] : memref<100000x128xf32, #tpu.memory_space<hbm>> -> memref<100000x128xf32, #tpu.memory_space<hbm>>
      tpu.enqueue_indirect_dma source(%dma_start3A_332 : memref<100000x128xf32, #tpu.memory_space<hbm>>) target(%arg9 : memref<64x128xf32, #tpu.memory_space<vmem>>) offsets(%dma_start3A_329 : memref<64xi32, #tpu.memory_space<vmem>>) semaphore(%arg13 : memref<!tpu.dma_semaphore, #tpu.memory_space<semaphore_mem>>)
      %dma_wait3A_333 = arith.constant 0 : i32
      %dma_wait3A_334 = arith.constant 0 : i32
      %dma_wait3A_335 = tpu.memref_slice %arg7[%dma_wait3A_333, %dma_wait3A_334] : memref<8x128xi32, #tpu.memory_space<vmem>> -> memref<1x64xi32, #tpu.memory_space<vmem>>
      %dma_wait3A_336 = tpu.memref_squeeze %dma_wait3A_335 : memref<1x64xi32, #tpu.memory_space<vmem>> -> memref<64xi32, #tpu.memory_space<vmem>>
      %dma_wait3A_337 = arith.constant 0 : i32
      %dma_wait3A_338 = arith.constant 0 : i32
      %dma_wait3A_339 = tpu.memref_slice %arg3[%dma_wait3A_337, %dma_wait3A_338] : memref<100000x128xf32, #tpu.memory_space<hbm>> -> memref<100000x128xf32, #tpu.memory_space<hbm>>
      tpu.wait_indirect_dma semaphore(%arg12 : memref<!tpu.dma_semaphore, #tpu.memory_space<semaphore_mem>>) src(%dma_wait3A_339 : memref<100000x128xf32, #tpu.memory_space<hbm>>) dst(%arg8 : memref<64x128xf32, #tpu.memory_space<vmem>>)
      %broadcast_in_dim3A = arith.constant 0 : i32
      %broadcast_in_dim3A_340 = vector.broadcast %broadcast_in_dim3A : i32 to vector<16xi32>
      %broadcast_in_dim3A_341 = arith.constant 0 : i32
      %broadcast_in_dim3A_342 = vector.broadcast %broadcast_in_dim3A_341 : i32 to vector<16xi32>
      %scan3A_343 = arith.constant 0 : i32
      %scan3A_344 = arith.constant 0 : i32
      %scan3A_345 = arith.constant 64 : i32
      %scan3A_346 = arith.addi %scan3A_344, %scan3A_345 : i32
      %scan3A_347 = arith.constant 4 : i32
      scf.for %scan3A_714 = %scan3A_344 to %scan3A_346 step %scan3A_347  : i32 {
        %get3A = arith.index_cast %scan3A_714 : i32 to index
        %get3A_715 = arith.constant 0 : index
        %get3A_716 = tpu.vector_load %arg8[%get3A, %get3A_715] {strides = array<i32>} : memref<64x128xf32, #tpu.memory_space<vmem>>, vector<16xf32>,
        %get3A_717 = arith.index_cast %scan3A_714 : i32 to index
        %get3A_718 = arith.constant 16 : index
        %get3A_719 = tpu.vector_load %arg8[%get3A_717, %get3A_718] {strides = array<i32>} : memref<64x128xf32, #tpu.memory_space<vmem>>, vector<16xf32>,
        %add3A_720 = vector.broadcast %scan3A_714 : i32 to vector<16xi32>
        %add3A_721 = arith.addi %broadcast_in_dim3A_342, %add3A_720 : vector<16xi32>
        tpu.vector_store_idx %arg6[%iota3A, %broadcast_in_dim3A_340, %add3A_721], %get3A_716 : memref<32x8x128xf32, #tpu.memory_space<vmem>>[vector<16xi32>, vector<16xi32>, vector<16xi32>], vector<16xf32>,
        tpu.vector_store_idx %arg6[%add3A_3, %broadcast_in_dim3A_340, %add3A_721], %get3A_719 : memref<32x8x128xf32, #tpu.memory_space<vmem>>[vector<16xi32>, vector<16xi32>, vector<16xi32>], vector<16xf32>,
        %scan3A_722 = arith.constant 1 : i32
        %scan3A_723 = arith.addi %scan3A_714, %scan3A_722 : i32
        %get3A_724 = arith.index_cast %scan3A_723 : i32 to index
        %get3A_725 = arith.constant 0 : index
        %get3A_726 = tpu.vector_load %arg8[%get3A_724, %get3A_725] {strides = array<i32>} : memref<64x128xf32, #tpu.memory_space<vmem>>, vector<16xf32>,
        %get3A_727 = arith.index_cast %scan3A_723 : i32 to index
        %get3A_728 = arith.constant 16 : index
        %get3A_729 = tpu.vector_load %arg8[%get3A_727, %get3A_728] {strides = array<i32>} : memref<64x128xf32, #tpu.memory_space<vmem>>, vector<16xf32>,
        %add3A_730 = vector.broadcast %scan3A_723 : i32 to vector<16xi32>
        %add3A_731 = arith.addi %broadcast_in_dim3A_342, %add3A_730 : vector<16xi32>
        tpu.vector_store_idx %arg6[%iota3A, %broadcast_in_dim3A_340, %add3A_731], %get3A_726 : memref<32x8x128xf32, #tpu.memory_space<vmem>>[vector<16xi32>, vector<16xi32>, vector<16xi32>], vector<16xf32>,
        tpu.vector_store_idx %arg6[%add3A_3, %broadcast_in_dim3A_340, %add3A_731], %get3A_729 : memref<32x8x128xf32, #tpu.memory_space<vmem>>[vector<16xi32>, vector<16xi32>, vector<16xi32>], vector<16xf32>,
        %scan3A_732 = arith.constant 2 : i32
        %scan3A_733 = arith.addi %scan3A_714, %scan3A_732 : i32
        %get3A_734 = arith.index_cast %scan3A_733 : i32 to index
        %get3A_735 = arith.constant 0 : index
        %get3A_736 = tpu.vector_load %arg8[%get3A_734, %get3A_735] {strides = array<i32>} : memref<64x128xf32, #tpu.memory_space<vmem>>, vector<16xf32>,
        %get3A_737 = arith.index_cast %scan3A_733 : i32 to index
        %get3A_738 = arith.constant 16 : index
        %get3A_739 = tpu.vector_load %arg8[%get3A_737, %get3A_738] {strides = array<i32>} : memref<64x128xf32, #tpu.memory_space<vmem>>, vector<16xf32>,
        %add3A_740 = vector.broadcast %scan3A_733 : i32 to vector<16xi32>
        %add3A_741 = arith.addi %broadcast_in_dim3A_342, %add3A_740 : vector<16xi32>
        tpu.vector_store_idx %arg6[%iota3A, %broadcast_in_dim3A_340, %add3A_741], %get3A_736 : memref<32x8x128xf32, #tpu.memory_space<vmem>>[vector<16xi32>, vector<16xi32>, vector<16xi32>], vector<16xf32>,
        tpu.vector_store_idx %arg6[%add3A_3, %broadcast_in_dim3A_340, %add3A_741], %get3A_739 : memref<32x8x128xf32, #tpu.memory_space<vmem>>[vector<16xi32>, vector<16xi32>, vector<16xi32>], vector<16xf32>,
        %scan3A_742 = arith.constant 3 : i32
        %scan3A_743 = arith.addi %scan3A_714, %scan3A_742 : i32
        %get3A_744 = arith.index_cast %scan3A_743 : i32 to index
        %get3A_745 = arith.constant 0 : index
        %get3A_746 = tpu.vector_load %arg8[%get3A_744, %get3A_745] {strides = array<i32>} : memref<64x128xf32, #tpu.memory_space<vmem>>, vector<16xf32>,
        %get3A_747 = arith.index_cast %scan3A_743 : i32 to index
        %get3A_748 = arith.constant 16 : index
        %get3A_749 = tpu.vector_load %arg8[%get3A_747, %get3A_748] {strides = array<i32>} : memref<64x128xf32, #tpu.memory_space<vmem>>, vector<16xf32>,
        %add3A_750 = vector.broadcast %scan3A_743 : i32 to vector<16xi32>
        %add3A_751 = arith.addi %broadcast_in_dim3A_342, %add3A_750 : vector<16xi32>
        tpu.vector_store_idx %arg6[%iota3A, %broadcast_in_dim3A_340, %add3A_751], %get3A_746 : memref<32x8x128xf32, #tpu.memory_space<vmem>>[vector<16xi32>, vector<16xi32>, vector<16xi32>], vector<16xf32>,
        tpu.vector_store_idx %arg6[%add3A_3, %broadcast_in_dim3A_340, %add3A_751], %get3A_749 : memref<32x8x128xf32, #tpu.memory_space<vmem>>[vector<16xi32>, vector<16xi32>, vector<16xi32>], vector<16xf32>,
      }
      %scan3A_348 = arith.constant 64 : i32
      %dma_start3A_349 = arith.constant 1 : i32
      %dma_start3A_350 = arith.constant 0 : i32
      %dma_start3A_351 = tpu.memref_slice %arg7[%dma_start3A_349, %dma_start3A_350] : memref<8x128xi32, #tpu.memory_space<vmem>> -> memref<1x64xi32, #tpu.memory_space<vmem>>
      %dma_start3A_352 = tpu.memref_squeeze %dma_start3A_351 : memref<1x64xi32, #tpu.memory_space<vmem>> -> memref<64xi32, #tpu.memory_space<vmem>>
      %dma_start3A_353 = arith.constant 0 : i32
      %dma_start3A_354 = arith.constant 0 : i32
      %dma_start3A_355 = tpu.memref_slice %arg3[%dma_start3A_353, %dma_start3A_354] : memref<100000x128xf32, #tpu.memory_space<hbm>> -> memref<100000x128xf32, #tpu.memory_space<hbm>>
      tpu.enqueue_indirect_dma source(%dma_start3A_355 : memref<100000x128xf32, #tpu.memory_space<hbm>>) target(%arg8 : memref<64x128xf32, #tpu.memory_space<vmem>>) offsets(%dma_start3A_352 : memref<64xi32, #tpu.memory_space<vmem>>) semaphore(%arg12 : memref<!tpu.dma_semaphore, #tpu.memory_space<semaphore_mem>>)
      %dma_wait3A_356 = arith.constant 0 : i32
      %dma_wait3A_357 = arith.constant 64 : i32
      %dma_wait3A_358 = tpu.memref_slice %arg7[%dma_wait3A_356, %dma_wait3A_357] : memref<8x128xi32, #tpu.memory_space<vmem>> -> memref<1x64xi32, #tpu.memory_space<vmem>>
      %dma_wait3A_359 = tpu.memref_squeeze %dma_wait3A_358 : memref<1x64xi32, #tpu.memory_space<vmem>> -> memref<64xi32, #tpu.memory_space<vmem>>
      %dma_wait3A_360 = arith.constant 0 : i32
      %dma_wait3A_361 = arith.constant 0 : i32
      %dma_wait3A_362 = tpu.memref_slice %arg3[%dma_wait3A_360, %dma_wait3A_361] : memref<100000x128xf32, #tpu.memory_space<hbm>> -> memref<100000x128xf32, #tpu.memory_space<hbm>>
      tpu.wait_indirect_dma semaphore(%arg13 : memref<!tpu.dma_semaphore, #tpu.memory_space<semaphore_mem>>) src(%dma_wait3A_362 : memref<100000x128xf32, #tpu.memory_space<hbm>>) dst(%arg9 : memref<64x128xf32, #tpu.memory_space<vmem>>)
      %broadcast_in_dim3A_363 = arith.constant 0 : i32
      %broadcast_in_dim3A_364 = vector.broadcast %broadcast_in_dim3A_363 : i32 to vector<16xi32>
      %broadcast_in_dim3A_365 = arith.constant 64 : i32
      %broadcast_in_dim3A_366 = vector.broadcast %broadcast_in_dim3A_365 : i32 to vector<16xi32>
      %scan3A_367 = arith.constant 0 : i32
      %scan3A_368 = arith.constant 0 : i32
      %scan3A_369 = arith.constant 64 : i32
      %scan3A_370 = arith.addi %scan3A_368, %scan3A_369 : i32
      %scan3A_371 = arith.constant 4 : i32
      scf.for %scan3A_714 = %scan3A_368 to %scan3A_370 step %scan3A_371  : i32 {
        %get3A = arith.index_cast %scan3A_714 : i32 to index
        %get3A_715 = arith.constant 0 : index
        %get3A_716 = tpu.vector_load %arg9[%get3A, %get3A_715] {strides = array<i32>} : memref<64x128xf32, #tpu.memory_space<vmem>>, vector<16xf32>,
        %get3A_717 = arith.index_cast %scan3A_714 : i32 to index
        %get3A_718 = arith.constant 16 : index
        %get3A_719 = tpu.vector_load %arg9[%get3A_717, %get3A_718] {strides = array<i32>} : memref<64x128xf32, #tpu.memory_space<vmem>>, vector<16xf32>,
        %add3A_720 = vector.broadcast %scan3A_714 : i32 to vector<16xi32>
        %add3A_721 = arith.addi %broadcast_in_dim3A_366, %add3A_720 : vector<16xi32>
        tpu.vector_store_idx %arg6[%iota3A, %broadcast_in_dim3A_364, %add3A_721], %get3A_716 : memref<32x8x128xf32, #tpu.memory_space<vmem>>[vector<16xi32>, vector<16xi32>, vector<16xi32>], vector<16xf32>,
        tpu.vector_store_idx %arg6[%add3A_3, %broadcast_in_dim3A_364, %add3A_721], %get3A_719 : memref<32x8x128xf32, #tpu.memory_space<vmem>>[vector<16xi32>, vector<16xi32>, vector<16xi32>], vector<16xf32>,
        %scan3A_722 = arith.constant 1 : i32
        %scan3A_723 = arith.addi %scan3A_714, %scan3A_722 : i32
        %get3A_724 = arith.index_cast %scan3A_723 : i32 to index
        %get3A_725 = arith.constant 0 : index
        %get3A_726 = tpu.vector_load %arg9[%get3A_724, %get3A_725] {strides = array<i32>} : memref<64x128xf32, #tpu.memory_space<vmem>>, vector<16xf32>,
        %get3A_727 = arith.index_cast %scan3A_723 : i32 to index
        %get3A_728 = arith.constant 16 : index
        %get3A_729 = tpu.vector_load %arg9[%get3A_727, %get3A_728] {strides = array<i32>} : memref<64x128xf32, #tpu.memory_space<vmem>>, vector<16xf32>,
        %add3A_730 = vector.broadcast %scan3A_723 : i32 to vector<16xi32>
        %add3A_731 = arith.addi %broadcast_in_dim3A_366, %add3A_730 : vector<16xi32>
        tpu.vector_store_idx %arg6[%iota3A, %broadcast_in_dim3A_364, %add3A_731], %get3A_726 : memref<32x8x128xf32, #tpu.memory_space<vmem>>[vector<16xi32>, vector<16xi32>, vector<16xi32>], vector<16xf32>,
        tpu.vector_store_idx %arg6[%add3A_3, %broadcast_in_dim3A_364, %add3A_731], %get3A_729 : memref<32x8x128xf32, #tpu.memory_space<vmem>>[vector<16xi32>, vector<16xi32>, vector<16xi32>], vector<16xf32>,
        %scan3A_732 = arith.constant 2 : i32
        %scan3A_733 = arith.addi %scan3A_714, %scan3A_732 : i32
        %get3A_734 = arith.index_cast %scan3A_733 : i32 to index
        %get3A_735 = arith.constant 0 : index
        %get3A_736 = tpu.vector_load %arg9[%get3A_734, %get3A_735] {strides = array<i32>} : memref<64x128xf32, #tpu.memory_space<vmem>>, vector<16xf32>,
        %get3A_737 = arith.index_cast %scan3A_733 : i32 to index
        %get3A_738 = arith.constant 16 : index
        %get3A_739 = tpu.vector_load %arg9[%get3A_737, %get3A_738] {strides = array<i32>} : memref<64x128xf32, #tpu.memory_space<vmem>>, vector<16xf32>,
        %add3A_740 = vector.broadcast %scan3A_733 : i32 to vector<16xi32>
        %add3A_741 = arith.addi %broadcast_in_dim3A_366, %add3A_740 : vector<16xi32>
        tpu.vector_store_idx %arg6[%iota3A, %broadcast_in_dim3A_364, %add3A_741], %get3A_736 : memref<32x8x128xf32, #tpu.memory_space<vmem>>[vector<16xi32>, vector<16xi32>, vector<16xi32>], vector<16xf32>,
        tpu.vector_store_idx %arg6[%add3A_3, %broadcast_in_dim3A_364, %add3A_741], %get3A_739 : memref<32x8x128xf32, #tpu.memory_space<vmem>>[vector<16xi32>, vector<16xi32>, vector<16xi32>], vector<16xf32>,
        %scan3A_742 = arith.constant 3 : i32
        %scan3A_743 = arith.addi %scan3A_714, %scan3A_742 : i32
        %get3A_744 = arith.index_cast %scan3A_743 : i32 to index
        %get3A_745 = arith.constant 0 : index
        %get3A_746 = tpu.vector_load %arg9[%get3A_744, %get3A_745] {strides = array<i32>} : memref<64x128xf32, #tpu.memory_space<vmem>>, vector<16xf32>,
        %get3A_747 = arith.index_cast %scan3A_743 : i32 to index
        %get3A_748 = arith.constant 16 : index
        %get3A_749 = tpu.vector_load %arg9[%get3A_747, %get3A_748] {strides = array<i32>} : memref<64x128xf32, #tpu.memory_space<vmem>>, vector<16xf32>,
        %add3A_750 = vector.broadcast %scan3A_743 : i32 to vector<16xi32>
        %add3A_751 = arith.addi %broadcast_in_dim3A_366, %add3A_750 : vector<16xi32>
        tpu.vector_store_idx %arg6[%iota3A, %broadcast_in_dim3A_364, %add3A_751], %get3A_746 : memref<32x8x128xf32, #tpu.memory_space<vmem>>[vector<16xi32>, vector<16xi32>, vector<16xi32>], vector<16xf32>,
        tpu.vector_store_idx %arg6[%add3A_3, %broadcast_in_dim3A_364, %add3A_751], %get3A_749 : memref<32x8x128xf32, #tpu.memory_space<vmem>>[vector<16xi32>, vector<16xi32>, vector<16xi32>], vector<16xf32>,
      }
      %scan3A_372 = arith.constant 64 : i32
      %dma_start3A_373 = arith.constant 1 : i32
      %dma_start3A_374 = arith.constant 64 : i32
      %dma_start3A_375 = tpu.memref_slice %arg7[%dma_start3A_373, %dma_start3A_374] : memref<8x128xi32, #tpu.memory_space<vmem>> -> memref<1x64xi32, #tpu.memory_space<vmem>>
      %dma_start3A_376 = tpu.memref_squeeze %dma_start3A_375 : memref<1x64xi32, #tpu.memory_space<vmem>> -> memref<64xi32, #tpu.memory_space<vmem>>
      %dma_start3A_377 = arith.constant 0 : i32
      %dma_start3A_378 = arith.constant 0 : i32
      %dma_start3A_379 = tpu.memref_slice %arg3[%dma_start3A_377, %dma_start3A_378] : memref<100000x128xf32, #tpu.memory_space<hbm>> -> memref<100000x128xf32, #tpu.memory_space<hbm>>
      tpu.enqueue_indirect_dma source(%dma_start3A_379 : memref<100000x128xf32, #tpu.memory_space<hbm>>) target(%arg9 : memref<64x128xf32, #tpu.memory_space<vmem>>) offsets(%dma_start3A_376 : memref<64xi32, #tpu.memory_space<vmem>>) semaphore(%arg13 : memref<!tpu.dma_semaphore, #tpu.memory_space<semaphore_mem>>)
      %dma_wait3A_380 = arith.constant 1 : i32
      %dma_wait3A_381 = arith.constant 0 : i32
      %dma_wait3A_382 = tpu.memref_slice %arg7[%dma_wait3A_380, %dma_wait3A_381] : memref<8x128xi32, #tpu.memory_space<vmem>> -> memref<1x64xi32, #tpu.memory_space<vmem>>
      %dma_wait3A_383 = tpu.memref_squeeze %dma_wait3A_382 : memref<1x64xi32, #tpu.memory_space<vmem>> -> memref<64xi32, #tpu.memory_space<vmem>>
      %dma_wait3A_384 = arith.constant 0 : i32
      %dma_wait3A_385 = arith.constant 0 : i32
      %dma_wait3A_386 = tpu.memref_slice %arg3[%dma_wait3A_384, %dma_wait3A_385] : memref<100000x128xf32, #tpu.memory_space<hbm>> -> memref<100000x128xf32, #tpu.memory_space<hbm>>
      tpu.wait_indirect_dma semaphore(%arg12 : memref<!tpu.dma_semaphore, #tpu.memory_space<semaphore_mem>>) src(%dma_wait3A_386 : memref<100000x128xf32, #tpu.memory_space<hbm>>) dst(%arg8 : memref<64x128xf32, #tpu.memory_space<vmem>>)
      %broadcast_in_dim3A_387 = arith.constant 1 : i32
      %broadcast_in_dim3A_388 = vector.broadcast %broadcast_in_dim3A_387 : i32 to vector<16xi32>
      %broadcast_in_dim3A_389 = arith.constant 0 : i32
      %broadcast_in_dim3A_390 = vector.broadcast %broadcast_in_dim3A_389 : i32 to vector<16xi32>
      %scan3A_391 = arith.constant 0 : i32
      %scan3A_392 = arith.constant 0 : i32
      %scan3A_393 = arith.constant 64 : i32
      %scan3A_394 = arith.addi %scan3A_392, %scan3A_393 : i32
      %scan3A_395 = arith.constant 4 : i32
      scf.for %scan3A_714 = %scan3A_392 to %scan3A_394 step %scan3A_395  : i32 {
        %get3A = arith.index_cast %scan3A_714 : i32 to index
        %get3A_715 = arith.constant 0 : index
        %get3A_716 = tpu.vector_load %arg8[%get3A, %get3A_715] {strides = array<i32>} : memref<64x128xf32, #tpu.memory_space<vmem>>, vector<16xf32>,
        %get3A_717 = arith.index_cast %scan3A_714 : i32 to index
        %get3A_718 = arith.constant 16 : index
        %get3A_719 = tpu.vector_load %arg8[%get3A_717, %get3A_718] {strides = array<i32>} : memref<64x128xf32, #tpu.memory_space<vmem>>, vector<16xf32>,
        %add3A_720 = vector.broadcast %scan3A_714 : i32 to vector<16xi32>
        %add3A_721 = arith.addi %broadcast_in_dim3A_390, %add3A_720 : vector<16xi32>
        tpu.vector_store_idx %arg6[%iota3A, %broadcast_in_dim3A_388, %add3A_721], %get3A_716 : memref<32x8x128xf32, #tpu.memory_space<vmem>>[vector<16xi32>, vector<16xi32>, vector<16xi32>], vector<16xf32>,
        tpu.vector_store_idx %arg6[%add3A_3, %broadcast_in_dim3A_388, %add3A_721], %get3A_719 : memref<32x8x128xf32, #tpu.memory_space<vmem>>[vector<16xi32>, vector<16xi32>, vector<16xi32>], vector<16xf32>,
        %scan3A_722 = arith.constant 1 : i32
        %scan3A_723 = arith.addi %scan3A_714, %scan3A_722 : i32
        %get3A_724 = arith.index_cast %scan3A_723 : i32 to index
        %get3A_725 = arith.constant 0 : index
        %get3A_726 = tpu.vector_load %arg8[%get3A_724, %get3A_725] {strides = array<i32>} : memref<64x128xf32, #tpu.memory_space<vmem>>, vector<16xf32>,
        %get3A_727 = arith.index_cast %scan3A_723 : i32 to index
        %get3A_728 = arith.constant 16 : index
        %get3A_729 = tpu.vector_load %arg8[%get3A_727, %get3A_728] {strides = array<i32>} : memref<64x128xf32, #tpu.memory_space<vmem>>, vector<16xf32>,
        %add3A_730 = vector.broadcast %scan3A_723 : i32 to vector<16xi32>
        %add3A_731 = arith.addi %broadcast_in_dim3A_390, %add3A_730 : vector<16xi32>
        tpu.vector_store_idx %arg6[%iota3A, %broadcast_in_dim3A_388, %add3A_731], %get3A_726 : memref<32x8x128xf32, #tpu.memory_space<vmem>>[vector<16xi32>, vector<16xi32>, vector<16xi32>], vector<16xf32>,
        tpu.vector_store_idx %arg6[%add3A_3, %broadcast_in_dim3A_388, %add3A_731], %get3A_729 : memref<32x8x128xf32, #tpu.memory_space<vmem>>[vector<16xi32>, vector<16xi32>, vector<16xi32>], vector<16xf32>,
        %scan3A_732 = arith.constant 2 : i32
        %scan3A_733 = arith.addi %scan3A_714, %scan3A_732 : i32
        %get3A_734 = arith.index_cast %scan3A_733 : i32 to index
        %get3A_735 = arith.constant 0 : index
        %get3A_736 = tpu.vector_load %arg8[%get3A_734, %get3A_735] {strides = array<i32>} : memref<64x128xf32, #tpu.memory_space<vmem>>, vector<16xf32>,
        %get3A_737 = arith.index_cast %scan3A_733 : i32 to index
        %get3A_738 = arith.constant 16 : index
        %get3A_739 = tpu.vector_load %arg8[%get3A_737, %get3A_738] {strides = array<i32>} : memref<64x128xf32, #tpu.memory_space<vmem>>, vector<16xf32>,
        %add3A_740 = vector.broadcast %scan3A_733 : i32 to vector<16xi32>
        %add3A_741 = arith.addi %broadcast_in_dim3A_390, %add3A_740 : vector<16xi32>
        tpu.vector_store_idx %arg6[%iota3A, %broadcast_in_dim3A_388, %add3A_741], %get3A_736 : memref<32x8x128xf32, #tpu.memory_space<vmem>>[vector<16xi32>, vector<16xi32>, vector<16xi32>], vector<16xf32>,
        tpu.vector_store_idx %arg6[%add3A_3, %broadcast_in_dim3A_388, %add3A_741], %get3A_739 : memref<32x8x128xf32, #tpu.memory_space<vmem>>[vector<16xi32>, vector<16xi32>, vector<16xi32>], vector<16xf32>,
        %scan3A_742 = arith.constant 3 : i32
        %scan3A_743 = arith.addi %scan3A_714, %scan3A_742 : i32
        %get3A_744 = arith.index_cast %scan3A_743 : i32 to index
        %get3A_745 = arith.constant 0 : index
        %get3A_746 = tpu.vector_load %arg8[%get3A_744, %get3A_745] {strides = array<i32>} : memref<64x128xf32, #tpu.memory_space<vmem>>, vector<16xf32>,
        %get3A_747 = arith.index_cast %scan3A_743 : i32 to index
        %get3A_748 = arith.constant 16 : index
        %get3A_749 = tpu.vector_load %arg8[%get3A_747, %get3A_748] {strides = array<i32>} : memref<64x128xf32, #tpu.memory_space<vmem>>, vector<16xf32>,
        %add3A_750 = vector.broadcast %scan3A_743 : i32 to vector<16xi32>
        %add3A_751 = arith.addi %broadcast_in_dim3A_390, %add3A_750 : vector<16xi32>
        tpu.vector_store_idx %arg6[%iota3A, %broadcast_in_dim3A_388, %add3A_751], %get3A_746 : memref<32x8x128xf32, #tpu.memory_space<vmem>>[vector<16xi32>, vector<16xi32>, vector<16xi32>], vector<16xf32>,
        tpu.vector_store_idx %arg6[%add3A_3, %broadcast_in_dim3A_388, %add3A_751], %get3A_749 : memref<32x8x128xf32, #tpu.memory_space<vmem>>[vector<16xi32>, vector<16xi32>, vector<16xi32>], vector<16xf32>,
      }
      %scan3A_396 = arith.constant 64 : i32
      %dma_start3A_397 = arith.constant 2 : i32
      %dma_start3A_398 = arith.constant 0 : i32
      %dma_start3A_399 = tpu.memref_slice %arg7[%dma_start3A_397, %dma_start3A_398] : memref<8x128xi32, #tpu.memory_space<vmem>> -> memref<1x64xi32, #tpu.memory_space<vmem>>
      %dma_start3A_400 = tpu.memref_squeeze %dma_start3A_399 : memref<1x64xi32, #tpu.memory_space<vmem>> -> memref<64xi32, #tpu.memory_space<vmem>>
      %dma_start3A_401 = arith.constant 0 : i32
      %dma_start3A_402 = arith.constant 0 : i32
      %dma_start3A_403 = tpu.memref_slice %arg3[%dma_start3A_401, %dma_start3A_402] : memref<100000x128xf32, #tpu.memory_space<hbm>> -> memref<100000x128xf32, #tpu.memory_space<hbm>>
      tpu.enqueue_indirect_dma source(%dma_start3A_403 : memref<100000x128xf32, #tpu.memory_space<hbm>>) target(%arg8 : memref<64x128xf32, #tpu.memory_space<vmem>>) offsets(%dma_start3A_400 : memref<64xi32, #tpu.memory_space<vmem>>) semaphore(%arg12 : memref<!tpu.dma_semaphore, #tpu.memory_space<semaphore_mem>>)
      %dma_wait3A_404 = arith.constant 1 : i32
      %dma_wait3A_405 = arith.constant 64 : i32
      %dma_wait3A_406 = tpu.memref_slice %arg7[%dma_wait3A_404, %dma_wait3A_405] : memref<8x128xi32, #tpu.memory_space<vmem>> -> memref<1x64xi32, #tpu.memory_space<vmem>>
      %dma_wait3A_407 = tpu.memref_squeeze %dma_wait3A_406 : memref<1x64xi32, #tpu.memory_space<vmem>> -> memref<64xi32, #tpu.memory_space<vmem>>
      %dma_wait3A_408 = arith.constant 0 : i32
      %dma_wait3A_409 = arith.constant 0 : i32
      %dma_wait3A_410 = tpu.memref_slice %arg3[%dma_wait3A_408, %dma_wait3A_409] : memref<100000x128xf32, #tpu.memory_space<hbm>> -> memref<100000x128xf32, #tpu.memory_space<hbm>>
      tpu.wait_indirect_dma semaphore(%arg13 : memref<!tpu.dma_semaphore, #tpu.memory_space<semaphore_mem>>) src(%dma_wait3A_410 : memref<100000x128xf32, #tpu.memory_space<hbm>>) dst(%arg9 : memref<64x128xf32, #tpu.memory_space<vmem>>)
      %broadcast_in_dim3A_411 = arith.constant 1 : i32
      %broadcast_in_dim3A_412 = vector.broadcast %broadcast_in_dim3A_411 : i32 to vector<16xi32>
      %broadcast_in_dim3A_413 = arith.constant 64 : i32
      %broadcast_in_dim3A_414 = vector.broadcast %broadcast_in_dim3A_413 : i32 to vector<16xi32>
      %scan3A_415 = arith.constant 0 : i32
      %scan3A_416 = arith.constant 0 : i32
      %scan3A_417 = arith.constant 64 : i32
      %scan3A_418 = arith.addi %scan3A_416, %scan3A_417 : i32
      %scan3A_419 = arith.constant 4 : i32
      scf.for %scan3A_714 = %scan3A_416 to %scan3A_418 step %scan3A_419  : i32 {
        %get3A = arith.index_cast %scan3A_714 : i32 to index
        %get3A_715 = arith.constant 0 : index
        %get3A_716 = tpu.vector_load %arg9[%get3A, %get3A_715] {strides = array<i32>} : memref<64x128xf32, #tpu.memory_space<vmem>>, vector<16xf32>,
        %get3A_717 = arith.index_cast %scan3A_714 : i32 to index
        %get3A_718 = arith.constant 16 : index
        %get3A_719 = tpu.vector_load %arg9[%get3A_717, %get3A_718] {strides = array<i32>} : memref<64x128xf32, #tpu.memory_space<vmem>>, vector<16xf32>,
        %add3A_720 = vector.broadcast %scan3A_714 : i32 to vector<16xi32>
        %add3A_721 = arith.addi %broadcast_in_dim3A_414, %add3A_720 : vector<16xi32>
        tpu.vector_store_idx %arg6[%iota3A, %broadcast_in_dim3A_412, %add3A_721], %get3A_716 : memref<32x8x128xf32, #tpu.memory_space<vmem>>[vector<16xi32>, vector<16xi32>, vector<16xi32>], vector<16xf32>,
        tpu.vector_store_idx %arg6[%add3A_3, %broadcast_in_dim3A_412, %add3A_721], %get3A_719 : memref<32x8x128xf32, #tpu.memory_space<vmem>>[vector<16xi32>, vector<16xi32>, vector<16xi32>], vector<16xf32>,
        %scan3A_722 = arith.constant 1 : i32
        %scan3A_723 = arith.addi %scan3A_714, %scan3A_722 : i32
        %get3A_724 = arith.index_cast %scan3A_723 : i32 to index
        %get3A_725 = arith.constant 0 : index
        %get3A_726 = tpu.vector_load %arg9[%get3A_724, %get3A_725] {strides = array<i32>} : memref<64x128xf32, #tpu.memory_space<vmem>>, vector<16xf32>,
        %get3A_727 = arith.index_cast %scan3A_723 : i32 to index
        %get3A_728 = arith.constant 16 : index
        %get3A_729 = tpu.vector_load %arg9[%get3A_727, %get3A_728] {strides = array<i32>} : memref<64x128xf32, #tpu.memory_space<vmem>>, vector<16xf32>,
        %add3A_730 = vector.broadcast %scan3A_723 : i32 to vector<16xi32>
        %add3A_731 = arith.addi %broadcast_in_dim3A_414, %add3A_730 : vector<16xi32>
        tpu.vector_store_idx %arg6[%iota3A, %broadcast_in_dim3A_412, %add3A_731], %get3A_726 : memref<32x8x128xf32, #tpu.memory_space<vmem>>[vector<16xi32>, vector<16xi32>, vector<16xi32>], vector<16xf32>,
        tpu.vector_store_idx %arg6[%add3A_3, %broadcast_in_dim3A_412, %add3A_731], %get3A_729 : memref<32x8x128xf32, #tpu.memory_space<vmem>>[vector<16xi32>, vector<16xi32>, vector<16xi32>], vector<16xf32>,
        %scan3A_732 = arith.constant 2 : i32
        %scan3A_733 = arith.addi %scan3A_714, %scan3A_732 : i32
        %get3A_734 = arith.index_cast %scan3A_733 : i32 to index
        %get3A_735 = arith.constant 0 : index
        %get3A_736 = tpu.vector_load %arg9[%get3A_734, %get3A_735] {strides = array<i32>} : memref<64x128xf32, #tpu.memory_space<vmem>>, vector<16xf32>,
        %get3A_737 = arith.index_cast %scan3A_733 : i32 to index
        %get3A_738 = arith.constant 16 : index
        %get3A_739 = tpu.vector_load %arg9[%get3A_737, %get3A_738] {strides = array<i32>} : memref<64x128xf32, #tpu.memory_space<vmem>>, vector<16xf32>,
        %add3A_740 = vector.broadcast %scan3A_733 : i32 to vector<16xi32>
        %add3A_741 = arith.addi %broadcast_in_dim3A_414, %add3A_740 : vector<16xi32>
        tpu.vector_store_idx %arg6[%iota3A, %broadcast_in_dim3A_412, %add3A_741], %get3A_736 : memref<32x8x128xf32, #tpu.memory_space<vmem>>[vector<16xi32>, vector<16xi32>, vector<16xi32>], vector<16xf32>,
        tpu.vector_store_idx %arg6[%add3A_3, %broadcast_in_dim3A_412, %add3A_741], %get3A_739 : memref<32x8x128xf32, #tpu.memory_space<vmem>>[vector<16xi32>, vector<16xi32>, vector<16xi32>], vector<16xf32>,
        %scan3A_742 = arith.constant 3 : i32
        %scan3A_743 = arith.addi %scan3A_714, %scan3A_742 : i32
        %get3A_744 = arith.index_cast %scan3A_743 : i32 to index
        %get3A_745 = arith.constant 0 : index
        %get3A_746 = tpu.vector_load %arg9[%get3A_744, %get3A_745] {strides = array<i32>} : memref<64x128xf32, #tpu.memory_space<vmem>>, vector<16xf32>,
        %get3A_747 = arith.index_cast %scan3A_743 : i32 to index
        %get3A_748 = arith.constant 16 : index
        %get3A_749 = tpu.vector_load %arg9[%get3A_747, %get3A_748] {strides = array<i32>} : memref<64x128xf32, #tpu.memory_space<vmem>>, vector<16xf32>,
        %add3A_750 = vector.broadcast %scan3A_743 : i32 to vector<16xi32>
        %add3A_751 = arith.addi %broadcast_in_dim3A_414, %add3A_750 : vector<16xi32>
        tpu.vector_store_idx %arg6[%iota3A, %broadcast_in_dim3A_412, %add3A_751], %get3A_746 : memref<32x8x128xf32, #tpu.memory_space<vmem>>[vector<16xi32>, vector<16xi32>, vector<16xi32>], vector<16xf32>,
        tpu.vector_store_idx %arg6[%add3A_3, %broadcast_in_dim3A_412, %add3A_751], %get3A_749 : memref<32x8x128xf32, #tpu.memory_space<vmem>>[vector<16xi32>, vector<16xi32>, vector<16xi32>], vector<16xf32>,
      }
      %scan3A_420 = arith.constant 64 : i32
      %dma_start3A_421 = arith.constant 2 : i32
      %dma_start3A_422 = arith.constant 64 : i32
      %dma_start3A_423 = tpu.memref_slice %arg7[%dma_start3A_421, %dma_start3A_422] : memref<8x128xi32, #tpu.memory_space<vmem>> -> memref<1x64xi32, #tpu.memory_space<vmem>>
      %dma_start3A_424 = tpu.memref_squeeze %dma_start3A_423 : memref<1x64xi32, #tpu.memory_space<vmem>> -> memref<64xi32, #tpu.memory_space<vmem>>
      %dma_start3A_425 = arith.constant 0 : i32
      %dma_start3A_426 = arith.constant 0 : i32
      %dma_start3A_427 = tpu.memref_slice %arg3[%dma_start3A_425, %dma_start3A_426] : memref<100000x128xf32, #tpu.memory_space<hbm>> -> memref<100000x128xf32, #tpu.memory_space<hbm>>
      tpu.enqueue_indirect_dma source(%dma_start3A_427 : memref<100000x128xf32, #tpu.memory_space<hbm>>) target(%arg9 : memref<64x128xf32, #tpu.memory_space<vmem>>) offsets(%dma_start3A_424 : memref<64xi32, #tpu.memory_space<vmem>>) semaphore(%arg13 : memref<!tpu.dma_semaphore, #tpu.memory_space<semaphore_mem>>)
      %dma_wait3A_428 = arith.constant 2 : i32
      %dma_wait3A_429 = arith.constant 0 : i32
      %dma_wait3A_430 = tpu.memref_slice %arg7[%dma_wait3A_428, %dma_wait3A_429] : memref<8x128xi32, #tpu.memory_space<vmem>> -> memref<1x64xi32, #tpu.memory_space<vmem>>
      %dma_wait3A_431 = tpu.memref_squeeze %dma_wait3A_430 : memref<1x64xi32, #tpu.memory_space<vmem>> -> memref<64xi32, #tpu.memory_space<vmem>>
      %dma_wait3A_432 = arith.constant 0 : i32
      %dma_wait3A_433 = arith.constant 0 : i32
      %dma_wait3A_434 = tpu.memref_slice %arg3[%dma_wait3A_432, %dma_wait3A_433] : memref<100000x128xf32, #tpu.memory_space<hbm>> -> memref<100000x128xf32, #tpu.memory_space<hbm>>
      tpu.wait_indirect_dma semaphore(%arg12 : memref<!tpu.dma_semaphore, #tpu.memory_space<semaphore_mem>>) src(%dma_wait3A_434 : memref<100000x128xf32, #tpu.memory_space<hbm>>) dst(%arg8 : memref<64x128xf32, #tpu.memory_space<vmem>>)
      %broadcast_in_dim3A_435 = arith.constant 2 : i32
      %broadcast_in_dim3A_436 = vector.broadcast %broadcast_in_dim3A_435 : i32 to vector<16xi32>
      %broadcast_in_dim3A_437 = arith.constant 0 : i32
      %broadcast_in_dim3A_438 = vector.broadcast %broadcast_in_dim3A_437 : i32 to vector<16xi32>
      %scan3A_439 = arith.constant 0 : i32
      %scan3A_440 = arith.constant 0 : i32
      %scan3A_441 = arith.constant 64 : i32
      %scan3A_442 = arith.addi %scan3A_440, %scan3A_441 : i32
      %scan3A_443 = arith.constant 4 : i32
      scf.for %scan3A_714 = %scan3A_440 to %scan3A_442 step %scan3A_443  : i32 {
        %get3A = arith.index_cast %scan3A_714 : i32 to index
        %get3A_715 = arith.constant 0 : index
        %get3A_716 = tpu.vector_load %arg8[%get3A, %get3A_715] {strides = array<i32>} : memref<64x128xf32, #tpu.memory_space<vmem>>, vector<16xf32>,
        %get3A_717 = arith.index_cast %scan3A_714 : i32 to index
        %get3A_718 = arith.constant 16 : index
        %get3A_719 = tpu.vector_load %arg8[%get3A_717, %get3A_718] {strides = array<i32>} : memref<64x128xf32, #tpu.memory_space<vmem>>, vector<16xf32>,
        %add3A_720 = vector.broadcast %scan3A_714 : i32 to vector<16xi32>
        %add3A_721 = arith.addi %broadcast_in_dim3A_438, %add3A_720 : vector<16xi32>
        tpu.vector_store_idx %arg6[%iota3A, %broadcast_in_dim3A_436, %add3A_721], %get3A_716 : memref<32x8x128xf32, #tpu.memory_space<vmem>>[vector<16xi32>, vector<16xi32>, vector<16xi32>], vector<16xf32>,
        tpu.vector_store_idx %arg6[%add3A_3, %broadcast_in_dim3A_436, %add3A_721], %get3A_719 : memref<32x8x128xf32, #tpu.memory_space<vmem>>[vector<16xi32>, vector<16xi32>, vector<16xi32>], vector<16xf32>,
        %scan3A_722 = arith.constant 1 : i32
        %scan3A_723 = arith.addi %scan3A_714, %scan3A_722 : i32
        %get3A_724 = arith.index_cast %scan3A_723 : i32 to index
        %get3A_725 = arith.constant 0 : index
        %get3A_726 = tpu.vector_load %arg8[%get3A_724, %get3A_725] {strides = array<i32>} : memref<64x128xf32, #tpu.memory_space<vmem>>, vector<16xf32>,
        %get3A_727 = arith.index_cast %scan3A_723 : i32 to index
        %get3A_728 = arith.constant 16 : index
        %get3A_729 = tpu.vector_load %arg8[%get3A_727, %get3A_728] {strides = array<i32>} : memref<64x128xf32, #tpu.memory_space<vmem>>, vector<16xf32>,
        %add3A_730 = vector.broadcast %scan3A_723 : i32 to vector<16xi32>
        %add3A_731 = arith.addi %broadcast_in_dim3A_438, %add3A_730 : vector<16xi32>
        tpu.vector_store_idx %arg6[%iota3A, %broadcast_in_dim3A_436, %add3A_731], %get3A_726 : memref<32x8x128xf32, #tpu.memory_space<vmem>>[vector<16xi32>, vector<16xi32>, vector<16xi32>], vector<16xf32>,
        tpu.vector_store_idx %arg6[%add3A_3, %broadcast_in_dim3A_436, %add3A_731], %get3A_729 : memref<32x8x128xf32, #tpu.memory_space<vmem>>[vector<16xi32>, vector<16xi32>, vector<16xi32>], vector<16xf32>,
        %scan3A_732 = arith.constant 2 : i32
        %scan3A_733 = arith.addi %scan3A_714, %scan3A_732 : i32
        %get3A_734 = arith.index_cast %scan3A_733 : i32 to index
        %get3A_735 = arith.constant 0 : index
        %get3A_736 = tpu.vector_load %arg8[%get3A_734, %get3A_735] {strides = array<i32>} : memref<64x128xf32, #tpu.memory_space<vmem>>, vector<16xf32>,
        %get3A_737 = arith.index_cast %scan3A_733 : i32 to index
        %get3A_738 = arith.constant 16 : index
        %get3A_739 = tpu.vector_load %arg8[%get3A_737, %get3A_738] {strides = array<i32>} : memref<64x128xf32, #tpu.memory_space<vmem>>, vector<16xf32>,
        %add3A_740 = vector.broadcast %scan3A_733 : i32 to vector<16xi32>
        %add3A_741 = arith.addi %broadcast_in_dim3A_438, %add3A_740 : vector<16xi32>
        tpu.vector_store_idx %arg6[%iota3A, %broadcast_in_dim3A_436, %add3A_741], %get3A_736 : memref<32x8x128xf32, #tpu.memory_space<vmem>>[vector<16xi32>, vector<16xi32>, vector<16xi32>], vector<16xf32>,
        tpu.vector_store_idx %arg6[%add3A_3, %broadcast_in_dim3A_436, %add3A_741], %get3A_739 : memref<32x8x128xf32, #tpu.memory_space<vmem>>[vector<16xi32>, vector<16xi32>, vector<16xi32>], vector<16xf32>,
        %scan3A_742 = arith.constant 3 : i32
        %scan3A_743 = arith.addi %scan3A_714, %scan3A_742 : i32
        %get3A_744 = arith.index_cast %scan3A_743 : i32 to index
        %get3A_745 = arith.constant 0 : index
        %get3A_746 = tpu.vector_load %arg8[%get3A_744, %get3A_745] {strides = array<i32>} : memref<64x128xf32, #tpu.memory_space<vmem>>, vector<16xf32>,
        %get3A_747 = arith.index_cast %scan3A_743 : i32 to index
        %get3A_748 = arith.constant 16 : index
        %get3A_749 = tpu.vector_load %arg8[%get3A_747, %get3A_748] {strides = array<i32>} : memref<64x128xf32, #tpu.memory_space<vmem>>, vector<16xf32>,
        %add3A_750 = vector.broadcast %scan3A_743 : i32 to vector<16xi32>
        %add3A_751 = arith.addi %broadcast_in_dim3A_438, %add3A_750 : vector<16xi32>
        tpu.vector_store_idx %arg6[%iota3A, %broadcast_in_dim3A_436, %add3A_751], %get3A_746 : memref<32x8x128xf32, #tpu.memory_space<vmem>>[vector<16xi32>, vector<16xi32>, vector<16xi32>], vector<16xf32>,
        tpu.vector_store_idx %arg6[%add3A_3, %broadcast_in_dim3A_436, %add3A_751], %get3A_749 : memref<32x8x128xf32, #tpu.memory_space<vmem>>[vector<16xi32>, vector<16xi32>, vector<16xi32>], vector<16xf32>,
      }
      %scan3A_444 = arith.constant 64 : i32
      %dma_start3A_445 = arith.constant 3 : i32
      %dma_start3A_446 = arith.constant 0 : i32
      %dma_start3A_447 = tpu.memref_slice %arg7[%dma_start3A_445, %dma_start3A_446] : memref<8x128xi32, #tpu.memory_space<vmem>> -> memref<1x64xi32, #tpu.memory_space<vmem>>
      %dma_start3A_448 = tpu.memref_squeeze %dma_start3A_447 : memref<1x64xi32, #tpu.memory_space<vmem>> -> memref<64xi32, #tpu.memory_space<vmem>>
      %dma_start3A_449 = arith.constant 0 : i32
      %dma_start3A_450 = arith.constant 0 : i32
      %dma_start3A_451 = tpu.memref_slice %arg3[%dma_start3A_449, %dma_start3A_450] : memref<100000x128xf32, #tpu.memory_space<hbm>> -> memref<100000x128xf32, #tpu.memory_space<hbm>>
      tpu.enqueue_indirect_dma source(%dma_start3A_451 : memref<100000x128xf32, #tpu.memory_space<hbm>>) target(%arg8 : memref<64x128xf32, #tpu.memory_space<vmem>>) offsets(%dma_start3A_448 : memref<64xi32, #tpu.memory_space<vmem>>) semaphore(%arg12 : memref<!tpu.dma_semaphore, #tpu.memory_space<semaphore_mem>>)
      %dma_wait3A_452 = arith.constant 2 : i32
      %dma_wait3A_453 = arith.constant 64 : i32
      %dma_wait3A_454 = tpu.memref_slice %arg7[%dma_wait3A_452, %dma_wait3A_453] : memref<8x128xi32, #tpu.memory_space<vmem>> -> memref<1x64xi32, #tpu.memory_space<vmem>>
      %dma_wait3A_455 = tpu.memref_squeeze %dma_wait3A_454 : memref<1x64xi32, #tpu.memory_space<vmem>> -> memref<64xi32, #tpu.memory_space<vmem>>
      %dma_wait3A_456 = arith.constant 0 : i32
      %dma_wait3A_457 = arith.constant 0 : i32
      %dma_wait3A_458 = tpu.memref_slice %arg3[%dma_wait3A_456, %dma_wait3A_457] : memref<100000x128xf32, #tpu.memory_space<hbm>> -> memref<100000x128xf32, #tpu.memory_space<hbm>>
      tpu.wait_indirect_dma semaphore(%arg13 : memref<!tpu.dma_semaphore, #tpu.memory_space<semaphore_mem>>) src(%dma_wait3A_458 : memref<100000x128xf32, #tpu.memory_space<hbm>>) dst(%arg9 : memref<64x128xf32, #tpu.memory_space<vmem>>)
      %broadcast_in_dim3A_459 = arith.constant 2 : i32
      %broadcast_in_dim3A_460 = vector.broadcast %broadcast_in_dim3A_459 : i32 to vector<16xi32>
      %broadcast_in_dim3A_461 = arith.constant 64 : i32
      %broadcast_in_dim3A_462 = vector.broadcast %broadcast_in_dim3A_461 : i32 to vector<16xi32>
      %scan3A_463 = arith.constant 0 : i32
      %scan3A_464 = arith.constant 0 : i32
      %scan3A_465 = arith.constant 64 : i32
      %scan3A_466 = arith.addi %scan3A_464, %scan3A_465 : i32
      %scan3A_467 = arith.constant 4 : i32
      scf.for %scan3A_714 = %scan3A_464 to %scan3A_466 step %scan3A_467  : i32 {
        %get3A = arith.index_cast %scan3A_714 : i32 to index
        %get3A_715 = arith.constant 0 : index
        %get3A_716 = tpu.vector_load %arg9[%get3A, %get3A_715] {strides = array<i32>} : memref<64x128xf32, #tpu.memory_space<vmem>>, vector<16xf32>,
        %get3A_717 = arith.index_cast %scan3A_714 : i32 to index
        %get3A_718 = arith.constant 16 : index
        %get3A_719 = tpu.vector_load %arg9[%get3A_717, %get3A_718] {strides = array<i32>} : memref<64x128xf32, #tpu.memory_space<vmem>>, vector<16xf32>,
        %add3A_720 = vector.broadcast %scan3A_714 : i32 to vector<16xi32>
        %add3A_721 = arith.addi %broadcast_in_dim3A_462, %add3A_720 : vector<16xi32>
        tpu.vector_store_idx %arg6[%iota3A, %broadcast_in_dim3A_460, %add3A_721], %get3A_716 : memref<32x8x128xf32, #tpu.memory_space<vmem>>[vector<16xi32>, vector<16xi32>, vector<16xi32>], vector<16xf32>,
        tpu.vector_store_idx %arg6[%add3A_3, %broadcast_in_dim3A_460, %add3A_721], %get3A_719 : memref<32x8x128xf32, #tpu.memory_space<vmem>>[vector<16xi32>, vector<16xi32>, vector<16xi32>], vector<16xf32>,
        %scan3A_722 = arith.constant 1 : i32
        %scan3A_723 = arith.addi %scan3A_714, %scan3A_722 : i32
        %get3A_724 = arith.index_cast %scan3A_723 : i32 to index
        %get3A_725 = arith.constant 0 : index
        %get3A_726 = tpu.vector_load %arg9[%get3A_724, %get3A_725] {strides = array<i32>} : memref<64x128xf32, #tpu.memory_space<vmem>>, vector<16xf32>,
        %get3A_727 = arith.index_cast %scan3A_723 : i32 to index
        %get3A_728 = arith.constant 16 : index
        %get3A_729 = tpu.vector_load %arg9[%get3A_727, %get3A_728] {strides = array<i32>} : memref<64x128xf32, #tpu.memory_space<vmem>>, vector<16xf32>,
        %add3A_730 = vector.broadcast %scan3A_723 : i32 to vector<16xi32>
        %add3A_731 = arith.addi %broadcast_in_dim3A_462, %add3A_730 : vector<16xi32>
        tpu.vector_store_idx %arg6[%iota3A, %broadcast_in_dim3A_460, %add3A_731], %get3A_726 : memref<32x8x128xf32, #tpu.memory_space<vmem>>[vector<16xi32>, vector<16xi32>, vector<16xi32>], vector<16xf32>,
        tpu.vector_store_idx %arg6[%add3A_3, %broadcast_in_dim3A_460, %add3A_731], %get3A_729 : memref<32x8x128xf32, #tpu.memory_space<vmem>>[vector<16xi32>, vector<16xi32>, vector<16xi32>], vector<16xf32>,
        %scan3A_732 = arith.constant 2 : i32
        %scan3A_733 = arith.addi %scan3A_714, %scan3A_732 : i32
        %get3A_734 = arith.index_cast %scan3A_733 : i32 to index
        %get3A_735 = arith.constant 0 : index
        %get3A_736 = tpu.vector_load %arg9[%get3A_734, %get3A_735] {strides = array<i32>} : memref<64x128xf32, #tpu.memory_space<vmem>>, vector<16xf32>,
        %get3A_737 = arith.index_cast %scan3A_733 : i32 to index
        %get3A_738 = arith.constant 16 : index
        %get3A_739 = tpu.vector_load %arg9[%get3A_737, %get3A_738] {strides = array<i32>} : memref<64x128xf32, #tpu.memory_space<vmem>>, vector<16xf32>,
        %add3A_740 = vector.broadcast %scan3A_733 : i32 to vector<16xi32>
        %add3A_741 = arith.addi %broadcast_in_dim3A_462, %add3A_740 : vector<16xi32>
        tpu.vector_store_idx %arg6[%iota3A, %broadcast_in_dim3A_460, %add3A_741], %get3A_736 : memref<32x8x128xf32, #tpu.memory_space<vmem>>[vector<16xi32>, vector<16xi32>, vector<16xi32>], vector<16xf32>,
        tpu.vector_store_idx %arg6[%add3A_3, %broadcast_in_dim3A_460, %add3A_741], %get3A_739 : memref<32x8x128xf32, #tpu.memory_space<vmem>>[vector<16xi32>, vector<16xi32>, vector<16xi32>], vector<16xf32>,
        %scan3A_742 = arith.constant 3 : i32
        %scan3A_743 = arith.addi %scan3A_714, %scan3A_742 : i32
        %get3A_744 = arith.index_cast %scan3A_743 : i32 to index
        %get3A_745 = arith.constant 0 : index
        %get3A_746 = tpu.vector_load %arg9[%get3A_744, %get3A_745] {strides = array<i32>} : memref<64x128xf32, #tpu.memory_space<vmem>>, vector<16xf32>,
        %get3A_747 = arith.index_cast %scan3A_743 : i32 to index
        %get3A_748 = arith.constant 16 : index
        %get3A_749 = tpu.vector_load %arg9[%get3A_747, %get3A_748] {strides = array<i32>} : memref<64x128xf32, #tpu.memory_space<vmem>>, vector<16xf32>,
        %add3A_750 = vector.broadcast %scan3A_743 : i32 to vector<16xi32>
        %add3A_751 = arith.addi %broadcast_in_dim3A_462, %add3A_750 : vector<16xi32>
        tpu.vector_store_idx %arg6[%iota3A, %broadcast_in_dim3A_460, %add3A_751], %get3A_746 : memref<32x8x128xf32, #tpu.memory_space<vmem>>[vector<16xi32>, vector<16xi32>, vector<16xi32>], vector<16xf32>,
        tpu.vector_store_idx %arg6[%add3A_3, %broadcast_in_dim3A_460, %add3A_751], %get3A_749 : memref<32x8x128xf32, #tpu.memory_space<vmem>>[vector<16xi32>, vector<16xi32>, vector<16xi32>], vector<16xf32>,
      }
      %scan3A_468 = arith.constant 64 : i32
      %dma_start3A_469 = arith.constant 3 : i32
      %dma_start3A_470 = arith.constant 64 : i32
      %dma_start3A_471 = tpu.memref_slice %arg7[%dma_start3A_469, %dma_start3A_470] : memref<8x128xi32, #tpu.memory_space<vmem>> -> memref<1x64xi32, #tpu.memory_space<vmem>>
      %dma_start3A_472 = tpu.memref_squeeze %dma_start3A_471 : memref<1x64xi32, #tpu.memory_space<vmem>> -> memref<64xi32, #tpu.memory_space<vmem>>
      %dma_start3A_473 = arith.constant 0 : i32
      %dma_start3A_474 = arith.constant 0 : i32
      %dma_start3A_475 = tpu.memref_slice %arg3[%dma_start3A_473, %dma_start3A_474] : memref<100000x128xf32, #tpu.memory_space<hbm>> -> memref<100000x128xf32, #tpu.memory_space<hbm>>
      tpu.enqueue_indirect_dma source(%dma_start3A_475 : memref<100000x128xf32, #tpu.memory_space<hbm>>) target(%arg9 : memref<64x128xf32, #tpu.memory_space<vmem>>) offsets(%dma_start3A_472 : memref<64xi32, #tpu.memory_space<vmem>>) semaphore(%arg13 : memref<!tpu.dma_semaphore, #tpu.memory_space<semaphore_mem>>)
      %dma_wait3A_476 = arith.constant 3 : i32
      %dma_wait3A_477 = arith.constant 0 : i32
      %dma_wait3A_478 = tpu.memref_slice %arg7[%dma_wait3A_476, %dma_wait3A_477] : memref<8x128xi32, #tpu.memory_space<vmem>> -> memref<1x64xi32, #tpu.memory_space<vmem>>
      %dma_wait3A_479 = tpu.memref_squeeze %dma_wait3A_478 : memref<1x64xi32, #tpu.memory_space<vmem>> -> memref<64xi32, #tpu.memory_space<vmem>>
      %dma_wait3A_480 = arith.constant 0 : i32
      %dma_wait3A_481 = arith.constant 0 : i32
      %dma_wait3A_482 = tpu.memref_slice %arg3[%dma_wait3A_480, %dma_wait3A_481] : memref<100000x128xf32, #tpu.memory_space<hbm>> -> memref<100000x128xf32, #tpu.memory_space<hbm>>
      tpu.wait_indirect_dma semaphore(%arg12 : memref<!tpu.dma_semaphore, #tpu.memory_space<semaphore_mem>>) src(%dma_wait3A_482 : memref<100000x128xf32, #tpu.memory_space<hbm>>) dst(%arg8 : memref<64x128xf32, #tpu.memory_space<vmem>>)
      %broadcast_in_dim3A_483 = arith.constant 3 : i32
      %broadcast_in_dim3A_484 = vector.broadcast %broadcast_in_dim3A_483 : i32 to vector<16xi32>
      %broadcast_in_dim3A_485 = arith.constant 0 : i32
      %broadcast_in_dim3A_486 = vector.broadcast %broadcast_in_dim3A_485 : i32 to vector<16xi32>
      %scan3A_487 = arith.constant 0 : i32
      %scan3A_488 = arith.constant 0 : i32
      %scan3A_489 = arith.constant 64 : i32
      %scan3A_490 = arith.addi %scan3A_488, %scan3A_489 : i32
      %scan3A_491 = arith.constant 4 : i32
      scf.for %scan3A_714 = %scan3A_488 to %scan3A_490 step %scan3A_491  : i32 {
        %get3A = arith.index_cast %scan3A_714 : i32 to index
        %get3A_715 = arith.constant 0 : index
        %get3A_716 = tpu.vector_load %arg8[%get3A, %get3A_715] {strides = array<i32>} : memref<64x128xf32, #tpu.memory_space<vmem>>, vector<16xf32>,
        %get3A_717 = arith.index_cast %scan3A_714 : i32 to index
        %get3A_718 = arith.constant 16 : index
        %get3A_719 = tpu.vector_load %arg8[%get3A_717, %get3A_718] {strides = array<i32>} : memref<64x128xf32, #tpu.memory_space<vmem>>, vector<16xf32>,
        %add3A_720 = vector.broadcast %scan3A_714 : i32 to vector<16xi32>
        %add3A_721 = arith.addi %broadcast_in_dim3A_486, %add3A_720 : vector<16xi32>
        tpu.vector_store_idx %arg6[%iota3A, %broadcast_in_dim3A_484, %add3A_721], %get3A_716 : memref<32x8x128xf32, #tpu.memory_space<vmem>>[vector<16xi32>, vector<16xi32>, vector<16xi32>], vector<16xf32>,
        tpu.vector_store_idx %arg6[%add3A_3, %broadcast_in_dim3A_484, %add3A_721], %get3A_719 : memref<32x8x128xf32, #tpu.memory_space<vmem>>[vector<16xi32>, vector<16xi32>, vector<16xi32>], vector<16xf32>,
        %scan3A_722 = arith.constant 1 : i32
        %scan3A_723 = arith.addi %scan3A_714, %scan3A_722 : i32
        %get3A_724 = arith.index_cast %scan3A_723 : i32 to index
        %get3A_725 = arith.constant 0 : index
        %get3A_726 = tpu.vector_load %arg8[%get3A_724, %get3A_725] {strides = array<i32>} : memref<64x128xf32, #tpu.memory_space<vmem>>, vector<16xf32>,
        %get3A_727 = arith.index_cast %scan3A_723 : i32 to index
        %get3A_728 = arith.constant 16 : index
        %get3A_729 = tpu.vector_load %arg8[%get3A_727, %get3A_728] {strides = array<i32>} : memref<64x128xf32, #tpu.memory_space<vmem>>, vector<16xf32>,
        %add3A_730 = vector.broadcast %scan3A_723 : i32 to vector<16xi32>
        %add3A_731 = arith.addi %broadcast_in_dim3A_486, %add3A_730 : vector<16xi32>
        tpu.vector_store_idx %arg6[%iota3A, %broadcast_in_dim3A_484, %add3A_731], %get3A_726 : memref<32x8x128xf32, #tpu.memory_space<vmem>>[vector<16xi32>, vector<16xi32>, vector<16xi32>], vector<16xf32>,
        tpu.vector_store_idx %arg6[%add3A_3, %broadcast_in_dim3A_484, %add3A_731], %get3A_729 : memref<32x8x128xf32, #tpu.memory_space<vmem>>[vector<16xi32>, vector<16xi32>, vector<16xi32>], vector<16xf32>,
        %scan3A_732 = arith.constant 2 : i32
        %scan3A_733 = arith.addi %scan3A_714, %scan3A_732 : i32
        %get3A_734 = arith.index_cast %scan3A_733 : i32 to index
        %get3A_735 = arith.constant 0 : index
        %get3A_736 = tpu.vector_load %arg8[%get3A_734, %get3A_735] {strides = array<i32>} : memref<64x128xf32, #tpu.memory_space<vmem>>, vector<16xf32>,
        %get3A_737 = arith.index_cast %scan3A_733 : i32 to index
        %get3A_738 = arith.constant 16 : index
        %get3A_739 = tpu.vector_load %arg8[%get3A_737, %get3A_738] {strides = array<i32>} : memref<64x128xf32, #tpu.memory_space<vmem>>, vector<16xf32>,
        %add3A_740 = vector.broadcast %scan3A_733 : i32 to vector<16xi32>
        %add3A_741 = arith.addi %broadcast_in_dim3A_486, %add3A_740 : vector<16xi32>
        tpu.vector_store_idx %arg6[%iota3A, %broadcast_in_dim3A_484, %add3A_741], %get3A_736 : memref<32x8x128xf32, #tpu.memory_space<vmem>>[vector<16xi32>, vector<16xi32>, vector<16xi32>], vector<16xf32>,
        tpu.vector_store_idx %arg6[%add3A_3, %broadcast_in_dim3A_484, %add3A_741], %get3A_739 : memref<32x8x128xf32, #tpu.memory_space<vmem>>[vector<16xi32>, vector<16xi32>, vector<16xi32>], vector<16xf32>,
        %scan3A_742 = arith.constant 3 : i32
        %scan3A_743 = arith.addi %scan3A_714, %scan3A_742 : i32
        %get3A_744 = arith.index_cast %scan3A_743 : i32 to index
        %get3A_745 = arith.constant 0 : index
        %get3A_746 = tpu.vector_load %arg8[%get3A_744, %get3A_745] {strides = array<i32>} : memref<64x128xf32, #tpu.memory_space<vmem>>, vector<16xf32>,
        %get3A_747 = arith.index_cast %scan3A_743 : i32 to index
        %get3A_748 = arith.constant 16 : index
        %get3A_749 = tpu.vector_load %arg8[%get3A_747, %get3A_748] {strides = array<i32>} : memref<64x128xf32, #tpu.memory_space<vmem>>, vector<16xf32>,
        %add3A_750 = vector.broadcast %scan3A_743 : i32 to vector<16xi32>
        %add3A_751 = arith.addi %broadcast_in_dim3A_486, %add3A_750 : vector<16xi32>
        tpu.vector_store_idx %arg6[%iota3A, %broadcast_in_dim3A_484, %add3A_751], %get3A_746 : memref<32x8x128xf32, #tpu.memory_space<vmem>>[vector<16xi32>, vector<16xi32>, vector<16xi32>], vector<16xf32>,
        tpu.vector_store_idx %arg6[%add3A_3, %broadcast_in_dim3A_484, %add3A_751], %get3A_749 : memref<32x8x128xf32, #tpu.memory_space<vmem>>[vector<16xi32>, vector<16xi32>, vector<16xi32>], vector<16xf32>,
      }
      %scan3A_492 = arith.constant 64 : i32
      %dma_start3A_493 = arith.constant 4 : i32
      %dma_start3A_494 = arith.constant 0 : i32
      %dma_start3A_495 = tpu.memref_slice %arg7[%dma_start3A_493, %dma_start3A_494] : memref<8x128xi32, #tpu.memory_space<vmem>> -> memref<1x64xi32, #tpu.memory_space<vmem>>
      %dma_start3A_496 = tpu.memref_squeeze %dma_start3A_495 : memref<1x64xi32, #tpu.memory_space<vmem>> -> memref<64xi32, #tpu.memory_space<vmem>>
      %dma_start3A_497 = arith.constant 0 : i32
      %dma_start3A_498 = arith.constant 0 : i32
      %dma_start3A_499 = tpu.memref_slice %arg3[%dma_start3A_497, %dma_start3A_498] : memref<100000x128xf32, #tpu.memory_space<hbm>> -> memref<100000x128xf32, #tpu.memory_space<hbm>>
      tpu.enqueue_indirect_dma source(%dma_start3A_499 : memref<100000x128xf32, #tpu.memory_space<hbm>>) target(%arg8 : memref<64x128xf32, #tpu.memory_space<vmem>>) offsets(%dma_start3A_496 : memref<64xi32, #tpu.memory_space<vmem>>) semaphore(%arg12 : memref<!tpu.dma_semaphore, #tpu.memory_space<semaphore_mem>>)
      %dma_wait3A_500 = arith.constant 3 : i32
      %dma_wait3A_501 = arith.constant 64 : i32
      %dma_wait3A_502 = tpu.memref_slice %arg7[%dma_wait3A_500, %dma_wait3A_501] : memref<8x128xi32, #tpu.memory_space<vmem>> -> memref<1x64xi32, #tpu.memory_space<vmem>>
      %dma_wait3A_503 = tpu.memref_squeeze %dma_wait3A_502 : memref<1x64xi32, #tpu.memory_space<vmem>> -> memref<64xi32, #tpu.memory_space<vmem>>
      %dma_wait3A_504 = arith.constant 0 : i32
      %dma_wait3A_505 = arith.constant 0 : i32
      %dma_wait3A_506 = tpu.memref_slice %arg3[%dma_wait3A_504, %dma_wait3A_505] : memref<100000x128xf32, #tpu.memory_space<hbm>> -> memref<100000x128xf32, #tpu.memory_space<hbm>>
      tpu.wait_indirect_dma semaphore(%arg13 : memref<!tpu.dma_semaphore, #tpu.memory_space<semaphore_mem>>) src(%dma_wait3A_506 : memref<100000x128xf32, #tpu.memory_space<hbm>>) dst(%arg9 : memref<64x128xf32, #tpu.memory_space<vmem>>)
      %broadcast_in_dim3A_507 = arith.constant 3 : i32
      %broadcast_in_dim3A_508 = vector.broadcast %broadcast_in_dim3A_507 : i32 to vector<16xi32>
      %broadcast_in_dim3A_509 = arith.constant 64 : i32
      %broadcast_in_dim3A_510 = vector.broadcast %broadcast_in_dim3A_509 : i32 to vector<16xi32>
      %scan3A_511 = arith.constant 0 : i32
      %scan3A_512 = arith.constant 0 : i32
      %scan3A_513 = arith.constant 64 : i32
      %scan3A_514 = arith.addi %scan3A_512, %scan3A_513 : i32
      %scan3A_515 = arith.constant 4 : i32
      scf.for %scan3A_714 = %scan3A_512 to %scan3A_514 step %scan3A_515  : i32 {
        %get3A = arith.index_cast %scan3A_714 : i32 to index
        %get3A_715 = arith.constant 0 : index
        %get3A_716 = tpu.vector_load %arg9[%get3A, %get3A_715] {strides = array<i32>} : memref<64x128xf32, #tpu.memory_space<vmem>>, vector<16xf32>,
        %get3A_717 = arith.index_cast %scan3A_714 : i32 to index
        %get3A_718 = arith.constant 16 : index
        %get3A_719 = tpu.vector_load %arg9[%get3A_717, %get3A_718] {strides = array<i32>} : memref<64x128xf32, #tpu.memory_space<vmem>>, vector<16xf32>,
        %add3A_720 = vector.broadcast %scan3A_714 : i32 to vector<16xi32>
        %add3A_721 = arith.addi %broadcast_in_dim3A_510, %add3A_720 : vector<16xi32>
        tpu.vector_store_idx %arg6[%iota3A, %broadcast_in_dim3A_508, %add3A_721], %get3A_716 : memref<32x8x128xf32, #tpu.memory_space<vmem>>[vector<16xi32>, vector<16xi32>, vector<16xi32>], vector<16xf32>,
        tpu.vector_store_idx %arg6[%add3A_3, %broadcast_in_dim3A_508, %add3A_721], %get3A_719 : memref<32x8x128xf32, #tpu.memory_space<vmem>>[vector<16xi32>, vector<16xi32>, vector<16xi32>], vector<16xf32>,
        %scan3A_722 = arith.constant 1 : i32
        %scan3A_723 = arith.addi %scan3A_714, %scan3A_722 : i32
        %get3A_724 = arith.index_cast %scan3A_723 : i32 to index
        %get3A_725 = arith.constant 0 : index
        %get3A_726 = tpu.vector_load %arg9[%get3A_724, %get3A_725] {strides = array<i32>} : memref<64x128xf32, #tpu.memory_space<vmem>>, vector<16xf32>,
        %get3A_727 = arith.index_cast %scan3A_723 : i32 to index
        %get3A_728 = arith.constant 16 : index
        %get3A_729 = tpu.vector_load %arg9[%get3A_727, %get3A_728] {strides = array<i32>} : memref<64x128xf32, #tpu.memory_space<vmem>>, vector<16xf32>,
        %add3A_730 = vector.broadcast %scan3A_723 : i32 to vector<16xi32>
        %add3A_731 = arith.addi %broadcast_in_dim3A_510, %add3A_730 : vector<16xi32>
        tpu.vector_store_idx %arg6[%iota3A, %broadcast_in_dim3A_508, %add3A_731], %get3A_726 : memref<32x8x128xf32, #tpu.memory_space<vmem>>[vector<16xi32>, vector<16xi32>, vector<16xi32>], vector<16xf32>,
        tpu.vector_store_idx %arg6[%add3A_3, %broadcast_in_dim3A_508, %add3A_731], %get3A_729 : memref<32x8x128xf32, #tpu.memory_space<vmem>>[vector<16xi32>, vector<16xi32>, vector<16xi32>], vector<16xf32>,
        %scan3A_732 = arith.constant 2 : i32
        %scan3A_733 = arith.addi %scan3A_714, %scan3A_732 : i32
        %get3A_734 = arith.index_cast %scan3A_733 : i32 to index
        %get3A_735 = arith.constant 0 : index
        %get3A_736 = tpu.vector_load %arg9[%get3A_734, %get3A_735] {strides = array<i32>} : memref<64x128xf32, #tpu.memory_space<vmem>>, vector<16xf32>,
        %get3A_737 = arith.index_cast %scan3A_733 : i32 to index
        %get3A_738 = arith.constant 16 : index
        %get3A_739 = tpu.vector_load %arg9[%get3A_737, %get3A_738] {strides = array<i32>} : memref<64x128xf32, #tpu.memory_space<vmem>>, vector<16xf32>,
        %add3A_740 = vector.broadcast %scan3A_733 : i32 to vector<16xi32>
        %add3A_741 = arith.addi %broadcast_in_dim3A_510, %add3A_740 : vector<16xi32>
        tpu.vector_store_idx %arg6[%iota3A, %broadcast_in_dim3A_508, %add3A_741], %get3A_736 : memref<32x8x128xf32, #tpu.memory_space<vmem>>[vector<16xi32>, vector<16xi32>, vector<16xi32>], vector<16xf32>,
        tpu.vector_store_idx %arg6[%add3A_3, %broadcast_in_dim3A_508, %add3A_741], %get3A_739 : memref<32x8x128xf32, #tpu.memory_space<vmem>>[vector<16xi32>, vector<16xi32>, vector<16xi32>], vector<16xf32>,
        %scan3A_742 = arith.constant 3 : i32
        %scan3A_743 = arith.addi %scan3A_714, %scan3A_742 : i32
        %get3A_744 = arith.index_cast %scan3A_743 : i32 to index
        %get3A_745 = arith.constant 0 : index
        %get3A_746 = tpu.vector_load %arg9[%get3A_744, %get3A_745] {strides = array<i32>} : memref<64x128xf32, #tpu.memory_space<vmem>>, vector<16xf32>,
        %get3A_747 = arith.index_cast %scan3A_743 : i32 to index
        %get3A_748 = arith.constant 16 : index
        %get3A_749 = tpu.vector_load %arg9[%get3A_747, %get3A_748] {strides = array<i32>} : memref<64x128xf32, #tpu.memory_space<vmem>>, vector<16xf32>,
        %add3A_750 = vector.broadcast %scan3A_743 : i32 to vector<16xi32>
        %add3A_751 = arith.addi %broadcast_in_dim3A_510, %add3A_750 : vector<16xi32>
        tpu.vector_store_idx %arg6[%iota3A, %broadcast_in_dim3A_508, %add3A_751], %get3A_746 : memref<32x8x128xf32, #tpu.memory_space<vmem>>[vector<16xi32>, vector<16xi32>, vector<16xi32>], vector<16xf32>,
        tpu.vector_store_idx %arg6[%add3A_3, %broadcast_in_dim3A_508, %add3A_751], %get3A_749 : memref<32x8x128xf32, #tpu.memory_space<vmem>>[vector<16xi32>, vector<16xi32>, vector<16xi32>], vector<16xf32>,
      }
      %scan3A_516 = arith.constant 64 : i32
      %dma_start3A_517 = arith.constant 4 : i32
      %dma_start3A_518 = arith.constant 64 : i32
      %dma_start3A_519 = tpu.memref_slice %arg7[%dma_start3A_517, %dma_start3A_518] : memref<8x128xi32, #tpu.memory_space<vmem>> -> memref<1x64xi32, #tpu.memory_space<vmem>>
      %dma_start3A_520 = tpu.memref_squeeze %dma_start3A_519 : memref<1x64xi32, #tpu.memory_space<vmem>> -> memref<64xi32, #tpu.memory_space<vmem>>
      %dma_start3A_521 = arith.constant 0 : i32
      %dma_start3A_522 = arith.constant 0 : i32
      %dma_start3A_523 = tpu.memref_slice %arg3[%dma_start3A_521, %dma_start3A_522] : memref<100000x128xf32, #tpu.memory_space<hbm>> -> memref<100000x128xf32, #tpu.memory_space<hbm>>
      tpu.enqueue_indirect_dma source(%dma_start3A_523 : memref<100000x128xf32, #tpu.memory_space<hbm>>) target(%arg9 : memref<64x128xf32, #tpu.memory_space<vmem>>) offsets(%dma_start3A_520 : memref<64xi32, #tpu.memory_space<vmem>>) semaphore(%arg13 : memref<!tpu.dma_semaphore, #tpu.memory_space<semaphore_mem>>)
      %dma_wait3A_524 = arith.constant 4 : i32
      %dma_wait3A_525 = arith.constant 0 : i32
      %dma_wait3A_526 = tpu.memref_slice %arg7[%dma_wait3A_524, %dma_wait3A_525] : memref<8x128xi32, #tpu.memory_space<vmem>> -> memref<1x64xi32, #tpu.memory_space<vmem>>
      %dma_wait3A_527 = tpu.memref_squeeze %dma_wait3A_526 : memref<1x64xi32, #tpu.memory_space<vmem>> -> memref<64xi32, #tpu.memory_space<vmem>>
      %dma_wait3A_528 = arith.constant 0 : i32
      %dma_wait3A_529 = arith.constant 0 : i32
      %dma_wait3A_530 = tpu.memref_slice %arg3[%dma_wait3A_528, %dma_wait3A_529] : memref<100000x128xf32, #tpu.memory_space<hbm>> -> memref<100000x128xf32, #tpu.memory_space<hbm>>
      tpu.wait_indirect_dma semaphore(%arg12 : memref<!tpu.dma_semaphore, #tpu.memory_space<semaphore_mem>>) src(%dma_wait3A_530 : memref<100000x128xf32, #tpu.memory_space<hbm>>) dst(%arg8 : memref<64x128xf32, #tpu.memory_space<vmem>>)
      %broadcast_in_dim3A_531 = arith.constant 4 : i32
      %broadcast_in_dim3A_532 = vector.broadcast %broadcast_in_dim3A_531 : i32 to vector<16xi32>
      %broadcast_in_dim3A_533 = arith.constant 0 : i32
      %broadcast_in_dim3A_534 = vector.broadcast %broadcast_in_dim3A_533 : i32 to vector<16xi32>
      %scan3A_535 = arith.constant 0 : i32
      %scan3A_536 = arith.constant 0 : i32
      %scan3A_537 = arith.constant 64 : i32
      %scan3A_538 = arith.addi %scan3A_536, %scan3A_537 : i32
      %scan3A_539 = arith.constant 4 : i32
      scf.for %scan3A_714 = %scan3A_536 to %scan3A_538 step %scan3A_539  : i32 {
        %get3A = arith.index_cast %scan3A_714 : i32 to index
        %get3A_715 = arith.constant 0 : index
        %get3A_716 = tpu.vector_load %arg8[%get3A, %get3A_715] {strides = array<i32>} : memref<64x128xf32, #tpu.memory_space<vmem>>, vector<16xf32>,
        %get3A_717 = arith.index_cast %scan3A_714 : i32 to index
        %get3A_718 = arith.constant 16 : index
        %get3A_719 = tpu.vector_load %arg8[%get3A_717, %get3A_718] {strides = array<i32>} : memref<64x128xf32, #tpu.memory_space<vmem>>, vector<16xf32>,
        %add3A_720 = vector.broadcast %scan3A_714 : i32 to vector<16xi32>
        %add3A_721 = arith.addi %broadcast_in_dim3A_534, %add3A_720 : vector<16xi32>
        tpu.vector_store_idx %arg6[%iota3A, %broadcast_in_dim3A_532, %add3A_721], %get3A_716 : memref<32x8x128xf32, #tpu.memory_space<vmem>>[vector<16xi32>, vector<16xi32>, vector<16xi32>], vector<16xf32>,
        tpu.vector_store_idx %arg6[%add3A_3, %broadcast_in_dim3A_532, %add3A_721], %get3A_719 : memref<32x8x128xf32, #tpu.memory_space<vmem>>[vector<16xi32>, vector<16xi32>, vector<16xi32>], vector<16xf32>,
        %scan3A_722 = arith.constant 1 : i32
        %scan3A_723 = arith.addi %scan3A_714, %scan3A_722 : i32
        %get3A_724 = arith.index_cast %scan3A_723 : i32 to index
        %get3A_725 = arith.constant 0 : index
        %get3A_726 = tpu.vector_load %arg8[%get3A_724, %get3A_725] {strides = array<i32>} : memref<64x128xf32, #tpu.memory_space<vmem>>, vector<16xf32>,
        %get3A_727 = arith.index_cast %scan3A_723 : i32 to index
        %get3A_728 = arith.constant 16 : index
        %get3A_729 = tpu.vector_load %arg8[%get3A_727, %get3A_728] {strides = array<i32>} : memref<64x128xf32, #tpu.memory_space<vmem>>, vector<16xf32>,
        %add3A_730 = vector.broadcast %scan3A_723 : i32 to vector<16xi32>
        %add3A_731 = arith.addi %broadcast_in_dim3A_534, %add3A_730 : vector<16xi32>
        tpu.vector_store_idx %arg6[%iota3A, %broadcast_in_dim3A_532, %add3A_731], %get3A_726 : memref<32x8x128xf32, #tpu.memory_space<vmem>>[vector<16xi32>, vector<16xi32>, vector<16xi32>], vector<16xf32>,
        tpu.vector_store_idx %arg6[%add3A_3, %broadcast_in_dim3A_532, %add3A_731], %get3A_729 : memref<32x8x128xf32, #tpu.memory_space<vmem>>[vector<16xi32>, vector<16xi32>, vector<16xi32>], vector<16xf32>,
        %scan3A_732 = arith.constant 2 : i32
        %scan3A_733 = arith.addi %scan3A_714, %scan3A_732 : i32
        %get3A_734 = arith.index_cast %scan3A_733 : i32 to index
        %get3A_735 = arith.constant 0 : index
        %get3A_736 = tpu.vector_load %arg8[%get3A_734, %get3A_735] {strides = array<i32>} : memref<64x128xf32, #tpu.memory_space<vmem>>, vector<16xf32>,
        %get3A_737 = arith.index_cast %scan3A_733 : i32 to index
        %get3A_738 = arith.constant 16 : index
        %get3A_739 = tpu.vector_load %arg8[%get3A_737, %get3A_738] {strides = array<i32>} : memref<64x128xf32, #tpu.memory_space<vmem>>, vector<16xf32>,
        %add3A_740 = vector.broadcast %scan3A_733 : i32 to vector<16xi32>
        %add3A_741 = arith.addi %broadcast_in_dim3A_534, %add3A_740 : vector<16xi32>
        tpu.vector_store_idx %arg6[%iota3A, %broadcast_in_dim3A_532, %add3A_741], %get3A_736 : memref<32x8x128xf32, #tpu.memory_space<vmem>>[vector<16xi32>, vector<16xi32>, vector<16xi32>], vector<16xf32>,
        tpu.vector_store_idx %arg6[%add3A_3, %broadcast_in_dim3A_532, %add3A_741], %get3A_739 : memref<32x8x128xf32, #tpu.memory_space<vmem>>[vector<16xi32>, vector<16xi32>, vector<16xi32>], vector<16xf32>,
        %scan3A_742 = arith.constant 3 : i32
        %scan3A_743 = arith.addi %scan3A_714, %scan3A_742 : i32
        %get3A_744 = arith.index_cast %scan3A_743 : i32 to index
        %get3A_745 = arith.constant 0 : index
        %get3A_746 = tpu.vector_load %arg8[%get3A_744, %get3A_745] {strides = array<i32>} : memref<64x128xf32, #tpu.memory_space<vmem>>, vector<16xf32>,
        %get3A_747 = arith.index_cast %scan3A_743 : i32 to index
        %get3A_748 = arith.constant 16 : index
        %get3A_749 = tpu.vector_load %arg8[%get3A_747, %get3A_748] {strides = array<i32>} : memref<64x128xf32, #tpu.memory_space<vmem>>, vector<16xf32>,
        %add3A_750 = vector.broadcast %scan3A_743 : i32 to vector<16xi32>
        %add3A_751 = arith.addi %broadcast_in_dim3A_534, %add3A_750 : vector<16xi32>
        tpu.vector_store_idx %arg6[%iota3A, %broadcast_in_dim3A_532, %add3A_751], %get3A_746 : memref<32x8x128xf32, #tpu.memory_space<vmem>>[vector<16xi32>, vector<16xi32>, vector<16xi32>], vector<16xf32>,
        tpu.vector_store_idx %arg6[%add3A_3, %broadcast_in_dim3A_532, %add3A_751], %get3A_749 : memref<32x8x128xf32, #tpu.memory_space<vmem>>[vector<16xi32>, vector<16xi32>, vector<16xi32>], vector<16xf32>,
      }
      %scan3A_540 = arith.constant 64 : i32
      %dma_start3A_541 = arith.constant 5 : i32
      %dma_start3A_542 = arith.constant 0 : i32
      %dma_start3A_543 = tpu.memref_slice %arg7[%dma_start3A_541, %dma_start3A_542] : memref<8x128xi32, #tpu.memory_space<vmem>> -> memref<1x64xi32, #tpu.memory_space<vmem>>
      %dma_start3A_544 = tpu.memref_squeeze %dma_start3A_543 : memref<1x64xi32, #tpu.memory_space<vmem>> -> memref<64xi32, #tpu.memory_space<vmem>>
      %dma_start3A_545 = arith.constant 0 : i32
      %dma_start3A_546 = arith.constant 0 : i32
      %dma_start3A_547 = tpu.memref_slice %arg3[%dma_start3A_545, %dma_start3A_546] : memref<100000x128xf32, #tpu.memory_space<hbm>> -> memref<100000x128xf32, #tpu.memory_space<hbm>>
      tpu.enqueue_indirect_dma source(%dma_start3A_547 : memref<100000x128xf32, #tpu.memory_space<hbm>>) target(%arg8 : memref<64x128xf32, #tpu.memory_space<vmem>>) offsets(%dma_start3A_544 : memref<64xi32, #tpu.memory_space<vmem>>) semaphore(%arg12 : memref<!tpu.dma_semaphore, #tpu.memory_space<semaphore_mem>>)
      %dma_wait3A_548 = arith.constant 4 : i32
      %dma_wait3A_549 = arith.constant 64 : i32
      %dma_wait3A_550 = tpu.memref_slice %arg7[%dma_wait3A_548, %dma_wait3A_549] : memref<8x128xi32, #tpu.memory_space<vmem>> -> memref<1x64xi32, #tpu.memory_space<vmem>>
      %dma_wait3A_551 = tpu.memref_squeeze %dma_wait3A_550 : memref<1x64xi32, #tpu.memory_space<vmem>> -> memref<64xi32, #tpu.memory_space<vmem>>
      %dma_wait3A_552 = arith.constant 0 : i32
      %dma_wait3A_553 = arith.constant 0 : i32
      %dma_wait3A_554 = tpu.memref_slice %arg3[%dma_wait3A_552, %dma_wait3A_553] : memref<100000x128xf32, #tpu.memory_space<hbm>> -> memref<100000x128xf32, #tpu.memory_space<hbm>>
      tpu.wait_indirect_dma semaphore(%arg13 : memref<!tpu.dma_semaphore, #tpu.memory_space<semaphore_mem>>) src(%dma_wait3A_554 : memref<100000x128xf32, #tpu.memory_space<hbm>>) dst(%arg9 : memref<64x128xf32, #tpu.memory_space<vmem>>)
      %broadcast_in_dim3A_555 = arith.constant 4 : i32
      %broadcast_in_dim3A_556 = vector.broadcast %broadcast_in_dim3A_555 : i32 to vector<16xi32>
      %broadcast_in_dim3A_557 = arith.constant 64 : i32
      %broadcast_in_dim3A_558 = vector.broadcast %broadcast_in_dim3A_557 : i32 to vector<16xi32>
      %scan3A_559 = arith.constant 0 : i32
      %scan3A_560 = arith.constant 0 : i32
      %scan3A_561 = arith.constant 64 : i32
      %scan3A_562 = arith.addi %scan3A_560, %scan3A_561 : i32
      %scan3A_563 = arith.constant 4 : i32
      scf.for %scan3A_714 = %scan3A_560 to %scan3A_562 step %scan3A_563  : i32 {
        %get3A = arith.index_cast %scan3A_714 : i32 to index
        %get3A_715 = arith.constant 0 : index
        %get3A_716 = tpu.vector_load %arg9[%get3A, %get3A_715] {strides = array<i32>} : memref<64x128xf32, #tpu.memory_space<vmem>>, vector<16xf32>,
        %get3A_717 = arith.index_cast %scan3A_714 : i32 to index
        %get3A_718 = arith.constant 16 : index
        %get3A_719 = tpu.vector_load %arg9[%get3A_717, %get3A_718] {strides = array<i32>} : memref<64x128xf32, #tpu.memory_space<vmem>>, vector<16xf32>,
        %add3A_720 = vector.broadcast %scan3A_714 : i32 to vector<16xi32>
        %add3A_721 = arith.addi %broadcast_in_dim3A_558, %add3A_720 : vector<16xi32>
        tpu.vector_store_idx %arg6[%iota3A, %broadcast_in_dim3A_556, %add3A_721], %get3A_716 : memref<32x8x128xf32, #tpu.memory_space<vmem>>[vector<16xi32>, vector<16xi32>, vector<16xi32>], vector<16xf32>,
        tpu.vector_store_idx %arg6[%add3A_3, %broadcast_in_dim3A_556, %add3A_721], %get3A_719 : memref<32x8x128xf32, #tpu.memory_space<vmem>>[vector<16xi32>, vector<16xi32>, vector<16xi32>], vector<16xf32>,
        %scan3A_722 = arith.constant 1 : i32
        %scan3A_723 = arith.addi %scan3A_714, %scan3A_722 : i32
        %get3A_724 = arith.index_cast %scan3A_723 : i32 to index
        %get3A_725 = arith.constant 0 : index
        %get3A_726 = tpu.vector_load %arg9[%get3A_724, %get3A_725] {strides = array<i32>} : memref<64x128xf32, #tpu.memory_space<vmem>>, vector<16xf32>,
        %get3A_727 = arith.index_cast %scan3A_723 : i32 to index
        %get3A_728 = arith.constant 16 : index
        %get3A_729 = tpu.vector_load %arg9[%get3A_727, %get3A_728] {strides = array<i32>} : memref<64x128xf32, #tpu.memory_space<vmem>>, vector<16xf32>,
        %add3A_730 = vector.broadcast %scan3A_723 : i32 to vector<16xi32>
        %add3A_731 = arith.addi %broadcast_in_dim3A_558, %add3A_730 : vector<16xi32>
        tpu.vector_store_idx %arg6[%iota3A, %broadcast_in_dim3A_556, %add3A_731], %get3A_726 : memref<32x8x128xf32, #tpu.memory_space<vmem>>[vector<16xi32>, vector<16xi32>, vector<16xi32>], vector<16xf32>,
        tpu.vector_store_idx %arg6[%add3A_3, %broadcast_in_dim3A_556, %add3A_731], %get3A_729 : memref<32x8x128xf32, #tpu.memory_space<vmem>>[vector<16xi32>, vector<16xi32>, vector<16xi32>], vector<16xf32>,
        %scan3A_732 = arith.constant 2 : i32
        %scan3A_733 = arith.addi %scan3A_714, %scan3A_732 : i32
        %get3A_734 = arith.index_cast %scan3A_733 : i32 to index
        %get3A_735 = arith.constant 0 : index
        %get3A_736 = tpu.vector_load %arg9[%get3A_734, %get3A_735] {strides = array<i32>} : memref<64x128xf32, #tpu.memory_space<vmem>>, vector<16xf32>,
        %get3A_737 = arith.index_cast %scan3A_733 : i32 to index
        %get3A_738 = arith.constant 16 : index
        %get3A_739 = tpu.vector_load %arg9[%get3A_737, %get3A_738] {strides = array<i32>} : memref<64x128xf32, #tpu.memory_space<vmem>>, vector<16xf32>,
        %add3A_740 = vector.broadcast %scan3A_733 : i32 to vector<16xi32>
        %add3A_741 = arith.addi %broadcast_in_dim3A_558, %add3A_740 : vector<16xi32>
        tpu.vector_store_idx %arg6[%iota3A, %broadcast_in_dim3A_556, %add3A_741], %get3A_736 : memref<32x8x128xf32, #tpu.memory_space<vmem>>[vector<16xi32>, vector<16xi32>, vector<16xi32>], vector<16xf32>,
        tpu.vector_store_idx %arg6[%add3A_3, %broadcast_in_dim3A_556, %add3A_741], %get3A_739 : memref<32x8x128xf32, #tpu.memory_space<vmem>>[vector<16xi32>, vector<16xi32>, vector<16xi32>], vector<16xf32>,
        %scan3A_742 = arith.constant 3 : i32
        %scan3A_743 = arith.addi %scan3A_714, %scan3A_742 : i32
        %get3A_744 = arith.index_cast %scan3A_743 : i32 to index
        %get3A_745 = arith.constant 0 : index
        %get3A_746 = tpu.vector_load %arg9[%get3A_744, %get3A_745] {strides = array<i32>} : memref<64x128xf32, #tpu.memory_space<vmem>>, vector<16xf32>,
        %get3A_747 = arith.index_cast %scan3A_743 : i32 to index
        %get3A_748 = arith.constant 16 : index
        %get3A_749 = tpu.vector_load %arg9[%get3A_747, %get3A_748] {strides = array<i32>} : memref<64x128xf32, #tpu.memory_space<vmem>>, vector<16xf32>,
        %add3A_750 = vector.broadcast %scan3A_743 : i32 to vector<16xi32>
        %add3A_751 = arith.addi %broadcast_in_dim3A_558, %add3A_750 : vector<16xi32>
        tpu.vector_store_idx %arg6[%iota3A, %broadcast_in_dim3A_556, %add3A_751], %get3A_746 : memref<32x8x128xf32, #tpu.memory_space<vmem>>[vector<16xi32>, vector<16xi32>, vector<16xi32>], vector<16xf32>,
        tpu.vector_store_idx %arg6[%add3A_3, %broadcast_in_dim3A_556, %add3A_751], %get3A_749 : memref<32x8x128xf32, #tpu.memory_space<vmem>>[vector<16xi32>, vector<16xi32>, vector<16xi32>], vector<16xf32>,
      }
      %scan3A_564 = arith.constant 64 : i32
      %dma_start3A_565 = arith.constant 5 : i32
      %dma_start3A_566 = arith.constant 64 : i32
      %dma_start3A_567 = tpu.memref_slice %arg7[%dma_start3A_565, %dma_start3A_566] : memref<8x128xi32, #tpu.memory_space<vmem>> -> memref<1x64xi32, #tpu.memory_space<vmem>>
      %dma_start3A_568 = tpu.memref_squeeze %dma_start3A_567 : memref<1x64xi32, #tpu.memory_space<vmem>> -> memref<64xi32, #tpu.memory_space<vmem>>
      %dma_start3A_569 = arith.constant 0 : i32
      %dma_start3A_570 = arith.constant 0 : i32
      %dma_start3A_571 = tpu.memref_slice %arg3[%dma_start3A_569, %dma_start3A_570] : memref<100000x128xf32, #tpu.memory_space<hbm>> -> memref<100000x128xf32, #tpu.memory_space<hbm>>
      tpu.enqueue_indirect_dma source(%dma_start3A_571 : memref<100000x128xf32, #tpu.memory_space<hbm>>) target(%arg9 : memref<64x128xf32, #tpu.memory_space<vmem>>) offsets(%dma_start3A_568 : memref<64xi32, #tpu.memory_space<vmem>>) semaphore(%arg13 : memref<!tpu.dma_semaphore, #tpu.memory_space<semaphore_mem>>)
      %dma_wait3A_572 = arith.constant 5 : i32
      %dma_wait3A_573 = arith.constant 0 : i32
      %dma_wait3A_574 = tpu.memref_slice %arg7[%dma_wait3A_572, %dma_wait3A_573] : memref<8x128xi32, #tpu.memory_space<vmem>> -> memref<1x64xi32, #tpu.memory_space<vmem>>
      %dma_wait3A_575 = tpu.memref_squeeze %dma_wait3A_574 : memref<1x64xi32, #tpu.memory_space<vmem>> -> memref<64xi32, #tpu.memory_space<vmem>>
      %dma_wait3A_576 = arith.constant 0 : i32
      %dma_wait3A_577 = arith.constant 0 : i32
      %dma_wait3A_578 = tpu.memref_slice %arg3[%dma_wait3A_576, %dma_wait3A_577] : memref<100000x128xf32, #tpu.memory_space<hbm>> -> memref<100000x128xf32, #tpu.memory_space<hbm>>
      tpu.wait_indirect_dma semaphore(%arg12 : memref<!tpu.dma_semaphore, #tpu.memory_space<semaphore_mem>>) src(%dma_wait3A_578 : memref<100000x128xf32, #tpu.memory_space<hbm>>) dst(%arg8 : memref<64x128xf32, #tpu.memory_space<vmem>>)
      %broadcast_in_dim3A_579 = arith.constant 5 : i32
      %broadcast_in_dim3A_580 = vector.broadcast %broadcast_in_dim3A_579 : i32 to vector<16xi32>
      %broadcast_in_dim3A_581 = arith.constant 0 : i32
      %broadcast_in_dim3A_582 = vector.broadcast %broadcast_in_dim3A_581 : i32 to vector<16xi32>
      %scan3A_583 = arith.constant 0 : i32
      %scan3A_584 = arith.constant 0 : i32
      %scan3A_585 = arith.constant 64 : i32
      %scan3A_586 = arith.addi %scan3A_584, %scan3A_585 : i32
      %scan3A_587 = arith.constant 4 : i32
      scf.for %scan3A_714 = %scan3A_584 to %scan3A_586 step %scan3A_587  : i32 {
        %get3A = arith.index_cast %scan3A_714 : i32 to index
        %get3A_715 = arith.constant 0 : index
        %get3A_716 = tpu.vector_load %arg8[%get3A, %get3A_715] {strides = array<i32>} : memref<64x128xf32, #tpu.memory_space<vmem>>, vector<16xf32>,
        %get3A_717 = arith.index_cast %scan3A_714 : i32 to index
        %get3A_718 = arith.constant 16 : index
        %get3A_719 = tpu.vector_load %arg8[%get3A_717, %get3A_718] {strides = array<i32>} : memref<64x128xf32, #tpu.memory_space<vmem>>, vector<16xf32>,
        %add3A_720 = vector.broadcast %scan3A_714 : i32 to vector<16xi32>
        %add3A_721 = arith.addi %broadcast_in_dim3A_582, %add3A_720 : vector<16xi32>
        tpu.vector_store_idx %arg6[%iota3A, %broadcast_in_dim3A_580, %add3A_721], %get3A_716 : memref<32x8x128xf32, #tpu.memory_space<vmem>>[vector<16xi32>, vector<16xi32>, vector<16xi32>], vector<16xf32>,
        tpu.vector_store_idx %arg6[%add3A_3, %broadcast_in_dim3A_580, %add3A_721], %get3A_719 : memref<32x8x128xf32, #tpu.memory_space<vmem>>[vector<16xi32>, vector<16xi32>, vector<16xi32>], vector<16xf32>,
        %scan3A_722 = arith.constant 1 : i32
        %scan3A_723 = arith.addi %scan3A_714, %scan3A_722 : i32
        %get3A_724 = arith.index_cast %scan3A_723 : i32 to index
        %get3A_725 = arith.constant 0 : index
        %get3A_726 = tpu.vector_load %arg8[%get3A_724, %get3A_725] {strides = array<i32>} : memref<64x128xf32, #tpu.memory_space<vmem>>, vector<16xf32>,
        %get3A_727 = arith.index_cast %scan3A_723 : i32 to index
        %get3A_728 = arith.constant 16 : index
        %get3A_729 = tpu.vector_load %arg8[%get3A_727, %get3A_728] {strides = array<i32>} : memref<64x128xf32, #tpu.memory_space<vmem>>, vector<16xf32>,
        %add3A_730 = vector.broadcast %scan3A_723 : i32 to vector<16xi32>
        %add3A_731 = arith.addi %broadcast_in_dim3A_582, %add3A_730 : vector<16xi32>
        tpu.vector_store_idx %arg6[%iota3A, %broadcast_in_dim3A_580, %add3A_731], %get3A_726 : memref<32x8x128xf32, #tpu.memory_space<vmem>>[vector<16xi32>, vector<16xi32>, vector<16xi32>], vector<16xf32>,
        tpu.vector_store_idx %arg6[%add3A_3, %broadcast_in_dim3A_580, %add3A_731], %get3A_729 : memref<32x8x128xf32, #tpu.memory_space<vmem>>[vector<16xi32>, vector<16xi32>, vector<16xi32>], vector<16xf32>,
        %scan3A_732 = arith.constant 2 : i32
        %scan3A_733 = arith.addi %scan3A_714, %scan3A_732 : i32
        %get3A_734 = arith.index_cast %scan3A_733 : i32 to index
        %get3A_735 = arith.constant 0 : index
        %get3A_736 = tpu.vector_load %arg8[%get3A_734, %get3A_735] {strides = array<i32>} : memref<64x128xf32, #tpu.memory_space<vmem>>, vector<16xf32>,
        %get3A_737 = arith.index_cast %scan3A_733 : i32 to index
        %get3A_738 = arith.constant 16 : index
        %get3A_739 = tpu.vector_load %arg8[%get3A_737, %get3A_738] {strides = array<i32>} : memref<64x128xf32, #tpu.memory_space<vmem>>, vector<16xf32>,
        %add3A_740 = vector.broadcast %scan3A_733 : i32 to vector<16xi32>
        %add3A_741 = arith.addi %broadcast_in_dim3A_582, %add3A_740 : vector<16xi32>
        tpu.vector_store_idx %arg6[%iota3A, %broadcast_in_dim3A_580, %add3A_741], %get3A_736 : memref<32x8x128xf32, #tpu.memory_space<vmem>>[vector<16xi32>, vector<16xi32>, vector<16xi32>], vector<16xf32>,
        tpu.vector_store_idx %arg6[%add3A_3, %broadcast_in_dim3A_580, %add3A_741], %get3A_739 : memref<32x8x128xf32, #tpu.memory_space<vmem>>[vector<16xi32>, vector<16xi32>, vector<16xi32>], vector<16xf32>,
        %scan3A_742 = arith.constant 3 : i32
        %scan3A_743 = arith.addi %scan3A_714, %scan3A_742 : i32
        %get3A_744 = arith.index_cast %scan3A_743 : i32 to index
        %get3A_745 = arith.constant 0 : index
        %get3A_746 = tpu.vector_load %arg8[%get3A_744, %get3A_745] {strides = array<i32>} : memref<64x128xf32, #tpu.memory_space<vmem>>, vector<16xf32>,
        %get3A_747 = arith.index_cast %scan3A_743 : i32 to index
        %get3A_748 = arith.constant 16 : index
        %get3A_749 = tpu.vector_load %arg8[%get3A_747, %get3A_748] {strides = array<i32>} : memref<64x128xf32, #tpu.memory_space<vmem>>, vector<16xf32>,
        %add3A_750 = vector.broadcast %scan3A_743 : i32 to vector<16xi32>
        %add3A_751 = arith.addi %broadcast_in_dim3A_582, %add3A_750 : vector<16xi32>
        tpu.vector_store_idx %arg6[%iota3A, %broadcast_in_dim3A_580, %add3A_751], %get3A_746 : memref<32x8x128xf32, #tpu.memory_space<vmem>>[vector<16xi32>, vector<16xi32>, vector<16xi32>], vector<16xf32>,
        tpu.vector_store_idx %arg6[%add3A_3, %broadcast_in_dim3A_580, %add3A_751], %get3A_749 : memref<32x8x128xf32, #tpu.memory_space<vmem>>[vector<16xi32>, vector<16xi32>, vector<16xi32>], vector<16xf32>,
      }
      %scan3A_588 = arith.constant 64 : i32
      %dma_start3A_589 = arith.constant 6 : i32
      %dma_start3A_590 = arith.constant 0 : i32
      %dma_start3A_591 = tpu.memref_slice %arg7[%dma_start3A_589, %dma_start3A_590] : memref<8x128xi32, #tpu.memory_space<vmem>> -> memref<1x64xi32, #tpu.memory_space<vmem>>
      %dma_start3A_592 = tpu.memref_squeeze %dma_start3A_591 : memref<1x64xi32, #tpu.memory_space<vmem>> -> memref<64xi32, #tpu.memory_space<vmem>>
      %dma_start3A_593 = arith.constant 0 : i32
      %dma_start3A_594 = arith.constant 0 : i32
      %dma_start3A_595 = tpu.memref_slice %arg3[%dma_start3A_593, %dma_start3A_594] : memref<100000x128xf32, #tpu.memory_space<hbm>> -> memref<100000x128xf32, #tpu.memory_space<hbm>>
      tpu.enqueue_indirect_dma source(%dma_start3A_595 : memref<100000x128xf32, #tpu.memory_space<hbm>>) target(%arg8 : memref<64x128xf32, #tpu.memory_space<vmem>>) offsets(%dma_start3A_592 : memref<64xi32, #tpu.memory_space<vmem>>) semaphore(%arg12 : memref<!tpu.dma_semaphore, #tpu.memory_space<semaphore_mem>>)
      %dma_wait3A_596 = arith.constant 5 : i32
      %dma_wait3A_597 = arith.constant 64 : i32
      %dma_wait3A_598 = tpu.memref_slice %arg7[%dma_wait3A_596, %dma_wait3A_597] : memref<8x128xi32, #tpu.memory_space<vmem>> -> memref<1x64xi32, #tpu.memory_space<vmem>>
      %dma_wait3A_599 = tpu.memref_squeeze %dma_wait3A_598 : memref<1x64xi32, #tpu.memory_space<vmem>> -> memref<64xi32, #tpu.memory_space<vmem>>
      %dma_wait3A_600 = arith.constant 0 : i32
      %dma_wait3A_601 = arith.constant 0 : i32
      %dma_wait3A_602 = tpu.memref_slice %arg3[%dma_wait3A_600, %dma_wait3A_601] : memref<100000x128xf32, #tpu.memory_space<hbm>> -> memref<100000x128xf32, #tpu.memory_space<hbm>>
      tpu.wait_indirect_dma semaphore(%arg13 : memref<!tpu.dma_semaphore, #tpu.memory_space<semaphore_mem>>) src(%dma_wait3A_602 : memref<100000x128xf32, #tpu.memory_space<hbm>>) dst(%arg9 : memref<64x128xf32, #tpu.memory_space<vmem>>)
      %broadcast_in_dim3A_603 = arith.constant 5 : i32
      %broadcast_in_dim3A_604 = vector.broadcast %broadcast_in_dim3A_603 : i32 to vector<16xi32>
      %broadcast_in_dim3A_605 = arith.constant 64 : i32
      %broadcast_in_dim3A_606 = vector.broadcast %broadcast_in_dim3A_605 : i32 to vector<16xi32>
      %scan3A_607 = arith.constant 0 : i32
      %scan3A_608 = arith.constant 0 : i32
      %scan3A_609 = arith.constant 64 : i32
      %scan3A_610 = arith.addi %scan3A_608, %scan3A_609 : i32
      %scan3A_611 = arith.constant 4 : i32
      scf.for %scan3A_714 = %scan3A_608 to %scan3A_610 step %scan3A_611  : i32 {
        %get3A = arith.index_cast %scan3A_714 : i32 to index
        %get3A_715 = arith.constant 0 : index
        %get3A_716 = tpu.vector_load %arg9[%get3A, %get3A_715] {strides = array<i32>} : memref<64x128xf32, #tpu.memory_space<vmem>>, vector<16xf32>,
        %get3A_717 = arith.index_cast %scan3A_714 : i32 to index
        %get3A_718 = arith.constant 16 : index
        %get3A_719 = tpu.vector_load %arg9[%get3A_717, %get3A_718] {strides = array<i32>} : memref<64x128xf32, #tpu.memory_space<vmem>>, vector<16xf32>,
        %add3A_720 = vector.broadcast %scan3A_714 : i32 to vector<16xi32>
        %add3A_721 = arith.addi %broadcast_in_dim3A_606, %add3A_720 : vector<16xi32>
        tpu.vector_store_idx %arg6[%iota3A, %broadcast_in_dim3A_604, %add3A_721], %get3A_716 : memref<32x8x128xf32, #tpu.memory_space<vmem>>[vector<16xi32>, vector<16xi32>, vector<16xi32>], vector<16xf32>,
        tpu.vector_store_idx %arg6[%add3A_3, %broadcast_in_dim3A_604, %add3A_721], %get3A_719 : memref<32x8x128xf32, #tpu.memory_space<vmem>>[vector<16xi32>, vector<16xi32>, vector<16xi32>], vector<16xf32>,
        %scan3A_722 = arith.constant 1 : i32
        %scan3A_723 = arith.addi %scan3A_714, %scan3A_722 : i32
        %get3A_724 = arith.index_cast %scan3A_723 : i32 to index
        %get3A_725 = arith.constant 0 : index
        %get3A_726 = tpu.vector_load %arg9[%get3A_724, %get3A_725] {strides = array<i32>} : memref<64x128xf32, #tpu.memory_space<vmem>>, vector<16xf32>,
        %get3A_727 = arith.index_cast %scan3A_723 : i32 to index
        %get3A_728 = arith.constant 16 : index
        %get3A_729 = tpu.vector_load %arg9[%get3A_727, %get3A_728] {strides = array<i32>} : memref<64x128xf32, #tpu.memory_space<vmem>>, vector<16xf32>,
        %add3A_730 = vector.broadcast %scan3A_723 : i32 to vector<16xi32>
        %add3A_731 = arith.addi %broadcast_in_dim3A_606, %add3A_730 : vector<16xi32>
        tpu.vector_store_idx %arg6[%iota3A, %broadcast_in_dim3A_604, %add3A_731], %get3A_726 : memref<32x8x128xf32, #tpu.memory_space<vmem>>[vector<16xi32>, vector<16xi32>, vector<16xi32>], vector<16xf32>,
        tpu.vector_store_idx %arg6[%add3A_3, %broadcast_in_dim3A_604, %add3A_731], %get3A_729 : memref<32x8x128xf32, #tpu.memory_space<vmem>>[vector<16xi32>, vector<16xi32>, vector<16xi32>], vector<16xf32>,
        %scan3A_732 = arith.constant 2 : i32
        %scan3A_733 = arith.addi %scan3A_714, %scan3A_732 : i32
        %get3A_734 = arith.index_cast %scan3A_733 : i32 to index
        %get3A_735 = arith.constant 0 : index
        %get3A_736 = tpu.vector_load %arg9[%get3A_734, %get3A_735] {strides = array<i32>} : memref<64x128xf32, #tpu.memory_space<vmem>>, vector<16xf32>,
        %get3A_737 = arith.index_cast %scan3A_733 : i32 to index
        %get3A_738 = arith.constant 16 : index
        %get3A_739 = tpu.vector_load %arg9[%get3A_737, %get3A_738] {strides = array<i32>} : memref<64x128xf32, #tpu.memory_space<vmem>>, vector<16xf32>,
        %add3A_740 = vector.broadcast %scan3A_733 : i32 to vector<16xi32>
        %add3A_741 = arith.addi %broadcast_in_dim3A_606, %add3A_740 : vector<16xi32>
        tpu.vector_store_idx %arg6[%iota3A, %broadcast_in_dim3A_604, %add3A_741], %get3A_736 : memref<32x8x128xf32, #tpu.memory_space<vmem>>[vector<16xi32>, vector<16xi32>, vector<16xi32>], vector<16xf32>,
        tpu.vector_store_idx %arg6[%add3A_3, %broadcast_in_dim3A_604, %add3A_741], %get3A_739 : memref<32x8x128xf32, #tpu.memory_space<vmem>>[vector<16xi32>, vector<16xi32>, vector<16xi32>], vector<16xf32>,
        %scan3A_742 = arith.constant 3 : i32
        %scan3A_743 = arith.addi %scan3A_714, %scan3A_742 : i32
        %get3A_744 = arith.index_cast %scan3A_743 : i32 to index
        %get3A_745 = arith.constant 0 : index
        %get3A_746 = tpu.vector_load %arg9[%get3A_744, %get3A_745] {strides = array<i32>} : memref<64x128xf32, #tpu.memory_space<vmem>>, vector<16xf32>,
        %get3A_747 = arith.index_cast %scan3A_743 : i32 to index
        %get3A_748 = arith.constant 16 : index
        %get3A_749 = tpu.vector_load %arg9[%get3A_747, %get3A_748] {strides = array<i32>} : memref<64x128xf32, #tpu.memory_space<vmem>>, vector<16xf32>,
        %add3A_750 = vector.broadcast %scan3A_743 : i32 to vector<16xi32>
        %add3A_751 = arith.addi %broadcast_in_dim3A_606, %add3A_750 : vector<16xi32>
        tpu.vector_store_idx %arg6[%iota3A, %broadcast_in_dim3A_604, %add3A_751], %get3A_746 : memref<32x8x128xf32, #tpu.memory_space<vmem>>[vector<16xi32>, vector<16xi32>, vector<16xi32>], vector<16xf32>,
        tpu.vector_store_idx %arg6[%add3A_3, %broadcast_in_dim3A_604, %add3A_751], %get3A_749 : memref<32x8x128xf32, #tpu.memory_space<vmem>>[vector<16xi32>, vector<16xi32>, vector<16xi32>], vector<16xf32>,
      }
      %scan3A_612 = arith.constant 64 : i32
      %dma_start3A_613 = arith.constant 6 : i32
      %dma_start3A_614 = arith.constant 64 : i32
      %dma_start3A_615 = tpu.memref_slice %arg7[%dma_start3A_613, %dma_start3A_614] : memref<8x128xi32, #tpu.memory_space<vmem>> -> memref<1x64xi32, #tpu.memory_space<vmem>>
      %dma_start3A_616 = tpu.memref_squeeze %dma_start3A_615 : memref<1x64xi32, #tpu.memory_space<vmem>> -> memref<64xi32, #tpu.memory_space<vmem>>
      %dma_start3A_617 = arith.constant 0 : i32
      %dma_start3A_618 = arith.constant 0 : i32
      %dma_start3A_619 = tpu.memref_slice %arg3[%dma_start3A_617, %dma_start3A_618] : memref<100000x128xf32, #tpu.memory_space<hbm>> -> memref<100000x128xf32, #tpu.memory_space<hbm>>
      tpu.enqueue_indirect_dma source(%dma_start3A_619 : memref<100000x128xf32, #tpu.memory_space<hbm>>) target(%arg9 : memref<64x128xf32, #tpu.memory_space<vmem>>) offsets(%dma_start3A_616 : memref<64xi32, #tpu.memory_space<vmem>>) semaphore(%arg13 : memref<!tpu.dma_semaphore, #tpu.memory_space<semaphore_mem>>)
      %dma_wait3A_620 = arith.constant 6 : i32
      %dma_wait3A_621 = arith.constant 0 : i32
      %dma_wait3A_622 = tpu.memref_slice %arg7[%dma_wait3A_620, %dma_wait3A_621] : memref<8x128xi32, #tpu.memory_space<vmem>> -> memref<1x64xi32, #tpu.memory_space<vmem>>
      %dma_wait3A_623 = tpu.memref_squeeze %dma_wait3A_622 : memref<1x64xi32, #tpu.memory_space<vmem>> -> memref<64xi32, #tpu.memory_space<vmem>>
      %dma_wait3A_624 = arith.constant 0 : i32
      %dma_wait3A_625 = arith.constant 0 : i32
      %dma_wait3A_626 = tpu.memref_slice %arg3[%dma_wait3A_624, %dma_wait3A_625] : memref<100000x128xf32, #tpu.memory_space<hbm>> -> memref<100000x128xf32, #tpu.memory_space<hbm>>
      tpu.wait_indirect_dma semaphore(%arg12 : memref<!tpu.dma_semaphore, #tpu.memory_space<semaphore_mem>>) src(%dma_wait3A_626 : memref<100000x128xf32, #tpu.memory_space<hbm>>) dst(%arg8 : memref<64x128xf32, #tpu.memory_space<vmem>>)
      %broadcast_in_dim3A_627 = arith.constant 6 : i32
      %broadcast_in_dim3A_628 = vector.broadcast %broadcast_in_dim3A_627 : i32 to vector<16xi32>
      %broadcast_in_dim3A_629 = arith.constant 0 : i32
      %broadcast_in_dim3A_630 = vector.broadcast %broadcast_in_dim3A_629 : i32 to vector<16xi32>
      %scan3A_631 = arith.constant 0 : i32
      %scan3A_632 = arith.constant 0 : i32
      %scan3A_633 = arith.constant 64 : i32
      %scan3A_634 = arith.addi %scan3A_632, %scan3A_633 : i32
      %scan3A_635 = arith.constant 4 : i32
      scf.for %scan3A_714 = %scan3A_632 to %scan3A_634 step %scan3A_635  : i32 {
        %get3A = arith.index_cast %scan3A_714 : i32 to index
        %get3A_715 = arith.constant 0 : index
        %get3A_716 = tpu.vector_load %arg8[%get3A, %get3A_715] {strides = array<i32>} : memref<64x128xf32, #tpu.memory_space<vmem>>, vector<16xf32>,
        %get3A_717 = arith.index_cast %scan3A_714 : i32 to index
        %get3A_718 = arith.constant 16 : index
        %get3A_719 = tpu.vector_load %arg8[%get3A_717, %get3A_718] {strides = array<i32>} : memref<64x128xf32, #tpu.memory_space<vmem>>, vector<16xf32>,
        %add3A_720 = vector.broadcast %scan3A_714 : i32 to vector<16xi32>
        %add3A_721 = arith.addi %broadcast_in_dim3A_630, %add3A_720 : vector<16xi32>
        tpu.vector_store_idx %arg6[%iota3A, %broadcast_in_dim3A_628, %add3A_721], %get3A_716 : memref<32x8x128xf32, #tpu.memory_space<vmem>>[vector<16xi32>, vector<16xi32>, vector<16xi32>], vector<16xf32>,
        tpu.vector_store_idx %arg6[%add3A_3, %broadcast_in_dim3A_628, %add3A_721], %get3A_719 : memref<32x8x128xf32, #tpu.memory_space<vmem>>[vector<16xi32>, vector<16xi32>, vector<16xi32>], vector<16xf32>,
        %scan3A_722 = arith.constant 1 : i32
        %scan3A_723 = arith.addi %scan3A_714, %scan3A_722 : i32
        %get3A_724 = arith.index_cast %scan3A_723 : i32 to index
        %get3A_725 = arith.constant 0 : index
        %get3A_726 = tpu.vector_load %arg8[%get3A_724, %get3A_725] {strides = array<i32>} : memref<64x128xf32, #tpu.memory_space<vmem>>, vector<16xf32>,
        %get3A_727 = arith.index_cast %scan3A_723 : i32 to index
        %get3A_728 = arith.constant 16 : index
        %get3A_729 = tpu.vector_load %arg8[%get3A_727, %get3A_728] {strides = array<i32>} : memref<64x128xf32, #tpu.memory_space<vmem>>, vector<16xf32>,
        %add3A_730 = vector.broadcast %scan3A_723 : i32 to vector<16xi32>
        %add3A_731 = arith.addi %broadcast_in_dim3A_630, %add3A_730 : vector<16xi32>
        tpu.vector_store_idx %arg6[%iota3A, %broadcast_in_dim3A_628, %add3A_731], %get3A_726 : memref<32x8x128xf32, #tpu.memory_space<vmem>>[vector<16xi32>, vector<16xi32>, vector<16xi32>], vector<16xf32>,
        tpu.vector_store_idx %arg6[%add3A_3, %broadcast_in_dim3A_628, %add3A_731], %get3A_729 : memref<32x8x128xf32, #tpu.memory_space<vmem>>[vector<16xi32>, vector<16xi32>, vector<16xi32>], vector<16xf32>,
        %scan3A_732 = arith.constant 2 : i32
        %scan3A_733 = arith.addi %scan3A_714, %scan3A_732 : i32
        %get3A_734 = arith.index_cast %scan3A_733 : i32 to index
        %get3A_735 = arith.constant 0 : index
        %get3A_736 = tpu.vector_load %arg8[%get3A_734, %get3A_735] {strides = array<i32>} : memref<64x128xf32, #tpu.memory_space<vmem>>, vector<16xf32>,
        %get3A_737 = arith.index_cast %scan3A_733 : i32 to index
        %get3A_738 = arith.constant 16 : index
        %get3A_739 = tpu.vector_load %arg8[%get3A_737, %get3A_738] {strides = array<i32>} : memref<64x128xf32, #tpu.memory_space<vmem>>, vector<16xf32>,
        %add3A_740 = vector.broadcast %scan3A_733 : i32 to vector<16xi32>
        %add3A_741 = arith.addi %broadcast_in_dim3A_630, %add3A_740 : vector<16xi32>
        tpu.vector_store_idx %arg6[%iota3A, %broadcast_in_dim3A_628, %add3A_741], %get3A_736 : memref<32x8x128xf32, #tpu.memory_space<vmem>>[vector<16xi32>, vector<16xi32>, vector<16xi32>], vector<16xf32>,
        tpu.vector_store_idx %arg6[%add3A_3, %broadcast_in_dim3A_628, %add3A_741], %get3A_739 : memref<32x8x128xf32, #tpu.memory_space<vmem>>[vector<16xi32>, vector<16xi32>, vector<16xi32>], vector<16xf32>,
        %scan3A_742 = arith.constant 3 : i32
        %scan3A_743 = arith.addi %scan3A_714, %scan3A_742 : i32
        %get3A_744 = arith.index_cast %scan3A_743 : i32 to index
        %get3A_745 = arith.constant 0 : index
        %get3A_746 = tpu.vector_load %arg8[%get3A_744, %get3A_745] {strides = array<i32>} : memref<64x128xf32, #tpu.memory_space<vmem>>, vector<16xf32>,
        %get3A_747 = arith.index_cast %scan3A_743 : i32 to index
        %get3A_748 = arith.constant 16 : index
        %get3A_749 = tpu.vector_load %arg8[%get3A_747, %get3A_748] {strides = array<i32>} : memref<64x128xf32, #tpu.memory_space<vmem>>, vector<16xf32>,
        %add3A_750 = vector.broadcast %scan3A_743 : i32 to vector<16xi32>
        %add3A_751 = arith.addi %broadcast_in_dim3A_630, %add3A_750 : vector<16xi32>
        tpu.vector_store_idx %arg6[%iota3A, %broadcast_in_dim3A_628, %add3A_751], %get3A_746 : memref<32x8x128xf32, #tpu.memory_space<vmem>>[vector<16xi32>, vector<16xi32>, vector<16xi32>], vector<16xf32>,
        tpu.vector_store_idx %arg6[%add3A_3, %broadcast_in_dim3A_628, %add3A_751], %get3A_749 : memref<32x8x128xf32, #tpu.memory_space<vmem>>[vector<16xi32>, vector<16xi32>, vector<16xi32>], vector<16xf32>,
      }
      %scan3A_636 = arith.constant 64 : i32
      %dma_start3A_637 = arith.constant 7 : i32
      %dma_start3A_638 = arith.constant 0 : i32
      %dma_start3A_639 = tpu.memref_slice %arg7[%dma_start3A_637, %dma_start3A_638] : memref<8x128xi32, #tpu.memory_space<vmem>> -> memref<1x64xi32, #tpu.memory_space<vmem>>
      %dma_start3A_640 = tpu.memref_squeeze %dma_start3A_639 : memref<1x64xi32, #tpu.memory_space<vmem>> -> memref<64xi32, #tpu.memory_space<vmem>>
      %dma_start3A_641 = arith.constant 0 : i32
      %dma_start3A_642 = arith.constant 0 : i32
      %dma_start3A_643 = tpu.memref_slice %arg3[%dma_start3A_641, %dma_start3A_642] : memref<100000x128xf32, #tpu.memory_space<hbm>> -> memref<100000x128xf32, #tpu.memory_space<hbm>>
      tpu.enqueue_indirect_dma source(%dma_start3A_643 : memref<100000x128xf32, #tpu.memory_space<hbm>>) target(%arg8 : memref<64x128xf32, #tpu.memory_space<vmem>>) offsets(%dma_start3A_640 : memref<64xi32, #tpu.memory_space<vmem>>) semaphore(%arg12 : memref<!tpu.dma_semaphore, #tpu.memory_space<semaphore_mem>>)
      %dma_wait3A_644 = arith.constant 6 : i32
      %dma_wait3A_645 = arith.constant 64 : i32
      %dma_wait3A_646 = tpu.memref_slice %arg7[%dma_wait3A_644, %dma_wait3A_645] : memref<8x128xi32, #tpu.memory_space<vmem>> -> memref<1x64xi32, #tpu.memory_space<vmem>>
      %dma_wait3A_647 = tpu.memref_squeeze %dma_wait3A_646 : memref<1x64xi32, #tpu.memory_space<vmem>> -> memref<64xi32, #tpu.memory_space<vmem>>
      %dma_wait3A_648 = arith.constant 0 : i32
      %dma_wait3A_649 = arith.constant 0 : i32
      %dma_wait3A_650 = tpu.memref_slice %arg3[%dma_wait3A_648, %dma_wait3A_649] : memref<100000x128xf32, #tpu.memory_space<hbm>> -> memref<100000x128xf32, #tpu.memory_space<hbm>>
      tpu.wait_indirect_dma semaphore(%arg13 : memref<!tpu.dma_semaphore, #tpu.memory_space<semaphore_mem>>) src(%dma_wait3A_650 : memref<100000x128xf32, #tpu.memory_space<hbm>>) dst(%arg9 : memref<64x128xf32, #tpu.memory_space<vmem>>)
      %broadcast_in_dim3A_651 = arith.constant 6 : i32
      %broadcast_in_dim3A_652 = vector.broadcast %broadcast_in_dim3A_651 : i32 to vector<16xi32>
      %broadcast_in_dim3A_653 = arith.constant 64 : i32
      %broadcast_in_dim3A_654 = vector.broadcast %broadcast_in_dim3A_653 : i32 to vector<16xi32>
      %scan3A_655 = arith.constant 0 : i32
      %scan3A_656 = arith.constant 0 : i32
      %scan3A_657 = arith.constant 64 : i32
      %scan3A_658 = arith.addi %scan3A_656, %scan3A_657 : i32
      %scan3A_659 = arith.constant 4 : i32
      scf.for %scan3A_714 = %scan3A_656 to %scan3A_658 step %scan3A_659  : i32 {
        %get3A = arith.index_cast %scan3A_714 : i32 to index
        %get3A_715 = arith.constant 0 : index
        %get3A_716 = tpu.vector_load %arg9[%get3A, %get3A_715] {strides = array<i32>} : memref<64x128xf32, #tpu.memory_space<vmem>>, vector<16xf32>,
        %get3A_717 = arith.index_cast %scan3A_714 : i32 to index
        %get3A_718 = arith.constant 16 : index
        %get3A_719 = tpu.vector_load %arg9[%get3A_717, %get3A_718] {strides = array<i32>} : memref<64x128xf32, #tpu.memory_space<vmem>>, vector<16xf32>,
        %add3A_720 = vector.broadcast %scan3A_714 : i32 to vector<16xi32>
        %add3A_721 = arith.addi %broadcast_in_dim3A_654, %add3A_720 : vector<16xi32>
        tpu.vector_store_idx %arg6[%iota3A, %broadcast_in_dim3A_652, %add3A_721], %get3A_716 : memref<32x8x128xf32, #tpu.memory_space<vmem>>[vector<16xi32>, vector<16xi32>, vector<16xi32>], vector<16xf32>,
        tpu.vector_store_idx %arg6[%add3A_3, %broadcast_in_dim3A_652, %add3A_721], %get3A_719 : memref<32x8x128xf32, #tpu.memory_space<vmem>>[vector<16xi32>, vector<16xi32>, vector<16xi32>], vector<16xf32>,
        %scan3A_722 = arith.constant 1 : i32
        %scan3A_723 = arith.addi %scan3A_714, %scan3A_722 : i32
        %get3A_724 = arith.index_cast %scan3A_723 : i32 to index
        %get3A_725 = arith.constant 0 : index
        %get3A_726 = tpu.vector_load %arg9[%get3A_724, %get3A_725] {strides = array<i32>} : memref<64x128xf32, #tpu.memory_space<vmem>>, vector<16xf32>,
        %get3A_727 = arith.index_cast %scan3A_723 : i32 to index
        %get3A_728 = arith.constant 16 : index
        %get3A_729 = tpu.vector_load %arg9[%get3A_727, %get3A_728] {strides = array<i32>} : memref<64x128xf32, #tpu.memory_space<vmem>>, vector<16xf32>,
        %add3A_730 = vector.broadcast %scan3A_723 : i32 to vector<16xi32>
        %add3A_731 = arith.addi %broadcast_in_dim3A_654, %add3A_730 : vector<16xi32>
        tpu.vector_store_idx %arg6[%iota3A, %broadcast_in_dim3A_652, %add3A_731], %get3A_726 : memref<32x8x128xf32, #tpu.memory_space<vmem>>[vector<16xi32>, vector<16xi32>, vector<16xi32>], vector<16xf32>,
        tpu.vector_store_idx %arg6[%add3A_3, %broadcast_in_dim3A_652, %add3A_731], %get3A_729 : memref<32x8x128xf32, #tpu.memory_space<vmem>>[vector<16xi32>, vector<16xi32>, vector<16xi32>], vector<16xf32>,
        %scan3A_732 = arith.constant 2 : i32
        %scan3A_733 = arith.addi %scan3A_714, %scan3A_732 : i32
        %get3A_734 = arith.index_cast %scan3A_733 : i32 to index
        %get3A_735 = arith.constant 0 : index
        %get3A_736 = tpu.vector_load %arg9[%get3A_734, %get3A_735] {strides = array<i32>} : memref<64x128xf32, #tpu.memory_space<vmem>>, vector<16xf32>,
        %get3A_737 = arith.index_cast %scan3A_733 : i32 to index
        %get3A_738 = arith.constant 16 : index
        %get3A_739 = tpu.vector_load %arg9[%get3A_737, %get3A_738] {strides = array<i32>} : memref<64x128xf32, #tpu.memory_space<vmem>>, vector<16xf32>,
        %add3A_740 = vector.broadcast %scan3A_733 : i32 to vector<16xi32>
        %add3A_741 = arith.addi %broadcast_in_dim3A_654, %add3A_740 : vector<16xi32>
        tpu.vector_store_idx %arg6[%iota3A, %broadcast_in_dim3A_652, %add3A_741], %get3A_736 : memref<32x8x128xf32, #tpu.memory_space<vmem>>[vector<16xi32>, vector<16xi32>, vector<16xi32>], vector<16xf32>,
        tpu.vector_store_idx %arg6[%add3A_3, %broadcast_in_dim3A_652, %add3A_741], %get3A_739 : memref<32x8x128xf32, #tpu.memory_space<vmem>>[vector<16xi32>, vector<16xi32>, vector<16xi32>], vector<16xf32>,
        %scan3A_742 = arith.constant 3 : i32
        %scan3A_743 = arith.addi %scan3A_714, %scan3A_742 : i32
        %get3A_744 = arith.index_cast %scan3A_743 : i32 to index
        %get3A_745 = arith.constant 0 : index
        %get3A_746 = tpu.vector_load %arg9[%get3A_744, %get3A_745] {strides = array<i32>} : memref<64x128xf32, #tpu.memory_space<vmem>>, vector<16xf32>,
        %get3A_747 = arith.index_cast %scan3A_743 : i32 to index
        %get3A_748 = arith.constant 16 : index
        %get3A_749 = tpu.vector_load %arg9[%get3A_747, %get3A_748] {strides = array<i32>} : memref<64x128xf32, #tpu.memory_space<vmem>>, vector<16xf32>,
        %add3A_750 = vector.broadcast %scan3A_743 : i32 to vector<16xi32>
        %add3A_751 = arith.addi %broadcast_in_dim3A_654, %add3A_750 : vector<16xi32>
        tpu.vector_store_idx %arg6[%iota3A, %broadcast_in_dim3A_652, %add3A_751], %get3A_746 : memref<32x8x128xf32, #tpu.memory_space<vmem>>[vector<16xi32>, vector<16xi32>, vector<16xi32>], vector<16xf32>,
        tpu.vector_store_idx %arg6[%add3A_3, %broadcast_in_dim3A_652, %add3A_751], %get3A_749 : memref<32x8x128xf32, #tpu.memory_space<vmem>>[vector<16xi32>, vector<16xi32>, vector<16xi32>], vector<16xf32>,
      }
      %scan3A_660 = arith.constant 64 : i32
      %dma_start3A_661 = arith.constant 7 : i32
      %dma_start3A_662 = arith.constant 64 : i32
      %dma_start3A_663 = tpu.memref_slice %arg7[%dma_start3A_661, %dma_start3A_662] : memref<8x128xi32, #tpu.memory_space<vmem>> -> memref<1x64xi32, #tpu.memory_space<vmem>>
      %dma_start3A_664 = tpu.memref_squeeze %dma_start3A_663 : memref<1x64xi32, #tpu.memory_space<vmem>> -> memref<64xi32, #tpu.memory_space<vmem>>
      %dma_start3A_665 = arith.constant 0 : i32
      %dma_start3A_666 = arith.constant 0 : i32
      %dma_start3A_667 = tpu.memref_slice %arg3[%dma_start3A_665, %dma_start3A_666] : memref<100000x128xf32, #tpu.memory_space<hbm>> -> memref<100000x128xf32, #tpu.memory_space<hbm>>
      tpu.enqueue_indirect_dma source(%dma_start3A_667 : memref<100000x128xf32, #tpu.memory_space<hbm>>) target(%arg9 : memref<64x128xf32, #tpu.memory_space<vmem>>) offsets(%dma_start3A_664 : memref<64xi32, #tpu.memory_space<vmem>>) semaphore(%arg13 : memref<!tpu.dma_semaphore, #tpu.memory_space<semaphore_mem>>)
      %dma_wait3A_668 = arith.constant 7 : i32
      %dma_wait3A_669 = arith.constant 0 : i32
      %dma_wait3A_670 = tpu.memref_slice %arg7[%dma_wait3A_668, %dma_wait3A_669] : memref<8x128xi32, #tpu.memory_space<vmem>> -> memref<1x64xi32, #tpu.memory_space<vmem>>
      %dma_wait3A_671 = tpu.memref_squeeze %dma_wait3A_670 : memref<1x64xi32, #tpu.memory_space<vmem>> -> memref<64xi32, #tpu.memory_space<vmem>>
      %dma_wait3A_672 = arith.constant 0 : i32
      %dma_wait3A_673 = arith.constant 0 : i32
      %dma_wait3A_674 = tpu.memref_slice %arg3[%dma_wait3A_672, %dma_wait3A_673] : memref<100000x128xf32, #tpu.memory_space<hbm>> -> memref<100000x128xf32, #tpu.memory_space<hbm>>
      tpu.wait_indirect_dma semaphore(%arg12 : memref<!tpu.dma_semaphore, #tpu.memory_space<semaphore_mem>>) src(%dma_wait3A_674 : memref<100000x128xf32, #tpu.memory_space<hbm>>) dst(%arg8 : memref<64x128xf32, #tpu.memory_space<vmem>>)
      %broadcast_in_dim3A_675 = arith.constant 7 : i32
      %broadcast_in_dim3A_676 = vector.broadcast %broadcast_in_dim3A_675 : i32 to vector<16xi32>
      %broadcast_in_dim3A_677 = arith.constant 0 : i32
      %broadcast_in_dim3A_678 = vector.broadcast %broadcast_in_dim3A_677 : i32 to vector<16xi32>
      %scan3A_679 = arith.constant 0 : i32
      %scan3A_680 = arith.constant 0 : i32
      %scan3A_681 = arith.constant 64 : i32
      %scan3A_682 = arith.addi %scan3A_680, %scan3A_681 : i32
      %scan3A_683 = arith.constant 4 : i32
      scf.for %scan3A_714 = %scan3A_680 to %scan3A_682 step %scan3A_683  : i32 {
        %get3A = arith.index_cast %scan3A_714 : i32 to index
        %get3A_715 = arith.constant 0 : index
        %get3A_716 = tpu.vector_load %arg8[%get3A, %get3A_715] {strides = array<i32>} : memref<64x128xf32, #tpu.memory_space<vmem>>, vector<16xf32>,
        %get3A_717 = arith.index_cast %scan3A_714 : i32 to index
        %get3A_718 = arith.constant 16 : index
        %get3A_719 = tpu.vector_load %arg8[%get3A_717, %get3A_718] {strides = array<i32>} : memref<64x128xf32, #tpu.memory_space<vmem>>, vector<16xf32>,
        %add3A_720 = vector.broadcast %scan3A_714 : i32 to vector<16xi32>
        %add3A_721 = arith.addi %broadcast_in_dim3A_678, %add3A_720 : vector<16xi32>
        tpu.vector_store_idx %arg6[%iota3A, %broadcast_in_dim3A_676, %add3A_721], %get3A_716 : memref<32x8x128xf32, #tpu.memory_space<vmem>>[vector<16xi32>, vector<16xi32>, vector<16xi32>], vector<16xf32>,
        tpu.vector_store_idx %arg6[%add3A_3, %broadcast_in_dim3A_676, %add3A_721], %get3A_719 : memref<32x8x128xf32, #tpu.memory_space<vmem>>[vector<16xi32>, vector<16xi32>, vector<16xi32>], vector<16xf32>,
        %scan3A_722 = arith.constant 1 : i32
        %scan3A_723 = arith.addi %scan3A_714, %scan3A_722 : i32
        %get3A_724 = arith.index_cast %scan3A_723 : i32 to index
        %get3A_725 = arith.constant 0 : index
        %get3A_726 = tpu.vector_load %arg8[%get3A_724, %get3A_725] {strides = array<i32>} : memref<64x128xf32, #tpu.memory_space<vmem>>, vector<16xf32>,
        %get3A_727 = arith.index_cast %scan3A_723 : i32 to index
        %get3A_728 = arith.constant 16 : index
        %get3A_729 = tpu.vector_load %arg8[%get3A_727, %get3A_728] {strides = array<i32>} : memref<64x128xf32, #tpu.memory_space<vmem>>, vector<16xf32>,
        %add3A_730 = vector.broadcast %scan3A_723 : i32 to vector<16xi32>
        %add3A_731 = arith.addi %broadcast_in_dim3A_678, %add3A_730 : vector<16xi32>
        tpu.vector_store_idx %arg6[%iota3A, %broadcast_in_dim3A_676, %add3A_731], %get3A_726 : memref<32x8x128xf32, #tpu.memory_space<vmem>>[vector<16xi32>, vector<16xi32>, vector<16xi32>], vector<16xf32>,
        tpu.vector_store_idx %arg6[%add3A_3, %broadcast_in_dim3A_676, %add3A_731], %get3A_729 : memref<32x8x128xf32, #tpu.memory_space<vmem>>[vector<16xi32>, vector<16xi32>, vector<16xi32>], vector<16xf32>,
        %scan3A_732 = arith.constant 2 : i32
        %scan3A_733 = arith.addi %scan3A_714, %scan3A_732 : i32
        %get3A_734 = arith.index_cast %scan3A_733 : i32 to index
        %get3A_735 = arith.constant 0 : index
        %get3A_736 = tpu.vector_load %arg8[%get3A_734, %get3A_735] {strides = array<i32>} : memref<64x128xf32, #tpu.memory_space<vmem>>, vector<16xf32>,
        %get3A_737 = arith.index_cast %scan3A_733 : i32 to index
        %get3A_738 = arith.constant 16 : index
        %get3A_739 = tpu.vector_load %arg8[%get3A_737, %get3A_738] {strides = array<i32>} : memref<64x128xf32, #tpu.memory_space<vmem>>, vector<16xf32>,
        %add3A_740 = vector.broadcast %scan3A_733 : i32 to vector<16xi32>
        %add3A_741 = arith.addi %broadcast_in_dim3A_678, %add3A_740 : vector<16xi32>
        tpu.vector_store_idx %arg6[%iota3A, %broadcast_in_dim3A_676, %add3A_741], %get3A_736 : memref<32x8x128xf32, #tpu.memory_space<vmem>>[vector<16xi32>, vector<16xi32>, vector<16xi32>], vector<16xf32>,
        tpu.vector_store_idx %arg6[%add3A_3, %broadcast_in_dim3A_676, %add3A_741], %get3A_739 : memref<32x8x128xf32, #tpu.memory_space<vmem>>[vector<16xi32>, vector<16xi32>, vector<16xi32>], vector<16xf32>,
        %scan3A_742 = arith.constant 3 : i32
        %scan3A_743 = arith.addi %scan3A_714, %scan3A_742 : i32
        %get3A_744 = arith.index_cast %scan3A_743 : i32 to index
        %get3A_745 = arith.constant 0 : index
        %get3A_746 = tpu.vector_load %arg8[%get3A_744, %get3A_745] {strides = array<i32>} : memref<64x128xf32, #tpu.memory_space<vmem>>, vector<16xf32>,
        %get3A_747 = arith.index_cast %scan3A_743 : i32 to index
        %get3A_748 = arith.constant 16 : index
        %get3A_749 = tpu.vector_load %arg8[%get3A_747, %get3A_748] {strides = array<i32>} : memref<64x128xf32, #tpu.memory_space<vmem>>, vector<16xf32>,
        %add3A_750 = vector.broadcast %scan3A_743 : i32 to vector<16xi32>
        %add3A_751 = arith.addi %broadcast_in_dim3A_678, %add3A_750 : vector<16xi32>
        tpu.vector_store_idx %arg6[%iota3A, %broadcast_in_dim3A_676, %add3A_751], %get3A_746 : memref<32x8x128xf32, #tpu.memory_space<vmem>>[vector<16xi32>, vector<16xi32>, vector<16xi32>], vector<16xf32>,
        tpu.vector_store_idx %arg6[%add3A_3, %broadcast_in_dim3A_676, %add3A_751], %get3A_749 : memref<32x8x128xf32, #tpu.memory_space<vmem>>[vector<16xi32>, vector<16xi32>, vector<16xi32>], vector<16xf32>,
      }
      %scan3A_684 = arith.constant 64 : i32
      %dma_wait3A_685 = arith.constant 7 : i32
      %dma_wait3A_686 = arith.constant 64 : i32
      %dma_wait3A_687 = tpu.memref_slice %arg7[%dma_wait3A_685, %dma_wait3A_686] : memref<8x128xi32, #tpu.memory_space<vmem>> -> memref<1x64xi32, #tpu.memory_space<vmem>>
      %dma_wait3A_688 = tpu.memref_squeeze %dma_wait3A_687 : memref<1x64xi32, #tpu.memory_space<vmem>> -> memref<64xi32, #tpu.memory_space<vmem>>
      %dma_wait3A_689 = arith.constant 0 : i32
      %dma_wait3A_690 = arith.constant 0 : i32
      %dma_wait3A_691 = tpu.memref_slice %arg3[%dma_wait3A_689, %dma_wait3A_690] : memref<100000x128xf32, #tpu.memory_space<hbm>> -> memref<100000x128xf32, #tpu.memory_space<hbm>>
      tpu.wait_indirect_dma semaphore(%arg13 : memref<!tpu.dma_semaphore, #tpu.memory_space<semaphore_mem>>) src(%dma_wait3A_691 : memref<100000x128xf32, #tpu.memory_space<hbm>>) dst(%arg9 : memref<64x128xf32, #tpu.memory_space<vmem>>)
      %broadcast_in_dim3A_692 = arith.constant 7 : i32
      %broadcast_in_dim3A_693 = vector.broadcast %broadcast_in_dim3A_692 : i32 to vector<16xi32>
      %broadcast_in_dim3A_694 = arith.constant 64 : i32
      %broadcast_in_dim3A_695 = vector.broadcast %broadcast_in_dim3A_694 : i32 to vector<16xi32>
      %scan3A_696 = arith.constant 0 : i32
      %scan3A_697 = arith.constant 0 : i32
      %scan3A_698 = arith.constant 64 : i32
      %scan3A_699 = arith.addi %scan3A_697, %scan3A_698 : i32
      %scan3A_700 = arith.constant 4 : i32
      scf.for %scan3A_714 = %scan3A_697 to %scan3A_699 step %scan3A_700  : i32 {
        %get3A = arith.index_cast %scan3A_714 : i32 to index
        %get3A_715 = arith.constant 0 : index
        %get3A_716 = tpu.vector_load %arg9[%get3A, %get3A_715] {strides = array<i32>} : memref<64x128xf32, #tpu.memory_space<vmem>>, vector<16xf32>,
        %get3A_717 = arith.index_cast %scan3A_714 : i32 to index
        %get3A_718 = arith.constant 16 : index
        %get3A_719 = tpu.vector_load %arg9[%get3A_717, %get3A_718] {strides = array<i32>} : memref<64x128xf32, #tpu.memory_space<vmem>>, vector<16xf32>,
        %add3A_720 = vector.broadcast %scan3A_714 : i32 to vector<16xi32>
        %add3A_721 = arith.addi %broadcast_in_dim3A_695, %add3A_720 : vector<16xi32>
        tpu.vector_store_idx %arg6[%iota3A, %broadcast_in_dim3A_693, %add3A_721], %get3A_716 : memref<32x8x128xf32, #tpu.memory_space<vmem>>[vector<16xi32>, vector<16xi32>, vector<16xi32>], vector<16xf32>,
        tpu.vector_store_idx %arg6[%add3A_3, %broadcast_in_dim3A_693, %add3A_721], %get3A_719 : memref<32x8x128xf32, #tpu.memory_space<vmem>>[vector<16xi32>, vector<16xi32>, vector<16xi32>], vector<16xf32>,
        %scan3A_722 = arith.constant 1 : i32
        %scan3A_723 = arith.addi %scan3A_714, %scan3A_722 : i32
        %get3A_724 = arith.index_cast %scan3A_723 : i32 to index
        %get3A_725 = arith.constant 0 : index
        %get3A_726 = tpu.vector_load %arg9[%get3A_724, %get3A_725] {strides = array<i32>} : memref<64x128xf32, #tpu.memory_space<vmem>>, vector<16xf32>,
        %get3A_727 = arith.index_cast %scan3A_723 : i32 to index
        %get3A_728 = arith.constant 16 : index
        %get3A_729 = tpu.vector_load %arg9[%get3A_727, %get3A_728] {strides = array<i32>} : memref<64x128xf32, #tpu.memory_space<vmem>>, vector<16xf32>,
        %add3A_730 = vector.broadcast %scan3A_723 : i32 to vector<16xi32>
        %add3A_731 = arith.addi %broadcast_in_dim3A_695, %add3A_730 : vector<16xi32>
        tpu.vector_store_idx %arg6[%iota3A, %broadcast_in_dim3A_693, %add3A_731], %get3A_726 : memref<32x8x128xf32, #tpu.memory_space<vmem>>[vector<16xi32>, vector<16xi32>, vector<16xi32>], vector<16xf32>,
        tpu.vector_store_idx %arg6[%add3A_3, %broadcast_in_dim3A_693, %add3A_731], %get3A_729 : memref<32x8x128xf32, #tpu.memory_space<vmem>>[vector<16xi32>, vector<16xi32>, vector<16xi32>], vector<16xf32>,
        %scan3A_732 = arith.constant 2 : i32
        %scan3A_733 = arith.addi %scan3A_714, %scan3A_732 : i32
        %get3A_734 = arith.index_cast %scan3A_733 : i32 to index
        %get3A_735 = arith.constant 0 : index
        %get3A_736 = tpu.vector_load %arg9[%get3A_734, %get3A_735] {strides = array<i32>} : memref<64x128xf32, #tpu.memory_space<vmem>>, vector<16xf32>,
        %get3A_737 = arith.index_cast %scan3A_733 : i32 to index
        %get3A_738 = arith.constant 16 : index
        %get3A_739 = tpu.vector_load %arg9[%get3A_737, %get3A_738] {strides = array<i32>} : memref<64x128xf32, #tpu.memory_space<vmem>>, vector<16xf32>,
        %add3A_740 = vector.broadcast %scan3A_733 : i32 to vector<16xi32>
        %add3A_741 = arith.addi %broadcast_in_dim3A_695, %add3A_740 : vector<16xi32>
        tpu.vector_store_idx %arg6[%iota3A, %broadcast_in_dim3A_693, %add3A_741], %get3A_736 : memref<32x8x128xf32, #tpu.memory_space<vmem>>[vector<16xi32>, vector<16xi32>, vector<16xi32>], vector<16xf32>,
        tpu.vector_store_idx %arg6[%add3A_3, %broadcast_in_dim3A_693, %add3A_741], %get3A_739 : memref<32x8x128xf32, #tpu.memory_space<vmem>>[vector<16xi32>, vector<16xi32>, vector<16xi32>], vector<16xf32>,
        %scan3A_742 = arith.constant 3 : i32
        %scan3A_743 = arith.addi %scan3A_714, %scan3A_742 : i32
        %get3A_744 = arith.index_cast %scan3A_743 : i32 to index
        %get3A_745 = arith.constant 0 : index
        %get3A_746 = tpu.vector_load %arg9[%get3A_744, %get3A_745] {strides = array<i32>} : memref<64x128xf32, #tpu.memory_space<vmem>>, vector<16xf32>,
        %get3A_747 = arith.index_cast %scan3A_743 : i32 to index
        %get3A_748 = arith.constant 16 : index
        %get3A_749 = tpu.vector_load %arg9[%get3A_747, %get3A_748] {strides = array<i32>} : memref<64x128xf32, #tpu.memory_space<vmem>>, vector<16xf32>,
        %add3A_750 = vector.broadcast %scan3A_743 : i32 to vector<16xi32>
        %add3A_751 = arith.addi %broadcast_in_dim3A_695, %add3A_750 : vector<16xi32>
        tpu.vector_store_idx %arg6[%iota3A, %broadcast_in_dim3A_693, %add3A_751], %get3A_746 : memref<32x8x128xf32, #tpu.memory_space<vmem>>[vector<16xi32>, vector<16xi32>, vector<16xi32>], vector<16xf32>,
        tpu.vector_store_idx %arg6[%add3A_3, %broadcast_in_dim3A_693, %add3A_751], %get3A_749 : memref<32x8x128xf32, #tpu.memory_space<vmem>>[vector<16xi32>, vector<16xi32>, vector<16xi32>], vector<16xf32>,
      }
      %scan3A_701 = arith.constant 64 : i32
      "tpu.region"() ({
        %run_scoped3A = tpu.sem_alloc : memref<!tpu.dma_semaphore, #tpu.memory_space<semaphore_mem>>
        %dma_start3A_714 = arith.constant 63 : i32
        %dma_start3A_715 = tpu.memref_slice %arg4[%dma_start3A_714, %mul3A_30, %mul3A_46] : memref<95x200x4096xf32, #tpu.memory_space<hbm>> -> memref<32x8x128xf32, #tpu.memory_space<hbm>>
        %dma_start3A_716 = arith.constant 63 : i32
        %dma_start3A_717 = tpu.memref_slice %arg4[%dma_start3A_716, %mul3A_30, %mul3A_46] : memref<95x200x4096xf32, #tpu.memory_space<hbm>> -> memref<32x8x128xf32, #tpu.memory_space<hbm>>
        tpu.enqueue_dma source(%arg6 : memref<32x8x128xf32, #tpu.memory_space<vmem>>) target(%dma_start3A_717 : memref<32x8x128xf32, #tpu.memory_space<hbm>>) target_semaphore(%run_scoped3A : memref<!tpu.dma_semaphore, #tpu.memory_space<semaphore_mem>>)
        %dma_wait3A_718 = arith.constant 63 : i32
        %dma_wait3A_719 = tpu.memref_slice %arg4[%dma_wait3A_718, %mul3A_30, %mul3A_46] : memref<95x200x4096xf32, #tpu.memory_space<hbm>> -> memref<32x8x128xf32, #tpu.memory_space<hbm>>
        %dma_wait3A_720 = arith.constant 63 : i32
        %dma_wait3A_721 = tpu.memref_slice %arg4[%dma_wait3A_720, %mul3A_30, %mul3A_46] : memref<95x200x4096xf32, #tpu.memory_space<hbm>> -> memref<32x8x128xf32, #tpu.memory_space<hbm>>
        tpu.wait_dma2 semaphore(%run_scoped3A : memref<!tpu.dma_semaphore, #tpu.memory_space<semaphore_mem>>) src(%arg6 : memref<32x8x128xf32, #tpu.memory_space<vmem>>) dst(%dma_wait3A_721 : memref<32x8x128xf32, #tpu.memory_space<hbm>>)
        tpu.yield
      }) : () -> ()
      %dma_wait3A_702 = arith.constant 0 : i32
      %dma_wait3A_703 = arith.constant 0 : i32
      %dma_wait3A_704 = arith.constant 0 : i32
      %dma_wait3A_705 = tpu.memref_slice %arg5[%dma_wait3A_702, %dma_wait3A_703, %dma_wait3A_704] : memref<64x8x128xf32, #tpu.memory_space<vmem>> -> memref<63x8x128xf32, #tpu.memory_space<vmem>>
      %dma_wait3A_706 = arith.constant 0 : i32
      %dma_wait3A_707 = tpu.memref_slice %arg4[%dma_wait3A_706, %mul3A_30, %mul3A_46] : memref<95x200x4096xf32, #tpu.memory_space<hbm>> -> memref<63x8x128xf32, #tpu.memory_space<hbm>>
      %dma_wait3A_708 = arith.constant 0 : i32
      %dma_wait3A_709 = tpu.memref_slice %arg4[%dma_wait3A_708, %mul3A_30, %mul3A_46] : memref<95x200x4096xf32, #tpu.memory_space<hbm>> -> memref<63x8x128xf32, #tpu.memory_space<hbm>>
      %dma_wait3A_710 = arith.constant 0 : i32
      %dma_wait3A_711 = arith.constant 0 : i32
      %dma_wait3A_712 = arith.constant 0 : i32
      %dma_wait3A_713 = tpu.memref_slice %arg5[%dma_wait3A_710, %dma_wait3A_711, %dma_wait3A_712] : memref<64x8x128xf32, #tpu.memory_space<vmem>> -> memref<63x8x128xf32, #tpu.memory_space<vmem>>
      tpu.wait_dma2 semaphore(%arg11 : memref<!tpu.dma_semaphore, #tpu.memory_space<semaphore_mem>>) src(%dma_wait3A_713 : memref<63x8x128xf32, #tpu.memory_space<vmem>>) dst(%dma_wait3A_709 : memref<63x8x128xf32, #tpu.memory_space<hbm>>)
    }
    %scan3A_8 = arith.constant 25 : i32
    return
  }
}

</mosaic_0001>

<sc_bundles>
// kernel: kernel.3.cloned.1.call-start
scs
__scs_entry_jumppad:
0x0: {  	(pc) =	sbr.rel $0x88, $3  }
0x1: {  	(tag) =	ssettag $0x0;
	lr =	simm.s32 $0x1  }
0x2: {  	[smem:$0x3F9F] =	sst lr;
	_ =	strace $0xD0000000  }
0x3: {  	_ = 	snop  }
0x4: {  	_ = 	snop  }
0x5: {  	_ = 	snop  }
0x6: {  	_ = 	snop  }
0x7: {  	_ = 	snop  }
__scs_overlays_trampoline_lowered:
0x8: {  	[smem:$0x3FAE] =	sst s0  }
0x9: {  	[smem:$0x3FAF] =	sst s1  }
0xa: {  	[smem:$0x3FB0] =	sst s2  }
0xb: {  	[smem:$0x3FB1] =	sst s3  }
0xc: {  	[smem:$0x3FB2] =	sst s4  }
0xd: {  	[smem:$0x3FB3] =	sst s5  }
0xe: {  	[smem:$0x3FB4] =	sst s6  }
0xf: {  	[smem:$0x3FB5] =	sst s7  }
0x10: {  	[smem:$0x3FB6] =	sst s8  }
0x11: {  	[smem:$0x3FB7] =	sst s9;
	s0 =	simm.s32 @!p0 $0x0  }
0x12: {  	s1 =	sld [smem:$0x3F9D];
	s0 =	simm.s32 @p0 $0x1  }
0x13: {  	[smem:$0x3FB8] =	sst s0;
	s0 =	simm.s32 @!p1 $0x0  }
0x14: {  	s2 =	sld [smem:$0x3F9C];
	s0 =	simm.s32 @p1 $0x1  }
0x15: {  	[smem:$0x3FB9] =	sst s0;
	s0 =	simm.s32 @!p2 $0x0  }
0x16: {  	s3 =	sld [smem:$0x3FDB];
	s0 =	simm.s32 @p2 $0x1  }
0x17: {  	s4 =	simm.s32 $0x1BF5;
	[smem:$0x3FBB] =	sst s0  }
0x18: {  	s0 =	sld [smem:$0x3F9E];
	_ =	swait.ge [sflag:s4], $0x0  }
0x19: {  	s7 =	sld [smem:$0x3F9F]  }
0x1a: {  	s8 =	sadd.s32 $0xFFFFE003, lr  }
0x1b: {  	s9 =	sadd.s32 $0xFFFFFEF7, lr;
	s5 =	simm.s32 $0xFFFFFFFF;
	p2 =	slt.u32 s8, $0xFFFFF086  }
0x1c: {  	p1 =	slt.u32 s9, $0xF7A;
	s5 =	simm.s32 @!p2 $0x0  }
0x1d: {  	s5 =	simm.s32 @p1 $0x1;
	p0 =	seq.s32 s7, s2  }
0x1e: {  	s7 =	smul.u32 @!p0 $0xF7A, s2;
	p2 =	seq.s32 @!p0 s5, $0x0  }
0x1f: {  	s9 =	smul.u32 $0xF7A, s1;
	s8 =	simm.s32 @!p0 $0x1BF5;
	p2 =	por !p2, p0  }
0x20: {  	[sflag:s8] =	ssyncset.s32 @!p0 $0xFFFFF086;
	s6 =	sadd.s32 @!p0 s3, s7;
	s7 =	simm.s32 @!p0 $0x108  }
0x21: {  	s3 =	sadd.s32 s3, s9;
	s6 =	sadd.s32 @!p0 $0x88, s6;
	s7 =	simm.s32 @p2 $0x1082  }
0x22: {  	[simem:s7], [sflag:s8] =	dma.local @!p0 [hbm:s6], $0xF7A  }
0x23: {  	s9 =	sor.u32 $0xD0000000, s2;
	s6 =	simm.s32 $0x108;
	_ =	swait.ge @!p0 [sflag:s8], $0x0  }
0x24: {  	s3 =	sadd.s32 $0x88, s3;
	s6 =	simm.s32 @!p1 $0x1082;
	[sflag:s4] =	ssyncset.s32 $0xFFFFF086  }
0x25: {  	[simem:s6], [sflag:s4] =	dma.local [hbm:s3], $0xF7A  }
0x26: {  	[smem:$0x3F9F] =	sst s1;
	(tag) =	ssettag s2;
	_ =	strace s9  }
0x27: {  	s1 =	sld [smem:$0x3FAF]  }
0x28: {  	s2 =	sld [smem:$0x3FB0]  }
0x29: {  	s4 =	sld [smem:$0x3FB2]  }
0x2a: {  	p0 =	seq.s32 s5, $0x0;
	s5 =	sld [smem:$0x3FB3]  }
0x2b: {  	s6 =	sld [smem:$0x3FB4]  }
0x2c: {  	s7 =	sld [smem:$0x3FB5]  }
0x2d: {  	s3 =	simm.s32 $0x108;
	s8 =	sld [smem:$0x3FB6]  }
0x2e: {  	s3 =	simm.s32 @!p0 $0x1082;
	s9 =	sld [smem:$0x3FB7]  }
0x2f: {  	lr =	sadd.s32 s0, s3;
	s0 =	sld [smem:$0x3FAE]  }
0x30: {  	s3 =	sld [smem:$0x3FB1]  }
0x31: {  	[smem:$0x3FBA] =	sst s10  }
0x32: {  	s10 =	sld [smem:$0x3FB8];
	_ =	sdelay $0x3  }
0x33: {  	p0 =	seq.s32 s10, $0x1;
	s10 =	sld [smem:$0x3FBA];
	_ =	sdelay $0x3  }
0x34: {  	[smem:$0x3FBA] =	sst s10  }
0x35: {  	s10 =	sld [smem:$0x3FB9];
	_ =	sdelay $0x3  }
0x36: {  	p1 =	seq.s32 s10, $0x1;
	s10 =	sld [smem:$0x3FBA];
	_ =	sdelay $0x3  }
0x37: {  	[smem:$0x3FBA] =	sst s10  }
0x38: {  	s10 =	sld [smem:$0x3FBB]  }
0x39: {  	_ = 	snop;
	(pc) =	sbr.ind lr, $3  }
0x3a: {  	_ = 	snop  }
0x3b: {  	_ = 	snop  }
0x3c: {  	p2 =	seq.s32 s10, $0x1;
	s10 =	sld [smem:$0x3FBA]  }
0x3d: {  	_ =	shalt  }
0x3e: {  	_ =	shalt  }
0x3f: {  	_ =	shalt  }
0x40: {  	_ =	shalt  }
0x41: {  	_ =	shalt  }
0x42: {  	_ =	shalt  }
0x43: {  	_ =	shalt  }
0x44: {  	_ =	shalt  }
0x45: {  	_ =	shalt  }
0x46: {  	_ =	shalt  }
0x47: {  	_ =	shalt  }
0x48: {  	_ =	shalt  }
0x49: {  	_ =	shalt  }
0x4a: {  	_ =	shalt  }
0x4b: {  	_ =	shalt  }
0x4c: {  	_ =	shalt  }
0x4d: {  	_ =	shalt  }
0x4e: {  	_ =	shalt  }
0x4f: {  	_ =	shalt  }
0x50: {  	_ =	shalt  }
0x51: {  	_ =	shalt  }
0x52: {  	_ =	shalt  }
0x53: {  	_ =	shalt  }
0x54: {  	_ =	shalt  }
0x55: {  	_ =	shalt  }
0x56: {  	_ =	shalt  }
0x57: {  	_ =	shalt  }
0x58: {  	_ =	shalt  }
0x59: {  	_ =	shalt  }
0x5a: {  	_ =	shalt  }
0x5b: {  	_ =	shalt  }
0x5c: {  	_ =	shalt  }
0x5d: {  	_ =	shalt  }
0x5e: {  	_ =	shalt  }
0x5f: {  	_ =	shalt  }
0x60: {  	_ =	shalt  }
0x61: {  	_ =	shalt  }
0x62: {  	_ =	shalt  }
0x63: {  	_ =	shalt  }
0x64: {  	_ =	shalt  }
0x65: {  	_ =	shalt  }
0x66: {  	_ =	shalt  }
0x67: {  	_ =	shalt  }
0x68: {  	_ =	shalt  }
0x69: {  	_ =	shalt  }
0x6a: {  	_ =	shalt  }
0x6b: {  	_ =	shalt  }
0x6c: {  	_ =	shalt  }
0x6d: {  	_ =	shalt  }
0x6e: {  	_ =	shalt  }
0x6f: {  	_ =	shalt  }
0x70: {  	_ =	shalt  }
0x71: {  	_ =	shalt  }
0x72: {  	_ =	shalt  }
0x73: {  	_ =	shalt  }
0x74: {  	_ =	shalt  }
0x75: {  	_ =	shalt  }
0x76: {  	_ =	shalt  }
0x77: {  	_ =	shalt  }
0x78: {  	_ =	shalt  }
0x79: {  	_ =	shalt  }
0x7a: {  	_ =	shalt  }
0x7b: {  	_ =	shalt  }
0x7c: {  	_ =	shalt  }
0x7d: {  	_ =	shalt  }
0x7e: {  	_ =	shalt  }
0x7f: {  	_ =	shalt  }
0x80: {  	_ =	shalt  }
0x81: {  	_ =	shalt  }
0x82: {  	_ =	shalt  }
0x83: {  	_ =	shalt  }
0x84: {  	_ =	shalt  }
0x85: {  	_ =	shalt  }
0x86: {  	_ =	shalt  }
0x87: {  	_ =	shalt  }
.Lfunc_end0:
.L_simem_size_0:
called_computation_lowered:
.L_overlay_start_0:
0x88: {  	s2 =	sld [smem:$0x3FD9]  }
0x89: {  	s3 =	sld [smem:$0x3FFE];
	_ =	sdelay $0x1  }
0x8a: {  	s1 =	srdreg.scid  }
0x8b: {  	s0 =	sand.u32 $0x1, s1  }
0x8c: {  	s17 =	sshll.u32 s0, $0xA;
	s2 =	sadd.s32 s3, s2  }
0x8d: {  	s2 =	sadd.s32 s2, s17  }
0x8e: {  	[smem:$0x3FC6] =	sst s2  }
0x8f: {  	_ = 	snop  }
0x90: {  	s2 =	sld [smem:$0x3FC9]  }
0x91: {  	s18 =	sld [smem:$0x3FD0];
	(tm) =	ssettm $0x1  }
0x92: {  	s4 =	sld [smem:$0x3FFB];
	_ =	sdelay $0x3  }
0x93: {  	_ =	strace s4  }
0x94: {  	s4 =	sld [smem:$0x3FFC];
	_ =	sdelay $0x3  }
0x95: {  	_ =	strace s4  }
0x96: {  	s4 =	sld [smem:$0x3FFD];
	_ =	sdelay $0x3  }
0x97: {  	_ =	strace s4  }
0x98: {  	_ =	strace $0x8FFFFFFF  }
0x99: {  	s19 =	sld [smem:$0x3FDB];
	_ =	sdelay $0x1  }
0x9a: {  	s5 =	simm.s32 $_scs_section_size  }
0x9b: {  	s6 =	simm.s32 $_size__tile_overlayer_lowered;
	s7 =	simm.s32 $_tile_overlayer_lowered  }
0x9c: {  	s22 =	simm.s32 $0x1BFF;
	s21 =	sshll.u32 s7, $0x1;
	s4 =	sadd.s32 s5, s19  }
0x9d: {  	s8 =	simm.s32 $0x0;
	s20 =	sshll.u32 s6, $0x1;
	s6 =	sadd.s32 s21, s4  }
0x9e: {  	[timem:s8], [sflag:s22] =	dma.local [hbm:s6], s20  }
0x9f: {  	_ =	swait.ge [sflag:s22], s20  }
0xa0: {  	s5 =	ssub.s32 $0x0, s20;
	[sflag:s22] =	ssyncset.done $0x0  }
0xa1: {  	[sflag:s22] =	ssyncadd.s32 s5;
	_ =	sdelay $0x1  }
0xa2: {  	s23 =	simm.s32 $0x1B8B  }
0xa3: {  	_ =	swait.ge [sflag:s23], $0x1  }
0xa4: {  	[sflag:s23] =	ssyncset.done $0x0  }
0xa5: {  	s25 =	simm.s32 $0x1B8E;
	s24 =	sld [smem:$0x3FFE];
	[sflag:s23] =	ssyncadd.s32 $0xFFFFFFFF  }
0xa6: {  	s26 =	simm.s32 $execute0_lowered;
	[smem:$0x3FD2] =	sst s25  }
0xa7: {  	s6 =	sshll.u32 s26, $0x1;
	_ =	strace $0x80000046;
	[dreg:$0x1] =	wrdreg $0xFFFFFFFF  }
0xa8: {  	s28 =	simm.s32 $_size_execute0_lowered;
	s4 =	sadd.s32 s4, s6;
	[dreg:$0x0] =	wrdreg $0x0  }
0xa9: {  	s6 =	sshll.u32 s28, $0x1;
	[dreg:$0x2] =	wrdreg s4  }
0xaa: {  	[dreg:$0x3] =	wrdreg s6  }
0xab: {  	[dreg:$0x4] =	wrdreg $0xC0  }
0xac: {  	_ =	task [dreg:s8], $0x5FFFF  }
0xad: {  	[dreg:$0x1] =	wrdreg $0xFFFFFFFF  }
0xae: {  	[dreg:$0x0] =	wrdreg $0x60  }
0xaf: {  	[dreg:$0x2] =	wrdreg s2  }
0xb0: {  	[dreg:$0x3] =	wrdreg s24  }
0xb1: {  	[dreg:$0x4] =	wrdreg s18  }
0xb2: {  	[dreg:$0x5] =	wrdreg $0x9  }
0xb3: {  	_ =	task.clear_ibuf [dreg:s8], $0x6FFFF;
	_ =	strace $0x90000046  }
0xb4: {  	s29 =	simm.s32 $0x9;
	_ =	strace $0x80000048  }
0xb5: {  	_ =	swait.ge [sflag:s29], $0x1  }
0xb6: {  	[sflag:s29] =	ssyncadd.s32 $0xFFFFFFFF  }
0xb7: {  	_ =	strace $0x90000048  }
0xb8: {  	_ =	sfence  }
0xb9: {  	s30 =	sld [smem:$0x0];
	_ =	sdelay $0x2  }
0xba: {  	s31 =	sshll.u32 s1, $0xD;
	s1 =	sshrl.u32 s1, $0x2  }
0xbb: {  	s3 =	sand.u32 $0x4000, s31;
	s1 =	sadd.s32 s1, s30  }
0xbc: {  	s0 =	sor.u32 s3, s0;
	s1 =	sshll.u32 s1, $0x11  }
0xbd: {  	s0 =	sor.u32 s1, s0  }
0xbe: {  	s0 =	sadd.s32 $0x8F2B, s0  }
0xbf: {  	[sflag:s0] =	ssyncadd.remote.s32 $0x1  }
0xc0: {  	_ =	sfence.sel $0xFFFF  }
0xc1: {  	[dreg:$0x0] =	wrdreg $0xFFFFFFFF;
	(pc) =	sbr.abs _section_cstart, $3  }
0xc2: {  	[dreg:$0x1] =	wrdreg $0xFFFFFFFF  }
0xc3: {  	_ =	task.clear_ibuf [dreg:s8], $0x2FFFF;
	_ =	strace $0x9FFFFFFF  }
0xc4: {  	(tm) =	ssettm $0x7FFFFFFF  }
0xc5: {  	_ =	shalt  }
tec
execute0_lowered:
.L_overlay_start_1:
0x0: {  	(tag) =	ssettag $0x1  }
0x1: {  	s13 =	rddreg [dreg:$0x0]  }
0x2: {  	s0 =	rddreg [dreg:$0x1];
	s1 =	srdreg.scid  }
0x3: {  	s4 =	simm.s32 $0x0;
	s3 =	stileid.u32;
	s15 =	simm.s32 $0x1  }
0x4: {  	s16 =	simm.s32 $0x400;
	s17 =	simm.s32 $0xC8000;
	s18 =	simm.s32 $0x40  }
0x5: {  	s20 =	simm.s32 $0x18400;
	s22 =	simm.s32 $0x1A400;
	s23 =	simm.s32 $0x3  }
0x6: {  	v0 =	vlaneseq.u32;
	s24 =	simm.s32 $0x10000;
	s26 =	simm.s32 $0x4;
	s29 =	simm.s32 $0x5  }
0x7: {  	s30 =	simm.s32 $0x2;
	s1 =	sand.u32 $0x1, s1;
	[smem:$0x7FF] =	sst s4;
	v0 =	vmul.u32 $0x400, v0  }
0x8: {  	s3 =	sshll.u32 s3, $0x1;
	s5 =	sadd.s32 $0x400, s0;
	s7 =	sadd.s32 $0x8000, s13  }
0x9: {  	s8 =	sadd.s32 $0x10000, s13;
	s9 =	sadd.s32 $0x18000, s13;
	s2 =	ssub.s32 $0x2, s1;
	v1 =	vor.u32 $0x4000, v0  }
0xa: {  	s10 =	sadd.s32 $0x20000, s13;
	s11 =	sadd.s32 $0x28000, s13;
	s6 =	sshrl.u32 s2, $0x1;
	v2 =	vor.u32 $0x80, v0;
	v3 =	vor.u32 $0x4080, v0;
	v4 =	vor.u32 $0x100, v0  }
0xb: {  	s12 =	sadd.s32 $0x30000, s13;
	s13 =	sadd.s32 $0x38000, s13;
	v5 =	vor.u32 $0x4100, v0;
	v6 =	vor.u32 $0x180, v0;
	v7 =	vor.u32 $0x4180, v0;
	s31 =	ssub.s32 s2, s6  }
0xc: {  	_ =	strace $0x80000047;
	s1 =	sor.u32 s1, s3;
	v8 =	vor.u32 $0x200, v0;
	v9 =	vor.u32 $0x4200, v0;
	v10 =	vor.u32 $0x280, v0;
	s0 =	smax.u32 s31, $0x1  }
0xd: {  	v11 =	vor.u32 $0x4280, v0;
	v12 =	vor.u32 $0x300, v0;
	v13 =	vor.u32 $0x4300, v0;
	s6 =	smul.u32 $0x19, s1;
	s1 =	simm.s32 $0x0;
	[dreg:$0x4] =	wrdreg s0  }
.LBB2_1:
0xe: {  	[dreg:$0x5] =	wrdreg s1;
	s31 =	simm.s32 $0x0  }
.LBB2_2:
0xf: {  	s0 =	sadd.s32 s6, s31  }
0x10: {  	s2 =	sshrl.u32 s0, $0x5;
	s0 =	sshll.u32 s0, $0xA  }
0x11: {  	s0 =	sand.u32 $0x7C00, s0;
	s1 =	sshll.u32 s2, $0x15  }
0x12: {  	s1 =	sor.u32 s0, s1  }
0x13: {  	s3 =	rddreg [dreg:$0x0];
	s14 =	sshrl.u32 s1, $0x3  }
0x14: {  	s19 =	simm.s32 $0x0;
	s3 =	sadd.s32 s3, s14  }
0x15: {  	[tilespmem:s19], [sflag:$0x1] =	stream.linear.gather [hbm4b:s3+s4], $0x80, $0x38;
	[tilespmem:$0x1C400] =	vst v63  }
0x16: {  	s21 =	sadd.s32 $0x10, s3;
	s19 =	simm.s32 $0x400  }
0x17: {  	[tilespmem:s19], [sflag:$0x1] =	stream.linear.gather [hbm4b:s21+s4], $0x80, $0x38;
	[tilespmem:$0x1C400] =	vst v63  }
0x18: {  	s28 =	simm.s32 $0x800;
	s25 =	sadd.s32 $0x20, s3  }
0x19: {  	[tilespmem:s28], [sflag:$0x1] =	stream.linear.gather [hbm4b:s25+s4], $0x80, $0x38;
	[tilespmem:$0x1C400] =	vst v63  }
0x1a: {  	s1 =	simm.s32 $0x8000;
	s19 =	sadd.s32 $0x30, s3;
	s21 =	simm.s32 $0xC00  }
0x1b: {  	[tilespmem:s21], [sflag:$0x1] =	stream.linear.gather [hbm4b:s19+s4], $0x80, $0x38;
	[tilespmem:$0x1C400] =	vst v63  }
0x1c: {  	s25 =	sadd.s32 $0x40, s3;
	s28 =	simm.s32 $0x1000;
	s19 =	sadd.s32 $0x50, s3  }
0x1d: {  	[tilespmem:s28], [sflag:$0x1] =	stream.linear.gather [hbm4b:s25+s4], $0x80, $0x38;
	[tilespmem:$0x1C400] =	vst v63  }
0x1e: {  	s21 =	simm.s32 $0x1400;
	s25 =	sadd.s32 $0x60, s3;
	s28 =	simm.s32 $0x1800  }
0x1f: {  	[tilespmem:s21], [sflag:$0x1] =	stream.linear.gather [hbm4b:s19+s4], $0x80, $0x38;
	[tilespmem:$0x1C400] =	vst v63  }
0x20: {  	s19 =	sadd.s32 $0x70, s3;
	s21 =	simm.s32 $0x1C00;
	s3 =	sadd.s32 $0x1000, s3  }
0x21: {  	[tilespmem:s28], [sflag:$0x1] =	stream.linear.gather [hbm4b:s25+s4], $0x80, $0x38;
	[tilespmem:$0x1C400] =	vst v63  }
.LBB2_3:
0x22: {  	[tilespmem:s21], [sflag:$0x1] =	stream.linear.gather [hbm4b:s19+s4], $0x80, $0x38;
	[tilespmem:$0x1C400] =	vst v63  }
0x23: {  	s21 =	sshra.s32 s1, $0x2;
	p0 =	sne.s32 s1, $0x38000;
	s1 =	sadd.s32 $0x8000, s1  }
0x24: {  	[tilespmem:s21], [sflag:$0x1] =	stream.linear.gather [hbm4b:s3+s4], $0x80, $0x38;
	[tilespmem:$0x1C400] =	vst v63  }
0x25: {  	s19 =	sadd.s32 $0x10, s3;
	s25 =	sadd.s32 $0x400, s21  }
0x26: {  	[tilespmem:s25], [sflag:$0x1] =	stream.linear.gather [hbm4b:s19+s4], $0x80, $0x38;
	[tilespmem:$0x1C400] =	vst v63  }
0x27: {  	s19 =	sadd.s32 $0x20, s3;
	s25 =	sadd.s32 $0x800, s21  }
0x28: {  	[tilespmem:s25], [sflag:$0x1] =	stream.linear.gather [hbm4b:s19+s4], $0x80, $0x38;
	[tilespmem:$0x1C400] =	vst v63  }
0x29: {  	s19 =	sadd.s32 $0x30, s3;
	s25 =	sadd.s32 $0xC00, s21  }
0x2a: {  	[tilespmem:s25], [sflag:$0x1] =	stream.linear.gather [hbm4b:s19+s4], $0x80, $0x38;
	[tilespmem:$0x1C400] =	vst v63  }
0x2b: {  	s19 =	sadd.s32 $0x40, s3;
	s25 =	sadd.s32 $0x1000, s21  }
0x2c: {  	[tilespmem:s25], [sflag:$0x1] =	stream.linear.gather [hbm4b:s19+s4], $0x80, $0x38;
	[tilespmem:$0x1C400] =	vst v63  }
.Ltmp0:
0x2d: {  	s19 =	sadd.s32 $0x50, s3;
	s25 =	sadd.s32 $0x1400, s21;
	(pc) =	sbr.rel @p0 .LBB2_3-.Ltmp0, $4  }
0x2e: {  	[tilespmem:s25], [sflag:$0x1] =	stream.linear.gather [hbm4b:s19+s4], $0x80, $0x38;
	[tilespmem:$0x1C400] =	vst v63  }
0x2f: {  	s19 =	sadd.s32 $0x60, s3;
	s25 =	sadd.s32 $0x1800, s21  }
0x30: {  	[tilespmem:s25], [sflag:$0x1] =	stream.linear.gather [hbm4b:s19+s4], $0x80, $0x38;
	[tilespmem:$0x1C400] =	vst v63  }
0x31: {  	s21 =	sadd.s32 $0x1C00, s21;
	s19 =	sadd.s32 $0x70, s3;
	s3 =	sadd.s32 $0x1000, s3  }
0x32: {  	[tilespmem:s21], [sflag:$0x1] =	stream.linear.gather [hbm4b:s19+s4], $0x80, $0x38;
	[tilespmem:$0x1C400] =	vst v63  }
0x33: {  	s1 =	sadd.s32 s14, s7;
	s3 =	simm.s32 $0x80  }
0x34: {  	[tilespmem:s3], [sflag:$0x1] =	stream.linear.gather [hbm4b:s1+s4], $0x80, $0x38;
	[tilespmem:$0x1C400] =	vst v63  }
0x35: {  	s21 =	simm.s32 $0x480;
	s19 =	sadd.s32 $0x10, s1  }
0x36: {  	[tilespmem:s21], [sflag:$0x1] =	stream.linear.gather [hbm4b:s19+s4], $0x80, $0x38;
	[tilespmem:$0x1C400] =	vst v63  }
0x37: {  	s28 =	simm.s32 $0x880;
	s25 =	sadd.s32 $0x20, s1  }
0x38: {  	[tilespmem:s28], [sflag:$0x1] =	stream.linear.gather [hbm4b:s25+s4], $0x80, $0x38;
	[tilespmem:$0x1C400] =	vst v63  }
0x39: {  	s19 =	sadd.s32 $0x30, s1;
	s21 =	simm.s32 $0xC80  }
0x3a: {  	[tilespmem:s21], [sflag:$0x1] =	stream.linear.gather [hbm4b:s19+s4], $0x80, $0x38;
	[tilespmem:$0x1C400] =	vst v63  }
0x3b: {  	s25 =	sadd.s32 $0x40, s1;
	s28 =	simm.s32 $0x1080  }
0x3c: {  	[tilespmem:s28], [sflag:$0x1] =	stream.linear.gather [hbm4b:s25+s4], $0x80, $0x38;
	[tilespmem:$0x1C400] =	vst v63  }
0x3d: {  	s3 =	simm.s32 $0x2000;
	s19 =	sadd.s32 $0x50, s1;
	s21 =	simm.s32 $0x1480  }
0x3e: {  	[tilespmem:s21], [sflag:$0x1] =	stream.linear.gather [hbm4b:s19+s4], $0x80, $0x38;
	[tilespmem:$0x1C400] =	vst v63  }
0x3f: {  	s25 =	sadd.s32 $0x60, s1;
	s28 =	simm.s32 $0x1880;
	s19 =	simm.s32 $0x10000  }
0x40: {  	[tilespmem:s28], [sflag:$0x1] =	stream.linear.gather [hbm4b:s25+s4], $0x80, $0x38;
	[tilespmem:$0x1C400] =	vst v63  }
0x41: {  	s21 =	sadd.s32 $0x70, s1;
	s1 =	sadd.s32 $0x1000, s1;
	s25 =	simm.s32 $0x1C80  }
.LBB2_5:
0x42: {  	[tilespmem:s25], [sflag:$0x1] =	stream.linear.gather [hbm4b:s21+s4], $0x80, $0x38;
	[tilespmem:$0x1C400] =	vst v63  }
0x43: {  	s25 =	smov.u32 s3;
	s3 =	smov.u32 s19  }
0x44: {  	s28 =	sadd.s32 $0x8000, s19;
	s3 =	sshra.s32 s3, $0x2;
	s21 =	sadd.s32 $0x80, s25  }
0x45: {  	[tilespmem:s21], [sflag:$0x1] =	stream.linear.gather [hbm4b:s1+s4], $0x80, $0x38;
	[tilespmem:$0x1C400] =	vst v63  }
0x46: {  	p0 =	sne.s32 s19, $0x38000;
	s19 =	sadd.s32 $0x10, s1;
	s21 =	sadd.s32 $0x480, s25  }
0x47: {  	[tilespmem:s21], [sflag:$0x1] =	stream.linear.gather [hbm4b:s19+s4], $0x80, $0x38;
	[tilespmem:$0x1C400] =	vst v63  }
0x48: {  	s19 =	sadd.s32 $0x20, s1;
	s21 =	sadd.s32 $0x880, s25  }
0x49: {  	[tilespmem:s21], [sflag:$0x1] =	stream.linear.gather [hbm4b:s19+s4], $0x80, $0x38;
	[tilespmem:$0x1C400] =	vst v63  }
0x4a: {  	s19 =	sadd.s32 $0x30, s1;
	s21 =	sadd.s32 $0xC80, s25  }
0x4b: {  	[tilespmem:s21], [sflag:$0x1] =	stream.linear.gather [hbm4b:s19+s4], $0x80, $0x38;
	[tilespmem:$0x1C400] =	vst v63  }
0x4c: {  	s19 =	sadd.s32 $0x40, s1;
	s21 =	sadd.s32 $0x1080, s25  }
0x4d: {  	[tilespmem:s21], [sflag:$0x1] =	stream.linear.gather [hbm4b:s19+s4], $0x80, $0x38;
	[tilespmem:$0x1C400] =	vst v63  }
.Ltmp1:
0x4e: {  	s19 =	sadd.s32 $0x50, s1;
	s21 =	sadd.s32 $0x1480, s25;
	(pc) =	sbr.rel @p0 .LBB2_5-.Ltmp1, $4  }
0x4f: {  	[tilespmem:s21], [sflag:$0x1] =	stream.linear.gather [hbm4b:s19+s4], $0x80, $0x38;
	[tilespmem:$0x1C400] =	vst v63  }
0x50: {  	s19 =	sadd.s32 $0x60, s1;
	s21 =	sadd.s32 $0x1880, s25;
	s25 =	sadd.s32 $0x1C80, s25  }
0x51: {  	[tilespmem:s21], [sflag:$0x1] =	stream.linear.gather [hbm4b:s19+s4], $0x80, $0x38;
	[tilespmem:$0x1C400] =	vst v63  }
0x52: {  	s21 =	sadd.s32 $0x70, s1;
	s1 =	sadd.s32 $0x1000, s1;
	s19 =	smov.u32 s28  }
0x53: {  	[tilespmem:s25], [sflag:$0x1] =	stream.linear.gather [hbm4b:s21+s4], $0x80, $0x38;
	[tilespmem:$0x1C400] =	vst v63  }
0x54: {  	s19 =	sadd.s32 $0x80, s3  }
0x55: {  	[tilespmem:s19], [sflag:$0x1] =	stream.linear.gather [hbm4b:s1+s4], $0x80, $0x38;
	[tilespmem:$0x1C400] =	vst v63  }
0x56: {  	s25 =	sadd.s32 $0x10, s1;
	s28 =	sadd.s32 $0x480, s3  }
0x57: {  	[tilespmem:s28], [sflag:$0x1] =	stream.linear.gather [hbm4b:s25+s4], $0x80, $0x38;
	[tilespmem:$0x1C400] =	vst v63  }
0x58: {  	s25 =	sadd.s32 $0x20, s1;
	s28 =	sadd.s32 $0x880, s3  }
0x59: {  	[tilespmem:s28], [sflag:$0x1] =	stream.linear.gather [hbm4b:s25+s4], $0x80, $0x38;
	[tilespmem:$0x1C400] =	vst v63  }
0x5a: {  	s25 =	sadd.s32 $0x30, s1;
	s28 =	sadd.s32 $0xC80, s3  }
0x5b: {  	[tilespmem:s28], [sflag:$0x1] =	stream.linear.gather [hbm4b:s25+s4], $0x80, $0x38;
	[tilespmem:$0x1C400] =	vst v63  }
0x5c: {  	s25 =	sadd.s32 $0x40, s1;
	s28 =	sadd.s32 $0x1080, s3  }
0x5d: {  	[tilespmem:s28], [sflag:$0x1] =	stream.linear.gather [hbm4b:s25+s4], $0x80, $0x38;
	[tilespmem:$0x1C400] =	vst v63  }
0x5e: {  	s25 =	sadd.s32 $0x50, s1;
	s28 =	sadd.s32 $0x1480, s3  }
0x5f: {  	[tilespmem:s28], [sflag:$0x1] =	stream.linear.gather [hbm4b:s25+s4], $0x80, $0x38;
	[tilespmem:$0x1C400] =	vst v63  }
0x60: {  	s25 =	sadd.s32 $0x60, s1;
	s28 =	sadd.s32 $0x1880, s3  }
0x61: {  	[tilespmem:s28], [sflag:$0x1] =	stream.linear.gather [hbm4b:s25+s4], $0x80, $0x38;
	[tilespmem:$0x1C400] =	vst v63  }
0x62: {  	s21 =	sadd.s32 $0x70, s1;
	s25 =	sadd.s32 $0x1C80, s3  }
0x63: {  	[tilespmem:s25], [sflag:$0x1] =	stream.linear.gather [hbm4b:s21+s4], $0x80, $0x38;
	[tilespmem:$0x1C400] =	vst v63  }
0x64: {  	s1 =	sadd.s32 s14, s8;
	s28 =	simm.s32 $0x100  }
0x65: {  	[tilespmem:s28], [sflag:$0x1] =	stream.linear.gather [hbm4b:s1+s4], $0x80, $0x38;
	[tilespmem:$0x1C400] =	vst v63  }
0x66: {  	s19 =	sadd.s32 $0x10, s1;
	s21 =	simm.s32 $0x500  }
0x67: {  	[tilespmem:s21], [sflag:$0x1] =	stream.linear.gather [hbm4b:s19+s4], $0x80, $0x38;
	[tilespmem:$0x1C400] =	vst v63  }
0x68: {  	s25 =	sadd.s32 $0x20, s1;
	s28 =	simm.s32 $0x900  }
0x69: {  	[tilespmem:s28], [sflag:$0x1] =	stream.linear.gather [hbm4b:s25+s4], $0x80, $0x38;
	[tilespmem:$0x1C400] =	vst v63  }
0x6a: {  	s19 =	sadd.s32 $0x30, s1;
	s21 =	simm.s32 $0xD00  }
0x6b: {  	[tilespmem:s21], [sflag:$0x1] =	stream.linear.gather [hbm4b:s19+s4], $0x80, $0x38;
	[tilespmem:$0x1C400] =	vst v63  }
0x6c: {  	s25 =	sadd.s32 $0x40, s1;
	s28 =	simm.s32 $0x1100  }
0x6d: {  	[tilespmem:s28], [sflag:$0x1] =	stream.linear.gather [hbm4b:s25+s4], $0x80, $0x38;
	[tilespmem:$0x1C400] =	vst v63  }
0x6e: {  	s3 =	simm.s32 $0x2000;
	s19 =	sadd.s32 $0x50, s1;
	s21 =	simm.s32 $0x1500  }
0x6f: {  	[tilespmem:s21], [sflag:$0x1] =	stream.linear.gather [hbm4b:s19+s4], $0x80, $0x38;
	[tilespmem:$0x1C400] =	vst v63  }
0x70: {  	s25 =	sadd.s32 $0x60, s1;
	s28 =	simm.s32 $0x1900;
	s19 =	simm.s32 $0x10000  }
0x71: {  	[tilespmem:s28], [sflag:$0x1] =	stream.linear.gather [hbm4b:s25+s4], $0x80, $0x38;
	[tilespmem:$0x1C400] =	vst v63  }
0x72: {  	s21 =	sadd.s32 $0x70, s1;
	s1 =	sadd.s32 $0x1000, s1;
	s25 =	simm.s32 $0x1D00  }
.LBB2_7:
0x73: {  	[tilespmem:s25], [sflag:$0x1] =	stream.linear.gather [hbm4b:s21+s4], $0x80, $0x38;
	[tilespmem:$0x1C400] =	vst v63  }
0x74: {  	s25 =	smov.u32 s3;
	s3 =	smov.u32 s19  }
0x75: {  	s28 =	sadd.s32 $0x8000, s19;
	s3 =	sshra.s32 s3, $0x2;
	s21 =	sadd.s32 $0x100, s25  }
0x76: {  	[tilespmem:s21], [sflag:$0x1] =	stream.linear.gather [hbm4b:s1+s4], $0x80, $0x38;
	[tilespmem:$0x1C400] =	vst v63  }
0x77: {  	p0 =	sne.s32 s19, $0x38000;
	s19 =	sadd.s32 $0x10, s1;
	s21 =	sadd.s32 $0x500, s25  }
0x78: {  	[tilespmem:s21], [sflag:$0x1] =	stream.linear.gather [hbm4b:s19+s4], $0x80, $0x38;
	[tilespmem:$0x1C400] =	vst v63  }
0x79: {  	s19 =	sadd.s32 $0x20, s1;
	s21 =	sadd.s32 $0x900, s25  }
0x7a: {  	[tilespmem:s21], [sflag:$0x1] =	stream.linear.gather [hbm4b:s19+s4], $0x80, $0x38;
	[tilespmem:$0x1C400] =	vst v63  }
0x7b: {  	s19 =	sadd.s32 $0x30, s1;
	s21 =	sadd.s32 $0xD00, s25  }
0x7c: {  	[tilespmem:s21], [sflag:$0x1] =	stream.linear.gather [hbm4b:s19+s4], $0x80, $0x38;
	[tilespmem:$0x1C400] =	vst v63  }
0x7d: {  	s19 =	sadd.s32 $0x40, s1;
	s21 =	sadd.s32 $0x1100, s25  }
0x7e: {  	[tilespmem:s21], [sflag:$0x1] =	stream.linear.gather [hbm4b:s19+s4], $0x80, $0x38;
	[tilespmem:$0x1C400] =	vst v63  }
.Ltmp2:
0x7f: {  	s19 =	sadd.s32 $0x50, s1;
	s21 =	sadd.s32 $0x1500, s25;
	(pc) =	sbr.rel @p0 .LBB2_7-.Ltmp2, $4  }
0x80: {  	[tilespmem:s21], [sflag:$0x1] =	stream.linear.gather [hbm4b:s19+s4], $0x80, $0x38;
	[tilespmem:$0x1C400] =	vst v63  }
0x81: {  	s19 =	sadd.s32 $0x60, s1;
	s21 =	sadd.s32 $0x1900, s25;
	s25 =	sadd.s32 $0x1D00, s25  }
0x82: {  	[tilespmem:s21], [sflag:$0x1] =	stream.linear.gather [hbm4b:s19+s4], $0x80, $0x38;
	[tilespmem:$0x1C400] =	vst v63  }
0x83: {  	s21 =	sadd.s32 $0x70, s1;
	s1 =	sadd.s32 $0x1000, s1;
	s19 =	smov.u32 s28  }
0x84: {  	[tilespmem:s25], [sflag:$0x1] =	stream.linear.gather [hbm4b:s21+s4], $0x80, $0x38;
	[tilespmem:$0x1C400] =	vst v63  }
0x85: {  	s19 =	sadd.s32 $0x100, s3  }
0x86: {  	[tilespmem:s19], [sflag:$0x1] =	stream.linear.gather [hbm4b:s1+s4], $0x80, $0x38;
	[tilespmem:$0x1C400] =	vst v63  }
0x87: {  	s25 =	sadd.s32 $0x10, s1;
	s28 =	sadd.s32 $0x500, s3  }
0x88: {  	[tilespmem:s28], [sflag:$0x1] =	stream.linear.gather [hbm4b:s25+s4], $0x80, $0x38;
	[tilespmem:$0x1C400] =	vst v63  }
0x89: {  	s25 =	sadd.s32 $0x20, s1;
	s28 =	sadd.s32 $0x900, s3  }
0x8a: {  	[tilespmem:s28], [sflag:$0x1] =	stream.linear.gather [hbm4b:s25+s4], $0x80, $0x38;
	[tilespmem:$0x1C400] =	vst v63  }
0x8b: {  	s25 =	sadd.s32 $0x30, s1;
	s28 =	sadd.s32 $0xD00, s3  }
0x8c: {  	[tilespmem:s28], [sflag:$0x1] =	stream.linear.gather [hbm4b:s25+s4], $0x80, $0x38;
	[tilespmem:$0x1C400] =	vst v63  }
0x8d: {  	s25 =	sadd.s32 $0x40, s1;
	s28 =	sadd.s32 $0x1100, s3  }
0x8e: {  	[tilespmem:s28], [sflag:$0x1] =	stream.linear.gather [hbm4b:s25+s4], $0x80, $0x38;
	[tilespmem:$0x1C400] =	vst v63  }
0x8f: {  	s25 =	sadd.s32 $0x50, s1;
	s28 =	sadd.s32 $0x1500, s3  }
0x90: {  	[tilespmem:s28], [sflag:$0x1] =	stream.linear.gather [hbm4b:s25+s4], $0x80, $0x38;
	[tilespmem:$0x1C400] =	vst v63  }
0x91: {  	s25 =	sadd.s32 $0x60, s1;
	s28 =	sadd.s32 $0x1900, s3  }
0x92: {  	[tilespmem:s28], [sflag:$0x1] =	stream.linear.gather [hbm4b:s25+s4], $0x80, $0x38;
	[tilespmem:$0x1C400] =	vst v63  }
0x93: {  	s21 =	sadd.s32 $0x70, s1;
	s25 =	sadd.s32 $0x1D00, s3  }
0x94: {  	[tilespmem:s25], [sflag:$0x1] =	stream.linear.gather [hbm4b:s21+s4], $0x80, $0x38;
	[tilespmem:$0x1C400] =	vst v63  }
0x95: {  	s1 =	sadd.s32 s14, s9;
	s28 =	simm.s32 $0x180  }
0x96: {  	[tilespmem:s28], [sflag:$0x1] =	stream.linear.gather [hbm4b:s1+s4], $0x80, $0x38;
	[tilespmem:$0x1C400] =	vst v63  }
0x97: {  	s19 =	sadd.s32 $0x10, s1;
	s21 =	simm.s32 $0x580  }
0x98: {  	[tilespmem:s21], [sflag:$0x1] =	stream.linear.gather [hbm4b:s19+s4], $0x80, $0x38;
	[tilespmem:$0x1C400] =	vst v63  }
0x99: {  	s25 =	sadd.s32 $0x20, s1;
	s28 =	simm.s32 $0x980  }
0x9a: {  	[tilespmem:s28], [sflag:$0x1] =	stream.linear.gather [hbm4b:s25+s4], $0x80, $0x38;
	[tilespmem:$0x1C400] =	vst v63  }
0x9b: {  	s19 =	sadd.s32 $0x30, s1;
	s21 =	simm.s32 $0xD80  }
0x9c: {  	[tilespmem:s21], [sflag:$0x1] =	stream.linear.gather [hbm4b:s19+s4], $0x80, $0x38;
	[tilespmem:$0x1C400] =	vst v63  }
0x9d: {  	s25 =	sadd.s32 $0x40, s1;
	s28 =	simm.s32 $0x1180  }
0x9e: {  	[tilespmem:s28], [sflag:$0x1] =	stream.linear.gather [hbm4b:s25+s4], $0x80, $0x38;
	[tilespmem:$0x1C400] =	vst v63  }
0x9f: {  	s3 =	simm.s32 $0x2000;
	s19 =	sadd.s32 $0x50, s1;
	s21 =	simm.s32 $0x1580  }
0xa0: {  	[tilespmem:s21], [sflag:$0x1] =	stream.linear.gather [hbm4b:s19+s4], $0x80, $0x38;
	[tilespmem:$0x1C400] =	vst v63  }
0xa1: {  	s25 =	sadd.s32 $0x60, s1;
	s28 =	simm.s32 $0x1980;
	s19 =	simm.s32 $0x10000  }
0xa2: {  	[tilespmem:s28], [sflag:$0x1] =	stream.linear.gather [hbm4b:s25+s4], $0x80, $0x38;
	[tilespmem:$0x1C400] =	vst v63  }
0xa3: {  	s21 =	sadd.s32 $0x70, s1;
	s1 =	sadd.s32 $0x1000, s1;
	s25 =	simm.s32 $0x1D80  }
.LBB2_9:
0xa4: {  	[tilespmem:s25], [sflag:$0x1] =	stream.linear.gather [hbm4b:s21+s4], $0x80, $0x38;
	[tilespmem:$0x1C400] =	vst v63  }
0xa5: {  	s25 =	smov.u32 s3;
	s3 =	smov.u32 s19  }
0xa6: {  	s28 =	sadd.s32 $0x8000, s19;
	s3 =	sshra.s32 s3, $0x2;
	s21 =	sadd.s32 $0x180, s25  }
0xa7: {  	[tilespmem:s21], [sflag:$0x1] =	stream.linear.gather [hbm4b:s1+s4], $0x80, $0x38;
	[tilespmem:$0x1C400] =	vst v63  }
0xa8: {  	p0 =	sne.s32 s19, $0x38000;
	s19 =	sadd.s32 $0x10, s1;
	s21 =	sadd.s32 $0x580, s25  }
0xa9: {  	[tilespmem:s21], [sflag:$0x1] =	stream.linear.gather [hbm4b:s19+s4], $0x80, $0x38;
	[tilespmem:$0x1C400] =	vst v63  }
0xaa: {  	s19 =	sadd.s32 $0x20, s1;
	s21 =	sadd.s32 $0x980, s25  }
0xab: {  	[tilespmem:s21], [sflag:$0x1] =	stream.linear.gather [hbm4b:s19+s4], $0x80, $0x38;
	[tilespmem:$0x1C400] =	vst v63  }
0xac: {  	s19 =	sadd.s32 $0x30, s1;
	s21 =	sadd.s32 $0xD80, s25  }
0xad: {  	[tilespmem:s21], [sflag:$0x1] =	stream.linear.gather [hbm4b:s19+s4], $0x80, $0x38;
	[tilespmem:$0x1C400] =	vst v63  }
0xae: {  	s19 =	sadd.s32 $0x40, s1;
	s21 =	sadd.s32 $0x1180, s25  }
0xaf: {  	[tilespmem:s21], [sflag:$0x1] =	stream.linear.gather [hbm4b:s19+s4], $0x80, $0x38;
	[tilespmem:$0x1C400] =	vst v63  }
.Ltmp3:
0xb0: {  	s19 =	sadd.s32 $0x50, s1;
	s21 =	sadd.s32 $0x1580, s25;
	(pc) =	sbr.rel @p0 .LBB2_9-.Ltmp3, $4  }
0xb1: {  	[tilespmem:s21], [sflag:$0x1] =	stream.linear.gather [hbm4b:s19+s4], $0x80, $0x38;
	[tilespmem:$0x1C400] =	vst v63  }
0xb2: {  	s19 =	sadd.s32 $0x60, s1;
	s21 =	sadd.s32 $0x1980, s25;
	s25 =	sadd.s32 $0x1D80, s25  }
0xb3: {  	[tilespmem:s21], [sflag:$0x1] =	stream.linear.gather [hbm4b:s19+s4], $0x80, $0x38;
	[tilespmem:$0x1C400] =	vst v63  }
0xb4: {  	s21 =	sadd.s32 $0x70, s1;
	s1 =	sadd.s32 $0x1000, s1;
	s19 =	smov.u32 s28  }
0xb5: {  	[tilespmem:s25], [sflag:$0x1] =	stream.linear.gather [hbm4b:s21+s4], $0x80, $0x38;
	[tilespmem:$0x1C400] =	vst v63  }
0xb6: {  	s19 =	sadd.s32 $0x180, s3  }
0xb7: {  	[tilespmem:s19], [sflag:$0x1] =	stream.linear.gather [hbm4b:s1+s4], $0x80, $0x38;
	[tilespmem:$0x1C400] =	vst v63  }
0xb8: {  	s25 =	sadd.s32 $0x10, s1;
	s28 =	sadd.s32 $0x580, s3  }
0xb9: {  	[tilespmem:s28], [sflag:$0x1] =	stream.linear.gather [hbm4b:s25+s4], $0x80, $0x38;
	[tilespmem:$0x1C400] =	vst v63  }
0xba: {  	s25 =	sadd.s32 $0x20, s1;
	s28 =	sadd.s32 $0x980, s3  }
0xbb: {  	[tilespmem:s28], [sflag:$0x1] =	stream.linear.gather [hbm4b:s25+s4], $0x80, $0x38;
	[tilespmem:$0x1C400] =	vst v63  }
0xbc: {  	s25 =	sadd.s32 $0x30, s1;
	s28 =	sadd.s32 $0xD80, s3  }
0xbd: {  	[tilespmem:s28], [sflag:$0x1] =	stream.linear.gather [hbm4b:s25+s4], $0x80, $0x38;
	[tilespmem:$0x1C400] =	vst v63  }
0xbe: {  	s25 =	sadd.s32 $0x40, s1;
	s28 =	sadd.s32 $0x1180, s3  }
0xbf: {  	[tilespmem:s28], [sflag:$0x1] =	stream.linear.gather [hbm4b:s25+s4], $0x80, $0x38;
	[tilespmem:$0x1C400] =	vst v63  }
0xc0: {  	s25 =	sadd.s32 $0x50, s1;
	s28 =	sadd.s32 $0x1580, s3  }
0xc1: {  	[tilespmem:s28], [sflag:$0x1] =	stream.linear.gather [hbm4b:s25+s4], $0x80, $0x38;
	[tilespmem:$0x1C400] =	vst v63  }
0xc2: {  	s25 =	sadd.s32 $0x60, s1;
	s28 =	sadd.s32 $0x1980, s3  }
0xc3: {  	[tilespmem:s28], [sflag:$0x1] =	stream.linear.gather [hbm4b:s25+s4], $0x80, $0x38;
	[tilespmem:$0x1C400] =	vst v63  }
0xc4: {  	s21 =	sadd.s32 $0x70, s1;
	s25 =	sadd.s32 $0x1D80, s3  }
0xc5: {  	[tilespmem:s25], [sflag:$0x1] =	stream.linear.gather [hbm4b:s21+s4], $0x80, $0x38;
	[tilespmem:$0x1C400] =	vst v63  }
0xc6: {  	s1 =	sadd.s32 s14, s10;
	s28 =	simm.s32 $0x200  }
0xc7: {  	[tilespmem:s28], [sflag:$0x1] =	stream.linear.gather [hbm4b:s1+s4], $0x80, $0x38;
	[tilespmem:$0x1C400] =	vst v63  }
0xc8: {  	s19 =	sadd.s32 $0x10, s1;
	s21 =	simm.s32 $0x600  }
0xc9: {  	[tilespmem:s21], [sflag:$0x1] =	stream.linear.gather [hbm4b:s19+s4], $0x80, $0x38;
	[tilespmem:$0x1C400] =	vst v63  }
0xca: {  	s25 =	sadd.s32 $0x20, s1;
	s28 =	simm.s32 $0xA00  }
0xcb: {  	[tilespmem:s28], [sflag:$0x1] =	stream.linear.gather [hbm4b:s25+s4], $0x80, $0x38;
	[tilespmem:$0x1C400] =	vst v63  }
0xcc: {  	s19 =	sadd.s32 $0x30, s1;
	s21 =	simm.s32 $0xE00  }
0xcd: {  	[tilespmem:s21], [sflag:$0x1] =	stream.linear.gather [hbm4b:s19+s4], $0x80, $0x38;
	[tilespmem:$0x1C400] =	vst v63  }
0xce: {  	s25 =	sadd.s32 $0x40, s1;
	s28 =	simm.s32 $0x1200  }
0xcf: {  	[tilespmem:s28], [sflag:$0x1] =	stream.linear.gather [hbm4b:s25+s4], $0x80, $0x38;
	[tilespmem:$0x1C400] =	vst v63  }
0xd0: {  	s3 =	simm.s32 $0x2000;
	s19 =	sadd.s32 $0x50, s1;
	s21 =	simm.s32 $0x1600  }
0xd1: {  	[tilespmem:s21], [sflag:$0x1] =	stream.linear.gather [hbm4b:s19+s4], $0x80, $0x38;
	[tilespmem:$0x1C400] =	vst v63  }
0xd2: {  	s25 =	sadd.s32 $0x60, s1;
	s28 =	simm.s32 $0x1A00;
	s19 =	simm.s32 $0x10000  }
0xd3: {  	[tilespmem:s28], [sflag:$0x1] =	stream.linear.gather [hbm4b:s25+s4], $0x80, $0x38;
	[tilespmem:$0x1C400] =	vst v63  }
0xd4: {  	s21 =	sadd.s32 $0x70, s1;
	s1 =	sadd.s32 $0x1000, s1;
	s25 =	simm.s32 $0x1E00  }
.LBB2_11:
0xd5: {  	[tilespmem:s25], [sflag:$0x1] =	stream.linear.gather [hbm4b:s21+s4], $0x80, $0x38;
	[tilespmem:$0x1C400] =	vst v63  }
0xd6: {  	s25 =	smov.u32 s3;
	s3 =	smov.u32 s19  }
0xd7: {  	s28 =	sadd.s32 $0x8000, s19;
	s3 =	sshra.s32 s3, $0x2;
	s21 =	sadd.s32 $0x200, s25  }
0xd8: {  	[tilespmem:s21], [sflag:$0x1] =	stream.linear.gather [hbm4b:s1+s4], $0x80, $0x38;
	[tilespmem:$0x1C400] =	vst v63  }
0xd9: {  	p0 =	sne.s32 s19, $0x38000;
	s19 =	sadd.s32 $0x10, s1;
	s21 =	sadd.s32 $0x600, s25  }
0xda: {  	[tilespmem:s21], [sflag:$0x1] =	stream.linear.gather [hbm4b:s19+s4], $0x80, $0x38;
	[tilespmem:$0x1C400] =	vst v63  }
0xdb: {  	s19 =	sadd.s32 $0x20, s1;
	s21 =	sadd.s32 $0xA00, s25  }
0xdc: {  	[tilespmem:s21], [sflag:$0x1] =	stream.linear.gather [hbm4b:s19+s4], $0x80, $0x38;
	[tilespmem:$0x1C400] =	vst v63  }
0xdd: {  	s19 =	sadd.s32 $0x30, s1;
	s21 =	sadd.s32 $0xE00, s25  }
0xde: {  	[tilespmem:s21], [sflag:$0x1] =	stream.linear.gather [hbm4b:s19+s4], $0x80, $0x38;
	[tilespmem:$0x1C400] =	vst v63  }
0xdf: {  	s19 =	sadd.s32 $0x40, s1;
	s21 =	sadd.s32 $0x1200, s25  }
0xe0: {  	[tilespmem:s21], [sflag:$0x1] =	stream.linear.gather [hbm4b:s19+s4], $0x80, $0x38;
	[tilespmem:$0x1C400] =	vst v63  }
.Ltmp4:
0xe1: {  	s19 =	sadd.s32 $0x50, s1;
	s21 =	sadd.s32 $0x1600, s25;
	(pc) =	sbr.rel @p0 .LBB2_11-.Ltmp4, $4  }
0xe2: {  	[tilespmem:s21], [sflag:$0x1] =	stream.linear.gather [hbm4b:s19+s4], $0x80, $0x38;
	[tilespmem:$0x1C400] =	vst v63  }
0xe3: {  	s19 =	sadd.s32 $0x60, s1;
	s21 =	sadd.s32 $0x1A00, s25;
	s25 =	sadd.s32 $0x1E00, s25  }
0xe4: {  	[tilespmem:s21], [sflag:$0x1] =	stream.linear.gather [hbm4b:s19+s4], $0x80, $0x38;
	[tilespmem:$0x1C400] =	vst v63  }
0xe5: {  	s21 =	sadd.s32 $0x70, s1;
	s1 =	sadd.s32 $0x1000, s1;
	s19 =	smov.u32 s28  }
0xe6: {  	[tilespmem:s25], [sflag:$0x1] =	stream.linear.gather [hbm4b:s21+s4], $0x80, $0x38;
	[tilespmem:$0x1C400] =	vst v63  }
0xe7: {  	s19 =	sadd.s32 $0x200, s3  }
0xe8: {  	[tilespmem:s19], [sflag:$0x1] =	stream.linear.gather [hbm4b:s1+s4], $0x80, $0x38;
	[tilespmem:$0x1C400] =	vst v63  }
0xe9: {  	s25 =	sadd.s32 $0x10, s1;
	s28 =	sadd.s32 $0x600, s3  }
0xea: {  	[tilespmem:s28], [sflag:$0x1] =	stream.linear.gather [hbm4b:s25+s4], $0x80, $0x38;
	[tilespmem:$0x1C400] =	vst v63  }
0xeb: {  	s25 =	sadd.s32 $0x20, s1;
	s28 =	sadd.s32 $0xA00, s3  }
0xec: {  	[tilespmem:s28], [sflag:$0x1] =	stream.linear.gather [hbm4b:s25+s4], $0x80, $0x38;
	[tilespmem:$0x1C400] =	vst v63  }
0xed: {  	s25 =	sadd.s32 $0x30, s1;
	s28 =	sadd.s32 $0xE00, s3  }
0xee: {  	[tilespmem:s28], [sflag:$0x1] =	stream.linear.gather [hbm4b:s25+s4], $0x80, $0x38;
	[tilespmem:$0x1C400] =	vst v63  }
0xef: {  	s25 =	sadd.s32 $0x40, s1;
	s28 =	sadd.s32 $0x1200, s3  }
0xf0: {  	[tilespmem:s28], [sflag:$0x1] =	stream.linear.gather [hbm4b:s25+s4], $0x80, $0x38;
	[tilespmem:$0x1C400] =	vst v63  }
0xf1: {  	s25 =	sadd.s32 $0x50, s1;
	s28 =	sadd.s32 $0x1600, s3  }
0xf2: {  	[tilespmem:s28], [sflag:$0x1] =	stream.linear.gather [hbm4b:s25+s4], $0x80, $0x38;
	[tilespmem:$0x1C400] =	vst v63  }
0xf3: {  	s25 =	sadd.s32 $0x60, s1;
	s28 =	sadd.s32 $0x1A00, s3  }
0xf4: {  	[tilespmem:s28], [sflag:$0x1] =	stream.linear.gather [hbm4b:s25+s4], $0x80, $0x38;
	[tilespmem:$0x1C400] =	vst v63  }
0xf5: {  	s21 =	sadd.s32 $0x70, s1;
	s25 =	sadd.s32 $0x1E00, s3  }
0xf6: {  	[tilespmem:s25], [sflag:$0x1] =	stream.linear.gather [hbm4b:s21+s4], $0x80, $0x38;
	[tilespmem:$0x1C400] =	vst v63  }
0xf7: {  	s1 =	sadd.s32 s14, s11;
	s28 =	simm.s32 $0x280  }
0xf8: {  	[tilespmem:s28], [sflag:$0x1] =	stream.linear.gather [hbm4b:s1+s4], $0x80, $0x38;
	[tilespmem:$0x1C400] =	vst v63  }
0xf9: {  	s19 =	sadd.s32 $0x10, s1;
	s21 =	simm.s32 $0x680  }
0xfa: {  	[tilespmem:s21], [sflag:$0x1] =	stream.linear.gather [hbm4b:s19+s4], $0x80, $0x38;
	[tilespmem:$0x1C400] =	vst v63  }
0xfb: {  	s25 =	sadd.s32 $0x20, s1;
	s28 =	simm.s32 $0xA80  }
0xfc: {  	[tilespmem:s28], [sflag:$0x1] =	stream.linear.gather [hbm4b:s25+s4], $0x80, $0x38;
	[tilespmem:$0x1C400] =	vst v63  }
0xfd: {  	s19 =	sadd.s32 $0x30, s1;
	s21 =	simm.s32 $0xE80  }
0xfe: {  	[tilespmem:s21], [sflag:$0x1] =	stream.linear.gather [hbm4b:s19+s4], $0x80, $0x38;
	[tilespmem:$0x1C400] =	vst v63  }
0xff: {  	s25 =	sadd.s32 $0x40, s1;
	s28 =	simm.s32 $0x1280  }
0x100: {  	[tilespmem:s28], [sflag:$0x1] =	stream.linear.gather [hbm4b:s25+s4], $0x80, $0x38;
	[tilespmem:$0x1C400] =	vst v63  }
0x101: {  	s3 =	simm.s32 $0x2000;
	s19 =	sadd.s32 $0x50, s1;
	s21 =	simm.s32 $0x1680  }
0x102: {  	[tilespmem:s21], [sflag:$0x1] =	stream.linear.gather [hbm4b:s19+s4], $0x80, $0x38;
	[tilespmem:$0x1C400] =	vst v63  }
0x103: {  	s25 =	sadd.s32 $0x60, s1;
	s28 =	simm.s32 $0x1A80;
	s19 =	simm.s32 $0x10000  }
0x104: {  	[tilespmem:s28], [sflag:$0x1] =	stream.linear.gather [hbm4b:s25+s4], $0x80, $0x38;
	[tilespmem:$0x1C400] =	vst v63  }
0x105: {  	s21 =	sadd.s32 $0x70, s1;
	s1 =	sadd.s32 $0x1000, s1;
	s25 =	simm.s32 $0x1E80  }
.LBB2_13:
0x106: {  	[tilespmem:s25], [sflag:$0x1] =	stream.linear.gather [hbm4b:s21+s4], $0x80, $0x38;
	[tilespmem:$0x1C400] =	vst v63  }
0x107: {  	s25 =	smov.u32 s3;
	s3 =	smov.u32 s19  }
0x108: {  	s28 =	sadd.s32 $0x8000, s19;
	s3 =	sshra.s32 s3, $0x2;
	s21 =	sadd.s32 $0x280, s25  }
0x109: {  	[tilespmem:s21], [sflag:$0x1] =	stream.linear.gather [hbm4b:s1+s4], $0x80, $0x38;
	[tilespmem:$0x1C400] =	vst v63  }
0x10a: {  	p0 =	sne.s32 s19, $0x38000;
	s19 =	sadd.s32 $0x10, s1;
	s21 =	sadd.s32 $0x680, s25  }
0x10b: {  	[tilespmem:s21], [sflag:$0x1] =	stream.linear.gather [hbm4b:s19+s4], $0x80, $0x38;
	[tilespmem:$0x1C400] =	vst v63  }
0x10c: {  	s19 =	sadd.s32 $0x20, s1;
	s21 =	sadd.s32 $0xA80, s25  }
0x10d: {  	[tilespmem:s21], [sflag:$0x1] =	stream.linear.gather [hbm4b:s19+s4], $0x80, $0x38;
	[tilespmem:$0x1C400] =	vst v63  }
0x10e: {  	s19 =	sadd.s32 $0x30, s1;
	s21 =	sadd.s32 $0xE80, s25  }
0x10f: {  	[tilespmem:s21], [sflag:$0x1] =	stream.linear.gather [hbm4b:s19+s4], $0x80, $0x38;
	[tilespmem:$0x1C400] =	vst v63  }
0x110: {  	s19 =	sadd.s32 $0x40, s1;
	s21 =	sadd.s32 $0x1280, s25  }
0x111: {  	[tilespmem:s21], [sflag:$0x1] =	stream.linear.gather [hbm4b:s19+s4], $0x80, $0x38;
	[tilespmem:$0x1C400] =	vst v63  }
.Ltmp5:
0x112: {  	s19 =	sadd.s32 $0x50, s1;
	s21 =	sadd.s32 $0x1680, s25;
	(pc) =	sbr.rel @p0 .LBB2_13-.Ltmp5, $4  }
0x113: {  	[tilespmem:s21], [sflag:$0x1] =	stream.linear.gather [hbm4b:s19+s4], $0x80, $0x38;
	[tilespmem:$0x1C400] =	vst v63  }
0x114: {  	s19 =	sadd.s32 $0x60, s1;
	s21 =	sadd.s32 $0x1A80, s25;
	s25 =	sadd.s32 $0x1E80, s25  }
0x115: {  	[tilespmem:s21], [sflag:$0x1] =	stream.linear.gather [hbm4b:s19+s4], $0x80, $0x38;
	[tilespmem:$0x1C400] =	vst v63  }
0x116: {  	s21 =	sadd.s32 $0x70, s1;
	s1 =	sadd.s32 $0x1000, s1;
	s19 =	smov.u32 s28  }
0x117: {  	[tilespmem:s25], [sflag:$0x1] =	stream.linear.gather [hbm4b:s21+s4], $0x80, $0x38;
	[tilespmem:$0x1C400] =	vst v63  }
0x118: {  	s19 =	sadd.s32 $0x280, s3  }
0x119: {  	[tilespmem:s19], [sflag:$0x1] =	stream.linear.gather [hbm4b:s1+s4], $0x80, $0x38;
	[tilespmem:$0x1C400] =	vst v63  }
0x11a: {  	s25 =	sadd.s32 $0x10, s1;
	s28 =	sadd.s32 $0x680, s3  }
0x11b: {  	[tilespmem:s28], [sflag:$0x1] =	stream.linear.gather [hbm4b:s25+s4], $0x80, $0x38;
	[tilespmem:$0x1C400] =	vst v63  }
0x11c: {  	s25 =	sadd.s32 $0x20, s1;
	s28 =	sadd.s32 $0xA80, s3  }
0x11d: {  	[tilespmem:s28], [sflag:$0x1] =	stream.linear.gather [hbm4b:s25+s4], $0x80, $0x38;
	[tilespmem:$0x1C400] =	vst v63  }
0x11e: {  	s25 =	sadd.s32 $0x30, s1;
	s28 =	sadd.s32 $0xE80, s3  }
0x11f: {  	[tilespmem:s28], [sflag:$0x1] =	stream.linear.gather [hbm4b:s25+s4], $0x80, $0x38;
	[tilespmem:$0x1C400] =	vst v63  }
0x120: {  	s25 =	sadd.s32 $0x40, s1;
	s28 =	sadd.s32 $0x1280, s3  }
0x121: {  	[tilespmem:s28], [sflag:$0x1] =	stream.linear.gather [hbm4b:s25+s4], $0x80, $0x38;
	[tilespmem:$0x1C400] =	vst v63  }
0x122: {  	s25 =	sadd.s32 $0x50, s1;
	s28 =	sadd.s32 $0x1680, s3  }
0x123: {  	[tilespmem:s28], [sflag:$0x1] =	stream.linear.gather [hbm4b:s25+s4], $0x80, $0x38;
	[tilespmem:$0x1C400] =	vst v63  }
0x124: {  	s25 =	sadd.s32 $0x60, s1;
	s28 =	sadd.s32 $0x1A80, s3  }
0x125: {  	[tilespmem:s28], [sflag:$0x1] =	stream.linear.gather [hbm4b:s25+s4], $0x80, $0x38;
	[tilespmem:$0x1C400] =	vst v63  }
0x126: {  	s21 =	sadd.s32 $0x70, s1;
	s25 =	sadd.s32 $0x1E80, s3  }
0x127: {  	[tilespmem:s25], [sflag:$0x1] =	stream.linear.gather [hbm4b:s21+s4], $0x80, $0x38;
	[tilespmem:$0x1C400] =	vst v63  }
0x128: {  	s1 =	sadd.s32 s14, s12;
	s28 =	simm.s32 $0x300  }
0x129: {  	[tilespmem:s28], [sflag:$0x1] =	stream.linear.gather [hbm4b:s1+s4], $0x80, $0x38;
	[tilespmem:$0x1C400] =	vst v63  }
0x12a: {  	s19 =	sadd.s32 $0x10, s1;
	s21 =	simm.s32 $0x700  }
0x12b: {  	[tilespmem:s21], [sflag:$0x1] =	stream.linear.gather [hbm4b:s19+s4], $0x80, $0x38;
	[tilespmem:$0x1C400] =	vst v63  }
0x12c: {  	s25 =	sadd.s32 $0x20, s1;
	s28 =	simm.s32 $0xB00  }
0x12d: {  	[tilespmem:s28], [sflag:$0x1] =	stream.linear.gather [hbm4b:s25+s4], $0x80, $0x38;
	[tilespmem:$0x1C400] =	vst v63  }
0x12e: {  	s19 =	sadd.s32 $0x30, s1;
	s21 =	simm.s32 $0xF00  }
0x12f: {  	[tilespmem:s21], [sflag:$0x1] =	stream.linear.gather [hbm4b:s19+s4], $0x80, $0x38;
	[tilespmem:$0x1C400] =	vst v63  }
0x130: {  	s25 =	sadd.s32 $0x40, s1;
	s28 =	simm.s32 $0x1300  }
0x131: {  	[tilespmem:s28], [sflag:$0x1] =	stream.linear.gather [hbm4b:s25+s4], $0x80, $0x38;
	[tilespmem:$0x1C400] =	vst v63  }
0x132: {  	s3 =	simm.s32 $0x2000;
	s19 =	sadd.s32 $0x50, s1;
	s21 =	simm.s32 $0x1700  }
0x133: {  	[tilespmem:s21], [sflag:$0x1] =	stream.linear.gather [hbm4b:s19+s4], $0x80, $0x38;
	[tilespmem:$0x1C400] =	vst v63  }
0x134: {  	s25 =	sadd.s32 $0x60, s1;
	s28 =	simm.s32 $0x1B00;
	s19 =	simm.s32 $0x10000  }
0x135: {  	[tilespmem:s28], [sflag:$0x1] =	stream.linear.gather [hbm4b:s25+s4], $0x80, $0x38;
	[tilespmem:$0x1C400] =	vst v63  }
0x136: {  	s21 =	sadd.s32 $0x70, s1;
	s1 =	sadd.s32 $0x1000, s1;
	s25 =	simm.s32 $0x1F00  }
.LBB2_15:
0x137: {  	[tilespmem:s25], [sflag:$0x1] =	stream.linear.gather [hbm4b:s21+s4], $0x80, $0x38;
	[tilespmem:$0x1C400] =	vst v63  }
0x138: {  	s25 =	smov.u32 s3;
	s3 =	smov.u32 s19  }
0x139: {  	s28 =	sadd.s32 $0x8000, s19;
	s3 =	sshra.s32 s3, $0x2;
	s21 =	sadd.s32 $0x300, s25  }
0x13a: {  	[tilespmem:s21], [sflag:$0x1] =	stream.linear.gather [hbm4b:s1+s4], $0x80, $0x38;
	[tilespmem:$0x1C400] =	vst v63  }
0x13b: {  	p0 =	sne.s32 s19, $0x38000;
	s19 =	sadd.s32 $0x10, s1;
	s21 =	sadd.s32 $0x700, s25  }
0x13c: {  	[tilespmem:s21], [sflag:$0x1] =	stream.linear.gather [hbm4b:s19+s4], $0x80, $0x38;
	[tilespmem:$0x1C400] =	vst v63  }
0x13d: {  	s19 =	sadd.s32 $0x20, s1;
	s21 =	sadd.s32 $0xB00, s25  }
0x13e: {  	[tilespmem:s21], [sflag:$0x1] =	stream.linear.gather [hbm4b:s19+s4], $0x80, $0x38;
	[tilespmem:$0x1C400] =	vst v63  }
0x13f: {  	s19 =	sadd.s32 $0x30, s1;
	s21 =	sadd.s32 $0xF00, s25  }
0x140: {  	[tilespmem:s21], [sflag:$0x1] =	stream.linear.gather [hbm4b:s19+s4], $0x80, $0x38;
	[tilespmem:$0x1C400] =	vst v63  }
0x141: {  	s19 =	sadd.s32 $0x40, s1;
	s21 =	sadd.s32 $0x1300, s25  }
0x142: {  	[tilespmem:s21], [sflag:$0x1] =	stream.linear.gather [hbm4b:s19+s4], $0x80, $0x38;
	[tilespmem:$0x1C400] =	vst v63  }
.Ltmp6:
0x143: {  	s19 =	sadd.s32 $0x50, s1;
	s21 =	sadd.s32 $0x1700, s25;
	(pc) =	sbr.rel @p0 .LBB2_15-.Ltmp6, $4  }
0x144: {  	[tilespmem:s21], [sflag:$0x1] =	stream.linear.gather [hbm4b:s19+s4], $0x80, $0x38;
	[tilespmem:$0x1C400] =	vst v63  }
0x145: {  	s19 =	sadd.s32 $0x60, s1;
	s21 =	sadd.s32 $0x1B00, s25;
	s25 =	sadd.s32 $0x1F00, s25  }
0x146: {  	[tilespmem:s21], [sflag:$0x1] =	stream.linear.gather [hbm4b:s19+s4], $0x80, $0x38;
	[tilespmem:$0x1C400] =	vst v63  }
0x147: {  	s21 =	sadd.s32 $0x70, s1;
	s1 =	sadd.s32 $0x1000, s1;
	s19 =	smov.u32 s28  }
0x148: {  	[tilespmem:s25], [sflag:$0x1] =	stream.linear.gather [hbm4b:s21+s4], $0x80, $0x38;
	[tilespmem:$0x1C400] =	vst v63  }
0x149: {  	s19 =	sadd.s32 $0x300, s3  }
0x14a: {  	[tilespmem:s19], [sflag:$0x1] =	stream.linear.gather [hbm4b:s1+s4], $0x80, $0x38;
	[tilespmem:$0x1C400] =	vst v63  }
0x14b: {  	s25 =	sadd.s32 $0x10, s1;
	s28 =	sadd.s32 $0x700, s3  }
0x14c: {  	[tilespmem:s28], [sflag:$0x1] =	stream.linear.gather [hbm4b:s25+s4], $0x80, $0x38;
	[tilespmem:$0x1C400] =	vst v63  }
0x14d: {  	s25 =	sadd.s32 $0x20, s1;
	s28 =	sadd.s32 $0xB00, s3  }
0x14e: {  	[tilespmem:s28], [sflag:$0x1] =	stream.linear.gather [hbm4b:s25+s4], $0x80, $0x38;
	[tilespmem:$0x1C400] =	vst v63  }
0x14f: {  	s25 =	sadd.s32 $0x30, s1;
	s28 =	sadd.s32 $0xF00, s3  }
0x150: {  	[tilespmem:s28], [sflag:$0x1] =	stream.linear.gather [hbm4b:s25+s4], $0x80, $0x38;
	[tilespmem:$0x1C400] =	vst v63  }
0x151: {  	s25 =	sadd.s32 $0x40, s1;
	s28 =	sadd.s32 $0x1300, s3  }
0x152: {  	[tilespmem:s28], [sflag:$0x1] =	stream.linear.gather [hbm4b:s25+s4], $0x80, $0x38;
	[tilespmem:$0x1C400] =	vst v63  }
0x153: {  	s25 =	sadd.s32 $0x50, s1;
	s28 =	sadd.s32 $0x1700, s3  }
0x154: {  	[tilespmem:s28], [sflag:$0x1] =	stream.linear.gather [hbm4b:s25+s4], $0x80, $0x38;
	[tilespmem:$0x1C400] =	vst v63  }
0x155: {  	s25 =	sadd.s32 $0x60, s1;
	s28 =	sadd.s32 $0x1B00, s3  }
0x156: {  	[tilespmem:s28], [sflag:$0x1] =	stream.linear.gather [hbm4b:s25+s4], $0x80, $0x38;
	[tilespmem:$0x1C400] =	vst v63  }
0x157: {  	s25 =	sadd.s32 $0x70, s1;
	s28 =	sadd.s32 $0x1F00, s3  }
0x158: {  	[tilespmem:s28], [sflag:$0x1] =	stream.linear.gather [hbm4b:s25+s4], $0x80, $0x38;
	[tilespmem:$0x1C400] =	vst v63  }
0x159: {  	s1 =	sadd.s32 s14, s13;
	s14 =	simm.s32 $0x380  }
0x15a: {  	[tilespmem:s14], [sflag:$0x1] =	stream.linear.gather [hbm4b:s1+s4], $0x80, $0x38;
	[tilespmem:$0x1C400] =	vst v63  }
0x15b: {  	s21 =	simm.s32 $0x780;
	s19 =	sadd.s32 $0x10, s1  }
0x15c: {  	[tilespmem:s21], [sflag:$0x1] =	stream.linear.gather [hbm4b:s19+s4], $0x80, $0x38;
	[tilespmem:$0x1C400] =	vst v63  }
0x15d: {  	s3 =	simm.s32 $0x2000;
	s25 =	sadd.s32 $0x20, s1;
	s28 =	simm.s32 $0xB80  }
0x15e: {  	[tilespmem:s28], [sflag:$0x1] =	stream.linear.gather [hbm4b:s25+s4], $0x80, $0x38;
	[tilespmem:$0x1C400] =	vst v63  }
0x15f: {  	s14 =	simm.s32 $0x10000;
	s19 =	sadd.s32 $0x30, s1;
	s21 =	simm.s32 $0xF80  }
0x160: {  	[tilespmem:s21], [sflag:$0x1] =	stream.linear.gather [hbm4b:s19+s4], $0x80, $0x38;
	[tilespmem:$0x1C400] =	vst v63  }
0x161: {  	s25 =	sadd.s32 $0x40, s1;
	s28 =	simm.s32 $0x1380;
	s19 =	sadd.s32 $0x50, s1  }
0x162: {  	[tilespmem:s28], [sflag:$0x1] =	stream.linear.gather [hbm4b:s25+s4], $0x80, $0x38;
	[tilespmem:$0x1C400] =	vst v63  }
0x163: {  	s21 =	simm.s32 $0x1780;
	s25 =	sadd.s32 $0x60, s1;
	s28 =	simm.s32 $0x1B80  }
0x164: {  	[tilespmem:s21], [sflag:$0x1] =	stream.linear.gather [hbm4b:s19+s4], $0x80, $0x38;
	[tilespmem:$0x1C400] =	vst v63  }
0x165: {  	s19 =	sadd.s32 $0x70, s1;
	s21 =	simm.s32 $0x1F80;
	s1 =	sadd.s32 $0x1000, s1  }
0x166: {  	[tilespmem:s28], [sflag:$0x1] =	stream.linear.gather [hbm4b:s25+s4], $0x80, $0x38;
	[tilespmem:$0x1C400] =	vst v63  }
.LBB2_17:
0x167: {  	[tilespmem:s21], [sflag:$0x1] =	stream.linear.gather [hbm4b:s19+s4], $0x80, $0x38;
	[tilespmem:$0x1C400] =	vst v63  }
0x168: {  	s21 =	smov.u32 s3;
	s3 =	smov.u32 s14  }
0x169: {  	s25 =	sadd.s32 $0x8000, s14;
	s3 =	sshra.s32 s3, $0x2;
	s19 =	sadd.s32 $0x380, s21  }
0x16a: {  	[tilespmem:s19], [sflag:$0x1] =	stream.linear.gather [hbm4b:s1+s4], $0x80, $0x38;
	[tilespmem:$0x1C400] =	vst v63  }
0x16b: {  	p0 =	sne.s32 s14, $0x38000;
	s14 =	sadd.s32 $0x10, s1;
	s19 =	sadd.s32 $0x780, s21  }
0x16c: {  	[tilespmem:s19], [sflag:$0x1] =	stream.linear.gather [hbm4b:s14+s4], $0x80, $0x38;
	[tilespmem:$0x1C400] =	vst v63  }
0x16d: {  	s14 =	sadd.s32 $0x20, s1;
	s19 =	sadd.s32 $0xB80, s21  }
0x16e: {  	[tilespmem:s19], [sflag:$0x1] =	stream.linear.gather [hbm4b:s14+s4], $0x80, $0x38;
	[tilespmem:$0x1C400] =	vst v63  }
0x16f: {  	s14 =	sadd.s32 $0x30, s1;
	s19 =	sadd.s32 $0xF80, s21  }
0x170: {  	[tilespmem:s19], [sflag:$0x1] =	stream.linear.gather [hbm4b:s14+s4], $0x80, $0x38;
	[tilespmem:$0x1C400] =	vst v63  }
0x171: {  	s14 =	sadd.s32 $0x40, s1;
	s19 =	sadd.s32 $0x1380, s21  }
0x172: {  	[tilespmem:s19], [sflag:$0x1] =	stream.linear.gather [hbm4b:s14+s4], $0x80, $0x38;
	[tilespmem:$0x1C400] =	vst v63  }
.Ltmp7:
0x173: {  	s14 =	sadd.s32 $0x50, s1;
	s19 =	sadd.s32 $0x1780, s21;
	(pc) =	sbr.rel @p0 .LBB2_17-.Ltmp7, $4  }
0x174: {  	[tilespmem:s19], [sflag:$0x1] =	stream.linear.gather [hbm4b:s14+s4], $0x80, $0x38;
	[tilespmem:$0x1C400] =	vst v63  }
0x175: {  	s14 =	sadd.s32 $0x60, s1;
	s19 =	sadd.s32 $0x1B80, s21;
	s21 =	sadd.s32 $0x1F80, s21  }
0x176: {  	[tilespmem:s19], [sflag:$0x1] =	stream.linear.gather [hbm4b:s14+s4], $0x80, $0x38;
	[tilespmem:$0x1C400] =	vst v63  }
0x177: {  	s19 =	sadd.s32 $0x70, s1;
	s1 =	sadd.s32 $0x1000, s1;
	s14 =	smov.u32 s25  }
0x178: {  	[tilespmem:s21], [sflag:$0x1] =	stream.linear.gather [hbm4b:s19+s4], $0x80, $0x38;
	[tilespmem:$0x1C400] =	vst v63  }
0x179: {  	s14 =	sadd.s32 $0x380, s3  }
0x17a: {  	[tilespmem:s14], [sflag:$0x1] =	stream.linear.gather [hbm4b:s1+s4], $0x80, $0x38;
	[tilespmem:$0x1C400] =	vst v63  }
0x17b: {  	s25 =	sadd.s32 $0x10, s1;
	s28 =	sadd.s32 $0x780, s3  }
0x17c: {  	[tilespmem:s28], [sflag:$0x1] =	stream.linear.gather [hbm4b:s25+s4], $0x80, $0x38;
	[tilespmem:$0x1C400] =	vst v63  }
0x17d: {  	s19 =	sadd.s32 $0x20, s1;
	s21 =	sadd.s32 $0xB80, s3  }
0x17e: {  	[tilespmem:s21], [sflag:$0x1] =	stream.linear.gather [hbm4b:s19+s4], $0x80, $0x38;
	[tilespmem:$0x1C400] =	vst v63  }
0x17f: {  	s25 =	sadd.s32 $0x30, s1;
	s28 =	sadd.s32 $0xF80, s3  }
0x180: {  	[tilespmem:s28], [sflag:$0x1] =	stream.linear.gather [hbm4b:s25+s4], $0x80, $0x38;
	[tilespmem:$0x1C400] =	vst v63  }
0x181: {  	s19 =	sadd.s32 $0x40, s1;
	s21 =	sadd.s32 $0x1380, s3  }
0x182: {  	[tilespmem:s21], [sflag:$0x1] =	stream.linear.gather [hbm4b:s19+s4], $0x80, $0x38;
	[tilespmem:$0x1C400] =	vst v63  }
0x183: {  	s25 =	sadd.s32 $0x50, s1;
	s28 =	sadd.s32 $0x1780, s3  }
0x184: {  	[tilespmem:s28], [sflag:$0x1] =	stream.linear.gather [hbm4b:s25+s4], $0x80, $0x38;
	[tilespmem:$0x1C400] =	vst v63  }
0x185: {  	s19 =	sadd.s32 $0x60, s1;
	s21 =	sadd.s32 $0x1B80, s3  }
0x186: {  	[tilespmem:s21], [sflag:$0x1] =	stream.linear.gather [hbm4b:s19+s4], $0x80, $0x38;
	[tilespmem:$0x1C400] =	vst v63  }
0x187: {  	s25 =	sadd.s32 $0x70, s1;
	s28 =	sadd.s32 $0x1F80, s3  }
0x188: {  	[tilespmem:s28], [sflag:$0x1] =	stream.linear.gather [hbm4b:s25+s4], $0x80, $0x38;
	[tilespmem:$0x1C400] =	vst v63  }
0x189: {  	_ =	swait.ge [sflag:s15], $0x2000  }
0x18a: {  	[sflag:s15] =	ssyncset.done $0x0  }
0x18b: {  	[sflag:s15] =	ssyncadd.s32 $0xFFFFE000  }
0x18c: {  	_ =	swait.ge [sflag:s15], $0x2000  }
0x18d: {  	[sflag:s15] =	ssyncset.done $0x0  }
0x18e: {  	[sflag:s15] =	ssyncadd.s32 $0xFFFFE000  }
0x18f: {  	_ =	swait.ge [sflag:s15], $0x2000  }
0x190: {  	[sflag:s15] =	ssyncset.done $0x0  }
0x191: {  	[sflag:s15] =	ssyncadd.s32 $0xFFFFE000  }
0x192: {  	_ =	swait.ge [sflag:s15], $0x2000  }
0x193: {  	[sflag:s15] =	ssyncset.done $0x0  }
0x194: {  	[sflag:s15] =	ssyncadd.s32 $0xFFFFE000  }
0x195: {  	_ =	swait.ge [sflag:s15], $0x2000  }
0x196: {  	[sflag:s15] =	ssyncset.done $0x0  }
0x197: {  	[sflag:s15] =	ssyncadd.s32 $0xFFFFE000  }
0x198: {  	_ =	swait.ge [sflag:s15], $0x2000  }
0x199: {  	[sflag:s15] =	ssyncset.done $0x0  }
0x19a: {  	[sflag:s15] =	ssyncadd.s32 $0xFFFFE000  }
0x19b: {  	_ =	swait.ge [sflag:s15], $0x2000  }
0x19c: {  	[sflag:s15] =	ssyncset.done $0x0  }
0x19d: {  	[sflag:s15] =	ssyncadd.s32 $0xFFFFE000  }
0x19e: {  	_ =	swait.ge [sflag:s15], $0x2000  }
0x19f: {  	[sflag:s15] =	ssyncset.done $0x0  }
0x1a0: {  	s3 =	simm.s32 $0x0;
	[sflag:s15] =	ssyncadd.s32 $0xFFFFE000  }
0x1a1: {  	v15 =	vld [tilespmem:s3+$0xFC70]  }
0x1a2: {  	v17 =	vld [tilespmem:s3+$0xFC00]  }
0x1a3: {  	v21 =	vld [tilespmem:s3+$0xFC10]  }
0x1a4: {  	v18 =	vld [tilespmem:s3+$0xFC20]  }
0x1a5: {  	v16 =	vld [tilespmem:s3+$0xFC30]  }
0x1a6: {  	v14 =	vld [tilespmem:s3+$0xFC40];
	v19 =	vtrunc.f32 v15  }
0x1a7: {  	v17 =	vtrunc.f32 v17;
	v15 =	vld [tilespmem:s3+$0xFC50];
	v19 =	vcvt.f32.s32 v19  }
0x1a8: {  	s14 =	simm.s32 $0x80;
	s1 =	simm.s32 $0x400;
	v21 =	vtrunc.f32 v21;
	v20 =	vcvt.f32.s32 v17;
	v17 =	vld [tilespmem:s3+$0xFC60]  }
.LBB2_19:
0x1a9: {  	p0 =	sne.s32 s1, $0xE00;
	v22 =	vld [tilespmem:s14+$0xFC70];
	v21 =	vcvt.f32.s32 v21;
	v18 =	vtrunc.f32 v18;
	[tilespmem:s3+$0x18070] =	vst v19  }
0x1aa: {  	v19 =	vld [tilespmem:s14+$0xFC00];
	[tilespmem:s3+$0x18000] =	vst v20;
	v20 =	vcvt.f32.s32 v18;
	v16 =	vtrunc.f32 v16  }
0x1ab: {  	v23 =	vld [tilespmem:s14+$0xFC10];
	[tilespmem:s3+$0x18010] =	vst v21;
	v21 =	vcvt.f32.s32 v16;
	v14 =	vtrunc.f32 v14  }
.Ltmp8:
0x1ac: {  	v18 =	vld [tilespmem:s14+$0xFC20];
	[tilespmem:s3+$0x18020] =	vst v20;
	v20 =	vcvt.f32.s32 v14;
	v14 =	vtrunc.f32 v15;
	(pc) =	sbr.rel @p0 .LBB2_19-.Ltmp8, $4  }
0x1ad: {  	v16 =	vld [tilespmem:s14+$0xFC30];
	[tilespmem:s3+$0x18030] =	vst v21;
	v21 =	vcvt.f32.s32 v14;
	v15 =	vtrunc.f32 v17  }
0x1ae: {  	v14 =	vld [tilespmem:s14+$0xFC40];
	v17 =	vtrunc.f32 v22;
	[tilespmem:s3+$0x18040] =	vst v20;
	v22 =	vcvt.f32.s32 v15  }
0x1af: {  	v20 =	vtrunc.f32 v19;
	v15 =	vld [tilespmem:s14+$0xFC50];
	v19 =	vcvt.f32.s32 v17;
	[tilespmem:s3+$0x18050] =	vst v21  }
0x1b0: {  	v20 =	vcvt.f32.s32 v20;
	v21 =	vtrunc.f32 v23;
	v17 =	vld [tilespmem:s14+$0xFC60];
	[tilespmem:s3+$0x18060] =	vst v22;
	s3 =	smov.u32 s14;
	s14 =	sshra.s32 s1, $0x2;
	s1 =	sadd.s32 $0x200, s1  }
0x1b1: {  	v22 =	vld [tilespmem:s14+$0xFC70];
	[tilespmem:s3+$0x18070] =	vst v19;
	v21 =	vcvt.f32.s32 v21;
	v18 =	vtrunc.f32 v18  }
0x1b2: {  	v19 =	vld [tilespmem:s14+$0xFC00];
	[tilespmem:s3+$0x18000] =	vst v20;
	v18 =	vcvt.f32.s32 v18;
	v16 =	vtrunc.f32 v16  }
0x1b3: {  	v20 =	vld [tilespmem:s14+$0xFC10];
	[tilespmem:s3+$0x18010] =	vst v21;
	v16 =	vcvt.f32.s32 v16;
	v14 =	vtrunc.f32 v14  }
0x1b4: {  	v21 =	vld [tilespmem:s14+$0xFC20];
	[tilespmem:s3+$0x18020] =	vst v18;
	v14 =	vcvt.f32.s32 v14  }
0x1b5: {  	v15 =	vtrunc.f32 v15;
	v18 =	vld [tilespmem:s14+$0xFC30];
	[tilespmem:s3+$0x18030] =	vst v16  }
0x1b6: {  	v15 =	vcvt.f32.s32 v15;
	v16 =	vld [tilespmem:s14+$0xFC40];
	[tilespmem:s3+$0x18040] =	vst v14;
	v14 =	vtrunc.f32 v17  }
0x1b7: {  	v22 =	vtrunc.f32 v22;
	v14 =	vcvt.f32.s32 v14  }
0x1b8: {  	v17 =	vld [tilespmem:s14+$0xFC50];
	[tilespmem:s3+$0x18050] =	vst v15;
	v15 =	vtrunc.f32 v19;
	v19 =	vcvt.f32.s32 v22  }
0x1b9: {  	v62 =	vld [tilespmem:s14+$0xFC60];
	v15 =	vcvt.f32.s32 v15;
	v20 =	vtrunc.f32 v20;
	[tilespmem:s3+$0x18060] =	vst v14  }
0x1ba: {  	v14 =	vcvt.f32.s32 v20;
	v63 =	vtrunc.f32 v21;
	[tilespmem:s14+$0x18070] =	vst v19  }
0x1bb: {  	[tilespmem:s14+$0x18000] =	vst v15;
	v15 =	vcvt.f32.s32 v63;
	v18 =	vtrunc.f32 v18  }
0x1bc: {  	[tilespmem:s14+$0x18010] =	vst v14;
	v14 =	vcvt.f32.s32 v18;
	v16 =	vtrunc.f32 v16  }
0x1bd: {  	[tilespmem:s14+$0x18020] =	vst v15;
	v15 =	vcvt.f32.s32 v16;
	v16 =	vtrunc.f32 v17  }
0x1be: {  	s1 =	sshll.u32 s2, $0xF;
	[tilespmem:s14+$0x18030] =	vst v14;
	v14 =	vcvt.f32.s32 v16;
	v16 =	vtrunc.f32 v62  }
0x1bf: {  	s0 =	sor.u32 s0, s1;
	[tilespmem:s14+$0x18040] =	vst v15;
	v15 =	vcvt.f32.s32 v16  }
0x1c0: {  	s2 =	rddreg [dreg:$0x2];
	s0 =	sshrl.u32 s0, $0x3;
	[tilespmem:s14+$0x18050] =	vst v14  }
0x1c1: {  	s0 =	sadd.s32 s2, s0;
	s3 =	simm.s32 $0x0;
	[tilespmem:s14+$0x18060] =	vst v15  }
0x1c2: {  	[hbm4b:s0+s16] =	stream.strided.scatter [tilespmem:s3], [sflag:$0x2], $0xFC00, s17, s16, $0x38;
	[tilespmem:$0x1C400] =	vst v63  }
0x1c3: {  	s14 =	simm.s32 $0x18000  }
0x1c4: {  	[tilespmem:s20], [sflag:$0x3] =	stream.indirect.gather [hbm4b:s5+s18], $0x80, s14, s18, $0xb8;
	[tilespmem:$0x1C400] =	vst v63  }
0x1c5: {  	s19 =	simm.s32 $0x18040  }
0x1c6: {  	v14 =	vmov s3;
	[tilespmem:s22], [sflag:$0x4] =	stream.indirect.gather [hbm4b:s5+s18], $0x80, s19, s18, $0xb8;
	[tilespmem:$0x1C400] =	vst v63  }
0x1c7: {  	v14 =	vand.u32 $0x7C, v14;
	_ =	swait.ge [sflag:s23], $0x2000  }
0x1c8: {  	v14 =	vbroadcast v14, $0x0;
	[sflag:s23] =	ssyncset.done $0x0  }
0x1c9: {  	s2 =	simm.s32 $0x18500;
	[sflag:s23] =	ssyncadd.s32 $0xFFFFE000  }
0x1ca: {  	v16 =	vor.u32 v0, v14;
	v15 =	vld [tilespmem:s2+$0xFFFFFF00]  }
0x1cb: {  	v14 =	vor.u32 v1, v14;
	v17 =	vld [tilespmem:s2+$0xFFFFFF10]  }
0x1cc: {  	s21 =	simm.s32 $0x1  }
0x1cd: {  	v18 =	vmov s21  }
0x1ce: {  	v18 =	vand.u32 $0x7D, v18  }
0x1cf: {  	[tilespmem:v16+s24+$0x0] =	vst.idx.msk $0xffff, v15;
	v15 =	vbroadcast v18, $0x0  }
0x1d0: {  	[tilespmem:v14+s24+$0x0] =	vst.idx.msk $0xffff, v17  }
0x1d1: {  	v14 =	vld [tilespmem:s2+$0xFFFFFF80];
	v16 =	vor.u32 v0, v15  }
0x1d2: {  	v17 =	vld [tilespmem:s2+$0xFFFFFF90];
	v15 =	vor.u32 v1, v15  }
0x1d3: {  	s25 =	simm.s32 $0x2  }
0x1d4: {  	v18 =	vmov s25  }
0x1d5: {  	v18 =	vand.u32 $0x7E, v18  }
0x1d6: {  	[tilespmem:v16+s24+$0x0] =	vst.idx.msk $0xffff, v14;
	v14 =	vbroadcast v18, $0x0  }
0x1d7: {  	[tilespmem:v15+s24+$0x0] =	vst.idx.msk $0xffff, v17  }
0x1d8: {  	v15 =	vld [tilespmem:s2+$0x0];
	v16 =	vor.u32 v0, v14  }
0x1d9: {  	v17 =	vld [tilespmem:s2+$0x10];
	v14 =	vor.u32 v1, v14  }
0x1da: {  	s28 =	simm.s32 $0x3  }
0x1db: {  	v18 =	vmov s28  }
0x1dc: {  	v18 =	vand.u32 $0x7F, v18  }
0x1dd: {  	[tilespmem:v16+s24+$0x0] =	vst.idx.msk $0xffff, v15;
	v16 =	vbroadcast v18, $0x0  }
0x1de: {  	[tilespmem:v14+s24+$0x0] =	vst.idx.msk $0xffff, v17  }
0x1df: {  	v17 =	vld [tilespmem:s2+$0x80];
	v18 =	vor.u32 v0, v16;
	_ =	sdelay $0x1  }
0x1e0: {  	s14 =	simm.s32 $0x4;
	v15 =	vld [tilespmem:s2+$0x90];
	v16 =	vor.u32 v1, v16  }
0x1e1: {  	v14 =	vmov s14  }
0x1e2: {  	v14 =	vand.u32 $0x7C, v14  }
0x1e3: {  	s3 =	simm.s32 $0x8;
	v14 =	vbroadcast v14, $0x0;
	[tilespmem:v18+s24+$0x0] =	vst.idx.msk $0xffff, v17  }
.LBB2_21:
0x1e4: {  	p0 =	slt.u32 s3, $0x3C  }
0x1e5: {  	[tilespmem:v16+s24+$0x0] =	vst.idx.msk $0xffff, v15;
	s2 =	sadd.s32 $0x200, s2;
	s1 =	smov.u32 s3;
	s3 =	sadd.s32 $0x4, s3  }
0x1e6: {  	v15 =	vld [tilespmem:s2+$0xFFFFFF00];
	v16 =	vor.u32 v0, v14  }
0x1e7: {  	v14 =	vor.u32 v1, v14;
	v17 =	vld [tilespmem:s2+$0xFFFFFF10]  }
0x1e8: {  	s19 =	sadd.s32 $0x1, s14  }
0x1e9: {  	v18 =	vmov s19  }
0x1ea: {  	v18 =	vand.u32 $0x7D, v18  }
0x1eb: {  	[tilespmem:v16+s24+$0x0] =	vst.idx.msk $0xffff, v15;
	v15 =	vbroadcast v18, $0x0  }
0x1ec: {  	[tilespmem:v14+s24+$0x0] =	vst.idx.msk $0xffff, v17  }
0x1ed: {  	v14 =	vld [tilespmem:s2+$0xFFFFFF80];
	v16 =	vor.u32 v0, v15  }
0x1ee: {  	v15 =	vor.u32 v1, v15;
	v17 =	vld [tilespmem:s2+$0xFFFFFF90]  }
0x1ef: {  	s19 =	sadd.s32 $0x2, s14  }
0x1f0: {  	v18 =	vmov s19  }
0x1f1: {  	v18 =	vand.u32 $0x7E, v18  }
0x1f2: {  	[tilespmem:v16+s24+$0x0] =	vst.idx.msk $0xffff, v14;
	v14 =	vbroadcast v18, $0x0  }
0x1f3: {  	[tilespmem:v15+s24+$0x0] =	vst.idx.msk $0xffff, v17  }
0x1f4: {  	v15 =	vld [tilespmem:s2+$0x0];
	v16 =	vor.u32 v0, v14  }
0x1f5: {  	v14 =	vor.u32 v1, v14;
	v17 =	vld [tilespmem:s2+$0x10]  }
0x1f6: {  	s19 =	sadd.s32 $0x3, s14;
	s14 =	smov.u32 s1  }
0x1f7: {  	v18 =	vmov s19  }
0x1f8: {  	v18 =	vand.u32 $0x7F, v18  }
0x1f9: {  	[tilespmem:v16+s24+$0x0] =	vst.idx.msk $0xffff, v15;
	v16 =	vbroadcast v18, $0x0  }
0x1fa: {  	[tilespmem:v14+s24+$0x0] =	vst.idx.msk $0xffff, v17  }
0x1fb: {  	v17 =	vld [tilespmem:s2+$0x80];
	v18 =	vor.u32 v0, v16  }
.Ltmp9:
0x1fc: {  	v16 =	vor.u32 v1, v16;
	v15 =	vld [tilespmem:s2+$0x90];
	(pc) =	sbr.rel @p0 .LBB2_21-.Ltmp9, $4  }
0x1fd: {  	_ = 	snop  }
0x1fe: {  	v14 =	vmov s14  }
0x1ff: {  	v14 =	vand.u32 $0x7C, v14  }
0x200: {  	v14 =	vbroadcast v14, $0x0;
	[tilespmem:v18+s24+$0x0] =	vst.idx.msk $0xffff, v17  }
0x201: {  	_ =	sdelay $0x3  }
0x202: {  	[tilespmem:v16+s24+$0x0] =	vst.idx.msk $0xffff, v15;
	s1 =	sadd.s32 $0x200, s2  }
0x203: {  	v15 =	vld [tilespmem:s1+$0xFFFFFF00];
	v16 =	vor.u32 v0, v14  }
0x204: {  	v17 =	vld [tilespmem:s1+$0xFFFFFF10];
	v14 =	vor.u32 v1, v14  }
0x205: {  	s25 =	sadd.s32 $0x1, s14  }
0x206: {  	v18 =	vmov s25  }
0x207: {  	v18 =	vand.u32 $0x7D, v18  }
0x208: {  	[tilespmem:v16+s24+$0x0] =	vst.idx.msk $0xffff, v15;
	v15 =	vbroadcast v18, $0x0  }
0x209: {  	[tilespmem:v14+s24+$0x0] =	vst.idx.msk $0xffff, v17  }
0x20a: {  	v14 =	vld [tilespmem:s1+$0xFFFFFF80];
	v16 =	vor.u32 v0, v15  }
0x20b: {  	v17 =	vld [tilespmem:s1+$0xFFFFFF90];
	v15 =	vor.u32 v1, v15  }
0x20c: {  	s28 =	sadd.s32 $0x2, s14  }
0x20d: {  	v18 =	vmov s28  }
0x20e: {  	v18 =	vand.u32 $0x7E, v18  }
0x20f: {  	[tilespmem:v16+s24+$0x0] =	vst.idx.msk $0xffff, v14;
	v14 =	vbroadcast v18, $0x0  }
0x210: {  	[tilespmem:v15+s24+$0x0] =	vst.idx.msk $0xffff, v17  }
0x211: {  	v15 =	vld [tilespmem:s1+$0x0];
	v16 =	vor.u32 v0, v14  }
0x212: {  	v17 =	vld [tilespmem:s1+$0x10];
	v14 =	vor.u32 v1, v14  }
0x213: {  	s3 =	sadd.s32 $0x3, s14  }
0x214: {  	v18 =	vmov s3  }
0x215: {  	v18 =	vand.u32 $0x7F, v18  }
0x216: {  	[tilespmem:v16+s24+$0x0] =	vst.idx.msk $0xffff, v15;
	v15 =	vbroadcast v18, $0x0  }
0x217: {  	[tilespmem:v14+s24+$0x0] =	vst.idx.msk $0xffff, v17  }
0x218: {  	v14 =	vld [tilespmem:s1+$0x80];
	v16 =	vor.u32 v0, v15  }
0x219: {  	v17 =	vld [tilespmem:s1+$0x90];
	v15 =	vor.u32 v1, v15;
	_ =	sdelay $0x3  }
0x21a: {  	s14 =	simm.s32 $0x0;
	[tilespmem:v16+s24+$0x0] =	vst.idx.msk $0xffff, v14  }
0x21b: {  	s19 =	simm.s32 $0x18080;
	v14 =	vmov s14;
	[tilespmem:v15+s24+$0x0] =	vst.idx.msk $0xffff, v17  }
0x21c: {  	v14 =	vadd.s32 $0x40, v14;
	[tilespmem:s20], [sflag:$0x3] =	stream.indirect.gather [hbm4b:s5+s18], $0x80, s19, s18, $0xb8;
	[tilespmem:$0x1C400] =	vst v63  }
0x21d: {  	v14 =	vand.u32 $0x7C, v14;
	_ =	swait.ge [sflag:s26], $0x2000  }
0x21e: {  	v14 =	vbroadcast v14, $0x0;
	[sflag:s26] =	ssyncset.done $0x0  }
0x21f: {  	s2 =	simm.s32 $0x1A500;
	[sflag:s26] =	ssyncadd.s32 $0xFFFFE000  }
0x220: {  	v16 =	vor.u32 v0, v14;
	v15 =	vld [tilespmem:s2+$0xFFFFFF00]  }
0x221: {  	s21 =	simm.s32 $0x1;
	v14 =	vor.u32 v1, v14;
	v17 =	vld [tilespmem:s2+$0xFFFFFF10]  }
0x222: {  	v18 =	vmov s21  }
0x223: {  	v18 =	vadd.s32 $0x40, v18  }
0x224: {  	v18 =	vand.u32 $0x7D, v18  }
0x225: {  	[tilespmem:v16+s24+$0x0] =	vst.idx.msk $0xffff, v15;
	v15 =	vbroadcast v18, $0x0  }
0x226: {  	[tilespmem:v14+s24+$0x0] =	vst.idx.msk $0xffff, v17  }
0x227: {  	v14 =	vld [tilespmem:s2+$0xFFFFFF80];
	v16 =	vor.u32 v0, v15  }
0x228: {  	s25 =	simm.s32 $0x2;
	v17 =	vld [tilespmem:s2+$0xFFFFFF90];
	v15 =	vor.u32 v1, v15  }
0x229: {  	v18 =	vmov s25  }
0x22a: {  	v18 =	vadd.s32 $0x40, v18  }
0x22b: {  	v18 =	vand.u32 $0x7E, v18  }
0x22c: {  	[tilespmem:v16+s24+$0x0] =	vst.idx.msk $0xffff, v14;
	v14 =	vbroadcast v18, $0x0  }
0x22d: {  	[tilespmem:v15+s24+$0x0] =	vst.idx.msk $0xffff, v17  }
0x22e: {  	v15 =	vld [tilespmem:s2+$0x0];
	v16 =	vor.u32 v0, v14  }
0x22f: {  	s28 =	simm.s32 $0x3;
	v17 =	vld [tilespmem:s2+$0x10];
	v14 =	vor.u32 v1, v14  }
0x230: {  	v18 =	vmov s28  }
0x231: {  	v18 =	vadd.s32 $0x40, v18  }
0x232: {  	v18 =	vand.u32 $0x7F, v18  }
0x233: {  	[tilespmem:v16+s24+$0x0] =	vst.idx.msk $0xffff, v15;
	v16 =	vbroadcast v18, $0x0  }
0x234: {  	[tilespmem:v14+s24+$0x0] =	vst.idx.msk $0xffff, v17  }
0x235: {  	v17 =	vld [tilespmem:s2+$0x80];
	v18 =	vor.u32 v0, v16  }
0x236: {  	s14 =	simm.s32 $0x4  }
0x237: {  	v14 =	vmov s14;
	v15 =	vld [tilespmem:s2+$0x90];
	v16 =	vor.u32 v1, v16  }
0x238: {  	v14 =	vadd.s32 $0x40, v14  }
0x239: {  	v14 =	vand.u32 $0x7C, v14  }
0x23a: {  	s3 =	simm.s32 $0x8;
	v14 =	vbroadcast v14, $0x0;
	[tilespmem:v18+s24+$0x0] =	vst.idx.msk $0xffff, v17  }
.LBB2_23:
0x23b: {  	p0 =	slt.u32 s3, $0x3C  }
0x23c: {  	[tilespmem:v16+s24+$0x0] =	vst.idx.msk $0xffff, v15;
	s2 =	sadd.s32 $0x200, s2;
	s1 =	smov.u32 s3;
	s3 =	sadd.s32 $0x4, s3  }
0x23d: {  	v15 =	vld [tilespmem:s2+$0xFFFFFF00];
	v16 =	vor.u32 v0, v14  }
0x23e: {  	s19 =	sadd.s32 $0x1, s14;
	v14 =	vor.u32 v1, v14;
	v17 =	vld [tilespmem:s2+$0xFFFFFF10]  }
0x23f: {  	v18 =	vmov s19  }
0x240: {  	v18 =	vadd.s32 $0x40, v18  }
0x241: {  	v18 =	vand.u32 $0x7D, v18  }
0x242: {  	[tilespmem:v16+s24+$0x0] =	vst.idx.msk $0xffff, v15;
	v15 =	vbroadcast v18, $0x0  }
0x243: {  	[tilespmem:v14+s24+$0x0] =	vst.idx.msk $0xffff, v17  }
0x244: {  	v14 =	vld [tilespmem:s2+$0xFFFFFF80];
	v16 =	vor.u32 v0, v15  }
0x245: {  	s19 =	sadd.s32 $0x2, s14;
	v15 =	vor.u32 v1, v15;
	v17 =	vld [tilespmem:s2+$0xFFFFFF90]  }
0x246: {  	v18 =	vmov s19  }
0x247: {  	v18 =	vadd.s32 $0x40, v18  }
0x248: {  	v18 =	vand.u32 $0x7E, v18  }
0x249: {  	[tilespmem:v16+s24+$0x0] =	vst.idx.msk $0xffff, v14;
	v14 =	vbroadcast v18, $0x0  }
0x24a: {  	[tilespmem:v15+s24+$0x0] =	vst.idx.msk $0xffff, v17  }
0x24b: {  	v15 =	vld [tilespmem:s2+$0x0];
	v16 =	vor.u32 v0, v14  }
0x24c: {  	s19 =	sadd.s32 $0x3, s14;
	s14 =	smov.u32 s1;
	v14 =	vor.u32 v1, v14;
	v17 =	vld [tilespmem:s2+$0x10]  }
0x24d: {  	v18 =	vmov s19  }
0x24e: {  	v18 =	vadd.s32 $0x40, v18  }
0x24f: {  	v18 =	vand.u32 $0x7F, v18  }
0x250: {  	[tilespmem:v16+s24+$0x0] =	vst.idx.msk $0xffff, v15;
	v16 =	vbroadcast v18, $0x0  }
0x251: {  	[tilespmem:v14+s24+$0x0] =	vst.idx.msk $0xffff, v17  }
0x252: {  	v17 =	vld [tilespmem:s2+$0x80];
	v18 =	vor.u32 v0, v16  }
.Ltmp10:
0x253: {  	v16 =	vor.u32 v1, v16;
	v15 =	vld [tilespmem:s2+$0x90];
	(pc) =	sbr.rel @p0 .LBB2_23-.Ltmp10, $4  }
0x254: {  	v14 =	vmov s14  }
0x255: {  	v14 =	vadd.s32 $0x40, v14  }
0x256: {  	v14 =	vand.u32 $0x7C, v14  }
0x257: {  	v14 =	vbroadcast v14, $0x0;
	[tilespmem:v18+s24+$0x0] =	vst.idx.msk $0xffff, v17  }
0x258: {  	_ =	sdelay $0x3  }
0x259: {  	[tilespmem:v16+s24+$0x0] =	vst.idx.msk $0xffff, v15;
	s1 =	sadd.s32 $0x200, s2  }
0x25a: {  	v15 =	vld [tilespmem:s1+$0xFFFFFF00];
	v16 =	vor.u32 v0, v14  }
0x25b: {  	s25 =	sadd.s32 $0x1, s14;
	v17 =	vld [tilespmem:s1+$0xFFFFFF10];
	v14 =	vor.u32 v1, v14  }
0x25c: {  	v18 =	vmov s25  }
0x25d: {  	v18 =	vadd.s32 $0x40, v18  }
0x25e: {  	v18 =	vand.u32 $0x7D, v18  }
0x25f: {  	[tilespmem:v16+s24+$0x0] =	vst.idx.msk $0xffff, v15;
	v15 =	vbroadcast v18, $0x0  }
0x260: {  	[tilespmem:v14+s24+$0x0] =	vst.idx.msk $0xffff, v17  }
0x261: {  	v14 =	vld [tilespmem:s1+$0xFFFFFF80];
	v16 =	vor.u32 v0, v15  }
0x262: {  	s28 =	sadd.s32 $0x2, s14;
	v17 =	vld [tilespmem:s1+$0xFFFFFF90];
	v15 =	vor.u32 v1, v15  }
0x263: {  	v18 =	vmov s28  }
0x264: {  	v18 =	vadd.s32 $0x40, v18  }
0x265: {  	v18 =	vand.u32 $0x7E, v18  }
0x266: {  	[tilespmem:v16+s24+$0x0] =	vst.idx.msk $0xffff, v14;
	v14 =	vbroadcast v18, $0x0  }
0x267: {  	[tilespmem:v15+s24+$0x0] =	vst.idx.msk $0xffff, v17  }
0x268: {  	v15 =	vld [tilespmem:s1+$0x0];
	v16 =	vor.u32 v0, v14  }
0x269: {  	s3 =	sadd.s32 $0x3, s14;
	v17 =	vld [tilespmem:s1+$0x10];
	v14 =	vor.u32 v1, v14  }
0x26a: {  	v18 =	vmov s3  }
0x26b: {  	v18 =	vadd.s32 $0x40, v18  }
0x26c: {  	v18 =	vand.u32 $0x7F, v18  }
0x26d: {  	[tilespmem:v16+s24+$0x0] =	vst.idx.msk $0xffff, v15;
	v15 =	vbroadcast v18, $0x0  }
0x26e: {  	[tilespmem:v14+s24+$0x0] =	vst.idx.msk $0xffff, v17  }
0x26f: {  	v14 =	vld [tilespmem:s1+$0x80];
	v16 =	vor.u32 v0, v15  }
0x270: {  	v17 =	vld [tilespmem:s1+$0x90];
	v15 =	vor.u32 v1, v15;
	_ =	sdelay $0x3  }
0x271: {  	[tilespmem:v16+s24+$0x0] =	vst.idx.msk $0xffff, v14  }
0x272: {  	s14 =	simm.s32 $0x0;
	s19 =	simm.s32 $0x180C0;
	[tilespmem:v15+s24+$0x0] =	vst.idx.msk $0xffff, v17  }
0x273: {  	v14 =	vmov s14;
	[tilespmem:s22], [sflag:$0x4] =	stream.indirect.gather [hbm4b:s5+s18], $0x80, s19, s18, $0xb8;
	[tilespmem:$0x1C400] =	vst v63  }
0x274: {  	v14 =	vand.u32 $0x7C, v14;
	_ =	swait.ge [sflag:s23], $0x2000  }
0x275: {  	v14 =	vbroadcast v14, $0x0;
	[sflag:s23] =	ssyncset.done $0x0  }
0x276: {  	s2 =	simm.s32 $0x18500;
	[sflag:s23] =	ssyncadd.s32 $0xFFFFE000  }
0x277: {  	v16 =	vor.u32 v2, v14;
	v15 =	vld [tilespmem:s2+$0xFFFFFF00]  }
0x278: {  	v14 =	vor.u32 v3, v14;
	v17 =	vld [tilespmem:s2+$0xFFFFFF10]  }
0x279: {  	s21 =	simm.s32 $0x1  }
0x27a: {  	v18 =	vmov s21  }
0x27b: {  	v18 =	vand.u32 $0x7D, v18  }
0x27c: {  	[tilespmem:v16+s24+$0x0] =	vst.idx.msk $0xffff, v15;
	v15 =	vbroadcast v18, $0x0  }
0x27d: {  	[tilespmem:v14+s24+$0x0] =	vst.idx.msk $0xffff, v17  }
0x27e: {  	v14 =	vld [tilespmem:s2+$0xFFFFFF80];
	v16 =	vor.u32 v2, v15  }
0x27f: {  	v17 =	vld [tilespmem:s2+$0xFFFFFF90];
	v15 =	vor.u32 v3, v15  }
0x280: {  	s25 =	simm.s32 $0x2  }
0x281: {  	v18 =	vmov s25  }
0x282: {  	v18 =	vand.u32 $0x7E, v18  }
0x283: {  	[tilespmem:v16+s24+$0x0] =	vst.idx.msk $0xffff, v14;
	v14 =	vbroadcast v18, $0x0  }
0x284: {  	[tilespmem:v15+s24+$0x0] =	vst.idx.msk $0xffff, v17  }
0x285: {  	v15 =	vld [tilespmem:s2+$0x0];
	v16 =	vor.u32 v2, v14  }
0x286: {  	v17 =	vld [tilespmem:s2+$0x10];
	v14 =	vor.u32 v3, v14  }
0x287: {  	s28 =	simm.s32 $0x3  }
0x288: {  	v18 =	vmov s28  }
0x289: {  	v18 =	vand.u32 $0x7F, v18  }
0x28a: {  	[tilespmem:v16+s24+$0x0] =	vst.idx.msk $0xffff, v15;
	v16 =	vbroadcast v18, $0x0  }
0x28b: {  	[tilespmem:v14+s24+$0x0] =	vst.idx.msk $0xffff, v17  }
0x28c: {  	v17 =	vld [tilespmem:s2+$0x80];
	v18 =	vor.u32 v2, v16;
	_ =	sdelay $0x1  }
0x28d: {  	s14 =	simm.s32 $0x4;
	v15 =	vld [tilespmem:s2+$0x90];
	v16 =	vor.u32 v3, v16  }
0x28e: {  	v14 =	vmov s14  }
0x28f: {  	v14 =	vand.u32 $0x7C, v14  }
0x290: {  	s3 =	simm.s32 $0x8;
	v14 =	vbroadcast v14, $0x0;
	[tilespmem:v18+s24+$0x0] =	vst.idx.msk $0xffff, v17  }
.LBB2_25:
0x291: {  	p0 =	slt.u32 s3, $0x3C  }
0x292: {  	[tilespmem:v16+s24+$0x0] =	vst.idx.msk $0xffff, v15;
	s2 =	sadd.s32 $0x200, s2;
	s1 =	smov.u32 s3;
	s3 =	sadd.s32 $0x4, s3  }
0x293: {  	v15 =	vld [tilespmem:s2+$0xFFFFFF00];
	v16 =	vor.u32 v2, v14  }
0x294: {  	v14 =	vor.u32 v3, v14;
	v17 =	vld [tilespmem:s2+$0xFFFFFF10]  }
0x295: {  	s19 =	sadd.s32 $0x1, s14  }
0x296: {  	v18 =	vmov s19  }
0x297: {  	v18 =	vand.u32 $0x7D, v18  }
0x298: {  	[tilespmem:v16+s24+$0x0] =	vst.idx.msk $0xffff, v15;
	v15 =	vbroadcast v18, $0x0  }
0x299: {  	[tilespmem:v14+s24+$0x0] =	vst.idx.msk $0xffff, v17  }
0x29a: {  	v14 =	vld [tilespmem:s2+$0xFFFFFF80];
	v16 =	vor.u32 v2, v15  }
0x29b: {  	v15 =	vor.u32 v3, v15;
	v17 =	vld [tilespmem:s2+$0xFFFFFF90]  }
0x29c: {  	s19 =	sadd.s32 $0x2, s14  }
0x29d: {  	v18 =	vmov s19  }
0x29e: {  	v18 =	vand.u32 $0x7E, v18  }
0x29f: {  	[tilespmem:v16+s24+$0x0] =	vst.idx.msk $0xffff, v14;
	v14 =	vbroadcast v18, $0x0  }
0x2a0: {  	[tilespmem:v15+s24+$0x0] =	vst.idx.msk $0xffff, v17  }
0x2a1: {  	v15 =	vld [tilespmem:s2+$0x0];
	v16 =	vor.u32 v2, v14  }
0x2a2: {  	v14 =	vor.u32 v3, v14;
	v17 =	vld [tilespmem:s2+$0x10]  }
0x2a3: {  	s19 =	sadd.s32 $0x3, s14;
	s14 =	smov.u32 s1  }
0x2a4: {  	v18 =	vmov s19  }
0x2a5: {  	v18 =	vand.u32 $0x7F, v18  }
0x2a6: {  	[tilespmem:v16+s24+$0x0] =	vst.idx.msk $0xffff, v15;
	v16 =	vbroadcast v18, $0x0  }
0x2a7: {  	[tilespmem:v14+s24+$0x0] =	vst.idx.msk $0xffff, v17  }
0x2a8: {  	v17 =	vld [tilespmem:s2+$0x80];
	v18 =	vor.u32 v2, v16  }
.Ltmp11:
0x2a9: {  	v16 =	vor.u32 v3, v16;
	v15 =	vld [tilespmem:s2+$0x90];
	(pc) =	sbr.rel @p0 .LBB2_25-.Ltmp11, $4  }
0x2aa: {  	_ = 	snop  }
0x2ab: {  	v14 =	vmov s14  }
0x2ac: {  	v14 =	vand.u32 $0x7C, v14  }
0x2ad: {  	v14 =	vbroadcast v14, $0x0;
	[tilespmem:v18+s24+$0x0] =	vst.idx.msk $0xffff, v17  }
0x2ae: {  	_ =	sdelay $0x3  }
0x2af: {  	[tilespmem:v16+s24+$0x0] =	vst.idx.msk $0xffff, v15;
	s1 =	sadd.s32 $0x200, s2  }
0x2b0: {  	v15 =	vld [tilespmem:s1+$0xFFFFFF00];
	v16 =	vor.u32 v2, v14  }
0x2b1: {  	v17 =	vld [tilespmem:s1+$0xFFFFFF10];
	v14 =	vor.u32 v3, v14  }
0x2b2: {  	s25 =	sadd.s32 $0x1, s14  }
0x2b3: {  	v18 =	vmov s25  }
0x2b4: {  	v18 =	vand.u32 $0x7D, v18  }
0x2b5: {  	[tilespmem:v16+s24+$0x0] =	vst.idx.msk $0xffff, v15;
	v15 =	vbroadcast v18, $0x0  }
0x2b6: {  	[tilespmem:v14+s24+$0x0] =	vst.idx.msk $0xffff, v17  }
0x2b7: {  	v14 =	vld [tilespmem:s1+$0xFFFFFF80];
	v16 =	vor.u32 v2, v15  }
0x2b8: {  	v17 =	vld [tilespmem:s1+$0xFFFFFF90];
	v15 =	vor.u32 v3, v15  }
0x2b9: {  	s28 =	sadd.s32 $0x2, s14  }
0x2ba: {  	v18 =	vmov s28  }
0x2bb: {  	v18 =	vand.u32 $0x7E, v18  }
0x2bc: {  	[tilespmem:v16+s24+$0x0] =	vst.idx.msk $0xffff, v14;
	v14 =	vbroadcast v18, $0x0  }
0x2bd: {  	[tilespmem:v15+s24+$0x0] =	vst.idx.msk $0xffff, v17  }
0x2be: {  	v15 =	vld [tilespmem:s1+$0x0];
	v16 =	vor.u32 v2, v14  }
0x2bf: {  	v17 =	vld [tilespmem:s1+$0x10];
	v14 =	vor.u32 v3, v14  }
0x2c0: {  	s3 =	sadd.s32 $0x3, s14  }
0x2c1: {  	v18 =	vmov s3  }
0x2c2: {  	v18 =	vand.u32 $0x7F, v18  }
0x2c3: {  	[tilespmem:v16+s24+$0x0] =	vst.idx.msk $0xffff, v15;
	v15 =	vbroadcast v18, $0x0  }
0x2c4: {  	[tilespmem:v14+s24+$0x0] =	vst.idx.msk $0xffff, v17  }
0x2c5: {  	v14 =	vld [tilespmem:s1+$0x80];
	v16 =	vor.u32 v2, v15  }
0x2c6: {  	v17 =	vld [tilespmem:s1+$0x90];
	v15 =	vor.u32 v3, v15;
	_ =	sdelay $0x3  }
0x2c7: {  	s14 =	simm.s32 $0x0;
	[tilespmem:v16+s24+$0x0] =	vst.idx.msk $0xffff, v14  }
0x2c8: {  	s19 =	simm.s32 $0x18100;
	v14 =	vmov s14;
	[tilespmem:v15+s24+$0x0] =	vst.idx.msk $0xffff, v17  }
0x2c9: {  	v14 =	vadd.s32 $0x40, v14;
	[tilespmem:s20], [sflag:$0x3] =	stream.indirect.gather [hbm4b:s5+s18], $0x80, s19, s18, $0xb8;
	[tilespmem:$0x1C400] =	vst v63  }
0x2ca: {  	v14 =	vand.u32 $0x7C, v14;
	_ =	swait.ge [sflag:s26], $0x2000  }
0x2cb: {  	v14 =	vbroadcast v14, $0x0;
	[sflag:s26] =	ssyncset.done $0x0  }
0x2cc: {  	s2 =	simm.s32 $0x1A500;
	[sflag:s26] =	ssyncadd.s32 $0xFFFFE000  }
0x2cd: {  	v16 =	vor.u32 v2, v14;
	v15 =	vld [tilespmem:s2+$0xFFFFFF00]  }
0x2ce: {  	s21 =	simm.s32 $0x1;
	v14 =	vor.u32 v3, v14;
	v17 =	vld [tilespmem:s2+$0xFFFFFF10]  }
0x2cf: {  	v18 =	vmov s21  }
0x2d0: {  	v18 =	vadd.s32 $0x40, v18  }
0x2d1: {  	v18 =	vand.u32 $0x7D, v18  }
0x2d2: {  	[tilespmem:v16+s24+$0x0] =	vst.idx.msk $0xffff, v15;
	v15 =	vbroadcast v18, $0x0  }
0x2d3: {  	[tilespmem:v14+s24+$0x0] =	vst.idx.msk $0xffff, v17  }
0x2d4: {  	v14 =	vld [tilespmem:s2+$0xFFFFFF80];
	v16 =	vor.u32 v2, v15  }
0x2d5: {  	s25 =	simm.s32 $0x2;
	v17 =	vld [tilespmem:s2+$0xFFFFFF90];
	v15 =	vor.u32 v3, v15  }
0x2d6: {  	v18 =	vmov s25  }
0x2d7: {  	v18 =	vadd.s32 $0x40, v18  }
0x2d8: {  	v18 =	vand.u32 $0x7E, v18  }
0x2d9: {  	[tilespmem:v16+s24+$0x0] =	vst.idx.msk $0xffff, v14;
	v14 =	vbroadcast v18, $0x0  }
0x2da: {  	[tilespmem:v15+s24+$0x0] =	vst.idx.msk $0xffff, v17  }
0x2db: {  	v15 =	vld [tilespmem:s2+$0x0];
	v16 =	vor.u32 v2, v14  }
0x2dc: {  	s28 =	simm.s32 $0x3;
	v17 =	vld [tilespmem:s2+$0x10];
	v14 =	vor.u32 v3, v14  }
0x2dd: {  	v18 =	vmov s28  }
0x2de: {  	v18 =	vadd.s32 $0x40, v18  }
0x2df: {  	v18 =	vand.u32 $0x7F, v18  }
0x2e0: {  	[tilespmem:v16+s24+$0x0] =	vst.idx.msk $0xffff, v15;
	v16 =	vbroadcast v18, $0x0  }
0x2e1: {  	[tilespmem:v14+s24+$0x0] =	vst.idx.msk $0xffff, v17  }
0x2e2: {  	v17 =	vld [tilespmem:s2+$0x80];
	v18 =	vor.u32 v2, v16  }
0x2e3: {  	s14 =	simm.s32 $0x4  }
0x2e4: {  	v14 =	vmov s14;
	v15 =	vld [tilespmem:s2+$0x90];
	v16 =	vor.u32 v3, v16  }
0x2e5: {  	v14 =	vadd.s32 $0x40, v14  }
0x2e6: {  	v14 =	vand.u32 $0x7C, v14  }
0x2e7: {  	s3 =	simm.s32 $0x8;
	v14 =	vbroadcast v14, $0x0;
	[tilespmem:v18+s24+$0x0] =	vst.idx.msk $0xffff, v17  }
.LBB2_27:
0x2e8: {  	p0 =	slt.u32 s3, $0x3C  }
0x2e9: {  	[tilespmem:v16+s24+$0x0] =	vst.idx.msk $0xffff, v15;
	s2 =	sadd.s32 $0x200, s2;
	s1 =	smov.u32 s3;
	s3 =	sadd.s32 $0x4, s3  }
0x2ea: {  	v15 =	vld [tilespmem:s2+$0xFFFFFF00];
	v16 =	vor.u32 v2, v14  }
0x2eb: {  	s19 =	sadd.s32 $0x1, s14;
	v14 =	vor.u32 v3, v14;
	v17 =	vld [tilespmem:s2+$0xFFFFFF10]  }
0x2ec: {  	v18 =	vmov s19  }
0x2ed: {  	v18 =	vadd.s32 $0x40, v18  }
0x2ee: {  	v18 =	vand.u32 $0x7D, v18  }
0x2ef: {  	[tilespmem:v16+s24+$0x0] =	vst.idx.msk $0xffff, v15;
	v15 =	vbroadcast v18, $0x0  }
0x2f0: {  	[tilespmem:v14+s24+$0x0] =	vst.idx.msk $0xffff, v17  }
0x2f1: {  	v14 =	vld [tilespmem:s2+$0xFFFFFF80];
	v16 =	vor.u32 v2, v15  }
0x2f2: {  	s19 =	sadd.s32 $0x2, s14;
	v15 =	vor.u32 v3, v15;
	v17 =	vld [tilespmem:s2+$0xFFFFFF90]  }
0x2f3: {  	v18 =	vmov s19  }
0x2f4: {  	v18 =	vadd.s32 $0x40, v18  }
0x2f5: {  	v18 =	vand.u32 $0x7E, v18  }
0x2f6: {  	[tilespmem:v16+s24+$0x0] =	vst.idx.msk $0xffff, v14;
	v14 =	vbroadcast v18, $0x0  }
0x2f7: {  	[tilespmem:v15+s24+$0x0] =	vst.idx.msk $0xffff, v17  }
0x2f8: {  	v15 =	vld [tilespmem:s2+$0x0];
	v16 =	vor.u32 v2, v14  }
0x2f9: {  	s19 =	sadd.s32 $0x3, s14;
	s14 =	smov.u32 s1;
	v14 =	vor.u32 v3, v14;
	v17 =	vld [tilespmem:s2+$0x10]  }
0x2fa: {  	v18 =	vmov s19  }
0x2fb: {  	v18 =	vadd.s32 $0x40, v18  }
0x2fc: {  	v18 =	vand.u32 $0x7F, v18  }
0x2fd: {  	[tilespmem:v16+s24+$0x0] =	vst.idx.msk $0xffff, v15;
	v16 =	vbroadcast v18, $0x0  }
0x2fe: {  	[tilespmem:v14+s24+$0x0] =	vst.idx.msk $0xffff, v17  }
0x2ff: {  	v17 =	vld [tilespmem:s2+$0x80];
	v18 =	vor.u32 v2, v16  }
.Ltmp12:
0x300: {  	v16 =	vor.u32 v3, v16;
	v15 =	vld [tilespmem:s2+$0x90];
	(pc) =	sbr.rel @p0 .LBB2_27-.Ltmp12, $4  }
0x301: {  	v14 =	vmov s14  }
0x302: {  	v14 =	vadd.s32 $0x40, v14  }
0x303: {  	v14 =	vand.u32 $0x7C, v14  }
0x304: {  	v14 =	vbroadcast v14, $0x0;
	[tilespmem:v18+s24+$0x0] =	vst.idx.msk $0xffff, v17  }
0x305: {  	_ =	sdelay $0x3  }
0x306: {  	[tilespmem:v16+s24+$0x0] =	vst.idx.msk $0xffff, v15;
	s1 =	sadd.s32 $0x200, s2  }
0x307: {  	v15 =	vld [tilespmem:s1+$0xFFFFFF00];
	v16 =	vor.u32 v2, v14  }
0x308: {  	s25 =	sadd.s32 $0x1, s14;
	v17 =	vld [tilespmem:s1+$0xFFFFFF10];
	v14 =	vor.u32 v3, v14  }
0x309: {  	v18 =	vmov s25  }
0x30a: {  	v18 =	vadd.s32 $0x40, v18  }
0x30b: {  	v18 =	vand.u32 $0x7D, v18  }
0x30c: {  	[tilespmem:v16+s24+$0x0] =	vst.idx.msk $0xffff, v15;
	v15 =	vbroadcast v18, $0x0  }
0x30d: {  	[tilespmem:v14+s24+$0x0] =	vst.idx.msk $0xffff, v17  }
0x30e: {  	v14 =	vld [tilespmem:s1+$0xFFFFFF80];
	v16 =	vor.u32 v2, v15  }
0x30f: {  	s28 =	sadd.s32 $0x2, s14;
	v17 =	vld [tilespmem:s1+$0xFFFFFF90];
	v15 =	vor.u32 v3, v15  }
0x310: {  	v18 =	vmov s28  }
0x311: {  	v18 =	vadd.s32 $0x40, v18  }
0x312: {  	v18 =	vand.u32 $0x7E, v18  }
0x313: {  	[tilespmem:v16+s24+$0x0] =	vst.idx.msk $0xffff, v14;
	v14 =	vbroadcast v18, $0x0  }
0x314: {  	[tilespmem:v15+s24+$0x0] =	vst.idx.msk $0xffff, v17  }
0x315: {  	v15 =	vld [tilespmem:s1+$0x0];
	v16 =	vor.u32 v2, v14  }
0x316: {  	s3 =	sadd.s32 $0x3, s14;
	v17 =	vld [tilespmem:s1+$0x10];
	v14 =	vor.u32 v3, v14  }
0x317: {  	v18 =	vmov s3  }
0x318: {  	v18 =	vadd.s32 $0x40, v18  }
0x319: {  	v18 =	vand.u32 $0x7F, v18  }
0x31a: {  	[tilespmem:v16+s24+$0x0] =	vst.idx.msk $0xffff, v15;
	v15 =	vbroadcast v18, $0x0  }
0x31b: {  	[tilespmem:v14+s24+$0x0] =	vst.idx.msk $0xffff, v17  }
0x31c: {  	v14 =	vld [tilespmem:s1+$0x80];
	v16 =	vor.u32 v2, v15  }
0x31d: {  	v17 =	vld [tilespmem:s1+$0x90];
	v15 =	vor.u32 v3, v15;
	_ =	sdelay $0x3  }
0x31e: {  	[tilespmem:v16+s24+$0x0] =	vst.idx.msk $0xffff, v14  }
0x31f: {  	s14 =	simm.s32 $0x0;
	s19 =	simm.s32 $0x18140;
	[tilespmem:v15+s24+$0x0] =	vst.idx.msk $0xffff, v17  }
0x320: {  	v14 =	vmov s14;
	[tilespmem:s22], [sflag:$0x4] =	stream.indirect.gather [hbm4b:s5+s18], $0x80, s19, s18, $0xb8;
	[tilespmem:$0x1C400] =	vst v63  }
0x321: {  	v14 =	vand.u32 $0x7C, v14;
	_ =	swait.ge [sflag:s23], $0x2000  }
0x322: {  	v14 =	vbroadcast v14, $0x0;
	[sflag:s23] =	ssyncset.done $0x0  }
0x323: {  	s2 =	simm.s32 $0x18500;
	[sflag:s23] =	ssyncadd.s32 $0xFFFFE000  }
0x324: {  	v16 =	vor.u32 v4, v14;
	v15 =	vld [tilespmem:s2+$0xFFFFFF00]  }
0x325: {  	v14 =	vor.u32 v5, v14;
	v17 =	vld [tilespmem:s2+$0xFFFFFF10]  }
0x326: {  	s21 =	simm.s32 $0x1  }
0x327: {  	v18 =	vmov s21  }
0x328: {  	v18 =	vand.u32 $0x7D, v18  }
0x329: {  	[tilespmem:v16+s24+$0x0] =	vst.idx.msk $0xffff, v15;
	v15 =	vbroadcast v18, $0x0  }
0x32a: {  	[tilespmem:v14+s24+$0x0] =	vst.idx.msk $0xffff, v17  }
0x32b: {  	v14 =	vld [tilespmem:s2+$0xFFFFFF80];
	v16 =	vor.u32 v4, v15  }
0x32c: {  	v17 =	vld [tilespmem:s2+$0xFFFFFF90];
	v15 =	vor.u32 v5, v15  }
0x32d: {  	s25 =	simm.s32 $0x2  }
0x32e: {  	v18 =	vmov s25  }
0x32f: {  	v18 =	vand.u32 $0x7E, v18  }
0x330: {  	[tilespmem:v16+s24+$0x0] =	vst.idx.msk $0xffff, v14;
	v14 =	vbroadcast v18, $0x0  }
0x331: {  	[tilespmem:v15+s24+$0x0] =	vst.idx.msk $0xffff, v17  }
0x332: {  	v15 =	vld [tilespmem:s2+$0x0];
	v16 =	vor.u32 v4, v14  }
0x333: {  	v17 =	vld [tilespmem:s2+$0x10];
	v14 =	vor.u32 v5, v14  }
0x334: {  	s28 =	simm.s32 $0x3  }
0x335: {  	v18 =	vmov s28  }
0x336: {  	v18 =	vand.u32 $0x7F, v18  }
0x337: {  	[tilespmem:v16+s24+$0x0] =	vst.idx.msk $0xffff, v15;
	v16 =	vbroadcast v18, $0x0  }
0x338: {  	[tilespmem:v14+s24+$0x0] =	vst.idx.msk $0xffff, v17  }
0x339: {  	v17 =	vld [tilespmem:s2+$0x80];
	v18 =	vor.u32 v4, v16;
	_ =	sdelay $0x1  }
0x33a: {  	s14 =	simm.s32 $0x4;
	v15 =	vld [tilespmem:s2+$0x90];
	v16 =	vor.u32 v5, v16  }
0x33b: {  	v14 =	vmov s14  }
0x33c: {  	v14 =	vand.u32 $0x7C, v14  }
0x33d: {  	s3 =	simm.s32 $0x8;
	v14 =	vbroadcast v14, $0x0;
	[tilespmem:v18+s24+$0x0] =	vst.idx.msk $0xffff, v17  }
.LBB2_29:
0x33e: {  	p0 =	slt.u32 s3, $0x3C  }
0x33f: {  	[tilespmem:v16+s24+$0x0] =	vst.idx.msk $0xffff, v15;
	s2 =	sadd.s32 $0x200, s2;
	s1 =	smov.u32 s3;
	s3 =	sadd.s32 $0x4, s3  }
0x340: {  	v15 =	vld [tilespmem:s2+$0xFFFFFF00];
	v16 =	vor.u32 v4, v14  }
0x341: {  	v14 =	vor.u32 v5, v14;
	v17 =	vld [tilespmem:s2+$0xFFFFFF10]  }
0x342: {  	s19 =	sadd.s32 $0x1, s14  }
0x343: {  	v18 =	vmov s19  }
0x344: {  	v18 =	vand.u32 $0x7D, v18  }
0x345: {  	[tilespmem:v16+s24+$0x0] =	vst.idx.msk $0xffff, v15;
	v15 =	vbroadcast v18, $0x0  }
0x346: {  	[tilespmem:v14+s24+$0x0] =	vst.idx.msk $0xffff, v17  }
0x347: {  	v14 =	vld [tilespmem:s2+$0xFFFFFF80];
	v16 =	vor.u32 v4, v15  }
0x348: {  	v15 =	vor.u32 v5, v15;
	v17 =	vld [tilespmem:s2+$0xFFFFFF90]  }
0x349: {  	s19 =	sadd.s32 $0x2, s14  }
0x34a: {  	v18 =	vmov s19  }
0x34b: {  	v18 =	vand.u32 $0x7E, v18  }
0x34c: {  	[tilespmem:v16+s24+$0x0] =	vst.idx.msk $0xffff, v14;
	v14 =	vbroadcast v18, $0x0  }
0x34d: {  	[tilespmem:v15+s24+$0x0] =	vst.idx.msk $0xffff, v17  }
0x34e: {  	v15 =	vld [tilespmem:s2+$0x0];
	v16 =	vor.u32 v4, v14  }
0x34f: {  	v14 =	vor.u32 v5, v14;
	v17 =	vld [tilespmem:s2+$0x10]  }
0x350: {  	s19 =	sadd.s32 $0x3, s14;
	s14 =	smov.u32 s1  }
0x351: {  	v18 =	vmov s19  }
0x352: {  	v18 =	vand.u32 $0x7F, v18  }
0x353: {  	[tilespmem:v16+s24+$0x0] =	vst.idx.msk $0xffff, v15;
	v16 =	vbroadcast v18, $0x0  }
0x354: {  	[tilespmem:v14+s24+$0x0] =	vst.idx.msk $0xffff, v17  }
0x355: {  	v17 =	vld [tilespmem:s2+$0x80];
	v18 =	vor.u32 v4, v16  }
.Ltmp13:
0x356: {  	v16 =	vor.u32 v5, v16;
	v15 =	vld [tilespmem:s2+$0x90];
	(pc) =	sbr.rel @p0 .LBB2_29-.Ltmp13, $4  }
0x357: {  	_ = 	snop  }
0x358: {  	v14 =	vmov s14  }
0x359: {  	v14 =	vand.u32 $0x7C, v14  }
0x35a: {  	v14 =	vbroadcast v14, $0x0;
	[tilespmem:v18+s24+$0x0] =	vst.idx.msk $0xffff, v17  }
0x35b: {  	_ =	sdelay $0x3  }
0x35c: {  	[tilespmem:v16+s24+$0x0] =	vst.idx.msk $0xffff, v15;
	s1 =	sadd.s32 $0x200, s2  }
0x35d: {  	v15 =	vld [tilespmem:s1+$0xFFFFFF00];
	v16 =	vor.u32 v4, v14  }
0x35e: {  	v17 =	vld [tilespmem:s1+$0xFFFFFF10];
	v14 =	vor.u32 v5, v14  }
0x35f: {  	s25 =	sadd.s32 $0x1, s14  }
0x360: {  	v18 =	vmov s25  }
0x361: {  	v18 =	vand.u32 $0x7D, v18  }
0x362: {  	[tilespmem:v16+s24+$0x0] =	vst.idx.msk $0xffff, v15;
	v15 =	vbroadcast v18, $0x0  }
0x363: {  	[tilespmem:v14+s24+$0x0] =	vst.idx.msk $0xffff, v17  }
0x364: {  	v14 =	vld [tilespmem:s1+$0xFFFFFF80];
	v16 =	vor.u32 v4, v15  }
0x365: {  	v17 =	vld [tilespmem:s1+$0xFFFFFF90];
	v15 =	vor.u32 v5, v15  }
0x366: {  	s28 =	sadd.s32 $0x2, s14  }
0x367: {  	v18 =	vmov s28  }
0x368: {  	v18 =	vand.u32 $0x7E, v18  }
0x369: {  	[tilespmem:v16+s24+$0x0] =	vst.idx.msk $0xffff, v14;
	v14 =	vbroadcast v18, $0x0  }
0x36a: {  	[tilespmem:v15+s24+$0x0] =	vst.idx.msk $0xffff, v17  }
0x36b: {  	v15 =	vld [tilespmem:s1+$0x0];
	v16 =	vor.u32 v4, v14  }
0x36c: {  	v17 =	vld [tilespmem:s1+$0x10];
	v14 =	vor.u32 v5, v14  }
0x36d: {  	s3 =	sadd.s32 $0x3, s14  }
0x36e: {  	v18 =	vmov s3  }
0x36f: {  	v18 =	vand.u32 $0x7F, v18  }
0x370: {  	[tilespmem:v16+s24+$0x0] =	vst.idx.msk $0xffff, v15;
	v15 =	vbroadcast v18, $0x0  }
0x371: {  	[tilespmem:v14+s24+$0x0] =	vst.idx.msk $0xffff, v17  }
0x372: {  	v14 =	vld [tilespmem:s1+$0x80];
	v16 =	vor.u32 v4, v15  }
0x373: {  	v17 =	vld [tilespmem:s1+$0x90];
	v15 =	vor.u32 v5, v15;
	_ =	sdelay $0x3  }
0x374: {  	s14 =	simm.s32 $0x0;
	[tilespmem:v16+s24+$0x0] =	vst.idx.msk $0xffff, v14  }
0x375: {  	s19 =	simm.s32 $0x18180;
	v14 =	vmov s14;
	[tilespmem:v15+s24+$0x0] =	vst.idx.msk $0xffff, v17  }
0x376: {  	v14 =	vadd.s32 $0x40, v14;
	[tilespmem:s20], [sflag:$0x3] =	stream.indirect.gather [hbm4b:s5+s18], $0x80, s19, s18, $0xb8;
	[tilespmem:$0x1C400] =	vst v63  }
0x377: {  	v14 =	vand.u32 $0x7C, v14;
	_ =	swait.ge [sflag:s26], $0x2000  }
0x378: {  	v14 =	vbroadcast v14, $0x0;
	[sflag:s26] =	ssyncset.done $0x0  }
0x379: {  	s2 =	simm.s32 $0x1A500;
	[sflag:s26] =	ssyncadd.s32 $0xFFFFE000  }
0x37a: {  	v16 =	vor.u32 v4, v14;
	v15 =	vld [tilespmem:s2+$0xFFFFFF00]  }
0x37b: {  	s21 =	simm.s32 $0x1;
	v14 =	vor.u32 v5, v14;
	v17 =	vld [tilespmem:s2+$0xFFFFFF10]  }
0x37c: {  	v18 =	vmov s21  }
0x37d: {  	v18 =	vadd.s32 $0x40, v18  }
0x37e: {  	v18 =	vand.u32 $0x7D, v18  }
0x37f: {  	[tilespmem:v16+s24+$0x0] =	vst.idx.msk $0xffff, v15;
	v15 =	vbroadcast v18, $0x0  }
0x380: {  	[tilespmem:v14+s24+$0x0] =	vst.idx.msk $0xffff, v17  }
0x381: {  	v14 =	vld [tilespmem:s2+$0xFFFFFF80];
	v16 =	vor.u32 v4, v15  }
0x382: {  	s25 =	simm.s32 $0x2;
	v17 =	vld [tilespmem:s2+$0xFFFFFF90];
	v15 =	vor.u32 v5, v15  }
0x383: {  	v18 =	vmov s25  }
0x384: {  	v18 =	vadd.s32 $0x40, v18  }
0x385: {  	v18 =	vand.u32 $0x7E, v18  }
0x386: {  	[tilespmem:v16+s24+$0x0] =	vst.idx.msk $0xffff, v14;
	v14 =	vbroadcast v18, $0x0  }
0x387: {  	[tilespmem:v15+s24+$0x0] =	vst.idx.msk $0xffff, v17  }
0x388: {  	v15 =	vld [tilespmem:s2+$0x0];
	v16 =	vor.u32 v4, v14  }
0x389: {  	s28 =	simm.s32 $0x3;
	v17 =	vld [tilespmem:s2+$0x10];
	v14 =	vor.u32 v5, v14  }
0x38a: {  	v18 =	vmov s28  }
0x38b: {  	v18 =	vadd.s32 $0x40, v18  }
0x38c: {  	v18 =	vand.u32 $0x7F, v18  }
0x38d: {  	[tilespmem:v16+s24+$0x0] =	vst.idx.msk $0xffff, v15;
	v16 =	vbroadcast v18, $0x0  }
0x38e: {  	[tilespmem:v14+s24+$0x0] =	vst.idx.msk $0xffff, v17  }
0x38f: {  	v17 =	vld [tilespmem:s2+$0x80];
	v18 =	vor.u32 v4, v16  }
0x390: {  	s14 =	simm.s32 $0x4  }
0x391: {  	v14 =	vmov s14;
	v15 =	vld [tilespmem:s2+$0x90];
	v16 =	vor.u32 v5, v16  }
0x392: {  	v14 =	vadd.s32 $0x40, v14  }
0x393: {  	v14 =	vand.u32 $0x7C, v14  }
0x394: {  	s3 =	simm.s32 $0x8;
	v14 =	vbroadcast v14, $0x0;
	[tilespmem:v18+s24+$0x0] =	vst.idx.msk $0xffff, v17  }
.LBB2_31:
0x395: {  	p0 =	slt.u32 s3, $0x3C  }
0x396: {  	[tilespmem:v16+s24+$0x0] =	vst.idx.msk $0xffff, v15;
	s2 =	sadd.s32 $0x200, s2;
	s1 =	smov.u32 s3;
	s3 =	sadd.s32 $0x4, s3  }
0x397: {  	v15 =	vld [tilespmem:s2+$0xFFFFFF00];
	v16 =	vor.u32 v4, v14  }
0x398: {  	s19 =	sadd.s32 $0x1, s14;
	v14 =	vor.u32 v5, v14;
	v17 =	vld [tilespmem:s2+$0xFFFFFF10]  }
0x399: {  	v18 =	vmov s19  }
0x39a: {  	v18 =	vadd.s32 $0x40, v18  }
0x39b: {  	v18 =	vand.u32 $0x7D, v18  }
0x39c: {  	[tilespmem:v16+s24+$0x0] =	vst.idx.msk $0xffff, v15;
	v15 =	vbroadcast v18, $0x0  }
0x39d: {  	[tilespmem:v14+s24+$0x0] =	vst.idx.msk $0xffff, v17  }
0x39e: {  	v14 =	vld [tilespmem:s2+$0xFFFFFF80];
	v16 =	vor.u32 v4, v15  }
0x39f: {  	s19 =	sadd.s32 $0x2, s14;
	v15 =	vor.u32 v5, v15;
	v17 =	vld [tilespmem:s2+$0xFFFFFF90]  }
0x3a0: {  	v18 =	vmov s19  }
0x3a1: {  	v18 =	vadd.s32 $0x40, v18  }
0x3a2: {  	v18 =	vand.u32 $0x7E, v18  }
0x3a3: {  	[tilespmem:v16+s24+$0x0] =	vst.idx.msk $0xffff, v14;
	v14 =	vbroadcast v18, $0x0  }
0x3a4: {  	[tilespmem:v15+s24+$0x0] =	vst.idx.msk $0xffff, v17  }
0x3a5: {  	v15 =	vld [tilespmem:s2+$0x0];
	v16 =	vor.u32 v4, v14  }
0x3a6: {  	s19 =	sadd.s32 $0x3, s14;
	s14 =	smov.u32 s1;
	v14 =	vor.u32 v5, v14;
	v17 =	vld [tilespmem:s2+$0x10]  }
0x3a7: {  	v18 =	vmov s19  }
0x3a8: {  	v18 =	vadd.s32 $0x40, v18  }
0x3a9: {  	v18 =	vand.u32 $0x7F, v18  }
0x3aa: {  	[tilespmem:v16+s24+$0x0] =	vst.idx.msk $0xffff, v15;
	v16 =	vbroadcast v18, $0x0  }
0x3ab: {  	[tilespmem:v14+s24+$0x0] =	vst.idx.msk $0xffff, v17  }
0x3ac: {  	v17 =	vld [tilespmem:s2+$0x80];
	v18 =	vor.u32 v4, v16  }
.Ltmp14:
0x3ad: {  	v16 =	vor.u32 v5, v16;
	v15 =	vld [tilespmem:s2+$0x90];
	(pc) =	sbr.rel @p0 .LBB2_31-.Ltmp14, $4  }
0x3ae: {  	v14 =	vmov s14  }
0x3af: {  	v14 =	vadd.s32 $0x40, v14  }
0x3b0: {  	v14 =	vand.u32 $0x7C, v14  }
0x3b1: {  	v14 =	vbroadcast v14, $0x0;
	[tilespmem:v18+s24+$0x0] =	vst.idx.msk $0xffff, v17  }
0x3b2: {  	_ =	sdelay $0x3  }
0x3b3: {  	[tilespmem:v16+s24+$0x0] =	vst.idx.msk $0xffff, v15;
	s1 =	sadd.s32 $0x200, s2  }
0x3b4: {  	v15 =	vld [tilespmem:s1+$0xFFFFFF00];
	v16 =	vor.u32 v4, v14  }
0x3b5: {  	s25 =	sadd.s32 $0x1, s14;
	v17 =	vld [tilespmem:s1+$0xFFFFFF10];
	v14 =	vor.u32 v5, v14  }
0x3b6: {  	v18 =	vmov s25  }
0x3b7: {  	v18 =	vadd.s32 $0x40, v18  }
0x3b8: {  	v18 =	vand.u32 $0x7D, v18  }
0x3b9: {  	[tilespmem:v16+s24+$0x0] =	vst.idx.msk $0xffff, v15;
	v15 =	vbroadcast v18, $0x0  }
0x3ba: {  	[tilespmem:v14+s24+$0x0] =	vst.idx.msk $0xffff, v17  }
0x3bb: {  	v14 =	vld [tilespmem:s1+$0xFFFFFF80];
	v16 =	vor.u32 v4, v15  }
0x3bc: {  	s28 =	sadd.s32 $0x2, s14;
	v17 =	vld [tilespmem:s1+$0xFFFFFF90];
	v15 =	vor.u32 v5, v15  }
0x3bd: {  	v18 =	vmov s28  }
0x3be: {  	v18 =	vadd.s32 $0x40, v18  }
0x3bf: {  	v18 =	vand.u32 $0x7E, v18  }
0x3c0: {  	[tilespmem:v16+s24+$0x0] =	vst.idx.msk $0xffff, v14;
	v14 =	vbroadcast v18, $0x0  }
0x3c1: {  	[tilespmem:v15+s24+$0x0] =	vst.idx.msk $0xffff, v17  }
0x3c2: {  	v15 =	vld [tilespmem:s1+$0x0];
	v16 =	vor.u32 v4, v14  }
0x3c3: {  	s3 =	sadd.s32 $0x3, s14;
	v17 =	vld [tilespmem:s1+$0x10];
	v14 =	vor.u32 v5, v14  }
0x3c4: {  	v18 =	vmov s3  }
0x3c5: {  	v18 =	vadd.s32 $0x40, v18  }
0x3c6: {  	v18 =	vand.u32 $0x7F, v18  }
0x3c7: {  	[tilespmem:v16+s24+$0x0] =	vst.idx.msk $0xffff, v15;
	v15 =	vbroadcast v18, $0x0  }
0x3c8: {  	[tilespmem:v14+s24+$0x0] =	vst.idx.msk $0xffff, v17  }
0x3c9: {  	v14 =	vld [tilespmem:s1+$0x80];
	v16 =	vor.u32 v4, v15  }
0x3ca: {  	v17 =	vld [tilespmem:s1+$0x90];
	v15 =	vor.u32 v5, v15;
	_ =	sdelay $0x3  }
0x3cb: {  	[tilespmem:v16+s24+$0x0] =	vst.idx.msk $0xffff, v14  }
0x3cc: {  	s14 =	simm.s32 $0x0;
	s19 =	simm.s32 $0x181C0;
	[tilespmem:v15+s24+$0x0] =	vst.idx.msk $0xffff, v17  }
0x3cd: {  	v14 =	vmov s14;
	[tilespmem:s22], [sflag:$0x4] =	stream.indirect.gather [hbm4b:s5+s18], $0x80, s19, s18, $0xb8;
	[tilespmem:$0x1C400] =	vst v63  }
0x3ce: {  	v14 =	vand.u32 $0x7C, v14;
	_ =	swait.ge [sflag:s23], $0x2000  }
0x3cf: {  	v14 =	vbroadcast v14, $0x0;
	[sflag:s23] =	ssyncset.done $0x0  }
0x3d0: {  	s2 =	simm.s32 $0x18500;
	[sflag:s23] =	ssyncadd.s32 $0xFFFFE000  }
0x3d1: {  	v16 =	vor.u32 v6, v14;
	v15 =	vld [tilespmem:s2+$0xFFFFFF00]  }
0x3d2: {  	v14 =	vor.u32 v7, v14;
	v17 =	vld [tilespmem:s2+$0xFFFFFF10]  }
0x3d3: {  	s21 =	simm.s32 $0x1  }
0x3d4: {  	v18 =	vmov s21  }
0x3d5: {  	v18 =	vand.u32 $0x7D, v18  }
0x3d6: {  	[tilespmem:v16+s24+$0x0] =	vst.idx.msk $0xffff, v15;
	v15 =	vbroadcast v18, $0x0  }
0x3d7: {  	[tilespmem:v14+s24+$0x0] =	vst.idx.msk $0xffff, v17  }
0x3d8: {  	v14 =	vld [tilespmem:s2+$0xFFFFFF80];
	v16 =	vor.u32 v6, v15  }
0x3d9: {  	v17 =	vld [tilespmem:s2+$0xFFFFFF90];
	v15 =	vor.u32 v7, v15  }
0x3da: {  	s25 =	simm.s32 $0x2  }
0x3db: {  	v18 =	vmov s25  }
0x3dc: {  	v18 =	vand.u32 $0x7E, v18  }
0x3dd: {  	[tilespmem:v16+s24+$0x0] =	vst.idx.msk $0xffff, v14;
	v14 =	vbroadcast v18, $0x0  }
0x3de: {  	[tilespmem:v15+s24+$0x0] =	vst.idx.msk $0xffff, v17  }
0x3df: {  	v15 =	vld [tilespmem:s2+$0x0];
	v16 =	vor.u32 v6, v14  }
0x3e0: {  	v17 =	vld [tilespmem:s2+$0x10];
	v14 =	vor.u32 v7, v14  }
0x3e1: {  	s28 =	simm.s32 $0x3  }
0x3e2: {  	v18 =	vmov s28  }
0x3e3: {  	v18 =	vand.u32 $0x7F, v18  }
0x3e4: {  	[tilespmem:v16+s24+$0x0] =	vst.idx.msk $0xffff, v15;
	v16 =	vbroadcast v18, $0x0  }
0x3e5: {  	[tilespmem:v14+s24+$0x0] =	vst.idx.msk $0xffff, v17  }
0x3e6: {  	v17 =	vld [tilespmem:s2+$0x80];
	v18 =	vor.u32 v6, v16;
	_ =	sdelay $0x1  }
0x3e7: {  	s14 =	simm.s32 $0x4;
	v15 =	vld [tilespmem:s2+$0x90];
	v16 =	vor.u32 v7, v16  }
0x3e8: {  	v14 =	vmov s14  }
0x3e9: {  	v14 =	vand.u32 $0x7C, v14  }
0x3ea: {  	s3 =	simm.s32 $0x8;
	v14 =	vbroadcast v14, $0x0;
	[tilespmem:v18+s24+$0x0] =	vst.idx.msk $0xffff, v17  }
.LBB2_33:
0x3eb: {  	p0 =	slt.u32 s3, $0x3C  }
0x3ec: {  	[tilespmem:v16+s24+$0x0] =	vst.idx.msk $0xffff, v15;
	s2 =	sadd.s32 $0x200, s2;
	s1 =	smov.u32 s3;
	s3 =	sadd.s32 $0x4, s3  }
0x3ed: {  	v15 =	vld [tilespmem:s2+$0xFFFFFF00];
	v16 =	vor.u32 v6, v14  }
0x3ee: {  	v14 =	vor.u32 v7, v14;
	v17 =	vld [tilespmem:s2+$0xFFFFFF10]  }
0x3ef: {  	s19 =	sadd.s32 $0x1, s14  }
0x3f0: {  	v18 =	vmov s19  }
0x3f1: {  	v18 =	vand.u32 $0x7D, v18  }
0x3f2: {  	[tilespmem:v16+s24+$0x0] =	vst.idx.msk $0xffff, v15;
	v15 =	vbroadcast v18, $0x0  }
0x3f3: {  	[tilespmem:v14+s24+$0x0] =	vst.idx.msk $0xffff, v17  }
0x3f4: {  	v14 =	vld [tilespmem:s2+$0xFFFFFF80];
	v16 =	vor.u32 v6, v15  }
0x3f5: {  	v15 =	vor.u32 v7, v15;
	v17 =	vld [tilespmem:s2+$0xFFFFFF90]  }
0x3f6: {  	s19 =	sadd.s32 $0x2, s14  }
0x3f7: {  	v18 =	vmov s19  }
0x3f8: {  	v18 =	vand.u32 $0x7E, v18  }
0x3f9: {  	[tilespmem:v16+s24+$0x0] =	vst.idx.msk $0xffff, v14;
	v14 =	vbroadcast v18, $0x0  }
0x3fa: {  	[tilespmem:v15+s24+$0x0] =	vst.idx.msk $0xffff, v17  }
0x3fb: {  	v15 =	vld [tilespmem:s2+$0x0];
	v16 =	vor.u32 v6, v14  }
0x3fc: {  	v14 =	vor.u32 v7, v14;
	v17 =	vld [tilespmem:s2+$0x10]  }
0x3fd: {  	s19 =	sadd.s32 $0x3, s14;
	s14 =	smov.u32 s1  }
0x3fe: {  	v18 =	vmov s19  }
0x3ff: {  	v18 =	vand.u32 $0x7F, v18  }
0x400: {  	[tilespmem:v16+s24+$0x0] =	vst.idx.msk $0xffff, v15;
	v16 =	vbroadcast v18, $0x0  }
0x401: {  	[tilespmem:v14+s24+$0x0] =	vst.idx.msk $0xffff, v17  }
0x402: {  	v17 =	vld [tilespmem:s2+$0x80];
	v18 =	vor.u32 v6, v16  }
.Ltmp15:
0x403: {  	v16 =	vor.u32 v7, v16;
	v15 =	vld [tilespmem:s2+$0x90];
	(pc) =	sbr.rel @p0 .LBB2_33-.Ltmp15, $4  }
0x404: {  	_ = 	snop  }
0x405: {  	v14 =	vmov s14  }
0x406: {  	v14 =	vand.u32 $0x7C, v14  }
0x407: {  	v14 =	vbroadcast v14, $0x0;
	[tilespmem:v18+s24+$0x0] =	vst.idx.msk $0xffff, v17  }
0x408: {  	_ =	sdelay $0x3  }
0x409: {  	[tilespmem:v16+s24+$0x0] =	vst.idx.msk $0xffff, v15;
	s1 =	sadd.s32 $0x200, s2  }
0x40a: {  	v15 =	vld [tilespmem:s1+$0xFFFFFF00];
	v16 =	vor.u32 v6, v14  }
0x40b: {  	v17 =	vld [tilespmem:s1+$0xFFFFFF10];
	v14 =	vor.u32 v7, v14  }
0x40c: {  	s25 =	sadd.s32 $0x1, s14  }
0x40d: {  	v18 =	vmov s25  }
0x40e: {  	v18 =	vand.u32 $0x7D, v18  }
0x40f: {  	[tilespmem:v16+s24+$0x0] =	vst.idx.msk $0xffff, v15;
	v15 =	vbroadcast v18, $0x0  }
0x410: {  	[tilespmem:v14+s24+$0x0] =	vst.idx.msk $0xffff, v17  }
0x411: {  	v14 =	vld [tilespmem:s1+$0xFFFFFF80];
	v16 =	vor.u32 v6, v15  }
0x412: {  	v17 =	vld [tilespmem:s1+$0xFFFFFF90];
	v15 =	vor.u32 v7, v15  }
0x413: {  	s28 =	sadd.s32 $0x2, s14  }
0x414: {  	v18 =	vmov s28  }
0x415: {  	v18 =	vand.u32 $0x7E, v18  }
0x416: {  	[tilespmem:v16+s24+$0x0] =	vst.idx.msk $0xffff, v14;
	v14 =	vbroadcast v18, $0x0  }
0x417: {  	[tilespmem:v15+s24+$0x0] =	vst.idx.msk $0xffff, v17  }
0x418: {  	v15 =	vld [tilespmem:s1+$0x0];
	v16 =	vor.u32 v6, v14  }
0x419: {  	v17 =	vld [tilespmem:s1+$0x10];
	v14 =	vor.u32 v7, v14  }
0x41a: {  	s3 =	sadd.s32 $0x3, s14  }
0x41b: {  	v18 =	vmov s3  }
0x41c: {  	v18 =	vand.u32 $0x7F, v18  }
0x41d: {  	[tilespmem:v16+s24+$0x0] =	vst.idx.msk $0xffff, v15;
	v15 =	vbroadcast v18, $0x0  }
0x41e: {  	[tilespmem:v14+s24+$0x0] =	vst.idx.msk $0xffff, v17  }
0x41f: {  	v14 =	vld [tilespmem:s1+$0x80];
	v16 =	vor.u32 v6, v15  }
0x420: {  	v17 =	vld [tilespmem:s1+$0x90];
	v15 =	vor.u32 v7, v15;
	_ =	sdelay $0x3  }
0x421: {  	s14 =	simm.s32 $0x0;
	[tilespmem:v16+s24+$0x0] =	vst.idx.msk $0xffff, v14  }
0x422: {  	s19 =	simm.s32 $0x18200;
	v14 =	vmov s14;
	[tilespmem:v15+s24+$0x0] =	vst.idx.msk $0xffff, v17  }
0x423: {  	v14 =	vadd.s32 $0x40, v14;
	[tilespmem:s20], [sflag:$0x3] =	stream.indirect.gather [hbm4b:s5+s18], $0x80, s19, s18, $0xb8;
	[tilespmem:$0x1C400] =	vst v63  }
0x424: {  	v14 =	vand.u32 $0x7C, v14;
	_ =	swait.ge [sflag:s26], $0x2000  }
0x425: {  	v14 =	vbroadcast v14, $0x0;
	[sflag:s26] =	ssyncset.done $0x0  }
0x426: {  	s2 =	simm.s32 $0x1A500;
	[sflag:s26] =	ssyncadd.s32 $0xFFFFE000  }
0x427: {  	v16 =	vor.u32 v6, v14;
	v15 =	vld [tilespmem:s2+$0xFFFFFF00]  }
0x428: {  	s21 =	simm.s32 $0x1;
	v14 =	vor.u32 v7, v14;
	v17 =	vld [tilespmem:s2+$0xFFFFFF10]  }
0x429: {  	v18 =	vmov s21  }
0x42a: {  	v18 =	vadd.s32 $0x40, v18  }
0x42b: {  	v18 =	vand.u32 $0x7D, v18  }
0x42c: {  	[tilespmem:v16+s24+$0x0] =	vst.idx.msk $0xffff, v15;
	v15 =	vbroadcast v18, $0x0  }
0x42d: {  	[tilespmem:v14+s24+$0x0] =	vst.idx.msk $0xffff, v17  }
0x42e: {  	v14 =	vld [tilespmem:s2+$0xFFFFFF80];
	v16 =	vor.u32 v6, v15  }
0x42f: {  	s25 =	simm.s32 $0x2;
	v17 =	vld [tilespmem:s2+$0xFFFFFF90];
	v15 =	vor.u32 v7, v15  }
0x430: {  	v18 =	vmov s25  }
0x431: {  	v18 =	vadd.s32 $0x40, v18  }
0x432: {  	v18 =	vand.u32 $0x7E, v18  }
0x433: {  	[tilespmem:v16+s24+$0x0] =	vst.idx.msk $0xffff, v14;
	v14 =	vbroadcast v18, $0x0  }
0x434: {  	[tilespmem:v15+s24+$0x0] =	vst.idx.msk $0xffff, v17  }
0x435: {  	v15 =	vld [tilespmem:s2+$0x0];
	v16 =	vor.u32 v6, v14  }
0x436: {  	s28 =	simm.s32 $0x3;
	v17 =	vld [tilespmem:s2+$0x10];
	v14 =	vor.u32 v7, v14  }
0x437: {  	v18 =	vmov s28  }
0x438: {  	v18 =	vadd.s32 $0x40, v18  }
0x439: {  	v18 =	vand.u32 $0x7F, v18  }
0x43a: {  	[tilespmem:v16+s24+$0x0] =	vst.idx.msk $0xffff, v15;
	v16 =	vbroadcast v18, $0x0  }
0x43b: {  	[tilespmem:v14+s24+$0x0] =	vst.idx.msk $0xffff, v17  }
0x43c: {  	v17 =	vld [tilespmem:s2+$0x80];
	v18 =	vor.u32 v6, v16  }
0x43d: {  	s14 =	simm.s32 $0x4  }
0x43e: {  	v14 =	vmov s14;
	v15 =	vld [tilespmem:s2+$0x90];
	v16 =	vor.u32 v7, v16  }
0x43f: {  	v14 =	vadd.s32 $0x40, v14  }
0x440: {  	v14 =	vand.u32 $0x7C, v14  }
0x441: {  	s3 =	simm.s32 $0x8;
	v14 =	vbroadcast v14, $0x0;
	[tilespmem:v18+s24+$0x0] =	vst.idx.msk $0xffff, v17  }
.LBB2_35:
0x442: {  	p0 =	slt.u32 s3, $0x3C  }
0x443: {  	[tilespmem:v16+s24+$0x0] =	vst.idx.msk $0xffff, v15;
	s2 =	sadd.s32 $0x200, s2;
	s1 =	smov.u32 s3;
	s3 =	sadd.s32 $0x4, s3  }
0x444: {  	v15 =	vld [tilespmem:s2+$0xFFFFFF00];
	v16 =	vor.u32 v6, v14  }
0x445: {  	s19 =	sadd.s32 $0x1, s14;
	v14 =	vor.u32 v7, v14;
	v17 =	vld [tilespmem:s2+$0xFFFFFF10]  }
0x446: {  	v18 =	vmov s19  }
0x447: {  	v18 =	vadd.s32 $0x40, v18  }
0x448: {  	v18 =	vand.u32 $0x7D, v18  }
0x449: {  	[tilespmem:v16+s24+$0x0] =	vst.idx.msk $0xffff, v15;
	v15 =	vbroadcast v18, $0x0  }
0x44a: {  	[tilespmem:v14+s24+$0x0] =	vst.idx.msk $0xffff, v17  }
0x44b: {  	v14 =	vld [tilespmem:s2+$0xFFFFFF80];
	v16 =	vor.u32 v6, v15  }
0x44c: {  	s19 =	sadd.s32 $0x2, s14;
	v15 =	vor.u32 v7, v15;
	v17 =	vld [tilespmem:s2+$0xFFFFFF90]  }
0x44d: {  	v18 =	vmov s19  }
0x44e: {  	v18 =	vadd.s32 $0x40, v18  }
0x44f: {  	v18 =	vand.u32 $0x7E, v18  }
0x450: {  	[tilespmem:v16+s24+$0x0] =	vst.idx.msk $0xffff, v14;
	v14 =	vbroadcast v18, $0x0  }
0x451: {  	[tilespmem:v15+s24+$0x0] =	vst.idx.msk $0xffff, v17  }
0x452: {  	v15 =	vld [tilespmem:s2+$0x0];
	v16 =	vor.u32 v6, v14  }
0x453: {  	s19 =	sadd.s32 $0x3, s14;
	s14 =	smov.u32 s1;
	v14 =	vor.u32 v7, v14;
	v17 =	vld [tilespmem:s2+$0x10]  }
0x454: {  	v18 =	vmov s19  }
0x455: {  	v18 =	vadd.s32 $0x40, v18  }
0x456: {  	v18 =	vand.u32 $0x7F, v18  }
0x457: {  	[tilespmem:v16+s24+$0x0] =	vst.idx.msk $0xffff, v15;
	v16 =	vbroadcast v18, $0x0  }
0x458: {  	[tilespmem:v14+s24+$0x0] =	vst.idx.msk $0xffff, v17  }
0x459: {  	v17 =	vld [tilespmem:s2+$0x80];
	v18 =	vor.u32 v6, v16  }
.Ltmp16:
0x45a: {  	v16 =	vor.u32 v7, v16;
	v15 =	vld [tilespmem:s2+$0x90];
	(pc) =	sbr.rel @p0 .LBB2_35-.Ltmp16, $4  }
0x45b: {  	v14 =	vmov s14  }
0x45c: {  	v14 =	vadd.s32 $0x40, v14  }
0x45d: {  	v14 =	vand.u32 $0x7C, v14  }
0x45e: {  	v14 =	vbroadcast v14, $0x0;
	[tilespmem:v18+s24+$0x0] =	vst.idx.msk $0xffff, v17  }
0x45f: {  	_ =	sdelay $0x3  }
0x460: {  	[tilespmem:v16+s24+$0x0] =	vst.idx.msk $0xffff, v15;
	s1 =	sadd.s32 $0x200, s2  }
0x461: {  	v15 =	vld [tilespmem:s1+$0xFFFFFF00];
	v16 =	vor.u32 v6, v14  }
0x462: {  	s25 =	sadd.s32 $0x1, s14;
	v17 =	vld [tilespmem:s1+$0xFFFFFF10];
	v14 =	vor.u32 v7, v14  }
0x463: {  	v18 =	vmov s25  }
0x464: {  	v18 =	vadd.s32 $0x40, v18  }
0x465: {  	v18 =	vand.u32 $0x7D, v18  }
0x466: {  	[tilespmem:v16+s24+$0x0] =	vst.idx.msk $0xffff, v15;
	v15 =	vbroadcast v18, $0x0  }
0x467: {  	[tilespmem:v14+s24+$0x0] =	vst.idx.msk $0xffff, v17  }
0x468: {  	v14 =	vld [tilespmem:s1+$0xFFFFFF80];
	v16 =	vor.u32 v6, v15  }
0x469: {  	s28 =	sadd.s32 $0x2, s14;
	v17 =	vld [tilespmem:s1+$0xFFFFFF90];
	v15 =	vor.u32 v7, v15  }
0x46a: {  	v18 =	vmov s28  }
0x46b: {  	v18 =	vadd.s32 $0x40, v18  }
0x46c: {  	v18 =	vand.u32 $0x7E, v18  }
0x46d: {  	[tilespmem:v16+s24+$0x0] =	vst.idx.msk $0xffff, v14;
	v14 =	vbroadcast v18, $0x0  }
0x46e: {  	[tilespmem:v15+s24+$0x0] =	vst.idx.msk $0xffff, v17  }
0x46f: {  	v15 =	vld [tilespmem:s1+$0x0];
	v16 =	vor.u32 v6, v14  }
0x470: {  	s3 =	sadd.s32 $0x3, s14;
	v17 =	vld [tilespmem:s1+$0x10];
	v14 =	vor.u32 v7, v14  }
0x471: {  	v18 =	vmov s3  }
0x472: {  	v18 =	vadd.s32 $0x40, v18  }
0x473: {  	v18 =	vand.u32 $0x7F, v18  }
0x474: {  	[tilespmem:v16+s24+$0x0] =	vst.idx.msk $0xffff, v15;
	v15 =	vbroadcast v18, $0x0  }
0x475: {  	[tilespmem:v14+s24+$0x0] =	vst.idx.msk $0xffff, v17  }
0x476: {  	v14 =	vld [tilespmem:s1+$0x80];
	v16 =	vor.u32 v6, v15  }
0x477: {  	v17 =	vld [tilespmem:s1+$0x90];
	v15 =	vor.u32 v7, v15;
	_ =	sdelay $0x3  }
0x478: {  	[tilespmem:v16+s24+$0x0] =	vst.idx.msk $0xffff, v14  }
0x479: {  	s14 =	simm.s32 $0x0;
	s19 =	simm.s32 $0x18240;
	[tilespmem:v15+s24+$0x0] =	vst.idx.msk $0xffff, v17  }
0x47a: {  	v14 =	vmov s14;
	[tilespmem:s22], [sflag:$0x4] =	stream.indirect.gather [hbm4b:s5+s18], $0x80, s19, s18, $0xb8;
	[tilespmem:$0x1C400] =	vst v63  }
0x47b: {  	v14 =	vand.u32 $0x7C, v14;
	_ =	swait.ge [sflag:s23], $0x2000  }
0x47c: {  	v14 =	vbroadcast v14, $0x0;
	[sflag:s23] =	ssyncset.done $0x0  }
0x47d: {  	s2 =	simm.s32 $0x18500;
	[sflag:s23] =	ssyncadd.s32 $0xFFFFE000  }
0x47e: {  	v16 =	vor.u32 v8, v14;
	v15 =	vld [tilespmem:s2+$0xFFFFFF00]  }
0x47f: {  	v14 =	vor.u32 v9, v14;
	v17 =	vld [tilespmem:s2+$0xFFFFFF10]  }
0x480: {  	s21 =	simm.s32 $0x1  }
0x481: {  	v18 =	vmov s21  }
0x482: {  	v18 =	vand.u32 $0x7D, v18  }
0x483: {  	[tilespmem:v16+s24+$0x0] =	vst.idx.msk $0xffff, v15;
	v15 =	vbroadcast v18, $0x0  }
0x484: {  	[tilespmem:v14+s24+$0x0] =	vst.idx.msk $0xffff, v17  }
0x485: {  	v14 =	vld [tilespmem:s2+$0xFFFFFF80];
	v16 =	vor.u32 v8, v15  }
0x486: {  	v17 =	vld [tilespmem:s2+$0xFFFFFF90];
	v15 =	vor.u32 v9, v15  }
0x487: {  	s25 =	simm.s32 $0x2  }
0x488: {  	v18 =	vmov s25  }
0x489: {  	v18 =	vand.u32 $0x7E, v18  }
0x48a: {  	[tilespmem:v16+s24+$0x0] =	vst.idx.msk $0xffff, v14;
	v14 =	vbroadcast v18, $0x0  }
0x48b: {  	[tilespmem:v15+s24+$0x0] =	vst.idx.msk $0xffff, v17  }
0x48c: {  	v15 =	vld [tilespmem:s2+$0x0];
	v16 =	vor.u32 v8, v14  }
0x48d: {  	v17 =	vld [tilespmem:s2+$0x10];
	v14 =	vor.u32 v9, v14  }
0x48e: {  	s28 =	simm.s32 $0x3  }
0x48f: {  	v18 =	vmov s28  }
0x490: {  	v18 =	vand.u32 $0x7F, v18  }
0x491: {  	[tilespmem:v16+s24+$0x0] =	vst.idx.msk $0xffff, v15;
	v16 =	vbroadcast v18, $0x0  }
0x492: {  	[tilespmem:v14+s24+$0x0] =	vst.idx.msk $0xffff, v17  }
0x493: {  	v17 =	vld [tilespmem:s2+$0x80];
	v18 =	vor.u32 v8, v16;
	_ =	sdelay $0x1  }
0x494: {  	s14 =	simm.s32 $0x4;
	v15 =	vld [tilespmem:s2+$0x90];
	v16 =	vor.u32 v9, v16  }
0x495: {  	v14 =	vmov s14  }
0x496: {  	v14 =	vand.u32 $0x7C, v14  }
0x497: {  	s3 =	simm.s32 $0x8;
	v14 =	vbroadcast v14, $0x0;
	[tilespmem:v18+s24+$0x0] =	vst.idx.msk $0xffff, v17  }
.LBB2_37:
0x498: {  	p0 =	slt.u32 s3, $0x3C  }
0x499: {  	[tilespmem:v16+s24+$0x0] =	vst.idx.msk $0xffff, v15;
	s2 =	sadd.s32 $0x200, s2;
	s1 =	smov.u32 s3;
	s3 =	sadd.s32 $0x4, s3  }
0x49a: {  	v15 =	vld [tilespmem:s2+$0xFFFFFF00];
	v16 =	vor.u32 v8, v14  }
0x49b: {  	v14 =	vor.u32 v9, v14;
	v17 =	vld [tilespmem:s2+$0xFFFFFF10]  }
0x49c: {  	s19 =	sadd.s32 $0x1, s14  }
0x49d: {  	v18 =	vmov s19  }
0x49e: {  	v18 =	vand.u32 $0x7D, v18  }
0x49f: {  	[tilespmem:v16+s24+$0x0] =	vst.idx.msk $0xffff, v15;
	v15 =	vbroadcast v18, $0x0  }
0x4a0: {  	[tilespmem:v14+s24+$0x0] =	vst.idx.msk $0xffff, v17  }
0x4a1: {  	v14 =	vld [tilespmem:s2+$0xFFFFFF80];
	v16 =	vor.u32 v8, v15  }
0x4a2: {  	v15 =	vor.u32 v9, v15;
	v17 =	vld [tilespmem:s2+$0xFFFFFF90]  }
0x4a3: {  	s19 =	sadd.s32 $0x2, s14  }
0x4a4: {  	v18 =	vmov s19  }
0x4a5: {  	v18 =	vand.u32 $0x7E, v18  }
0x4a6: {  	[tilespmem:v16+s24+$0x0] =	vst.idx.msk $0xffff, v14;
	v14 =	vbroadcast v18, $0x0  }
0x4a7: {  	[tilespmem:v15+s24+$0x0] =	vst.idx.msk $0xffff, v17  }
0x4a8: {  	v15 =	vld [tilespmem:s2+$0x0];
	v16 =	vor.u32 v8, v14  }
0x4a9: {  	v14 =	vor.u32 v9, v14;
	v17 =	vld [tilespmem:s2+$0x10]  }
0x4aa: {  	s19 =	sadd.s32 $0x3, s14;
	s14 =	smov.u32 s1  }
0x4ab: {  	v18 =	vmov s19  }
0x4ac: {  	v18 =	vand.u32 $0x7F, v18  }
0x4ad: {  	[tilespmem:v16+s24+$0x0] =	vst.idx.msk $0xffff, v15;
	v16 =	vbroadcast v18, $0x0  }
0x4ae: {  	[tilespmem:v14+s24+$0x0] =	vst.idx.msk $0xffff, v17  }
0x4af: {  	v17 =	vld [tilespmem:s2+$0x80];
	v18 =	vor.u32 v8, v16  }
.Ltmp17:
0x4b0: {  	v16 =	vor.u32 v9, v16;
	v15 =	vld [tilespmem:s2+$0x90];
	(pc) =	sbr.rel @p0 .LBB2_37-.Ltmp17, $4  }
0x4b1: {  	_ = 	snop  }
0x4b2: {  	v14 =	vmov s14  }
0x4b3: {  	v14 =	vand.u32 $0x7C, v14  }
0x4b4: {  	v14 =	vbroadcast v14, $0x0;
	[tilespmem:v18+s24+$0x0] =	vst.idx.msk $0xffff, v17  }
0x4b5: {  	_ =	sdelay $0x3  }
0x4b6: {  	[tilespmem:v16+s24+$0x0] =	vst.idx.msk $0xffff, v15;
	s1 =	sadd.s32 $0x200, s2  }
0x4b7: {  	v15 =	vld [tilespmem:s1+$0xFFFFFF00];
	v16 =	vor.u32 v8, v14  }
0x4b8: {  	v17 =	vld [tilespmem:s1+$0xFFFFFF10];
	v14 =	vor.u32 v9, v14  }
0x4b9: {  	s25 =	sadd.s32 $0x1, s14  }
0x4ba: {  	v18 =	vmov s25  }
0x4bb: {  	v18 =	vand.u32 $0x7D, v18  }
0x4bc: {  	[tilespmem:v16+s24+$0x0] =	vst.idx.msk $0xffff, v15;
	v15 =	vbroadcast v18, $0x0  }
0x4bd: {  	[tilespmem:v14+s24+$0x0] =	vst.idx.msk $0xffff, v17  }
0x4be: {  	v14 =	vld [tilespmem:s1+$0xFFFFFF80];
	v16 =	vor.u32 v8, v15  }
0x4bf: {  	v17 =	vld [tilespmem:s1+$0xFFFFFF90];
	v15 =	vor.u32 v9, v15  }
0x4c0: {  	s28 =	sadd.s32 $0x2, s14  }
0x4c1: {  	v18 =	vmov s28  }
0x4c2: {  	v18 =	vand.u32 $0x7E, v18  }
0x4c3: {  	[tilespmem:v16+s24+$0x0] =	vst.idx.msk $0xffff, v14;
	v14 =	vbroadcast v18, $0x0  }
0x4c4: {  	[tilespmem:v15+s24+$0x0] =	vst.idx.msk $0xffff, v17  }
0x4c5: {  	v15 =	vld [tilespmem:s1+$0x0];
	v16 =	vor.u32 v8, v14  }
0x4c6: {  	v17 =	vld [tilespmem:s1+$0x10];
	v14 =	vor.u32 v9, v14  }
0x4c7: {  	s3 =	sadd.s32 $0x3, s14  }
0x4c8: {  	v18 =	vmov s3  }
0x4c9: {  	v18 =	vand.u32 $0x7F, v18  }
0x4ca: {  	[tilespmem:v16+s24+$0x0] =	vst.idx.msk $0xffff, v15;
	v15 =	vbroadcast v18, $0x0  }
0x4cb: {  	[tilespmem:v14+s24+$0x0] =	vst.idx.msk $0xffff, v17  }
0x4cc: {  	v14 =	vld [tilespmem:s1+$0x80];
	v16 =	vor.u32 v8, v15  }
0x4cd: {  	v17 =	vld [tilespmem:s1+$0x90];
	v15 =	vor.u32 v9, v15;
	_ =	sdelay $0x3  }
0x4ce: {  	s14 =	simm.s32 $0x0;
	[tilespmem:v16+s24+$0x0] =	vst.idx.msk $0xffff, v14  }
0x4cf: {  	s19 =	simm.s32 $0x18280;
	v14 =	vmov s14;
	[tilespmem:v15+s24+$0x0] =	vst.idx.msk $0xffff, v17  }
0x4d0: {  	v14 =	vadd.s32 $0x40, v14;
	[tilespmem:s20], [sflag:$0x3] =	stream.indirect.gather [hbm4b:s5+s18], $0x80, s19, s18, $0xb8;
	[tilespmem:$0x1C400] =	vst v63  }
0x4d1: {  	v14 =	vand.u32 $0x7C, v14;
	_ =	swait.ge [sflag:s26], $0x2000  }
0x4d2: {  	v14 =	vbroadcast v14, $0x0;
	[sflag:s26] =	ssyncset.done $0x0  }
0x4d3: {  	s2 =	simm.s32 $0x1A500;
	[sflag:s26] =	ssyncadd.s32 $0xFFFFE000  }
0x4d4: {  	v16 =	vor.u32 v8, v14;
	v15 =	vld [tilespmem:s2+$0xFFFFFF00]  }
0x4d5: {  	s21 =	simm.s32 $0x1;
	v14 =	vor.u32 v9, v14;
	v17 =	vld [tilespmem:s2+$0xFFFFFF10]  }
0x4d6: {  	v18 =	vmov s21  }
0x4d7: {  	v18 =	vadd.s32 $0x40, v18  }
0x4d8: {  	v18 =	vand.u32 $0x7D, v18  }
0x4d9: {  	[tilespmem:v16+s24+$0x0] =	vst.idx.msk $0xffff, v15;
	v15 =	vbroadcast v18, $0x0  }
0x4da: {  	[tilespmem:v14+s24+$0x0] =	vst.idx.msk $0xffff, v17  }
0x4db: {  	v14 =	vld [tilespmem:s2+$0xFFFFFF80];
	v16 =	vor.u32 v8, v15  }
0x4dc: {  	s25 =	simm.s32 $0x2;
	v17 =	vld [tilespmem:s2+$0xFFFFFF90];
	v15 =	vor.u32 v9, v15  }
0x4dd: {  	v18 =	vmov s25  }
0x4de: {  	v18 =	vadd.s32 $0x40, v18  }
0x4df: {  	v18 =	vand.u32 $0x7E, v18  }
0x4e0: {  	[tilespmem:v16+s24+$0x0] =	vst.idx.msk $0xffff, v14;
	v14 =	vbroadcast v18, $0x0  }
0x4e1: {  	[tilespmem:v15+s24+$0x0] =	vst.idx.msk $0xffff, v17  }
0x4e2: {  	v15 =	vld [tilespmem:s2+$0x0];
	v16 =	vor.u32 v8, v14  }
0x4e3: {  	s28 =	simm.s32 $0x3;
	v17 =	vld [tilespmem:s2+$0x10];
	v14 =	vor.u32 v9, v14  }
0x4e4: {  	v18 =	vmov s28  }
0x4e5: {  	v18 =	vadd.s32 $0x40, v18  }
0x4e6: {  	v18 =	vand.u32 $0x7F, v18  }
0x4e7: {  	[tilespmem:v16+s24+$0x0] =	vst.idx.msk $0xffff, v15;
	v16 =	vbroadcast v18, $0x0  }
0x4e8: {  	[tilespmem:v14+s24+$0x0] =	vst.idx.msk $0xffff, v17  }
0x4e9: {  	v17 =	vld [tilespmem:s2+$0x80];
	v18 =	vor.u32 v8, v16  }
0x4ea: {  	s14 =	simm.s32 $0x4  }
0x4eb: {  	v14 =	vmov s14;
	v15 =	vld [tilespmem:s2+$0x90];
	v16 =	vor.u32 v9, v16  }
0x4ec: {  	v14 =	vadd.s32 $0x40, v14  }
0x4ed: {  	v14 =	vand.u32 $0x7C, v14  }
0x4ee: {  	s3 =	simm.s32 $0x8;
	v14 =	vbroadcast v14, $0x0;
	[tilespmem:v18+s24+$0x0] =	vst.idx.msk $0xffff, v17  }
.LBB2_39:
0x4ef: {  	p0 =	slt.u32 s3, $0x3C  }
0x4f0: {  	[tilespmem:v16+s24+$0x0] =	vst.idx.msk $0xffff, v15;
	s2 =	sadd.s32 $0x200, s2;
	s1 =	smov.u32 s3;
	s3 =	sadd.s32 $0x4, s3  }
0x4f1: {  	v15 =	vld [tilespmem:s2+$0xFFFFFF00];
	v16 =	vor.u32 v8, v14  }
0x4f2: {  	s19 =	sadd.s32 $0x1, s14;
	v14 =	vor.u32 v9, v14;
	v17 =	vld [tilespmem:s2+$0xFFFFFF10]  }
0x4f3: {  	v18 =	vmov s19  }
0x4f4: {  	v18 =	vadd.s32 $0x40, v18  }
0x4f5: {  	v18 =	vand.u32 $0x7D, v18  }
0x4f6: {  	[tilespmem:v16+s24+$0x0] =	vst.idx.msk $0xffff, v15;
	v15 =	vbroadcast v18, $0x0  }
0x4f7: {  	[tilespmem:v14+s24+$0x0] =	vst.idx.msk $0xffff, v17  }
0x4f8: {  	v14 =	vld [tilespmem:s2+$0xFFFFFF80];
	v16 =	vor.u32 v8, v15  }
0x4f9: {  	s19 =	sadd.s32 $0x2, s14;
	v15 =	vor.u32 v9, v15;
	v17 =	vld [tilespmem:s2+$0xFFFFFF90]  }
0x4fa: {  	v18 =	vmov s19  }
0x4fb: {  	v18 =	vadd.s32 $0x40, v18  }
0x4fc: {  	v18 =	vand.u32 $0x7E, v18  }
0x4fd: {  	[tilespmem:v16+s24+$0x0] =	vst.idx.msk $0xffff, v14;
	v14 =	vbroadcast v18, $0x0  }
0x4fe: {  	[tilespmem:v15+s24+$0x0] =	vst.idx.msk $0xffff, v17  }
0x4ff: {  	v15 =	vld [tilespmem:s2+$0x0];
	v16 =	vor.u32 v8, v14  }
0x500: {  	s19 =	sadd.s32 $0x3, s14;
	s14 =	smov.u32 s1;
	v14 =	vor.u32 v9, v14;
	v17 =	vld [tilespmem:s2+$0x10]  }
0x501: {  	v18 =	vmov s19  }
0x502: {  	v18 =	vadd.s32 $0x40, v18  }
0x503: {  	v18 =	vand.u32 $0x7F, v18  }
0x504: {  	[tilespmem:v16+s24+$0x0] =	vst.idx.msk $0xffff, v15;
	v16 =	vbroadcast v18, $0x0  }
0x505: {  	[tilespmem:v14+s24+$0x0] =	vst.idx.msk $0xffff, v17  }
0x506: {  	v17 =	vld [tilespmem:s2+$0x80];
	v18 =	vor.u32 v8, v16  }
.Ltmp18:
0x507: {  	v16 =	vor.u32 v9, v16;
	v15 =	vld [tilespmem:s2+$0x90];
	(pc) =	sbr.rel @p0 .LBB2_39-.Ltmp18, $4  }
0x508: {  	v14 =	vmov s14  }
0x509: {  	v14 =	vadd.s32 $0x40, v14  }
0x50a: {  	v14 =	vand.u32 $0x7C, v14  }
0x50b: {  	v14 =	vbroadcast v14, $0x0;
	[tilespmem:v18+s24+$0x0] =	vst.idx.msk $0xffff, v17  }
0x50c: {  	_ =	sdelay $0x3  }
0x50d: {  	[tilespmem:v16+s24+$0x0] =	vst.idx.msk $0xffff, v15;
	s1 =	sadd.s32 $0x200, s2  }
0x50e: {  	v15 =	vld [tilespmem:s1+$0xFFFFFF00];
	v16 =	vor.u32 v8, v14  }
0x50f: {  	s25 =	sadd.s32 $0x1, s14;
	v17 =	vld [tilespmem:s1+$0xFFFFFF10];
	v14 =	vor.u32 v9, v14  }
0x510: {  	v18 =	vmov s25  }
0x511: {  	v18 =	vadd.s32 $0x40, v18  }
0x512: {  	v18 =	vand.u32 $0x7D, v18  }
0x513: {  	[tilespmem:v16+s24+$0x0] =	vst.idx.msk $0xffff, v15;
	v15 =	vbroadcast v18, $0x0  }
0x514: {  	[tilespmem:v14+s24+$0x0] =	vst.idx.msk $0xffff, v17  }
0x515: {  	v14 =	vld [tilespmem:s1+$0xFFFFFF80];
	v16 =	vor.u32 v8, v15  }
0x516: {  	s28 =	sadd.s32 $0x2, s14;
	v17 =	vld [tilespmem:s1+$0xFFFFFF90];
	v15 =	vor.u32 v9, v15  }
0x517: {  	v18 =	vmov s28  }
0x518: {  	v18 =	vadd.s32 $0x40, v18  }
0x519: {  	v18 =	vand.u32 $0x7E, v18  }
0x51a: {  	[tilespmem:v16+s24+$0x0] =	vst.idx.msk $0xffff, v14;
	v14 =	vbroadcast v18, $0x0  }
0x51b: {  	[tilespmem:v15+s24+$0x0] =	vst.idx.msk $0xffff, v17  }
0x51c: {  	v15 =	vld [tilespmem:s1+$0x0];
	v16 =	vor.u32 v8, v14  }
0x51d: {  	s3 =	sadd.s32 $0x3, s14;
	v17 =	vld [tilespmem:s1+$0x10];
	v14 =	vor.u32 v9, v14  }
0x51e: {  	v18 =	vmov s3  }
0x51f: {  	v18 =	vadd.s32 $0x40, v18  }
0x520: {  	v18 =	vand.u32 $0x7F, v18  }
0x521: {  	[tilespmem:v16+s24+$0x0] =	vst.idx.msk $0xffff, v15;
	v15 =	vbroadcast v18, $0x0  }
0x522: {  	[tilespmem:v14+s24+$0x0] =	vst.idx.msk $0xffff, v17  }
0x523: {  	v14 =	vld [tilespmem:s1+$0x80];
	v16 =	vor.u32 v8, v15  }
0x524: {  	v17 =	vld [tilespmem:s1+$0x90];
	v15 =	vor.u32 v9, v15;
	_ =	sdelay $0x3  }
0x525: {  	[tilespmem:v16+s24+$0x0] =	vst.idx.msk $0xffff, v14  }
0x526: {  	s14 =	simm.s32 $0x0;
	s19 =	simm.s32 $0x182C0;
	[tilespmem:v15+s24+$0x0] =	vst.idx.msk $0xffff, v17  }
0x527: {  	v14 =	vmov s14;
	[tilespmem:s22], [sflag:$0x4] =	stream.indirect.gather [hbm4b:s5+s18], $0x80, s19, s18, $0xb8;
	[tilespmem:$0x1C400] =	vst v63  }
0x528: {  	v14 =	vand.u32 $0x7C, v14;
	_ =	swait.ge [sflag:s23], $0x2000  }
0x529: {  	v14 =	vbroadcast v14, $0x0;
	[sflag:s23] =	ssyncset.done $0x0  }
0x52a: {  	s2 =	simm.s32 $0x18500;
	[sflag:s23] =	ssyncadd.s32 $0xFFFFE000  }
0x52b: {  	v16 =	vor.u32 v10, v14;
	v15 =	vld [tilespmem:s2+$0xFFFFFF00]  }
0x52c: {  	v14 =	vor.u32 v11, v14;
	v17 =	vld [tilespmem:s2+$0xFFFFFF10]  }
0x52d: {  	s21 =	simm.s32 $0x1  }
0x52e: {  	v18 =	vmov s21  }
0x52f: {  	v18 =	vand.u32 $0x7D, v18  }
0x530: {  	[tilespmem:v16+s24+$0x0] =	vst.idx.msk $0xffff, v15;
	v15 =	vbroadcast v18, $0x0  }
0x531: {  	[tilespmem:v14+s24+$0x0] =	vst.idx.msk $0xffff, v17  }
0x532: {  	v14 =	vld [tilespmem:s2+$0xFFFFFF80];
	v16 =	vor.u32 v10, v15  }
0x533: {  	v17 =	vld [tilespmem:s2+$0xFFFFFF90];
	v15 =	vor.u32 v11, v15  }
0x534: {  	s25 =	simm.s32 $0x2  }
0x535: {  	v18 =	vmov s25  }
0x536: {  	v18 =	vand.u32 $0x7E, v18  }
0x537: {  	[tilespmem:v16+s24+$0x0] =	vst.idx.msk $0xffff, v14;
	v14 =	vbroadcast v18, $0x0  }
0x538: {  	[tilespmem:v15+s24+$0x0] =	vst.idx.msk $0xffff, v17  }
0x539: {  	v15 =	vld [tilespmem:s2+$0x0];
	v16 =	vor.u32 v10, v14  }
0x53a: {  	v17 =	vld [tilespmem:s2+$0x10];
	v14 =	vor.u32 v11, v14  }
0x53b: {  	s28 =	simm.s32 $0x3  }
0x53c: {  	v18 =	vmov s28  }
0x53d: {  	v18 =	vand.u32 $0x7F, v18  }
0x53e: {  	[tilespmem:v16+s24+$0x0] =	vst.idx.msk $0xffff, v15;
	v16 =	vbroadcast v18, $0x0  }
0x53f: {  	[tilespmem:v14+s24+$0x0] =	vst.idx.msk $0xffff, v17  }
0x540: {  	v17 =	vld [tilespmem:s2+$0x80];
	v18 =	vor.u32 v10, v16;
	_ =	sdelay $0x1  }
0x541: {  	s14 =	simm.s32 $0x4;
	v15 =	vld [tilespmem:s2+$0x90];
	v16 =	vor.u32 v11, v16  }
0x542: {  	v14 =	vmov s14  }
0x543: {  	v14 =	vand.u32 $0x7C, v14  }
0x544: {  	s3 =	simm.s32 $0x8;
	v14 =	vbroadcast v14, $0x0;
	[tilespmem:v18+s24+$0x0] =	vst.idx.msk $0xffff, v17  }
.LBB2_41:
0x545: {  	p0 =	slt.u32 s3, $0x3C  }
0x546: {  	[tilespmem:v16+s24+$0x0] =	vst.idx.msk $0xffff, v15;
	s2 =	sadd.s32 $0x200, s2;
	s1 =	smov.u32 s3;
	s3 =	sadd.s32 $0x4, s3  }
0x547: {  	v15 =	vld [tilespmem:s2+$0xFFFFFF00];
	v16 =	vor.u32 v10, v14  }
0x548: {  	v14 =	vor.u32 v11, v14;
	v17 =	vld [tilespmem:s2+$0xFFFFFF10]  }
0x549: {  	s19 =	sadd.s32 $0x1, s14  }
0x54a: {  	v18 =	vmov s19  }
0x54b: {  	v18 =	vand.u32 $0x7D, v18  }
0x54c: {  	[tilespmem:v16+s24+$0x0] =	vst.idx.msk $0xffff, v15;
	v15 =	vbroadcast v18, $0x0  }
0x54d: {  	[tilespmem:v14+s24+$0x0] =	vst.idx.msk $0xffff, v17  }
0x54e: {  	v14 =	vld [tilespmem:s2+$0xFFFFFF80];
	v16 =	vor.u32 v10, v15  }
0x54f: {  	v15 =	vor.u32 v11, v15;
	v17 =	vld [tilespmem:s2+$0xFFFFFF90]  }
0x550: {  	s19 =	sadd.s32 $0x2, s14  }
0x551: {  	v18 =	vmov s19  }
0x552: {  	v18 =	vand.u32 $0x7E, v18  }
0x553: {  	[tilespmem:v16+s24+$0x0] =	vst.idx.msk $0xffff, v14;
	v14 =	vbroadcast v18, $0x0  }
0x554: {  	[tilespmem:v15+s24+$0x0] =	vst.idx.msk $0xffff, v17  }
0x555: {  	v15 =	vld [tilespmem:s2+$0x0];
	v16 =	vor.u32 v10, v14  }
0x556: {  	v14 =	vor.u32 v11, v14;
	v17 =	vld [tilespmem:s2+$0x10]  }
0x557: {  	s19 =	sadd.s32 $0x3, s14;
	s14 =	smov.u32 s1  }
0x558: {  	v18 =	vmov s19  }
0x559: {  	v18 =	vand.u32 $0x7F, v18  }
0x55a: {  	[tilespmem:v16+s24+$0x0] =	vst.idx.msk $0xffff, v15;
	v16 =	vbroadcast v18, $0x0  }
0x55b: {  	[tilespmem:v14+s24+$0x0] =	vst.idx.msk $0xffff, v17  }
0x55c: {  	v17 =	vld [tilespmem:s2+$0x80];
	v18 =	vor.u32 v10, v16  }
.Ltmp19:
0x55d: {  	v16 =	vor.u32 v11, v16;
	v15 =	vld [tilespmem:s2+$0x90];
	(pc) =	sbr.rel @p0 .LBB2_41-.Ltmp19, $4  }
0x55e: {  	_ = 	snop  }
0x55f: {  	v14 =	vmov s14  }
0x560: {  	v14 =	vand.u32 $0x7C, v14  }
0x561: {  	v14 =	vbroadcast v14, $0x0;
	[tilespmem:v18+s24+$0x0] =	vst.idx.msk $0xffff, v17  }
0x562: {  	_ =	sdelay $0x3  }
0x563: {  	[tilespmem:v16+s24+$0x0] =	vst.idx.msk $0xffff, v15;
	s1 =	sadd.s32 $0x200, s2  }
0x564: {  	v15 =	vld [tilespmem:s1+$0xFFFFFF00];
	v16 =	vor.u32 v10, v14  }
0x565: {  	v17 =	vld [tilespmem:s1+$0xFFFFFF10];
	v14 =	vor.u32 v11, v14  }
0x566: {  	s25 =	sadd.s32 $0x1, s14  }
0x567: {  	v18 =	vmov s25  }
0x568: {  	v18 =	vand.u32 $0x7D, v18  }
0x569: {  	[tilespmem:v16+s24+$0x0] =	vst.idx.msk $0xffff, v15;
	v15 =	vbroadcast v18, $0x0  }
0x56a: {  	[tilespmem:v14+s24+$0x0] =	vst.idx.msk $0xffff, v17  }
0x56b: {  	v14 =	vld [tilespmem:s1+$0xFFFFFF80];
	v16 =	vor.u32 v10, v15  }
0x56c: {  	v17 =	vld [tilespmem:s1+$0xFFFFFF90];
	v15 =	vor.u32 v11, v15  }
0x56d: {  	s28 =	sadd.s32 $0x2, s14  }
0x56e: {  	v18 =	vmov s28  }
0x56f: {  	v18 =	vand.u32 $0x7E, v18  }
0x570: {  	[tilespmem:v16+s24+$0x0] =	vst.idx.msk $0xffff, v14;
	v14 =	vbroadcast v18, $0x0  }
0x571: {  	[tilespmem:v15+s24+$0x0] =	vst.idx.msk $0xffff, v17  }
0x572: {  	v15 =	vld [tilespmem:s1+$0x0];
	v16 =	vor.u32 v10, v14  }
0x573: {  	v17 =	vld [tilespmem:s1+$0x10];
	v14 =	vor.u32 v11, v14  }
0x574: {  	s3 =	sadd.s32 $0x3, s14  }
0x575: {  	v18 =	vmov s3  }
0x576: {  	v18 =	vand.u32 $0x7F, v18  }
0x577: {  	[tilespmem:v16+s24+$0x0] =	vst.idx.msk $0xffff, v15;
	v15 =	vbroadcast v18, $0x0  }
0x578: {  	[tilespmem:v14+s24+$0x0] =	vst.idx.msk $0xffff, v17  }
0x579: {  	v14 =	vld [tilespmem:s1+$0x80];
	v16 =	vor.u32 v10, v15  }
0x57a: {  	v17 =	vld [tilespmem:s1+$0x90];
	v15 =	vor.u32 v11, v15;
	_ =	sdelay $0x3  }
0x57b: {  	s14 =	simm.s32 $0x0;
	[tilespmem:v16+s24+$0x0] =	vst.idx.msk $0xffff, v14  }
0x57c: {  	s19 =	simm.s32 $0x18300;
	v14 =	vmov s14;
	[tilespmem:v15+s24+$0x0] =	vst.idx.msk $0xffff, v17  }
0x57d: {  	v14 =	vadd.s32 $0x40, v14;
	[tilespmem:s20], [sflag:$0x3] =	stream.indirect.gather [hbm4b:s5+s18], $0x80, s19, s18, $0xb8;
	[tilespmem:$0x1C400] =	vst v63  }
0x57e: {  	v14 =	vand.u32 $0x7C, v14;
	_ =	swait.ge [sflag:s26], $0x2000  }
0x57f: {  	v14 =	vbroadcast v14, $0x0;
	[sflag:s26] =	ssyncset.done $0x0  }
0x580: {  	s2 =	simm.s32 $0x1A500;
	[sflag:s26] =	ssyncadd.s32 $0xFFFFE000  }
0x581: {  	v16 =	vor.u32 v10, v14;
	v15 =	vld [tilespmem:s2+$0xFFFFFF00]  }
0x582: {  	s21 =	simm.s32 $0x1;
	v14 =	vor.u32 v11, v14;
	v17 =	vld [tilespmem:s2+$0xFFFFFF10]  }
0x583: {  	v18 =	vmov s21  }
0x584: {  	v18 =	vadd.s32 $0x40, v18  }
0x585: {  	v18 =	vand.u32 $0x7D, v18  }
0x586: {  	[tilespmem:v16+s24+$0x0] =	vst.idx.msk $0xffff, v15;
	v15 =	vbroadcast v18, $0x0  }
0x587: {  	[tilespmem:v14+s24+$0x0] =	vst.idx.msk $0xffff, v17  }
0x588: {  	v14 =	vld [tilespmem:s2+$0xFFFFFF80];
	v16 =	vor.u32 v10, v15  }
0x589: {  	s25 =	simm.s32 $0x2;
	v17 =	vld [tilespmem:s2+$0xFFFFFF90];
	v15 =	vor.u32 v11, v15  }
0x58a: {  	v18 =	vmov s25  }
0x58b: {  	v18 =	vadd.s32 $0x40, v18  }
0x58c: {  	v18 =	vand.u32 $0x7E, v18  }
0x58d: {  	[tilespmem:v16+s24+$0x0] =	vst.idx.msk $0xffff, v14;
	v14 =	vbroadcast v18, $0x0  }
0x58e: {  	[tilespmem:v15+s24+$0x0] =	vst.idx.msk $0xffff, v17  }
0x58f: {  	v15 =	vld [tilespmem:s2+$0x0];
	v16 =	vor.u32 v10, v14  }
0x590: {  	s28 =	simm.s32 $0x3;
	v17 =	vld [tilespmem:s2+$0x10];
	v14 =	vor.u32 v11, v14  }
0x591: {  	v18 =	vmov s28  }
0x592: {  	v18 =	vadd.s32 $0x40, v18  }
0x593: {  	v18 =	vand.u32 $0x7F, v18  }
0x594: {  	[tilespmem:v16+s24+$0x0] =	vst.idx.msk $0xffff, v15;
	v16 =	vbroadcast v18, $0x0  }
0x595: {  	[tilespmem:v14+s24+$0x0] =	vst.idx.msk $0xffff, v17  }
0x596: {  	v17 =	vld [tilespmem:s2+$0x80];
	v18 =	vor.u32 v10, v16  }
0x597: {  	s14 =	simm.s32 $0x4  }
0x598: {  	v14 =	vmov s14;
	v15 =	vld [tilespmem:s2+$0x90];
	v16 =	vor.u32 v11, v16  }
0x599: {  	v14 =	vadd.s32 $0x40, v14  }
0x59a: {  	v14 =	vand.u32 $0x7C, v14  }
0x59b: {  	s3 =	simm.s32 $0x8;
	v14 =	vbroadcast v14, $0x0;
	[tilespmem:v18+s24+$0x0] =	vst.idx.msk $0xffff, v17  }
.LBB2_43:
0x59c: {  	p0 =	slt.u32 s3, $0x3C  }
0x59d: {  	[tilespmem:v16+s24+$0x0] =	vst.idx.msk $0xffff, v15;
	s2 =	sadd.s32 $0x200, s2;
	s1 =	smov.u32 s3;
	s3 =	sadd.s32 $0x4, s3  }
0x59e: {  	v15 =	vld [tilespmem:s2+$0xFFFFFF00];
	v16 =	vor.u32 v10, v14  }
0x59f: {  	s19 =	sadd.s32 $0x1, s14;
	v14 =	vor.u32 v11, v14;
	v17 =	vld [tilespmem:s2+$0xFFFFFF10]  }
0x5a0: {  	v18 =	vmov s19  }
0x5a1: {  	v18 =	vadd.s32 $0x40, v18  }
0x5a2: {  	v18 =	vand.u32 $0x7D, v18  }
0x5a3: {  	[tilespmem:v16+s24+$0x0] =	vst.idx.msk $0xffff, v15;
	v15 =	vbroadcast v18, $0x0  }
0x5a4: {  	[tilespmem:v14+s24+$0x0] =	vst.idx.msk $0xffff, v17  }
0x5a5: {  	v14 =	vld [tilespmem:s2+$0xFFFFFF80];
	v16 =	vor.u32 v10, v15  }
0x5a6: {  	s19 =	sadd.s32 $0x2, s14;
	v15 =	vor.u32 v11, v15;
	v17 =	vld [tilespmem:s2+$0xFFFFFF90]  }
0x5a7: {  	v18 =	vmov s19  }
0x5a8: {  	v18 =	vadd.s32 $0x40, v18  }
0x5a9: {  	v18 =	vand.u32 $0x7E, v18  }
0x5aa: {  	[tilespmem:v16+s24+$0x0] =	vst.idx.msk $0xffff, v14;
	v14 =	vbroadcast v18, $0x0  }
0x5ab: {  	[tilespmem:v15+s24+$0x0] =	vst.idx.msk $0xffff, v17  }
0x5ac: {  	v15 =	vld [tilespmem:s2+$0x0];
	v16 =	vor.u32 v10, v14  }
0x5ad: {  	s19 =	sadd.s32 $0x3, s14;
	s14 =	smov.u32 s1;
	v14 =	vor.u32 v11, v14;
	v17 =	vld [tilespmem:s2+$0x10]  }
0x5ae: {  	v18 =	vmov s19  }
0x5af: {  	v18 =	vadd.s32 $0x40, v18  }
0x5b0: {  	v18 =	vand.u32 $0x7F, v18  }
0x5b1: {  	[tilespmem:v16+s24+$0x0] =	vst.idx.msk $0xffff, v15;
	v16 =	vbroadcast v18, $0x0  }
0x5b2: {  	[tilespmem:v14+s24+$0x0] =	vst.idx.msk $0xffff, v17  }
0x5b3: {  	v17 =	vld [tilespmem:s2+$0x80];
	v18 =	vor.u32 v10, v16  }
.Ltmp20:
0x5b4: {  	v16 =	vor.u32 v11, v16;
	v15 =	vld [tilespmem:s2+$0x90];
	(pc) =	sbr.rel @p0 .LBB2_43-.Ltmp20, $4  }
0x5b5: {  	v14 =	vmov s14  }
0x5b6: {  	v14 =	vadd.s32 $0x40, v14  }
0x5b7: {  	v14 =	vand.u32 $0x7C, v14  }
0x5b8: {  	v14 =	vbroadcast v14, $0x0;
	[tilespmem:v18+s24+$0x0] =	vst.idx.msk $0xffff, v17  }
0x5b9: {  	_ =	sdelay $0x3  }
0x5ba: {  	[tilespmem:v16+s24+$0x0] =	vst.idx.msk $0xffff, v15;
	s1 =	sadd.s32 $0x200, s2  }
0x5bb: {  	v15 =	vld [tilespmem:s1+$0xFFFFFF00];
	v16 =	vor.u32 v10, v14  }
0x5bc: {  	s25 =	sadd.s32 $0x1, s14;
	v17 =	vld [tilespmem:s1+$0xFFFFFF10];
	v14 =	vor.u32 v11, v14  }
0x5bd: {  	v18 =	vmov s25  }
0x5be: {  	v18 =	vadd.s32 $0x40, v18  }
0x5bf: {  	v18 =	vand.u32 $0x7D, v18  }
0x5c0: {  	[tilespmem:v16+s24+$0x0] =	vst.idx.msk $0xffff, v15;
	v15 =	vbroadcast v18, $0x0  }
0x5c1: {  	[tilespmem:v14+s24+$0x0] =	vst.idx.msk $0xffff, v17  }
0x5c2: {  	v14 =	vld [tilespmem:s1+$0xFFFFFF80];
	v16 =	vor.u32 v10, v15  }
0x5c3: {  	s28 =	sadd.s32 $0x2, s14;
	v17 =	vld [tilespmem:s1+$0xFFFFFF90];
	v15 =	vor.u32 v11, v15  }
0x5c4: {  	v18 =	vmov s28  }
0x5c5: {  	v18 =	vadd.s32 $0x40, v18  }
0x5c6: {  	v18 =	vand.u32 $0x7E, v18  }
0x5c7: {  	[tilespmem:v16+s24+$0x0] =	vst.idx.msk $0xffff, v14;
	v14 =	vbroadcast v18, $0x0  }
0x5c8: {  	[tilespmem:v15+s24+$0x0] =	vst.idx.msk $0xffff, v17  }
0x5c9: {  	v15 =	vld [tilespmem:s1+$0x0];
	v16 =	vor.u32 v10, v14  }
0x5ca: {  	s3 =	sadd.s32 $0x3, s14;
	v17 =	vld [tilespmem:s1+$0x10];
	v14 =	vor.u32 v11, v14  }
0x5cb: {  	v18 =	vmov s3  }
0x5cc: {  	v18 =	vadd.s32 $0x40, v18  }
0x5cd: {  	v18 =	vand.u32 $0x7F, v18  }
0x5ce: {  	[tilespmem:v16+s24+$0x0] =	vst.idx.msk $0xffff, v15;
	v15 =	vbroadcast v18, $0x0  }
0x5cf: {  	[tilespmem:v14+s24+$0x0] =	vst.idx.msk $0xffff, v17  }
0x5d0: {  	v14 =	vld [tilespmem:s1+$0x80];
	v16 =	vor.u32 v10, v15  }
0x5d1: {  	v17 =	vld [tilespmem:s1+$0x90];
	v15 =	vor.u32 v11, v15;
	_ =	sdelay $0x3  }
0x5d2: {  	[tilespmem:v16+s24+$0x0] =	vst.idx.msk $0xffff, v14  }
0x5d3: {  	s14 =	simm.s32 $0x0;
	s19 =	simm.s32 $0x18340;
	[tilespmem:v15+s24+$0x0] =	vst.idx.msk $0xffff, v17  }
0x5d4: {  	v14 =	vmov s14;
	[tilespmem:s22], [sflag:$0x4] =	stream.indirect.gather [hbm4b:s5+s18], $0x80, s19, s18, $0xb8;
	[tilespmem:$0x1C400] =	vst v63  }
0x5d5: {  	v14 =	vand.u32 $0x7C, v14;
	_ =	swait.ge [sflag:s23], $0x2000  }
0x5d6: {  	v14 =	vbroadcast v14, $0x0;
	[sflag:s23] =	ssyncset.done $0x0  }
0x5d7: {  	s2 =	simm.s32 $0x18500;
	[sflag:s23] =	ssyncadd.s32 $0xFFFFE000  }
0x5d8: {  	v16 =	vor.u32 v12, v14;
	v15 =	vld [tilespmem:s2+$0xFFFFFF00]  }
0x5d9: {  	v14 =	vor.u32 v13, v14;
	v17 =	vld [tilespmem:s2+$0xFFFFFF10]  }
0x5da: {  	s21 =	simm.s32 $0x1  }
0x5db: {  	v18 =	vmov s21  }
0x5dc: {  	v18 =	vand.u32 $0x7D, v18  }
0x5dd: {  	[tilespmem:v16+s24+$0x0] =	vst.idx.msk $0xffff, v15;
	v15 =	vbroadcast v18, $0x0  }
0x5de: {  	[tilespmem:v14+s24+$0x0] =	vst.idx.msk $0xffff, v17  }
0x5df: {  	v14 =	vld [tilespmem:s2+$0xFFFFFF80];
	v16 =	vor.u32 v12, v15  }
0x5e0: {  	v17 =	vld [tilespmem:s2+$0xFFFFFF90];
	v15 =	vor.u32 v13, v15  }
0x5e1: {  	s25 =	simm.s32 $0x2  }
0x5e2: {  	v18 =	vmov s25  }
0x5e3: {  	v18 =	vand.u32 $0x7E, v18  }
0x5e4: {  	[tilespmem:v16+s24+$0x0] =	vst.idx.msk $0xffff, v14;
	v14 =	vbroadcast v18, $0x0  }
0x5e5: {  	[tilespmem:v15+s24+$0x0] =	vst.idx.msk $0xffff, v17  }
0x5e6: {  	v15 =	vld [tilespmem:s2+$0x0];
	v16 =	vor.u32 v12, v14  }
0x5e7: {  	v17 =	vld [tilespmem:s2+$0x10];
	v14 =	vor.u32 v13, v14  }
0x5e8: {  	s28 =	simm.s32 $0x3  }
0x5e9: {  	v18 =	vmov s28  }
0x5ea: {  	v18 =	vand.u32 $0x7F, v18  }
0x5eb: {  	[tilespmem:v16+s24+$0x0] =	vst.idx.msk $0xffff, v15;
	v16 =	vbroadcast v18, $0x0  }
0x5ec: {  	[tilespmem:v14+s24+$0x0] =	vst.idx.msk $0xffff, v17  }
0x5ed: {  	v17 =	vld [tilespmem:s2+$0x80];
	v18 =	vor.u32 v12, v16;
	_ =	sdelay $0x1  }
0x5ee: {  	s14 =	simm.s32 $0x4;
	v15 =	vld [tilespmem:s2+$0x90];
	v16 =	vor.u32 v13, v16  }
0x5ef: {  	v14 =	vmov s14  }
0x5f0: {  	v14 =	vand.u32 $0x7C, v14  }
0x5f1: {  	s3 =	simm.s32 $0x8;
	v14 =	vbroadcast v14, $0x0;
	[tilespmem:v18+s24+$0x0] =	vst.idx.msk $0xffff, v17  }
.LBB2_45:
0x5f2: {  	p0 =	slt.u32 s3, $0x3C  }
0x5f3: {  	[tilespmem:v16+s24+$0x0] =	vst.idx.msk $0xffff, v15;
	s2 =	sadd.s32 $0x200, s2;
	s1 =	smov.u32 s3;
	s3 =	sadd.s32 $0x4, s3  }
0x5f4: {  	v15 =	vld [tilespmem:s2+$0xFFFFFF00];
	v16 =	vor.u32 v12, v14  }
0x5f5: {  	v14 =	vor.u32 v13, v14;
	v17 =	vld [tilespmem:s2+$0xFFFFFF10]  }
0x5f6: {  	s19 =	sadd.s32 $0x1, s14  }
0x5f7: {  	v18 =	vmov s19  }
0x5f8: {  	v18 =	vand.u32 $0x7D, v18  }
0x5f9: {  	[tilespmem:v16+s24+$0x0] =	vst.idx.msk $0xffff, v15;
	v15 =	vbroadcast v18, $0x0  }
0x5fa: {  	[tilespmem:v14+s24+$0x0] =	vst.idx.msk $0xffff, v17  }
0x5fb: {  	v14 =	vld [tilespmem:s2+$0xFFFFFF80];
	v16 =	vor.u32 v12, v15  }
0x5fc: {  	v15 =	vor.u32 v13, v15;
	v17 =	vld [tilespmem:s2+$0xFFFFFF90]  }
0x5fd: {  	s19 =	sadd.s32 $0x2, s14  }
0x5fe: {  	v18 =	vmov s19  }
0x5ff: {  	v18 =	vand.u32 $0x7E, v18  }
0x600: {  	[tilespmem:v16+s24+$0x0] =	vst.idx.msk $0xffff, v14;
	v14 =	vbroadcast v18, $0x0  }
0x601: {  	[tilespmem:v15+s24+$0x0] =	vst.idx.msk $0xffff, v17  }
0x602: {  	v15 =	vld [tilespmem:s2+$0x0];
	v16 =	vor.u32 v12, v14  }
0x603: {  	v14 =	vor.u32 v13, v14;
	v17 =	vld [tilespmem:s2+$0x10]  }
0x604: {  	s19 =	sadd.s32 $0x3, s14;
	s14 =	smov.u32 s1  }
0x605: {  	v18 =	vmov s19  }
0x606: {  	v18 =	vand.u32 $0x7F, v18  }
0x607: {  	[tilespmem:v16+s24+$0x0] =	vst.idx.msk $0xffff, v15;
	v16 =	vbroadcast v18, $0x0  }
0x608: {  	[tilespmem:v14+s24+$0x0] =	vst.idx.msk $0xffff, v17  }
0x609: {  	v17 =	vld [tilespmem:s2+$0x80];
	v18 =	vor.u32 v12, v16  }
.Ltmp21:
0x60a: {  	v16 =	vor.u32 v13, v16;
	v15 =	vld [tilespmem:s2+$0x90];
	(pc) =	sbr.rel @p0 .LBB2_45-.Ltmp21, $4  }
0x60b: {  	_ = 	snop  }
0x60c: {  	v14 =	vmov s14  }
0x60d: {  	v14 =	vand.u32 $0x7C, v14  }
0x60e: {  	v14 =	vbroadcast v14, $0x0;
	[tilespmem:v18+s24+$0x0] =	vst.idx.msk $0xffff, v17  }
0x60f: {  	_ =	sdelay $0x3  }
0x610: {  	[tilespmem:v16+s24+$0x0] =	vst.idx.msk $0xffff, v15;
	s1 =	sadd.s32 $0x200, s2  }
0x611: {  	v15 =	vld [tilespmem:s1+$0xFFFFFF00];
	v16 =	vor.u32 v12, v14  }
0x612: {  	v17 =	vld [tilespmem:s1+$0xFFFFFF10];
	v14 =	vor.u32 v13, v14  }
0x613: {  	s25 =	sadd.s32 $0x1, s14  }
0x614: {  	v18 =	vmov s25  }
0x615: {  	v18 =	vand.u32 $0x7D, v18  }
0x616: {  	[tilespmem:v16+s24+$0x0] =	vst.idx.msk $0xffff, v15;
	v15 =	vbroadcast v18, $0x0  }
0x617: {  	[tilespmem:v14+s24+$0x0] =	vst.idx.msk $0xffff, v17  }
0x618: {  	v14 =	vld [tilespmem:s1+$0xFFFFFF80];
	v16 =	vor.u32 v12, v15  }
0x619: {  	v17 =	vld [tilespmem:s1+$0xFFFFFF90];
	v15 =	vor.u32 v13, v15  }
0x61a: {  	s28 =	sadd.s32 $0x2, s14  }
0x61b: {  	v18 =	vmov s28  }
0x61c: {  	v18 =	vand.u32 $0x7E, v18  }
0x61d: {  	[tilespmem:v16+s24+$0x0] =	vst.idx.msk $0xffff, v14;
	v14 =	vbroadcast v18, $0x0  }
0x61e: {  	[tilespmem:v15+s24+$0x0] =	vst.idx.msk $0xffff, v17  }
0x61f: {  	v15 =	vld [tilespmem:s1+$0x0];
	v16 =	vor.u32 v12, v14  }
0x620: {  	v17 =	vld [tilespmem:s1+$0x10];
	v14 =	vor.u32 v13, v14  }
0x621: {  	s3 =	sadd.s32 $0x3, s14  }
0x622: {  	v18 =	vmov s3  }
0x623: {  	v18 =	vand.u32 $0x7F, v18  }
0x624: {  	[tilespmem:v16+s24+$0x0] =	vst.idx.msk $0xffff, v15;
	v15 =	vbroadcast v18, $0x0  }
0x625: {  	[tilespmem:v14+s24+$0x0] =	vst.idx.msk $0xffff, v17  }
0x626: {  	v14 =	vld [tilespmem:s1+$0x80];
	v16 =	vor.u32 v12, v15  }
0x627: {  	v17 =	vld [tilespmem:s1+$0x90];
	v15 =	vor.u32 v13, v15;
	_ =	sdelay $0x3  }
0x628: {  	s14 =	simm.s32 $0x0;
	[tilespmem:v16+s24+$0x0] =	vst.idx.msk $0xffff, v14  }
0x629: {  	s19 =	simm.s32 $0x18380;
	v14 =	vmov s14;
	[tilespmem:v15+s24+$0x0] =	vst.idx.msk $0xffff, v17  }
0x62a: {  	v14 =	vadd.s32 $0x40, v14;
	[tilespmem:s20], [sflag:$0x3] =	stream.indirect.gather [hbm4b:s5+s18], $0x80, s19, s18, $0xb8;
	[tilespmem:$0x1C400] =	vst v63  }
0x62b: {  	v14 =	vand.u32 $0x7C, v14;
	_ =	swait.ge [sflag:s26], $0x2000  }
0x62c: {  	v14 =	vbroadcast v14, $0x0;
	[sflag:s26] =	ssyncset.done $0x0  }
0x62d: {  	s2 =	simm.s32 $0x1A500;
	[sflag:s26] =	ssyncadd.s32 $0xFFFFE000  }
0x62e: {  	v16 =	vor.u32 v12, v14;
	v15 =	vld [tilespmem:s2+$0xFFFFFF00]  }
0x62f: {  	s21 =	simm.s32 $0x1;
	v14 =	vor.u32 v13, v14;
	v17 =	vld [tilespmem:s2+$0xFFFFFF10]  }
0x630: {  	v18 =	vmov s21  }
0x631: {  	v18 =	vadd.s32 $0x40, v18  }
0x632: {  	v18 =	vand.u32 $0x7D, v18  }
0x633: {  	[tilespmem:v16+s24+$0x0] =	vst.idx.msk $0xffff, v15;
	v15 =	vbroadcast v18, $0x0  }
0x634: {  	[tilespmem:v14+s24+$0x0] =	vst.idx.msk $0xffff, v17  }
0x635: {  	v14 =	vld [tilespmem:s2+$0xFFFFFF80];
	v16 =	vor.u32 v12, v15  }
0x636: {  	s25 =	simm.s32 $0x2;
	v17 =	vld [tilespmem:s2+$0xFFFFFF90];
	v15 =	vor.u32 v13, v15  }
0x637: {  	v18 =	vmov s25  }
0x638: {  	v18 =	vadd.s32 $0x40, v18  }
0x639: {  	v18 =	vand.u32 $0x7E, v18  }
0x63a: {  	[tilespmem:v16+s24+$0x0] =	vst.idx.msk $0xffff, v14;
	v14 =	vbroadcast v18, $0x0  }
0x63b: {  	[tilespmem:v15+s24+$0x0] =	vst.idx.msk $0xffff, v17  }
0x63c: {  	v15 =	vld [tilespmem:s2+$0x0];
	v16 =	vor.u32 v12, v14  }
0x63d: {  	s28 =	simm.s32 $0x3;
	v17 =	vld [tilespmem:s2+$0x10];
	v14 =	vor.u32 v13, v14  }
0x63e: {  	v18 =	vmov s28  }
0x63f: {  	v18 =	vadd.s32 $0x40, v18  }
0x640: {  	v18 =	vand.u32 $0x7F, v18  }
0x641: {  	[tilespmem:v16+s24+$0x0] =	vst.idx.msk $0xffff, v15;
	v16 =	vbroadcast v18, $0x0  }
0x642: {  	[tilespmem:v14+s24+$0x0] =	vst.idx.msk $0xffff, v17  }
0x643: {  	v17 =	vld [tilespmem:s2+$0x80];
	v18 =	vor.u32 v12, v16  }
0x644: {  	s14 =	simm.s32 $0x4  }
0x645: {  	v14 =	vmov s14;
	v15 =	vld [tilespmem:s2+$0x90];
	v16 =	vor.u32 v13, v16  }
0x646: {  	v14 =	vadd.s32 $0x40, v14  }
0x647: {  	v14 =	vand.u32 $0x7C, v14  }
0x648: {  	s3 =	simm.s32 $0x8;
	v14 =	vbroadcast v14, $0x0;
	[tilespmem:v18+s24+$0x0] =	vst.idx.msk $0xffff, v17  }
.LBB2_47:
0x649: {  	p0 =	slt.u32 s3, $0x3C  }
0x64a: {  	[tilespmem:v16+s24+$0x0] =	vst.idx.msk $0xffff, v15;
	s2 =	sadd.s32 $0x200, s2;
	s1 =	smov.u32 s3;
	s3 =	sadd.s32 $0x4, s3  }
0x64b: {  	v15 =	vld [tilespmem:s2+$0xFFFFFF00];
	v16 =	vor.u32 v12, v14  }
0x64c: {  	s19 =	sadd.s32 $0x1, s14;
	v14 =	vor.u32 v13, v14;
	v17 =	vld [tilespmem:s2+$0xFFFFFF10]  }
0x64d: {  	v18 =	vmov s19  }
0x64e: {  	v18 =	vadd.s32 $0x40, v18  }
0x64f: {  	v18 =	vand.u32 $0x7D, v18  }
0x650: {  	[tilespmem:v16+s24+$0x0] =	vst.idx.msk $0xffff, v15;
	v15 =	vbroadcast v18, $0x0  }
0x651: {  	[tilespmem:v14+s24+$0x0] =	vst.idx.msk $0xffff, v17  }
0x652: {  	v14 =	vld [tilespmem:s2+$0xFFFFFF80];
	v16 =	vor.u32 v12, v15  }
0x653: {  	s19 =	sadd.s32 $0x2, s14;
	v15 =	vor.u32 v13, v15;
	v17 =	vld [tilespmem:s2+$0xFFFFFF90]  }
0x654: {  	v18 =	vmov s19  }
0x655: {  	v18 =	vadd.s32 $0x40, v18  }
0x656: {  	v18 =	vand.u32 $0x7E, v18  }
0x657: {  	[tilespmem:v16+s24+$0x0] =	vst.idx.msk $0xffff, v14;
	v14 =	vbroadcast v18, $0x0  }
0x658: {  	[tilespmem:v15+s24+$0x0] =	vst.idx.msk $0xffff, v17  }
0x659: {  	v15 =	vld [tilespmem:s2+$0x0];
	v16 =	vor.u32 v12, v14  }
0x65a: {  	s19 =	sadd.s32 $0x3, s14;
	s14 =	smov.u32 s1;
	v14 =	vor.u32 v13, v14;
	v17 =	vld [tilespmem:s2+$0x10]  }
0x65b: {  	v18 =	vmov s19  }
0x65c: {  	v18 =	vadd.s32 $0x40, v18  }
0x65d: {  	v18 =	vand.u32 $0x7F, v18  }
0x65e: {  	[tilespmem:v16+s24+$0x0] =	vst.idx.msk $0xffff, v15;
	v16 =	vbroadcast v18, $0x0  }
0x65f: {  	[tilespmem:v14+s24+$0x0] =	vst.idx.msk $0xffff, v17  }
0x660: {  	v17 =	vld [tilespmem:s2+$0x80];
	v18 =	vor.u32 v12, v16  }
.Ltmp22:
0x661: {  	v16 =	vor.u32 v13, v16;
	v15 =	vld [tilespmem:s2+$0x90];
	(pc) =	sbr.rel @p0 .LBB2_47-.Ltmp22, $4  }
0x662: {  	v14 =	vmov s14  }
0x663: {  	v14 =	vadd.s32 $0x40, v14  }
0x664: {  	v14 =	vand.u32 $0x7C, v14  }
0x665: {  	v14 =	vbroadcast v14, $0x0;
	[tilespmem:v18+s24+$0x0] =	vst.idx.msk $0xffff, v17  }
0x666: {  	_ =	sdelay $0x3  }
0x667: {  	[tilespmem:v16+s24+$0x0] =	vst.idx.msk $0xffff, v15;
	s1 =	sadd.s32 $0x200, s2  }
0x668: {  	v15 =	vld [tilespmem:s1+$0xFFFFFF00];
	v16 =	vor.u32 v12, v14  }
0x669: {  	s25 =	sadd.s32 $0x1, s14;
	v17 =	vld [tilespmem:s1+$0xFFFFFF10];
	v14 =	vor.u32 v13, v14  }
0x66a: {  	v18 =	vmov s25  }
0x66b: {  	v18 =	vadd.s32 $0x40, v18  }
0x66c: {  	v18 =	vand.u32 $0x7D, v18  }
0x66d: {  	[tilespmem:v16+s24+$0x0] =	vst.idx.msk $0xffff, v15;
	v15 =	vbroadcast v18, $0x0  }
0x66e: {  	[tilespmem:v14+s24+$0x0] =	vst.idx.msk $0xffff, v17  }
0x66f: {  	v14 =	vld [tilespmem:s1+$0xFFFFFF80];
	v16 =	vor.u32 v12, v15  }
0x670: {  	s28 =	sadd.s32 $0x2, s14;
	v17 =	vld [tilespmem:s1+$0xFFFFFF90];
	v15 =	vor.u32 v13, v15  }
0x671: {  	v18 =	vmov s28  }
0x672: {  	v18 =	vadd.s32 $0x40, v18  }
0x673: {  	v18 =	vand.u32 $0x7E, v18  }
0x674: {  	[tilespmem:v16+s24+$0x0] =	vst.idx.msk $0xffff, v14;
	v14 =	vbroadcast v18, $0x0  }
0x675: {  	[tilespmem:v15+s24+$0x0] =	vst.idx.msk $0xffff, v17  }
0x676: {  	v15 =	vld [tilespmem:s1+$0x0];
	v16 =	vor.u32 v12, v14  }
0x677: {  	s3 =	sadd.s32 $0x3, s14;
	v17 =	vld [tilespmem:s1+$0x10];
	v14 =	vor.u32 v13, v14  }
0x678: {  	v18 =	vmov s3  }
0x679: {  	v18 =	vadd.s32 $0x40, v18  }
0x67a: {  	v18 =	vand.u32 $0x7F, v18  }
0x67b: {  	[tilespmem:v16+s24+$0x0] =	vst.idx.msk $0xffff, v15;
	v15 =	vbroadcast v18, $0x0  }
0x67c: {  	[tilespmem:v14+s24+$0x0] =	vst.idx.msk $0xffff, v17  }
0x67d: {  	v14 =	vld [tilespmem:s1+$0x80];
	v16 =	vor.u32 v12, v15  }
0x67e: {  	v17 =	vld [tilespmem:s1+$0x90];
	v15 =	vor.u32 v13, v15;
	_ =	sdelay $0x3  }
0x67f: {  	[tilespmem:v16+s24+$0x0] =	vst.idx.msk $0xffff, v14  }
0x680: {  	s14 =	simm.s32 $0x0;
	s19 =	simm.s32 $0x183C0;
	[tilespmem:v15+s24+$0x0] =	vst.idx.msk $0xffff, v17  }
0x681: {  	v14 =	vmov s14;
	[tilespmem:s22], [sflag:$0x4] =	stream.indirect.gather [hbm4b:s5+s18], $0x80, s19, s18, $0xb8;
	[tilespmem:$0x1C400] =	vst v63  }
0x682: {  	v14 =	vand.u32 $0x7C, v14;
	_ =	swait.ge [sflag:s23], $0x2000  }
0x683: {  	v16 =	vbroadcast v14, $0x0;
	[sflag:s23] =	ssyncset.done $0x0  }
0x684: {  	s2 =	simm.s32 $0x18500;
	v14 =	vor.u32 $0x380, v0;
	[sflag:s23] =	ssyncadd.s32 $0xFFFFE000  }
0x685: {  	v15 =	vor.u32 $0x4380, v0;
	v18 =	vor.u32 v14, v16;
	v17 =	vld [tilespmem:s2+$0xFFFFFF00]  }
0x686: {  	v16 =	vor.u32 v15, v16;
	v19 =	vld [tilespmem:s2+$0xFFFFFF10]  }
0x687: {  	s21 =	simm.s32 $0x1  }
0x688: {  	v20 =	vmov s21  }
0x689: {  	v20 =	vand.u32 $0x7D, v20  }
0x68a: {  	[tilespmem:v18+s24+$0x0] =	vst.idx.msk $0xffff, v17;
	v17 =	vbroadcast v20, $0x0  }
0x68b: {  	[tilespmem:v16+s24+$0x0] =	vst.idx.msk $0xffff, v19  }
0x68c: {  	v16 =	vld [tilespmem:s2+$0xFFFFFF80];
	v18 =	vor.u32 v14, v17  }
0x68d: {  	v17 =	vor.u32 v15, v17;
	v19 =	vld [tilespmem:s2+$0xFFFFFF90]  }
0x68e: {  	s25 =	simm.s32 $0x2  }
0x68f: {  	v20 =	vmov s25  }
0x690: {  	v20 =	vand.u32 $0x7E, v20  }
0x691: {  	[tilespmem:v18+s24+$0x0] =	vst.idx.msk $0xffff, v16;
	v16 =	vbroadcast v20, $0x0  }
0x692: {  	[tilespmem:v17+s24+$0x0] =	vst.idx.msk $0xffff, v19  }
0x693: {  	v17 =	vld [tilespmem:s2+$0x0];
	v18 =	vor.u32 v14, v16  }
0x694: {  	v19 =	vld [tilespmem:s2+$0x10];
	v16 =	vor.u32 v15, v16  }
0x695: {  	s28 =	simm.s32 $0x3  }
0x696: {  	v20 =	vmov s28  }
0x697: {  	v20 =	vand.u32 $0x7F, v20  }
0x698: {  	[tilespmem:v18+s24+$0x0] =	vst.idx.msk $0xffff, v17;
	v17 =	vbroadcast v20, $0x0  }
0x699: {  	[tilespmem:v16+s24+$0x0] =	vst.idx.msk $0xffff, v19  }
0x69a: {  	s14 =	simm.s32 $0x4;
	v16 =	vld [tilespmem:s2+$0x80];
	v20 =	vor.u32 v14, v17  }
0x69b: {  	v19 =	vmov s14  }
0x69c: {  	v18 =	vld [tilespmem:s2+$0x90];
	v21 =	vand.u32 $0x7C, v19;
	v19 =	vor.u32 v15, v17;
	_ =	sdelay $0x2  }
0x69d: {  	s3 =	simm.s32 $0x8;
	v17 =	vbroadcast v21, $0x0;
	[tilespmem:v20+s24+$0x0] =	vst.idx.msk $0xffff, v16;
	v16 =	vmov v14  }
.LBB2_49:
0x69e: {  	p0 =	slt.u32 s3, $0x3C  }
0x69f: {  	[tilespmem:v19+s24+$0x0] =	vst.idx.msk $0xffff, v18;
	s2 =	sadd.s32 $0x200, s2;
	s1 =	smov.u32 s3;
	s3 =	sadd.s32 $0x4, s3  }
0x6a0: {  	v18 =	vld [tilespmem:s2+$0xFFFFFF00];
	v19 =	vor.u32 v16, v17  }
0x6a1: {  	v17 =	vor.u32 v15, v17;
	v20 =	vld [tilespmem:s2+$0xFFFFFF10]  }
0x6a2: {  	s19 =	sadd.s32 $0x1, s14  }
0x6a3: {  	v21 =	vmov s19  }
0x6a4: {  	v21 =	vand.u32 $0x7D, v21  }
0x6a5: {  	[tilespmem:v19+s24+$0x0] =	vst.idx.msk $0xffff, v18;
	v18 =	vbroadcast v21, $0x0  }
0x6a6: {  	[tilespmem:v17+s24+$0x0] =	vst.idx.msk $0xffff, v20  }
0x6a7: {  	v17 =	vld [tilespmem:s2+$0xFFFFFF80];
	v19 =	vor.u32 v16, v18;
	v18 =	vor.u32 v15, v18  }
0x6a8: {  	v20 =	vld [tilespmem:s2+$0xFFFFFF90]  }
0x6a9: {  	s19 =	sadd.s32 $0x2, s14  }
0x6aa: {  	v21 =	vmov s19  }
0x6ab: {  	v21 =	vand.u32 $0x7E, v21  }
0x6ac: {  	[tilespmem:v19+s24+$0x0] =	vst.idx.msk $0xffff, v17;
	v17 =	vbroadcast v21, $0x0  }
0x6ad: {  	[tilespmem:v18+s24+$0x0] =	vst.idx.msk $0xffff, v20  }
0x6ae: {  	v18 =	vld [tilespmem:s2+$0x0];
	v19 =	vor.u32 v16, v17  }
0x6af: {  	v17 =	vor.u32 v15, v17;
	v20 =	vld [tilespmem:s2+$0x10]  }
0x6b0: {  	s19 =	sadd.s32 $0x3, s14;
	s14 =	smov.u32 s1  }
0x6b1: {  	v21 =	vmov s19  }
0x6b2: {  	v21 =	vand.u32 $0x7F, v21  }
0x6b3: {  	[tilespmem:v19+s24+$0x0] =	vst.idx.msk $0xffff, v18;
	v19 =	vbroadcast v21, $0x0  }
0x6b4: {  	[tilespmem:v17+s24+$0x0] =	vst.idx.msk $0xffff, v20  }
0x6b5: {  	v20 =	vld [tilespmem:s2+$0x80];
	v21 =	vor.u32 v16, v19;
	v16 =	vmov v14  }
.Ltmp23:
0x6b6: {  	v19 =	vor.u32 v15, v19;
	v18 =	vld [tilespmem:s2+$0x90];
	(pc) =	sbr.rel @p0 .LBB2_49-.Ltmp23, $4  }
0x6b7: {  	_ = 	snop  }
0x6b8: {  	v17 =	vmov s14  }
0x6b9: {  	v17 =	vand.u32 $0x7C, v17  }
0x6ba: {  	v17 =	vbroadcast v17, $0x0;
	[tilespmem:v21+s24+$0x0] =	vst.idx.msk $0xffff, v20  }
0x6bb: {  	_ =	sdelay $0x3  }
0x6bc: {  	[tilespmem:v19+s24+$0x0] =	vst.idx.msk $0xffff, v18;
	s1 =	sadd.s32 $0x200, s2  }
0x6bd: {  	v18 =	vld [tilespmem:s1+$0xFFFFFF00];
	v19 =	vor.u32 v16, v17  }
0x6be: {  	v20 =	vld [tilespmem:s1+$0xFFFFFF10];
	v17 =	vor.u32 v15, v17  }
0x6bf: {  	s28 =	sadd.s32 $0x1, s14  }
0x6c0: {  	v21 =	vmov s28  }
0x6c1: {  	v21 =	vand.u32 $0x7D, v21  }
0x6c2: {  	[tilespmem:v19+s24+$0x0] =	vst.idx.msk $0xffff, v18;
	v18 =	vbroadcast v21, $0x0  }
0x6c3: {  	[tilespmem:v17+s24+$0x0] =	vst.idx.msk $0xffff, v20  }
0x6c4: {  	v17 =	vld [tilespmem:s1+$0xFFFFFF80];
	v19 =	vor.u32 v16, v18  }
0x6c5: {  	v18 =	vor.u32 v15, v18;
	v20 =	vld [tilespmem:s1+$0xFFFFFF90]  }
0x6c6: {  	s3 =	sadd.s32 $0x2, s14  }
0x6c7: {  	v62 =	vmov s3  }
0x6c8: {  	v21 =	vand.u32 $0x7E, v62  }
0x6c9: {  	[tilespmem:v19+s24+$0x0] =	vst.idx.msk $0xffff, v17;
	v17 =	vbroadcast v21, $0x0  }
0x6ca: {  	[tilespmem:v18+s24+$0x0] =	vst.idx.msk $0xffff, v20  }
0x6cb: {  	v18 =	vld [tilespmem:s1+$0x0];
	v19 =	vor.u32 v16, v17  }
0x6cc: {  	v20 =	vld [tilespmem:s1+$0x10];
	v17 =	vor.u32 v15, v17  }
0x6cd: {  	s14 =	sadd.s32 $0x3, s14  }
0x6ce: {  	v63 =	vmov s14  }
0x6cf: {  	v21 =	vand.u32 $0x7F, v63  }
0x6d0: {  	[tilespmem:v19+s24+$0x0] =	vst.idx.msk $0xffff, v18;
	v18 =	vbroadcast v21, $0x0  }
0x6d1: {  	[tilespmem:v17+s24+$0x0] =	vst.idx.msk $0xffff, v20  }
0x6d2: {  	v17 =	vld [tilespmem:s1+$0x80];
	v16 =	vor.u32 v16, v18  }
0x6d3: {  	v19 =	vld [tilespmem:s1+$0x90];
	v18 =	vor.u32 v15, v18;
	_ =	sdelay $0x2  }
0x6d4: {  	s19 =	simm.s32 $0x0  }
0x6d5: {  	[tilespmem:v16+s24+$0x0] =	vst.idx.msk $0xffff, v17;
	v16 =	vmov s19  }
0x6d6: {  	[tilespmem:v18+s24+$0x0] =	vst.idx.msk $0xffff, v19;
	v16 =	vadd.s32 $0x40, v16  }
0x6d7: {  	_ =	swait.ge [sflag:s26], $0x2000;
	v16 =	vand.u32 $0x7C, v16  }
0x6d8: {  	[sflag:s26] =	ssyncset.done $0x0;
	v16 =	vbroadcast v16, $0x0  }
0x6d9: {  	s2 =	simm.s32 $0x1A500;
	[sflag:s26] =	ssyncadd.s32 $0xFFFFE000  }
0x6da: {  	v17 =	vld [tilespmem:s2+$0xFFFFFF00];
	v18 =	vor.u32 v14, v16  }
0x6db: {  	s21 =	simm.s32 $0x1;
	v19 =	vld [tilespmem:s2+$0xFFFFFF10];
	v16 =	vor.u32 v15, v16  }
0x6dc: {  	v20 =	vmov s21  }
0x6dd: {  	v20 =	vadd.s32 $0x40, v20  }
0x6de: {  	v20 =	vand.u32 $0x7D, v20  }
0x6df: {  	[tilespmem:v18+s24+$0x0] =	vst.idx.msk $0xffff, v17;
	v17 =	vbroadcast v20, $0x0  }
0x6e0: {  	[tilespmem:v16+s24+$0x0] =	vst.idx.msk $0xffff, v19  }
0x6e1: {  	v16 =	vld [tilespmem:s2+$0xFFFFFF80];
	v18 =	vor.u32 v14, v17  }
0x6e2: {  	s25 =	simm.s32 $0x2;
	v19 =	vld [tilespmem:s2+$0xFFFFFF90];
	v17 =	vor.u32 v15, v17  }
0x6e3: {  	v20 =	vmov s25  }
0x6e4: {  	v20 =	vadd.s32 $0x40, v20  }
0x6e5: {  	v20 =	vand.u32 $0x7E, v20  }
0x6e6: {  	[tilespmem:v18+s24+$0x0] =	vst.idx.msk $0xffff, v16;
	v16 =	vbroadcast v20, $0x0  }
0x6e7: {  	[tilespmem:v17+s24+$0x0] =	vst.idx.msk $0xffff, v19  }
0x6e8: {  	v17 =	vld [tilespmem:s2+$0x0];
	v18 =	vor.u32 v14, v16  }
0x6e9: {  	s28 =	simm.s32 $0x3;
	v19 =	vld [tilespmem:s2+$0x10];
	v16 =	vor.u32 v15, v16  }
0x6ea: {  	v20 =	vmov s28  }
0x6eb: {  	v20 =	vadd.s32 $0x40, v20  }
0x6ec: {  	v20 =	vand.u32 $0x7F, v20  }
0x6ed: {  	[tilespmem:v18+s24+$0x0] =	vst.idx.msk $0xffff, v17;
	v18 =	vbroadcast v20, $0x0  }
0x6ee: {  	[tilespmem:v16+s24+$0x0] =	vst.idx.msk $0xffff, v19  }
0x6ef: {  	v19 =	vld [tilespmem:s2+$0x80];
	v20 =	vor.u32 v14, v18  }
0x6f0: {  	s14 =	simm.s32 $0x4  }
0x6f1: {  	v16 =	vmov s14;
	v17 =	vld [tilespmem:s2+$0x90];
	v18 =	vor.u32 v15, v18  }
0x6f2: {  	v16 =	vadd.s32 $0x40, v16  }
0x6f3: {  	v16 =	vand.u32 $0x7C, v16  }
0x6f4: {  	s3 =	simm.s32 $0x8;
	v16 =	vbroadcast v16, $0x0;
	[tilespmem:v20+s24+$0x0] =	vst.idx.msk $0xffff, v19  }
.LBB2_51:
0x6f5: {  	p0 =	slt.u32 s3, $0x3C  }
0x6f6: {  	[tilespmem:v18+s24+$0x0] =	vst.idx.msk $0xffff, v17;
	s2 =	sadd.s32 $0x200, s2;
	s1 =	smov.u32 s3;
	s3 =	sadd.s32 $0x4, s3  }
0x6f7: {  	v17 =	vld [tilespmem:s2+$0xFFFFFF00];
	v18 =	vor.u32 v14, v16  }
0x6f8: {  	s19 =	sadd.s32 $0x1, s14;
	v16 =	vor.u32 v15, v16;
	v19 =	vld [tilespmem:s2+$0xFFFFFF10]  }
0x6f9: {  	v20 =	vmov s19  }
0x6fa: {  	v20 =	vadd.s32 $0x40, v20  }
0x6fb: {  	v20 =	vand.u32 $0x7D, v20  }
0x6fc: {  	[tilespmem:v18+s24+$0x0] =	vst.idx.msk $0xffff, v17;
	v17 =	vbroadcast v20, $0x0  }
0x6fd: {  	[tilespmem:v16+s24+$0x0] =	vst.idx.msk $0xffff, v19  }
0x6fe: {  	v16 =	vld [tilespmem:s2+$0xFFFFFF80];
	v18 =	vor.u32 v14, v17  }
0x6ff: {  	s19 =	sadd.s32 $0x2, s14;
	v17 =	vor.u32 v15, v17;
	v19 =	vld [tilespmem:s2+$0xFFFFFF90]  }
0x700: {  	v20 =	vmov s19  }
0x701: {  	v20 =	vadd.s32 $0x40, v20  }
0x702: {  	v20 =	vand.u32 $0x7E, v20  }
0x703: {  	[tilespmem:v18+s24+$0x0] =	vst.idx.msk $0xffff, v16;
	v16 =	vbroadcast v20, $0x0  }
0x704: {  	[tilespmem:v17+s24+$0x0] =	vst.idx.msk $0xffff, v19  }
0x705: {  	v17 =	vld [tilespmem:s2+$0x0];
	v18 =	vor.u32 v14, v16  }
0x706: {  	s19 =	sadd.s32 $0x3, s14;
	s14 =	smov.u32 s1;
	v16 =	vor.u32 v15, v16;
	v19 =	vld [tilespmem:s2+$0x10]  }
0x707: {  	v20 =	vmov s19  }
0x708: {  	v20 =	vadd.s32 $0x40, v20  }
0x709: {  	v20 =	vand.u32 $0x7F, v20  }
0x70a: {  	[tilespmem:v18+s24+$0x0] =	vst.idx.msk $0xffff, v17;
	v18 =	vbroadcast v20, $0x0  }
0x70b: {  	[tilespmem:v16+s24+$0x0] =	vst.idx.msk $0xffff, v19  }
0x70c: {  	v19 =	vld [tilespmem:s2+$0x80];
	v20 =	vor.u32 v14, v18  }
.Ltmp24:
0x70d: {  	v18 =	vor.u32 v15, v18;
	v17 =	vld [tilespmem:s2+$0x90];
	(pc) =	sbr.rel @p0 .LBB2_51-.Ltmp24, $4  }
0x70e: {  	v16 =	vmov s14  }
0x70f: {  	v16 =	vadd.s32 $0x40, v16  }
0x710: {  	v16 =	vand.u32 $0x7C, v16  }
0x711: {  	v16 =	vbroadcast v16, $0x0;
	[tilespmem:v20+s24+$0x0] =	vst.idx.msk $0xffff, v19  }
0x712: {  	_ =	sdelay $0x3  }
0x713: {  	[tilespmem:v18+s24+$0x0] =	vst.idx.msk $0xffff, v17;
	s1 =	sadd.s32 $0x200, s2  }
0x714: {  	v17 =	vld [tilespmem:s1+$0xFFFFFF00];
	v55 =	vor.u32 v14, v16  }
0x715: {  	s21 =	sadd.s32 $0x1, s14;
	v19 =	vld [tilespmem:s1+$0xFFFFFF10];
	v56 =	vor.u32 v15, v16  }
0x716: {  	v20 =	vmov s21  }
0x717: {  	v20 =	vadd.s32 $0x40, v20  }
0x718: {  	v20 =	vand.u32 $0x7D, v20  }
0x719: {  	v57 =	vbroadcast v20, $0x0;
	[tilespmem:v55+s24+$0x0] =	vst.idx.msk $0xffff, v17  }
0x71a: {  	[tilespmem:v56+s24+$0x0] =	vst.idx.msk $0xffff, v19  }
0x71b: {  	v58 =	vor.u32 v14, v57;
	v16 =	vld [tilespmem:s1+$0xFFFFFF80]  }
0x71c: {  	s25 =	sadd.s32 $0x2, s14;
	v17 =	vor.u32 v15, v57;
	v19 =	vld [tilespmem:s1+$0xFFFFFF90]  }
0x71d: {  	v59 =	vmov s25  }
0x71e: {  	v20 =	vadd.s32 $0x40, v59  }
0x71f: {  	v20 =	vand.u32 $0x7E, v20  }
0x720: {  	v60 =	vbroadcast v20, $0x0;
	[tilespmem:v58+s24+$0x0] =	vst.idx.msk $0xffff, v16  }
0x721: {  	[tilespmem:v17+s24+$0x0] =	vst.idx.msk $0xffff, v19  }
0x722: {  	v61 =	vor.u32 v14, v60;
	v17 =	vld [tilespmem:s1+$0x0]  }
0x723: {  	s28 =	sadd.s32 $0x3, s14;
	v16 =	vor.u32 v15, v60;
	v19 =	vld [tilespmem:s1+$0x10]  }
0x724: {  	v62 =	vmov s28  }
0x725: {  	v20 =	vadd.s32 $0x40, v62  }
0x726: {  	v20 =	vand.u32 $0x7F, v20  }
0x727: {  	v63 =	vbroadcast v20, $0x0;
	[tilespmem:v61+s24+$0x0] =	vst.idx.msk $0xffff, v17  }
0x728: {  	[tilespmem:v16+s24+$0x0] =	vst.idx.msk $0xffff, v19  }
0x729: {  	v14 =	vor.u32 v14, v63;
	v16 =	vld [tilespmem:s1+$0x80]  }
0x72a: {  	v15 =	vor.u32 v15, v63;
	v18 =	vld [tilespmem:s1+$0x90];
	_ =	sdelay $0x3  }
0x72b: {  	[tilespmem:v14+s24+$0x0] =	vst.idx.msk $0xffff, v16  }
0x72c: {  	s0 =	sadd.s32 $0x627000, s0;
	s31 =	sadd.s32 $0x1, s31;
	[tilespmem:v15+s24+$0x0] =	vst.idx.msk $0xffff, v18  }
0x72d: {  	[hbm4b:s0+s16] =	stream.strided.scatter [tilespmem:s24], [sflag:$0x5], $0x8000, s17, s16, $0x38;
	[tilespmem:$0x1C400] =	vst v63  }
0x72e: {  	p0 =	sne.s32 s31, $0x19;
	_ =	swait.ge [sflag:s29], $0x8000  }
.Ltmp25:
0x72f: {  	[sflag:s29] =	ssyncset.done $0x0;
	(pc) =	sbr.rel @p0 .LBB2_2-.Ltmp25, $4  }
0x730: {  	[sflag:s29] =	ssyncadd.s32 $0xFFFF8000  }
0x731: {  	_ =	swait.ge [sflag:s30], $0xFC00  }
0x732: {  	[sflag:s30] =	ssyncset.done $0x0  }
0x733: {  	[sflag:s30] =	ssyncadd.s32 $0xFFFF0400  }
0x734: {  	s1 =	rddreg [dreg:$0x5]  }
0x735: {  	s0 =	rddreg [dreg:$0x4];
	s1 =	sadd.s32 $0x1, s1  }
0x736: {  	p0 =	sne.s32 s1, s0  }
.Ltmp26:
0x737: {  	_ = 	snop;
	(pc) =	sbr.rel @p0 .LBB2_1-.Ltmp26, $1  }
0x738: {  	_ =	sdelay $0x3  }
0x739: {  	_ =	sfence.sel $0x180000  }
0x73a: {  	[bflag:$0x0] =	sbarrier.arrive $0xFFFF  }
0x73b: {  	_ =	strace $0x90000047  }
0x73c: {  	s0 =	stileid.u32;
	[bflag:$0x2] =	sbarrier.arrive $0xFFFF  }
0x73d: {  	p0 =	sne.s32 s0, $0x0;
	s0 =	rddreg [dreg:$0x3]  }
0x73e: {  	s0 =	sadd.s32 @!p0 $0x100000, s0  }
0x73f: {  	[sflag:s0] =	ssyncadd.tile.s32 @!p0 $0x1;
	_ =	shalt  }
.Lfunc_end2:
_tile_overlayer_lowered:
.L_overlay_start_2:
0x740: {  	(tag) =	ssettag $0x2  }
0x741: {  	s0 =	rddreg [dreg:$0x0];
	s2 =	stileid.u32  }
0x742: {  	s1 =	rddreg [dreg:$0x1];
	p0 =	sne.s32 s2, $0x0  }
0x743: {  	s3 =	rddreg [dreg:$0x2];
	[bflag:$0x3] =	sbarrier.arrive $0xFFFF;
	s2 =	simm.s32 @!p0 $0x1C05  }
0x744: {  	[timem:s3], [sflag:s2] =	dma.local @!p0 [hbm:s0], s1  }
0x745: {  	s0 =	simm.s32 @!p0 $0x5  }
0x746: {  	_ =	swait.ge @!p0 [sflag:s0], s1  }
0x747: {  	s1 =	ssub.s32 @!p0 $0x0, s1;
	[sflag:s0] =	ssyncset.done @!p0 $0x0  }
0x748: {  	[sflag:s0] =	ssyncadd.s32 @!p0 s1  }
0x749: {  	[bflag:$0x3] =	sbarrier.arrive $0xFFFF  }
0x74a: {  	_ =	shalt  }

</sc_bundles>
